<compile_context>
chip_gen: v7x
topology: tpu7x:2x2x1
jax: 0.10.2.dev20260603
libtpu: 0.0.44.dev20260713+nightly
codegen_flags: <defaults>
</compile_context>

<pallas_src>
import functools

import jax
import jax.numpy as jnp
from jax import lax
from jax.experimental import pallas as pl
from jax.experimental.pallas import tpu as pltpu
from jax.experimental.pallas import tpu_sc as plsc

B = 4096
L = 50
D = 128
H = 256

NC = 2
NS = 16
NW = NC * NS
BPW = B // NW
CB = 4
NCHUNK = BPW // CB
NBUF = 4
NLANE = 16
ND = D // NLANE


SPLIT = 104


def _pool_body(x_hbm, table_hbm, out_hbm, idx_all, r0, r1, r2, r3,
               pooled_v, s0, s1, s2, s3, t0, t1, t2, t3):
    rows = (r0, r1, r2, r3)
    sems = (s0, s1, s2, s3)
    sems2 = (t0, t1, t2, t3)
    wid = lax.axis_index("s") * NC + lax.axis_index("c")
    wbase = wid * BPW

    pltpu.sync_copy(x_hbm.at[pl.ds(wbase * L, BPW * L)], idx_all)

    def idx_chunk(c):
        return idx_all.at[pl.ds(c * CB * L, CB * L)]

    def accum_store(c, rows_v):
        for b in range(CB):
            def acc_body(j, accs):
                row = b * L + 2 * j
                accs = tuple(
                    a + rows_v[row, pl.ds(d * NLANE, NLANE)]
                    for d, a in enumerate(accs)
                )
                return tuple(
                    a + rows_v[row + 1, pl.ds(d * NLANE, NLANE)]
                    for d, a in enumerate(accs)
                )
            accs = lax.fori_loop(
                0, L // 2, acc_body,
                tuple(jnp.zeros((NLANE,), jnp.float32) for _ in range(ND)),
            )
            for d in range(ND):
                pooled_v[b, pl.ds(d * NLANE, NLANE)] = accs[d] * (1.0 / L)
        pltpu.sync_copy(pooled_v, out_hbm.at[pl.ds(wbase + c * CB, CB)])

    REST = CB * L - SPLIT

    def start_gather(c, k):
        base = c * CB * L
        pltpu.async_copy(
            table_hbm.at[idx_all.at[pl.ds(base, SPLIT)]],
            rows[k].at[pl.ds(0, SPLIT)], sems[k])
        pltpu.async_copy(
            table_hbm.at[idx_all.at[pl.ds(base + SPLIT, REST)]],
            rows[k].at[pl.ds(SPLIT, REST)], sems2[k])

    def wait_gather(k):
        pltpu.make_async_copy(
            table_hbm.at[idx_all.at[pl.ds(0, SPLIT)]],
            rows[k].at[pl.ds(0, SPLIT)], sems[k]).wait()
        pltpu.make_async_copy(
            table_hbm.at[idx_all.at[pl.ds(0, REST)]],
            rows[k].at[pl.ds(SPLIT, REST)], sems2[k]).wait()

    for k in range(NBUF):
        start_gather(k, k)

    def g_body(g, carry):
        for k in range(NBUF):
            c = NBUF * g + k
            wait_gather(k)
            accum_store(c, rows[k])

            @pl.when(g < NCHUNK // NBUF - 1)
            def _():
                start_gather(c + NBUF, k)

        return carry

    lax.fori_loop(0, NCHUNK // NBUF, g_body, 0)


_pool = functools.partial(
    pl.kernel,
    out_type=jax.ShapeDtypeStruct((B, D), jnp.float32),
    mesh=plsc.VectorSubcoreMesh(core_axis_name="c", subcore_axis_name="s"),
    scratch_types=[
        pltpu.VMEM((BPW * L,), jnp.int32),
        pltpu.VMEM((CB * L, D), jnp.float32),
        pltpu.VMEM((CB * L, D), jnp.float32),
        pltpu.VMEM((CB * L, D), jnp.float32),
        pltpu.VMEM((CB * L, D), jnp.float32),
        pltpu.VMEM((CB, D), jnp.float32),
        pltpu.SemaphoreType.DMA,
        pltpu.SemaphoreType.DMA,
        pltpu.SemaphoreType.DMA,
        pltpu.SemaphoreType.DMA,
        pltpu.SemaphoreType.DMA,
        pltpu.SemaphoreType.DMA,
        pltpu.SemaphoreType.DMA,
        pltpu.SemaphoreType.DMA,
    ],
)(_pool_body)


def _mlp_body(p_ref, w1_ref, b1_ref, w2_ref, b2_ref, o_ref):
    h = jnp.dot(p_ref[...], w1_ref[...], preferred_element_type=jnp.float32)
    h = jnp.maximum(h + b1_ref[...], 0.0)
    o_ref[...] = (
        jnp.dot(h, w2_ref[...], preferred_element_type=jnp.float32)
        + b2_ref[...]
    )


BM = 2048


def _mlp(pooled, W1, b1, W2, b2):
    return pl.pallas_call(
        _mlp_body,
        grid=(B // BM,),
        in_specs=[
            pl.BlockSpec((BM, D), lambda i: (i, 0)),
            pl.BlockSpec((D, H), lambda i: (0, 0)),
            pl.BlockSpec((1, H), lambda i: (0, 0)),
            pl.BlockSpec((H, H), lambda i: (0, 0)),
            pl.BlockSpec((1, H), lambda i: (0, 0)),
        ],
        out_specs=pl.BlockSpec((BM, H), lambda i: (i, 0)),
        out_shape=jax.ShapeDtypeStruct((B, H), jnp.float32),
    )(pooled, W1, b1, W2, b2)


@jax.jit
def kernel(x, emb_table, W1, b1, W2, b2):
    pooled = _pool(x.reshape(-1).astype(jnp.int32), emb_table)
    return _mlp(pooled, W1, b1.reshape(1, H), W2, b2.reshape(1, H))

# --- scband reference (transcript-rebuilt; emitter-appended) ---
"""Pipeline reference for scband-news-encoder-39479339384868 (READ-ONLY COPY).

The authoritative reference and input builder live on the scoring server;
editing this copy changes nothing except your own understanding.
"""

import jax, jax.numpy as jnp
import numpy as np

VOCAB = 100000
EMBED_DIM = 128
HIDDEN_DIM = 256
BATCH = 4096
HIST = 50

def setup_inputs(seed: int = 0) -> dict:
    key = jax.random.key(seed)
    k_idx, k_emb, k_w1, k_b1, k_w2, k_b2 = jax.random.split(key, 6)
    x = jax.random.randint(k_idx, (BATCH, HIST), 0, VOCAB, dtype=jnp.int64 if jax.config.jax_enable_x64 else jnp.int32)
    emb_table = jax.random.normal(k_emb, (VOCAB, EMBED_DIM), dtype=jnp.float32) * 0.02
    W1 = jax.random.normal(k_w1, (EMBED_DIM, HIDDEN_DIM), dtype=jnp.float32) * (1.0 / np.sqrt(EMBED_DIM))
    b1 = jax.random.normal(k_b1, (HIDDEN_DIM,), dtype=jnp.float32) * 0.01
    W2 = jax.random.normal(k_w2, (HIDDEN_DIM, HIDDEN_DIM), dtype=jnp.float32) * (1.0 / np.sqrt(HIDDEN_DIM))
    b2 = jax.random.normal(k_b2, (HIDDEN_DIM,), dtype=jnp.float32) * 0.01
    return {"x": x, "emb_table": emb_table, "W1": W1, "b1": b1, "W2": W2, "b2": b2}

def reference(x, emb_table, W1, b1, W2, b2):
    # embedding lookup: gather rows, then mean over sequence dim
    embedded = jnp.take(emb_table, x, axis=0)          # [B, L, D]
    embedded = jnp.mean(embedded, axis=1)               # [B, D]
    h1 = jax.nn.relu(embedded @ W1 + b1)                 # [B, H]
    out = h1 @ W2 + b2                                   # [B, H]
    return out

if __name__ == "__main__":
    import jax
    _d = setup_inputs()
    print(jax.jit(kernel)(*tuple(_d.values())))

</pallas_src>

<mosaic_0001>
#map = affine_map<(d0, d1) -> (0)>
#map1 = affine_map<(d0, d1) -> (0, 0)>
module attributes {stable_mosaic.version = 14 : i64} {
  func.func @_pool_body(%arg0: i32, %arg1: i32, %arg2: memref<204800xi32, #tpu.memory_space<hbm>>, %arg3: memref<100000x128xf32, #tpu.memory_space<hbm>>, %arg4: memref<4096x128xf32, #tpu.memory_space<hbm>>, %arg5: memref<6400xi32, #tpu.memory_space<vmem>>, %arg6: memref<200x128xf32, #tpu.memory_space<vmem>>, %arg7: memref<200x128xf32, #tpu.memory_space<vmem>>, %arg8: memref<200x128xf32, #tpu.memory_space<vmem>>, %arg9: memref<200x128xf32, #tpu.memory_space<vmem>>, %arg10: memref<4x128xf32, #tpu.memory_space<vmem>>, %arg11: memref<!tpu.dma_semaphore, #tpu.memory_space<semaphore_mem>>, %arg12: memref<!tpu.dma_semaphore, #tpu.memory_space<semaphore_mem>>, %arg13: memref<!tpu.dma_semaphore, #tpu.memory_space<semaphore_mem>>, %arg14: memref<!tpu.dma_semaphore, #tpu.memory_space<semaphore_mem>>, %arg15: memref<!tpu.dma_semaphore, #tpu.memory_space<semaphore_mem>>, %arg16: memref<!tpu.dma_semaphore, #tpu.memory_space<semaphore_mem>>, %arg17: memref<!tpu.dma_semaphore, #tpu.memory_space<semaphore_mem>>, %arg18: memref<!tpu.dma_semaphore, #tpu.memory_space<semaphore_mem>>) attributes {dimension_semantics = [#tpu.dimension_semantics<core_parallel>, #tpu.dimension_semantics<subcore_parallel>], iteration_bounds = array<i64: 2, 16>, scalar_prefetch = 0 : i64, scratch_operands = 14 : i64, tpu.core_type = #tpu.core_type<sc_vector_subcore>, window_params = [{transform_indices = #map}, {transform_indices = #map1}, {transform_indices = #map1}]} {
    %mul3A = arith.constant 2 : i32
    %mul3A_0 = arith.muli %arg1, %mul3A : i32
    %add3A = arith.addi %mul3A_0, %arg0 : i32
    %mul3A_1 = arith.constant 128 : i32
    %mul3A_2 = arith.muli %add3A, %mul3A_1 : i32
    %mul3A_3 = arith.constant 50 : i32
    %mul3A_4 = arith.muli %mul3A_2, %mul3A_3 : i32
    "tpu.region"() ({
      %run_scoped3A = tpu.sem_alloc : memref<!tpu.dma_semaphore, #tpu.memory_space<semaphore_mem>>
      %dma_start3A_73 = tpu.memref_slice %arg2[%mul3A_4] : memref<204800xi32, #tpu.memory_space<hbm>> -> memref<6400xi32, #tpu.memory_space<hbm>>
      %dma_start3A_74 = tpu.memref_slice %arg2[%mul3A_4] : memref<204800xi32, #tpu.memory_space<hbm>> -> memref<6400xi32, #tpu.memory_space<hbm>>
      tpu.enqueue_dma source(%dma_start3A_74 : memref<6400xi32, #tpu.memory_space<hbm>>) target(%arg5 : memref<6400xi32, #tpu.memory_space<vmem>>) target_semaphore(%run_scoped3A : memref<!tpu.dma_semaphore, #tpu.memory_space<semaphore_mem>>)
      %dma_wait3A = tpu.memref_slice %arg2[%mul3A_4] : memref<204800xi32, #tpu.memory_space<hbm>> -> memref<6400xi32, #tpu.memory_space<hbm>>
      %dma_wait3A_75 = tpu.memref_slice %arg2[%mul3A_4] : memref<204800xi32, #tpu.memory_space<hbm>> -> memref<6400xi32, #tpu.memory_space<hbm>>
      tpu.wait_dma2 semaphore(%run_scoped3A : memref<!tpu.dma_semaphore, #tpu.memory_space<semaphore_mem>>) src(%dma_wait3A_75 : memref<6400xi32, #tpu.memory_space<hbm>>) dst(%arg5 : memref<6400xi32, #tpu.memory_space<vmem>>)
      tpu.yield
    }) : () -> ()
    %dma_start3A = arith.constant 0 : i32
    %dma_start3A_5 = arith.constant 0 : i32
    %dma_start3A_6 = tpu.memref_slice %arg6[%dma_start3A, %dma_start3A_5] : memref<200x128xf32, #tpu.memory_space<vmem>> -> memref<104x128xf32, #tpu.memory_space<vmem>>
    %dma_start3A_7 = arith.constant 0 : i32
    %dma_start3A_8 = tpu.memref_slice %arg5[%dma_start3A_7] : memref<6400xi32, #tpu.memory_space<vmem>> -> memref<104xi32, #tpu.memory_space<vmem>>
    %dma_start3A_9 = arith.constant 0 : i32
    %dma_start3A_10 = arith.constant 0 : i32
    %dma_start3A_11 = tpu.memref_slice %arg3[%dma_start3A_9, %dma_start3A_10] : memref<100000x128xf32, #tpu.memory_space<hbm>> -> memref<100000x128xf32, #tpu.memory_space<hbm>>
    tpu.enqueue_indirect_dma source(%dma_start3A_11 : memref<100000x128xf32, #tpu.memory_space<hbm>>) target(%dma_start3A_6 : memref<104x128xf32, #tpu.memory_space<vmem>>) offsets(%dma_start3A_8 : memref<104xi32, #tpu.memory_space<vmem>>) semaphore(%arg11 : memref<!tpu.dma_semaphore, #tpu.memory_space<semaphore_mem>>)
    %dma_start3A_12 = arith.constant 104 : i32
    %dma_start3A_13 = arith.constant 0 : i32
    %dma_start3A_14 = tpu.memref_slice %arg6[%dma_start3A_12, %dma_start3A_13] : memref<200x128xf32, #tpu.memory_space<vmem>> -> memref<96x128xf32, #tpu.memory_space<vmem>>
    %dma_start3A_15 = arith.constant 104 : i32
    %dma_start3A_16 = tpu.memref_slice %arg5[%dma_start3A_15] : memref<6400xi32, #tpu.memory_space<vmem>> -> memref<96xi32, #tpu.memory_space<vmem>>
    %dma_start3A_17 = arith.constant 0 : i32
    %dma_start3A_18 = arith.constant 0 : i32
    %dma_start3A_19 = tpu.memref_slice %arg3[%dma_start3A_17, %dma_start3A_18] : memref<100000x128xf32, #tpu.memory_space<hbm>> -> memref<100000x128xf32, #tpu.memory_space<hbm>>
    tpu.enqueue_indirect_dma source(%dma_start3A_19 : memref<100000x128xf32, #tpu.memory_space<hbm>>) target(%dma_start3A_14 : memref<96x128xf32, #tpu.memory_space<vmem>>) offsets(%dma_start3A_16 : memref<96xi32, #tpu.memory_space<vmem>>) semaphore(%arg15 : memref<!tpu.dma_semaphore, #tpu.memory_space<semaphore_mem>>)
    %dma_start3A_20 = arith.constant 0 : i32
    %dma_start3A_21 = arith.constant 0 : i32
    %dma_start3A_22 = tpu.memref_slice %arg7[%dma_start3A_20, %dma_start3A_21] : memref<200x128xf32, #tpu.memory_space<vmem>> -> memref<104x128xf32, #tpu.memory_space<vmem>>
    %dma_start3A_23 = arith.constant 200 : i32
    %dma_start3A_24 = tpu.memref_slice %arg5[%dma_start3A_23] : memref<6400xi32, #tpu.memory_space<vmem>> -> memref<104xi32, #tpu.memory_space<vmem>>
    %dma_start3A_25 = arith.constant 0 : i32
    %dma_start3A_26 = arith.constant 0 : i32
    %dma_start3A_27 = tpu.memref_slice %arg3[%dma_start3A_25, %dma_start3A_26] : memref<100000x128xf32, #tpu.memory_space<hbm>> -> memref<100000x128xf32, #tpu.memory_space<hbm>>
    tpu.enqueue_indirect_dma source(%dma_start3A_27 : memref<100000x128xf32, #tpu.memory_space<hbm>>) target(%dma_start3A_22 : memref<104x128xf32, #tpu.memory_space<vmem>>) offsets(%dma_start3A_24 : memref<104xi32, #tpu.memory_space<vmem>>) semaphore(%arg12 : memref<!tpu.dma_semaphore, #tpu.memory_space<semaphore_mem>>)
    %dma_start3A_28 = arith.constant 104 : i32
    %dma_start3A_29 = arith.constant 0 : i32
    %dma_start3A_30 = tpu.memref_slice %arg7[%dma_start3A_28, %dma_start3A_29] : memref<200x128xf32, #tpu.memory_space<vmem>> -> memref<96x128xf32, #tpu.memory_space<vmem>>
    %dma_start3A_31 = arith.constant 304 : i32
    %dma_start3A_32 = tpu.memref_slice %arg5[%dma_start3A_31] : memref<6400xi32, #tpu.memory_space<vmem>> -> memref<96xi32, #tpu.memory_space<vmem>>
    %dma_start3A_33 = arith.constant 0 : i32
    %dma_start3A_34 = arith.constant 0 : i32
    %dma_start3A_35 = tpu.memref_slice %arg3[%dma_start3A_33, %dma_start3A_34] : memref<100000x128xf32, #tpu.memory_space<hbm>> -> memref<100000x128xf32, #tpu.memory_space<hbm>>
    tpu.enqueue_indirect_dma source(%dma_start3A_35 : memref<100000x128xf32, #tpu.memory_space<hbm>>) target(%dma_start3A_30 : memref<96x128xf32, #tpu.memory_space<vmem>>) offsets(%dma_start3A_32 : memref<96xi32, #tpu.memory_space<vmem>>) semaphore(%arg16 : memref<!tpu.dma_semaphore, #tpu.memory_space<semaphore_mem>>)
    %dma_start3A_36 = arith.constant 0 : i32
    %dma_start3A_37 = arith.constant 0 : i32
    %dma_start3A_38 = tpu.memref_slice %arg8[%dma_start3A_36, %dma_start3A_37] : memref<200x128xf32, #tpu.memory_space<vmem>> -> memref<104x128xf32, #tpu.memory_space<vmem>>
    %dma_start3A_39 = arith.constant 400 : i32
    %dma_start3A_40 = tpu.memref_slice %arg5[%dma_start3A_39] : memref<6400xi32, #tpu.memory_space<vmem>> -> memref<104xi32, #tpu.memory_space<vmem>>
    %dma_start3A_41 = arith.constant 0 : i32
    %dma_start3A_42 = arith.constant 0 : i32
    %dma_start3A_43 = tpu.memref_slice %arg3[%dma_start3A_41, %dma_start3A_42] : memref<100000x128xf32, #tpu.memory_space<hbm>> -> memref<100000x128xf32, #tpu.memory_space<hbm>>
    tpu.enqueue_indirect_dma source(%dma_start3A_43 : memref<100000x128xf32, #tpu.memory_space<hbm>>) target(%dma_start3A_38 : memref<104x128xf32, #tpu.memory_space<vmem>>) offsets(%dma_start3A_40 : memref<104xi32, #tpu.memory_space<vmem>>) semaphore(%arg13 : memref<!tpu.dma_semaphore, #tpu.memory_space<semaphore_mem>>)
    %dma_start3A_44 = arith.constant 104 : i32
    %dma_start3A_45 = arith.constant 0 : i32
    %dma_start3A_46 = tpu.memref_slice %arg8[%dma_start3A_44, %dma_start3A_45] : memref<200x128xf32, #tpu.memory_space<vmem>> -> memref<96x128xf32, #tpu.memory_space<vmem>>
    %dma_start3A_47 = arith.constant 504 : i32
    %dma_start3A_48 = tpu.memref_slice %arg5[%dma_start3A_47] : memref<6400xi32, #tpu.memory_space<vmem>> -> memref<96xi32, #tpu.memory_space<vmem>>
    %dma_start3A_49 = arith.constant 0 : i32
    %dma_start3A_50 = arith.constant 0 : i32
    %dma_start3A_51 = tpu.memref_slice %arg3[%dma_start3A_49, %dma_start3A_50] : memref<100000x128xf32, #tpu.memory_space<hbm>> -> memref<100000x128xf32, #tpu.memory_space<hbm>>
    tpu.enqueue_indirect_dma source(%dma_start3A_51 : memref<100000x128xf32, #tpu.memory_space<hbm>>) target(%dma_start3A_46 : memref<96x128xf32, #tpu.memory_space<vmem>>) offsets(%dma_start3A_48 : memref<96xi32, #tpu.memory_space<vmem>>) semaphore(%arg17 : memref<!tpu.dma_semaphore, #tpu.memory_space<semaphore_mem>>)
    %dma_start3A_52 = arith.constant 0 : i32
    %dma_start3A_53 = arith.constant 0 : i32
    %dma_start3A_54 = tpu.memref_slice %arg9[%dma_start3A_52, %dma_start3A_53] : memref<200x128xf32, #tpu.memory_space<vmem>> -> memref<104x128xf32, #tpu.memory_space<vmem>>
    %dma_start3A_55 = arith.constant 600 : i32
    %dma_start3A_56 = tpu.memref_slice %arg5[%dma_start3A_55] : memref<6400xi32, #tpu.memory_space<vmem>> -> memref<104xi32, #tpu.memory_space<vmem>>
    %dma_start3A_57 = arith.constant 0 : i32
    %dma_start3A_58 = arith.constant 0 : i32
    %dma_start3A_59 = tpu.memref_slice %arg3[%dma_start3A_57, %dma_start3A_58] : memref<100000x128xf32, #tpu.memory_space<hbm>> -> memref<100000x128xf32, #tpu.memory_space<hbm>>
    tpu.enqueue_indirect_dma source(%dma_start3A_59 : memref<100000x128xf32, #tpu.memory_space<hbm>>) target(%dma_start3A_54 : memref<104x128xf32, #tpu.memory_space<vmem>>) offsets(%dma_start3A_56 : memref<104xi32, #tpu.memory_space<vmem>>) semaphore(%arg14 : memref<!tpu.dma_semaphore, #tpu.memory_space<semaphore_mem>>)
    %dma_start3A_60 = arith.constant 104 : i32
    %dma_start3A_61 = arith.constant 0 : i32
    %dma_start3A_62 = tpu.memref_slice %arg9[%dma_start3A_60, %dma_start3A_61] : memref<200x128xf32, #tpu.memory_space<vmem>> -> memref<96x128xf32, #tpu.memory_space<vmem>>
    %dma_start3A_63 = arith.constant 704 : i32
    %dma_start3A_64 = tpu.memref_slice %arg5[%dma_start3A_63] : memref<6400xi32, #tpu.memory_space<vmem>> -> memref<96xi32, #tpu.memory_space<vmem>>
    %dma_start3A_65 = arith.constant 0 : i32
    %dma_start3A_66 = arith.constant 0 : i32
    %dma_start3A_67 = tpu.memref_slice %arg3[%dma_start3A_65, %dma_start3A_66] : memref<100000x128xf32, #tpu.memory_space<hbm>> -> memref<100000x128xf32, #tpu.memory_space<hbm>>
    tpu.enqueue_indirect_dma source(%dma_start3A_67 : memref<100000x128xf32, #tpu.memory_space<hbm>>) target(%dma_start3A_62 : memref<96x128xf32, #tpu.memory_space<vmem>>) offsets(%dma_start3A_64 : memref<96xi32, #tpu.memory_space<vmem>>) semaphore(%arg18 : memref<!tpu.dma_semaphore, #tpu.memory_space<semaphore_mem>>)
    %scan3A = arith.constant 0 : i32
    %scan3A_68 = arith.constant 0 : i32
    %scan3A_69 = arith.constant 8 : i32
    %scan3A_70 = arith.addi %scan3A_68, %scan3A_69 : i32
    %scan3A_71 = arith.constant 1 : i32
    scf.for %scan3A_73 = %scan3A_68 to %scan3A_70 step %scan3A_71  : i32 {
      %mul3A_74 = arith.constant 4 : i32
      %mul3A_75 = arith.muli %mul3A_74, %scan3A_73 : i32
      %add3A_76 = arith.constant 0 : i32
      %add3A_77 = arith.addi %mul3A_75, %add3A_76 : i32
      %dma_wait3A = arith.constant 0 : i32
      %dma_wait3A_78 = arith.constant 0 : i32
      %dma_wait3A_79 = tpu.memref_slice %arg6[%dma_wait3A, %dma_wait3A_78] : memref<200x128xf32, #tpu.memory_space<vmem>> -> memref<104x128xf32, #tpu.memory_space<vmem>>
      %dma_wait3A_80 = arith.constant 0 : i32
      %dma_wait3A_81 = tpu.memref_slice %arg5[%dma_wait3A_80] : memref<6400xi32, #tpu.memory_space<vmem>> -> memref<104xi32, #tpu.memory_space<vmem>>
      %dma_wait3A_82 = arith.constant 0 : i32
      %dma_wait3A_83 = arith.constant 0 : i32
      %dma_wait3A_84 = tpu.memref_slice %arg3[%dma_wait3A_82, %dma_wait3A_83] : memref<100000x128xf32, #tpu.memory_space<hbm>> -> memref<100000x128xf32, #tpu.memory_space<hbm>>
      tpu.wait_indirect_dma semaphore(%arg11 : memref<!tpu.dma_semaphore, #tpu.memory_space<semaphore_mem>>) src(%dma_wait3A_84 : memref<100000x128xf32, #tpu.memory_space<hbm>>) dst(%dma_wait3A_79 : memref<104x128xf32, #tpu.memory_space<vmem>>)
      %dma_wait3A_85 = arith.constant 104 : i32
      %dma_wait3A_86 = arith.constant 0 : i32
      %dma_wait3A_87 = tpu.memref_slice %arg6[%dma_wait3A_85, %dma_wait3A_86] : memref<200x128xf32, #tpu.memory_space<vmem>> -> memref<96x128xf32, #tpu.memory_space<vmem>>
      %dma_wait3A_88 = arith.constant 0 : i32
      %dma_wait3A_89 = tpu.memref_slice %arg5[%dma_wait3A_88] : memref<6400xi32, #tpu.memory_space<vmem>> -> memref<96xi32, #tpu.memory_space<vmem>>
      %dma_wait3A_90 = arith.constant 0 : i32
      %dma_wait3A_91 = arith.constant 0 : i32
      %dma_wait3A_92 = tpu.memref_slice %arg3[%dma_wait3A_90, %dma_wait3A_91] : memref<100000x128xf32, #tpu.memory_space<hbm>> -> memref<100000x128xf32, #tpu.memory_space<hbm>>
      tpu.wait_indirect_dma semaphore(%arg15 : memref<!tpu.dma_semaphore, #tpu.memory_space<semaphore_mem>>) src(%dma_wait3A_92 : memref<100000x128xf32, #tpu.memory_space<hbm>>) dst(%dma_wait3A_87 : memref<96x128xf32, #tpu.memory_space<vmem>>)
      %broadcast_in_dim3A = arith.constant 0.000000e+00 : f32
      %broadcast_in_dim3A_93 = vector.broadcast %broadcast_in_dim3A : f32 to vector<16xf32>
      %broadcast_in_dim3A_94 = arith.constant 0.000000e+00 : f32
      %broadcast_in_dim3A_95 = vector.broadcast %broadcast_in_dim3A_94 : f32 to vector<16xf32>
      %broadcast_in_dim3A_96 = arith.constant 0.000000e+00 : f32
      %broadcast_in_dim3A_97 = vector.broadcast %broadcast_in_dim3A_96 : f32 to vector<16xf32>
      %broadcast_in_dim3A_98 = arith.constant 0.000000e+00 : f32
      %broadcast_in_dim3A_99 = vector.broadcast %broadcast_in_dim3A_98 : f32 to vector<16xf32>
      %broadcast_in_dim3A_100 = arith.constant 0.000000e+00 : f32
      %broadcast_in_dim3A_101 = vector.broadcast %broadcast_in_dim3A_100 : f32 to vector<16xf32>
      %broadcast_in_dim3A_102 = arith.constant 0.000000e+00 : f32
      %broadcast_in_dim3A_103 = vector.broadcast %broadcast_in_dim3A_102 : f32 to vector<16xf32>
      %broadcast_in_dim3A_104 = arith.constant 0.000000e+00 : f32
      %broadcast_in_dim3A_105 = vector.broadcast %broadcast_in_dim3A_104 : f32 to vector<16xf32>
      %broadcast_in_dim3A_106 = arith.constant 0.000000e+00 : f32
      %broadcast_in_dim3A_107 = vector.broadcast %broadcast_in_dim3A_106 : f32 to vector<16xf32>
      %scan3A_108 = arith.constant 0 : i32
      %scan3A_109 = arith.constant 25 : i32
      %scan3A_110 = arith.addi %scan3A_108, %scan3A_109 : i32
      %scan3A_111 = arith.constant 1 : i32
      %scan3A_112:8 = scf.for %scan3A_1684 = %scan3A_108 to %scan3A_110 step %scan3A_111 iter_args(%scan3A_1685 = %broadcast_in_dim3A_93, %scan3A_1686 = %broadcast_in_dim3A_95, %scan3A_1687 = %broadcast_in_dim3A_97, %scan3A_1688 = %broadcast_in_dim3A_99, %scan3A_1689 = %broadcast_in_dim3A_101, %scan3A_1690 = %broadcast_in_dim3A_103, %scan3A_1691 = %broadcast_in_dim3A_105, %scan3A_1692 = %broadcast_in_dim3A_107) -> (vector<16xf32>, vector<16xf32>, vector<16xf32>, vector<16xf32>, vector<16xf32>, vector<16xf32>, vector<16xf32>, vector<16xf32>)  : i32 {
        %mul3A_1693 = arith.constant 2 : i32
        %mul3A_1694 = arith.muli %mul3A_1693, %scan3A_1684 : i32
        %add3A_1695 = arith.constant 0 : i32
        %add3A_1696 = arith.addi %add3A_1695, %mul3A_1694 : i32
        %get3A = arith.index_cast %add3A_1696 : i32 to index
        %get3A_1697 = arith.constant 0 : index
        %get3A_1698 = tpu.vector_load %arg6[%get3A, %get3A_1697] {strides = array<i32>} : memref<200x128xf32, #tpu.memory_space<vmem>>, vector<1x16xf32>,
        %get3A_1699 = vector.shape_cast %get3A_1698 : vector<1x16xf32> to vector<16xf32>
        %add3A_1700 = arith.addf %scan3A_1685, %get3A_1699 : vector<16xf32>
        %get3A_1701 = arith.index_cast %add3A_1696 : i32 to index
        %get3A_1702 = arith.constant 16 : index
        %get3A_1703 = tpu.vector_load %arg6[%get3A_1701, %get3A_1702] {strides = array<i32>} : memref<200x128xf32, #tpu.memory_space<vmem>>, vector<1x16xf32>,
        %get3A_1704 = vector.shape_cast %get3A_1703 : vector<1x16xf32> to vector<16xf32>
        %add3A_1705 = arith.addf %scan3A_1686, %get3A_1704 : vector<16xf32>
        %get3A_1706 = arith.index_cast %add3A_1696 : i32 to index
        %get3A_1707 = arith.constant 32 : index
        %get3A_1708 = tpu.vector_load %arg6[%get3A_1706, %get3A_1707] {strides = array<i32>} : memref<200x128xf32, #tpu.memory_space<vmem>>, vector<1x16xf32>,
        %get3A_1709 = vector.shape_cast %get3A_1708 : vector<1x16xf32> to vector<16xf32>
        %add3A_1710 = arith.addf %scan3A_1687, %get3A_1709 : vector<16xf32>
        %get3A_1711 = arith.index_cast %add3A_1696 : i32 to index
        %get3A_1712 = arith.constant 48 : index
        %get3A_1713 = tpu.vector_load %arg6[%get3A_1711, %get3A_1712] {strides = array<i32>} : memref<200x128xf32, #tpu.memory_space<vmem>>, vector<1x16xf32>,
        %get3A_1714 = vector.shape_cast %get3A_1713 : vector<1x16xf32> to vector<16xf32>
        %add3A_1715 = arith.addf %scan3A_1688, %get3A_1714 : vector<16xf32>
        %get3A_1716 = arith.index_cast %add3A_1696 : i32 to index
        %get3A_1717 = arith.constant 64 : index
        %get3A_1718 = tpu.vector_load %arg6[%get3A_1716, %get3A_1717] {strides = array<i32>} : memref<200x128xf32, #tpu.memory_space<vmem>>, vector<1x16xf32>,
        %get3A_1719 = vector.shape_cast %get3A_1718 : vector<1x16xf32> to vector<16xf32>
        %add3A_1720 = arith.addf %scan3A_1689, %get3A_1719 : vector<16xf32>
        %get3A_1721 = arith.index_cast %add3A_1696 : i32 to index
        %get3A_1722 = arith.constant 80 : index
        %get3A_1723 = tpu.vector_load %arg6[%get3A_1721, %get3A_1722] {strides = array<i32>} : memref<200x128xf32, #tpu.memory_space<vmem>>, vector<1x16xf32>,
        %get3A_1724 = vector.shape_cast %get3A_1723 : vector<1x16xf32> to vector<16xf32>
        %add3A_1725 = arith.addf %scan3A_1690, %get3A_1724 : vector<16xf32>
        %get3A_1726 = arith.index_cast %add3A_1696 : i32 to index
        %get3A_1727 = arith.constant 96 : index
        %get3A_1728 = tpu.vector_load %arg6[%get3A_1726, %get3A_1727] {strides = array<i32>} : memref<200x128xf32, #tpu.memory_space<vmem>>, vector<1x16xf32>,
        %get3A_1729 = vector.shape_cast %get3A_1728 : vector<1x16xf32> to vector<16xf32>
        %add3A_1730 = arith.addf %scan3A_1691, %get3A_1729 : vector<16xf32>
        %get3A_1731 = arith.index_cast %add3A_1696 : i32 to index
        %get3A_1732 = arith.constant 112 : index
        %get3A_1733 = tpu.vector_load %arg6[%get3A_1731, %get3A_1732] {strides = array<i32>} : memref<200x128xf32, #tpu.memory_space<vmem>>, vector<1x16xf32>,
        %get3A_1734 = vector.shape_cast %get3A_1733 : vector<1x16xf32> to vector<16xf32>
        %add3A_1735 = arith.addf %scan3A_1692, %get3A_1734 : vector<16xf32>
        %add3A_1736 = arith.constant 1 : i32
        %add3A_1737 = arith.addi %add3A_1696, %add3A_1736 : i32
        %get3A_1738 = arith.index_cast %add3A_1737 : i32 to index
        %get3A_1739 = arith.constant 0 : index
        %get3A_1740 = tpu.vector_load %arg6[%get3A_1738, %get3A_1739] {strides = array<i32>} : memref<200x128xf32, #tpu.memory_space<vmem>>, vector<1x16xf32>,
        %get3A_1741 = vector.shape_cast %get3A_1740 : vector<1x16xf32> to vector<16xf32>
        %add3A_1742 = arith.addf %add3A_1700, %get3A_1741 : vector<16xf32>
        %add3A_1743 = arith.constant 1 : i32
        %add3A_1744 = arith.addi %add3A_1696, %add3A_1743 : i32
        %get3A_1745 = arith.index_cast %add3A_1744 : i32 to index
        %get3A_1746 = arith.constant 16 : index
        %get3A_1747 = tpu.vector_load %arg6[%get3A_1745, %get3A_1746] {strides = array<i32>} : memref<200x128xf32, #tpu.memory_space<vmem>>, vector<1x16xf32>,
        %get3A_1748 = vector.shape_cast %get3A_1747 : vector<1x16xf32> to vector<16xf32>
        %add3A_1749 = arith.addf %add3A_1705, %get3A_1748 : vector<16xf32>
        %add3A_1750 = arith.constant 1 : i32
        %add3A_1751 = arith.addi %add3A_1696, %add3A_1750 : i32
        %get3A_1752 = arith.index_cast %add3A_1751 : i32 to index
        %get3A_1753 = arith.constant 32 : index
        %get3A_1754 = tpu.vector_load %arg6[%get3A_1752, %get3A_1753] {strides = array<i32>} : memref<200x128xf32, #tpu.memory_space<vmem>>, vector<1x16xf32>,
        %get3A_1755 = vector.shape_cast %get3A_1754 : vector<1x16xf32> to vector<16xf32>
        %add3A_1756 = arith.addf %add3A_1710, %get3A_1755 : vector<16xf32>
        %add3A_1757 = arith.constant 1 : i32
        %add3A_1758 = arith.addi %add3A_1696, %add3A_1757 : i32
        %get3A_1759 = arith.index_cast %add3A_1758 : i32 to index
        %get3A_1760 = arith.constant 48 : index
        %get3A_1761 = tpu.vector_load %arg6[%get3A_1759, %get3A_1760] {strides = array<i32>} : memref<200x128xf32, #tpu.memory_space<vmem>>, vector<1x16xf32>,
        %get3A_1762 = vector.shape_cast %get3A_1761 : vector<1x16xf32> to vector<16xf32>
        %add3A_1763 = arith.addf %add3A_1715, %get3A_1762 : vector<16xf32>
        %add3A_1764 = arith.constant 1 : i32
        %add3A_1765 = arith.addi %add3A_1696, %add3A_1764 : i32
        %get3A_1766 = arith.index_cast %add3A_1765 : i32 to index
        %get3A_1767 = arith.constant 64 : index
        %get3A_1768 = tpu.vector_load %arg6[%get3A_1766, %get3A_1767] {strides = array<i32>} : memref<200x128xf32, #tpu.memory_space<vmem>>, vector<1x16xf32>,
        %get3A_1769 = vector.shape_cast %get3A_1768 : vector<1x16xf32> to vector<16xf32>
        %add3A_1770 = arith.addf %add3A_1720, %get3A_1769 : vector<16xf32>
        %add3A_1771 = arith.constant 1 : i32
        %add3A_1772 = arith.addi %add3A_1696, %add3A_1771 : i32
        %get3A_1773 = arith.index_cast %add3A_1772 : i32 to index
        %get3A_1774 = arith.constant 80 : index
        %get3A_1775 = tpu.vector_load %arg6[%get3A_1773, %get3A_1774] {strides = array<i32>} : memref<200x128xf32, #tpu.memory_space<vmem>>, vector<1x16xf32>,
        %get3A_1776 = vector.shape_cast %get3A_1775 : vector<1x16xf32> to vector<16xf32>
        %add3A_1777 = arith.addf %add3A_1725, %get3A_1776 : vector<16xf32>
        %add3A_1778 = arith.constant 1 : i32
        %add3A_1779 = arith.addi %add3A_1696, %add3A_1778 : i32
        %get3A_1780 = arith.index_cast %add3A_1779 : i32 to index
        %get3A_1781 = arith.constant 96 : index
        %get3A_1782 = tpu.vector_load %arg6[%get3A_1780, %get3A_1781] {strides = array<i32>} : memref<200x128xf32, #tpu.memory_space<vmem>>, vector<1x16xf32>,
        %get3A_1783 = vector.shape_cast %get3A_1782 : vector<1x16xf32> to vector<16xf32>
        %add3A_1784 = arith.addf %add3A_1730, %get3A_1783 : vector<16xf32>
        %add3A_1785 = arith.constant 1 : i32
        %add3A_1786 = arith.addi %add3A_1696, %add3A_1785 : i32
        %get3A_1787 = arith.index_cast %add3A_1786 : i32 to index
        %get3A_1788 = arith.constant 112 : index
        %get3A_1789 = tpu.vector_load %arg6[%get3A_1787, %get3A_1788] {strides = array<i32>} : memref<200x128xf32, #tpu.memory_space<vmem>>, vector<1x16xf32>,
        %get3A_1790 = vector.shape_cast %get3A_1789 : vector<1x16xf32> to vector<16xf32>
        %add3A_1791 = arith.addf %add3A_1735, %get3A_1790 : vector<16xf32>
        scf.yield %add3A_1742, %add3A_1749, %add3A_1756, %add3A_1763, %add3A_1770, %add3A_1777, %add3A_1784, %add3A_1791 : vector<16xf32>, vector<16xf32>, vector<16xf32>, vector<16xf32>, vector<16xf32>, vector<16xf32>, vector<16xf32>, vector<16xf32>
      }
      %scan3A_113 = arith.constant 25 : i32
      %mul3A_114 = arith.constant 2.000000e-02 : f32
      %mul3A_115 = vector.broadcast %mul3A_114 : f32 to vector<16xf32>
      %mul3A_116 = arith.mulf %scan3A_112#0, %mul3A_115 : vector<16xf32>
      %swap3A = arith.constant 0 : i32
      %swap3A_117 = arith.index_cast %swap3A : i32 to index
      %swap3A_118 = arith.constant 0 : index
      %swap3A_119 = tpu.vector_load %arg10[%swap3A_117, %swap3A_118] {strides = array<i32>} : memref<4x128xf32, #tpu.memory_space<vmem>>, vector<1x16xf32>,
      %swap3A_120 = vector.shape_cast %swap3A_119 : vector<1x16xf32> to vector<16xf32>
      %swap3A_121 = vector.shape_cast %mul3A_116 : vector<16xf32> to vector<1x16xf32>
      tpu.vector_store %arg10[%swap3A_117, %swap3A_118], %swap3A_121 {strides = array<i32>} : memref<4x128xf32, #tpu.memory_space<vmem>>, vector<1x16xf32>,
      %mul3A_122 = arith.constant 2.000000e-02 : f32
      %mul3A_123 = vector.broadcast %mul3A_122 : f32 to vector<16xf32>
      %mul3A_124 = arith.mulf %scan3A_112#1, %mul3A_123 : vector<16xf32>
      %swap3A_125 = arith.constant 0 : i32
      %swap3A_126 = arith.index_cast %swap3A_125 : i32 to index
      %swap3A_127 = arith.constant 16 : index
      %swap3A_128 = tpu.vector_load %arg10[%swap3A_126, %swap3A_127] {strides = array<i32>} : memref<4x128xf32, #tpu.memory_space<vmem>>, vector<1x16xf32>,
      %swap3A_129 = vector.shape_cast %swap3A_128 : vector<1x16xf32> to vector<16xf32>
      %swap3A_130 = vector.shape_cast %mul3A_124 : vector<16xf32> to vector<1x16xf32>
      tpu.vector_store %arg10[%swap3A_126, %swap3A_127], %swap3A_130 {strides = array<i32>} : memref<4x128xf32, #tpu.memory_space<vmem>>, vector<1x16xf32>,
      %mul3A_131 = arith.constant 2.000000e-02 : f32
      %mul3A_132 = vector.broadcast %mul3A_131 : f32 to vector<16xf32>
      %mul3A_133 = arith.mulf %scan3A_112#2, %mul3A_132 : vector<16xf32>
      %swap3A_134 = arith.constant 0 : i32
      %swap3A_135 = arith.index_cast %swap3A_134 : i32 to index
      %swap3A_136 = arith.constant 32 : index
      %swap3A_137 = tpu.vector_load %arg10[%swap3A_135, %swap3A_136] {strides = array<i32>} : memref<4x128xf32, #tpu.memory_space<vmem>>, vector<1x16xf32>,
      %swap3A_138 = vector.shape_cast %swap3A_137 : vector<1x16xf32> to vector<16xf32>
      %swap3A_139 = vector.shape_cast %mul3A_133 : vector<16xf32> to vector<1x16xf32>
      tpu.vector_store %arg10[%swap3A_135, %swap3A_136], %swap3A_139 {strides = array<i32>} : memref<4x128xf32, #tpu.memory_space<vmem>>, vector<1x16xf32>,
      %mul3A_140 = arith.constant 2.000000e-02 : f32
      %mul3A_141 = vector.broadcast %mul3A_140 : f32 to vector<16xf32>
      %mul3A_142 = arith.mulf %scan3A_112#3, %mul3A_141 : vector<16xf32>
      %swap3A_143 = arith.constant 0 : i32
      %swap3A_144 = arith.index_cast %swap3A_143 : i32 to index
      %swap3A_145 = arith.constant 48 : index
      %swap3A_146 = tpu.vector_load %arg10[%swap3A_144, %swap3A_145] {strides = array<i32>} : memref<4x128xf32, #tpu.memory_space<vmem>>, vector<1x16xf32>,
      %swap3A_147 = vector.shape_cast %swap3A_146 : vector<1x16xf32> to vector<16xf32>
      %swap3A_148 = vector.shape_cast %mul3A_142 : vector<16xf32> to vector<1x16xf32>
      tpu.vector_store %arg10[%swap3A_144, %swap3A_145], %swap3A_148 {strides = array<i32>} : memref<4x128xf32, #tpu.memory_space<vmem>>, vector<1x16xf32>,
      %mul3A_149 = arith.constant 2.000000e-02 : f32
      %mul3A_150 = vector.broadcast %mul3A_149 : f32 to vector<16xf32>
      %mul3A_151 = arith.mulf %scan3A_112#4, %mul3A_150 : vector<16xf32>
      %swap3A_152 = arith.constant 0 : i32
      %swap3A_153 = arith.index_cast %swap3A_152 : i32 to index
      %swap3A_154 = arith.constant 64 : index
      %swap3A_155 = tpu.vector_load %arg10[%swap3A_153, %swap3A_154] {strides = array<i32>} : memref<4x128xf32, #tpu.memory_space<vmem>>, vector<1x16xf32>,
      %swap3A_156 = vector.shape_cast %swap3A_155 : vector<1x16xf32> to vector<16xf32>
      %swap3A_157 = vector.shape_cast %mul3A_151 : vector<16xf32> to vector<1x16xf32>
      tpu.vector_store %arg10[%swap3A_153, %swap3A_154], %swap3A_157 {strides = array<i32>} : memref<4x128xf32, #tpu.memory_space<vmem>>, vector<1x16xf32>,
      %mul3A_158 = arith.constant 2.000000e-02 : f32
      %mul3A_159 = vector.broadcast %mul3A_158 : f32 to vector<16xf32>
      %mul3A_160 = arith.mulf %scan3A_112#5, %mul3A_159 : vector<16xf32>
      %swap3A_161 = arith.constant 0 : i32
      %swap3A_162 = arith.index_cast %swap3A_161 : i32 to index
      %swap3A_163 = arith.constant 80 : index
      %swap3A_164 = tpu.vector_load %arg10[%swap3A_162, %swap3A_163] {strides = array<i32>} : memref<4x128xf32, #tpu.memory_space<vmem>>, vector<1x16xf32>,
      %swap3A_165 = vector.shape_cast %swap3A_164 : vector<1x16xf32> to vector<16xf32>
      %swap3A_166 = vector.shape_cast %mul3A_160 : vector<16xf32> to vector<1x16xf32>
      tpu.vector_store %arg10[%swap3A_162, %swap3A_163], %swap3A_166 {strides = array<i32>} : memref<4x128xf32, #tpu.memory_space<vmem>>, vector<1x16xf32>,
      %mul3A_167 = arith.constant 2.000000e-02 : f32
      %mul3A_168 = vector.broadcast %mul3A_167 : f32 to vector<16xf32>
      %mul3A_169 = arith.mulf %scan3A_112#6, %mul3A_168 : vector<16xf32>
      %swap3A_170 = arith.constant 0 : i32
      %swap3A_171 = arith.index_cast %swap3A_170 : i32 to index
      %swap3A_172 = arith.constant 96 : index
      %swap3A_173 = tpu.vector_load %arg10[%swap3A_171, %swap3A_172] {strides = array<i32>} : memref<4x128xf32, #tpu.memory_space<vmem>>, vector<1x16xf32>,
      %swap3A_174 = vector.shape_cast %swap3A_173 : vector<1x16xf32> to vector<16xf32>
      %swap3A_175 = vector.shape_cast %mul3A_169 : vector<16xf32> to vector<1x16xf32>
      tpu.vector_store %arg10[%swap3A_171, %swap3A_172], %swap3A_175 {strides = array<i32>} : memref<4x128xf32, #tpu.memory_space<vmem>>, vector<1x16xf32>,
      %mul3A_176 = arith.constant 2.000000e-02 : f32
      %mul3A_177 = vector.broadcast %mul3A_176 : f32 to vector<16xf32>
      %mul3A_178 = arith.mulf %scan3A_112#7, %mul3A_177 : vector<16xf32>
      %swap3A_179 = arith.constant 0 : i32
      %swap3A_180 = arith.index_cast %swap3A_179 : i32 to index
      %swap3A_181 = arith.constant 112 : index
      %swap3A_182 = tpu.vector_load %arg10[%swap3A_180, %swap3A_181] {strides = array<i32>} : memref<4x128xf32, #tpu.memory_space<vmem>>, vector<1x16xf32>,
      %swap3A_183 = vector.shape_cast %swap3A_182 : vector<1x16xf32> to vector<16xf32>
      %swap3A_184 = vector.shape_cast %mul3A_178 : vector<16xf32> to vector<1x16xf32>
      tpu.vector_store %arg10[%swap3A_180, %swap3A_181], %swap3A_184 {strides = array<i32>} : memref<4x128xf32, #tpu.memory_space<vmem>>, vector<1x16xf32>,
      %broadcast_in_dim3A_185 = arith.constant 0.000000e+00 : f32
      %broadcast_in_dim3A_186 = vector.broadcast %broadcast_in_dim3A_185 : f32 to vector<16xf32>
      %broadcast_in_dim3A_187 = arith.constant 0.000000e+00 : f32
      %broadcast_in_dim3A_188 = vector.broadcast %broadcast_in_dim3A_187 : f32 to vector<16xf32>
      %broadcast_in_dim3A_189 = arith.constant 0.000000e+00 : f32
      %broadcast_in_dim3A_190 = vector.broadcast %broadcast_in_dim3A_189 : f32 to vector<16xf32>
      %broadcast_in_dim3A_191 = arith.constant 0.000000e+00 : f32
      %broadcast_in_dim3A_192 = vector.broadcast %broadcast_in_dim3A_191 : f32 to vector<16xf32>
      %broadcast_in_dim3A_193 = arith.constant 0.000000e+00 : f32
      %broadcast_in_dim3A_194 = vector.broadcast %broadcast_in_dim3A_193 : f32 to vector<16xf32>
      %broadcast_in_dim3A_195 = arith.constant 0.000000e+00 : f32
      %broadcast_in_dim3A_196 = vector.broadcast %broadcast_in_dim3A_195 : f32 to vector<16xf32>
      %broadcast_in_dim3A_197 = arith.constant 0.000000e+00 : f32
      %broadcast_in_dim3A_198 = vector.broadcast %broadcast_in_dim3A_197 : f32 to vector<16xf32>
      %broadcast_in_dim3A_199 = arith.constant 0.000000e+00 : f32
      %broadcast_in_dim3A_200 = vector.broadcast %broadcast_in_dim3A_199 : f32 to vector<16xf32>
      %scan3A_201 = arith.constant 0 : i32
      %scan3A_202 = arith.constant 25 : i32
      %scan3A_203 = arith.addi %scan3A_201, %scan3A_202 : i32
      %scan3A_204 = arith.constant 1 : i32
      %scan3A_205:8 = scf.for %scan3A_1684 = %scan3A_201 to %scan3A_203 step %scan3A_204 iter_args(%scan3A_1685 = %broadcast_in_dim3A_186, %scan3A_1686 = %broadcast_in_dim3A_188, %scan3A_1687 = %broadcast_in_dim3A_190, %scan3A_1688 = %broadcast_in_dim3A_192, %scan3A_1689 = %broadcast_in_dim3A_194, %scan3A_1690 = %broadcast_in_dim3A_196, %scan3A_1691 = %broadcast_in_dim3A_198, %scan3A_1692 = %broadcast_in_dim3A_200) -> (vector<16xf32>, vector<16xf32>, vector<16xf32>, vector<16xf32>, vector<16xf32>, vector<16xf32>, vector<16xf32>, vector<16xf32>)  : i32 {
        %mul3A_1693 = arith.constant 2 : i32
        %mul3A_1694 = arith.muli %mul3A_1693, %scan3A_1684 : i32
        %add3A_1695 = arith.constant 50 : i32
        %add3A_1696 = arith.addi %add3A_1695, %mul3A_1694 : i32
        %get3A = arith.index_cast %add3A_1696 : i32 to index
        %get3A_1697 = arith.constant 0 : index
        %get3A_1698 = tpu.vector_load %arg6[%get3A, %get3A_1697] {strides = array<i32>} : memref<200x128xf32, #tpu.memory_space<vmem>>, vector<1x16xf32>,
        %get3A_1699 = vector.shape_cast %get3A_1698 : vector<1x16xf32> to vector<16xf32>
        %add3A_1700 = arith.addf %scan3A_1685, %get3A_1699 : vector<16xf32>
        %get3A_1701 = arith.index_cast %add3A_1696 : i32 to index
        %get3A_1702 = arith.constant 16 : index
        %get3A_1703 = tpu.vector_load %arg6[%get3A_1701, %get3A_1702] {strides = array<i32>} : memref<200x128xf32, #tpu.memory_space<vmem>>, vector<1x16xf32>,
        %get3A_1704 = vector.shape_cast %get3A_1703 : vector<1x16xf32> to vector<16xf32>
        %add3A_1705 = arith.addf %scan3A_1686, %get3A_1704 : vector<16xf32>
        %get3A_1706 = arith.index_cast %add3A_1696 : i32 to index
        %get3A_1707 = arith.constant 32 : index
        %get3A_1708 = tpu.vector_load %arg6[%get3A_1706, %get3A_1707] {strides = array<i32>} : memref<200x128xf32, #tpu.memory_space<vmem>>, vector<1x16xf32>,
        %get3A_1709 = vector.shape_cast %get3A_1708 : vector<1x16xf32> to vector<16xf32>
        %add3A_1710 = arith.addf %scan3A_1687, %get3A_1709 : vector<16xf32>
        %get3A_1711 = arith.index_cast %add3A_1696 : i32 to index
        %get3A_1712 = arith.constant 48 : index
        %get3A_1713 = tpu.vector_load %arg6[%get3A_1711, %get3A_1712] {strides = array<i32>} : memref<200x128xf32, #tpu.memory_space<vmem>>, vector<1x16xf32>,
        %get3A_1714 = vector.shape_cast %get3A_1713 : vector<1x16xf32> to vector<16xf32>
        %add3A_1715 = arith.addf %scan3A_1688, %get3A_1714 : vector<16xf32>
        %get3A_1716 = arith.index_cast %add3A_1696 : i32 to index
        %get3A_1717 = arith.constant 64 : index
        %get3A_1718 = tpu.vector_load %arg6[%get3A_1716, %get3A_1717] {strides = array<i32>} : memref<200x128xf32, #tpu.memory_space<vmem>>, vector<1x16xf32>,
        %get3A_1719 = vector.shape_cast %get3A_1718 : vector<1x16xf32> to vector<16xf32>
        %add3A_1720 = arith.addf %scan3A_1689, %get3A_1719 : vector<16xf32>
        %get3A_1721 = arith.index_cast %add3A_1696 : i32 to index
        %get3A_1722 = arith.constant 80 : index
        %get3A_1723 = tpu.vector_load %arg6[%get3A_1721, %get3A_1722] {strides = array<i32>} : memref<200x128xf32, #tpu.memory_space<vmem>>, vector<1x16xf32>,
        %get3A_1724 = vector.shape_cast %get3A_1723 : vector<1x16xf32> to vector<16xf32>
        %add3A_1725 = arith.addf %scan3A_1690, %get3A_1724 : vector<16xf32>
        %get3A_1726 = arith.index_cast %add3A_1696 : i32 to index
        %get3A_1727 = arith.constant 96 : index
        %get3A_1728 = tpu.vector_load %arg6[%get3A_1726, %get3A_1727] {strides = array<i32>} : memref<200x128xf32, #tpu.memory_space<vmem>>, vector<1x16xf32>,
        %get3A_1729 = vector.shape_cast %get3A_1728 : vector<1x16xf32> to vector<16xf32>
        %add3A_1730 = arith.addf %scan3A_1691, %get3A_1729 : vector<16xf32>
        %get3A_1731 = arith.index_cast %add3A_1696 : i32 to index
        %get3A_1732 = arith.constant 112 : index
        %get3A_1733 = tpu.vector_load %arg6[%get3A_1731, %get3A_1732] {strides = array<i32>} : memref<200x128xf32, #tpu.memory_space<vmem>>, vector<1x16xf32>,
        %get3A_1734 = vector.shape_cast %get3A_1733 : vector<1x16xf32> to vector<16xf32>
        %add3A_1735 = arith.addf %scan3A_1692, %get3A_1734 : vector<16xf32>
        %add3A_1736 = arith.constant 1 : i32
        %add3A_1737 = arith.addi %add3A_1696, %add3A_1736 : i32
        %get3A_1738 = arith.index_cast %add3A_1737 : i32 to index
        %get3A_1739 = arith.constant 0 : index
        %get3A_1740 = tpu.vector_load %arg6[%get3A_1738, %get3A_1739] {strides = array<i32>} : memref<200x128xf32, #tpu.memory_space<vmem>>, vector<1x16xf32>,
        %get3A_1741 = vector.shape_cast %get3A_1740 : vector<1x16xf32> to vector<16xf32>
        %add3A_1742 = arith.addf %add3A_1700, %get3A_1741 : vector<16xf32>
        %add3A_1743 = arith.constant 1 : i32
        %add3A_1744 = arith.addi %add3A_1696, %add3A_1743 : i32
        %get3A_1745 = arith.index_cast %add3A_1744 : i32 to index
        %get3A_1746 = arith.constant 16 : index
        %get3A_1747 = tpu.vector_load %arg6[%get3A_1745, %get3A_1746] {strides = array<i32>} : memref<200x128xf32, #tpu.memory_space<vmem>>, vector<1x16xf32>,
        %get3A_1748 = vector.shape_cast %get3A_1747 : vector<1x16xf32> to vector<16xf32>
        %add3A_1749 = arith.addf %add3A_1705, %get3A_1748 : vector<16xf32>
        %add3A_1750 = arith.constant 1 : i32
        %add3A_1751 = arith.addi %add3A_1696, %add3A_1750 : i32
        %get3A_1752 = arith.index_cast %add3A_1751 : i32 to index
        %get3A_1753 = arith.constant 32 : index
        %get3A_1754 = tpu.vector_load %arg6[%get3A_1752, %get3A_1753] {strides = array<i32>} : memref<200x128xf32, #tpu.memory_space<vmem>>, vector<1x16xf32>,
        %get3A_1755 = vector.shape_cast %get3A_1754 : vector<1x16xf32> to vector<16xf32>
        %add3A_1756 = arith.addf %add3A_1710, %get3A_1755 : vector<16xf32>
        %add3A_1757 = arith.constant 1 : i32
        %add3A_1758 = arith.addi %add3A_1696, %add3A_1757 : i32
        %get3A_1759 = arith.index_cast %add3A_1758 : i32 to index
        %get3A_1760 = arith.constant 48 : index
        %get3A_1761 = tpu.vector_load %arg6[%get3A_1759, %get3A_1760] {strides = array<i32>} : memref<200x128xf32, #tpu.memory_space<vmem>>, vector<1x16xf32>,
        %get3A_1762 = vector.shape_cast %get3A_1761 : vector<1x16xf32> to vector<16xf32>
        %add3A_1763 = arith.addf %add3A_1715, %get3A_1762 : vector<16xf32>
        %add3A_1764 = arith.constant 1 : i32
        %add3A_1765 = arith.addi %add3A_1696, %add3A_1764 : i32
        %get3A_1766 = arith.index_cast %add3A_1765 : i32 to index
        %get3A_1767 = arith.constant 64 : index
        %get3A_1768 = tpu.vector_load %arg6[%get3A_1766, %get3A_1767] {strides = array<i32>} : memref<200x128xf32, #tpu.memory_space<vmem>>, vector<1x16xf32>,
        %get3A_1769 = vector.shape_cast %get3A_1768 : vector<1x16xf32> to vector<16xf32>
        %add3A_1770 = arith.addf %add3A_1720, %get3A_1769 : vector<16xf32>
        %add3A_1771 = arith.constant 1 : i32
        %add3A_1772 = arith.addi %add3A_1696, %add3A_1771 : i32
        %get3A_1773 = arith.index_cast %add3A_1772 : i32 to index
        %get3A_1774 = arith.constant 80 : index
        %get3A_1775 = tpu.vector_load %arg6[%get3A_1773, %get3A_1774] {strides = array<i32>} : memref<200x128xf32, #tpu.memory_space<vmem>>, vector<1x16xf32>,
        %get3A_1776 = vector.shape_cast %get3A_1775 : vector<1x16xf32> to vector<16xf32>
        %add3A_1777 = arith.addf %add3A_1725, %get3A_1776 : vector<16xf32>
        %add3A_1778 = arith.constant 1 : i32
        %add3A_1779 = arith.addi %add3A_1696, %add3A_1778 : i32
        %get3A_1780 = arith.index_cast %add3A_1779 : i32 to index
        %get3A_1781 = arith.constant 96 : index
        %get3A_1782 = tpu.vector_load %arg6[%get3A_1780, %get3A_1781] {strides = array<i32>} : memref<200x128xf32, #tpu.memory_space<vmem>>, vector<1x16xf32>,
        %get3A_1783 = vector.shape_cast %get3A_1782 : vector<1x16xf32> to vector<16xf32>
        %add3A_1784 = arith.addf %add3A_1730, %get3A_1783 : vector<16xf32>
        %add3A_1785 = arith.constant 1 : i32
        %add3A_1786 = arith.addi %add3A_1696, %add3A_1785 : i32
        %get3A_1787 = arith.index_cast %add3A_1786 : i32 to index
        %get3A_1788 = arith.constant 112 : index
        %get3A_1789 = tpu.vector_load %arg6[%get3A_1787, %get3A_1788] {strides = array<i32>} : memref<200x128xf32, #tpu.memory_space<vmem>>, vector<1x16xf32>,
        %get3A_1790 = vector.shape_cast %get3A_1789 : vector<1x16xf32> to vector<16xf32>
        %add3A_1791 = arith.addf %add3A_1735, %get3A_1790 : vector<16xf32>
        scf.yield %add3A_1742, %add3A_1749, %add3A_1756, %add3A_1763, %add3A_1770, %add3A_1777, %add3A_1784, %add3A_1791 : vector<16xf32>, vector<16xf32>, vector<16xf32>, vector<16xf32>, vector<16xf32>, vector<16xf32>, vector<16xf32>, vector<16xf32>
      }
      %scan3A_206 = arith.constant 25 : i32
      %mul3A_207 = arith.constant 2.000000e-02 : f32
      %mul3A_208 = vector.broadcast %mul3A_207 : f32 to vector<16xf32>
      %mul3A_209 = arith.mulf %scan3A_205#0, %mul3A_208 : vector<16xf32>
      %swap3A_210 = arith.constant 1 : i32
      %swap3A_211 = arith.index_cast %swap3A_210 : i32 to index
      %swap3A_212 = arith.constant 0 : index
      %swap3A_213 = tpu.vector_load %arg10[%swap3A_211, %swap3A_212] {strides = array<i32>} : memref<4x128xf32, #tpu.memory_space<vmem>>, vector<1x16xf32>,
      %swap3A_214 = vector.shape_cast %swap3A_213 : vector<1x16xf32> to vector<16xf32>
      %swap3A_215 = vector.shape_cast %mul3A_209 : vector<16xf32> to vector<1x16xf32>
      tpu.vector_store %arg10[%swap3A_211, %swap3A_212], %swap3A_215 {strides = array<i32>} : memref<4x128xf32, #tpu.memory_space<vmem>>, vector<1x16xf32>,
      %mul3A_216 = arith.constant 2.000000e-02 : f32
      %mul3A_217 = vector.broadcast %mul3A_216 : f32 to vector<16xf32>
      %mul3A_218 = arith.mulf %scan3A_205#1, %mul3A_217 : vector<16xf32>
      %swap3A_219 = arith.constant 1 : i32
      %swap3A_220 = arith.index_cast %swap3A_219 : i32 to index
      %swap3A_221 = arith.constant 16 : index
      %swap3A_222 = tpu.vector_load %arg10[%swap3A_220, %swap3A_221] {strides = array<i32>} : memref<4x128xf32, #tpu.memory_space<vmem>>, vector<1x16xf32>,
      %swap3A_223 = vector.shape_cast %swap3A_222 : vector<1x16xf32> to vector<16xf32>
      %swap3A_224 = vector.shape_cast %mul3A_218 : vector<16xf32> to vector<1x16xf32>
      tpu.vector_store %arg10[%swap3A_220, %swap3A_221], %swap3A_224 {strides = array<i32>} : memref<4x128xf32, #tpu.memory_space<vmem>>, vector<1x16xf32>,
      %mul3A_225 = arith.constant 2.000000e-02 : f32
      %mul3A_226 = vector.broadcast %mul3A_225 : f32 to vector<16xf32>
      %mul3A_227 = arith.mulf %scan3A_205#2, %mul3A_226 : vector<16xf32>
      %swap3A_228 = arith.constant 1 : i32
      %swap3A_229 = arith.index_cast %swap3A_228 : i32 to index
      %swap3A_230 = arith.constant 32 : index
      %swap3A_231 = tpu.vector_load %arg10[%swap3A_229, %swap3A_230] {strides = array<i32>} : memref<4x128xf32, #tpu.memory_space<vmem>>, vector<1x16xf32>,
      %swap3A_232 = vector.shape_cast %swap3A_231 : vector<1x16xf32> to vector<16xf32>
      %swap3A_233 = vector.shape_cast %mul3A_227 : vector<16xf32> to vector<1x16xf32>
      tpu.vector_store %arg10[%swap3A_229, %swap3A_230], %swap3A_233 {strides = array<i32>} : memref<4x128xf32, #tpu.memory_space<vmem>>, vector<1x16xf32>,
      %mul3A_234 = arith.constant 2.000000e-02 : f32
      %mul3A_235 = vector.broadcast %mul3A_234 : f32 to vector<16xf32>
      %mul3A_236 = arith.mulf %scan3A_205#3, %mul3A_235 : vector<16xf32>
      %swap3A_237 = arith.constant 1 : i32
      %swap3A_238 = arith.index_cast %swap3A_237 : i32 to index
      %swap3A_239 = arith.constant 48 : index
      %swap3A_240 = tpu.vector_load %arg10[%swap3A_238, %swap3A_239] {strides = array<i32>} : memref<4x128xf32, #tpu.memory_space<vmem>>, vector<1x16xf32>,
      %swap3A_241 = vector.shape_cast %swap3A_240 : vector<1x16xf32> to vector<16xf32>
      %swap3A_242 = vector.shape_cast %mul3A_236 : vector<16xf32> to vector<1x16xf32>
      tpu.vector_store %arg10[%swap3A_238, %swap3A_239], %swap3A_242 {strides = array<i32>} : memref<4x128xf32, #tpu.memory_space<vmem>>, vector<1x16xf32>,
      %mul3A_243 = arith.constant 2.000000e-02 : f32
      %mul3A_244 = vector.broadcast %mul3A_243 : f32 to vector<16xf32>
      %mul3A_245 = arith.mulf %scan3A_205#4, %mul3A_244 : vector<16xf32>
      %swap3A_246 = arith.constant 1 : i32
      %swap3A_247 = arith.index_cast %swap3A_246 : i32 to index
      %swap3A_248 = arith.constant 64 : index
      %swap3A_249 = tpu.vector_load %arg10[%swap3A_247, %swap3A_248] {strides = array<i32>} : memref<4x128xf32, #tpu.memory_space<vmem>>, vector<1x16xf32>,
      %swap3A_250 = vector.shape_cast %swap3A_249 : vector<1x16xf32> to vector<16xf32>
      %swap3A_251 = vector.shape_cast %mul3A_245 : vector<16xf32> to vector<1x16xf32>
      tpu.vector_store %arg10[%swap3A_247, %swap3A_248], %swap3A_251 {strides = array<i32>} : memref<4x128xf32, #tpu.memory_space<vmem>>, vector<1x16xf32>,
      %mul3A_252 = arith.constant 2.000000e-02 : f32
      %mul3A_253 = vector.broadcast %mul3A_252 : f32 to vector<16xf32>
      %mul3A_254 = arith.mulf %scan3A_205#5, %mul3A_253 : vector<16xf32>
      %swap3A_255 = arith.constant 1 : i32
      %swap3A_256 = arith.index_cast %swap3A_255 : i32 to index
      %swap3A_257 = arith.constant 80 : index
      %swap3A_258 = tpu.vector_load %arg10[%swap3A_256, %swap3A_257] {strides = array<i32>} : memref<4x128xf32, #tpu.memory_space<vmem>>, vector<1x16xf32>,
      %swap3A_259 = vector.shape_cast %swap3A_258 : vector<1x16xf32> to vector<16xf32>
      %swap3A_260 = vector.shape_cast %mul3A_254 : vector<16xf32> to vector<1x16xf32>
      tpu.vector_store %arg10[%swap3A_256, %swap3A_257], %swap3A_260 {strides = array<i32>} : memref<4x128xf32, #tpu.memory_space<vmem>>, vector<1x16xf32>,
      %mul3A_261 = arith.constant 2.000000e-02 : f32
      %mul3A_262 = vector.broadcast %mul3A_261 : f32 to vector<16xf32>
      %mul3A_263 = arith.mulf %scan3A_205#6, %mul3A_262 : vector<16xf32>
      %swap3A_264 = arith.constant 1 : i32
      %swap3A_265 = arith.index_cast %swap3A_264 : i32 to index
      %swap3A_266 = arith.constant 96 : index
      %swap3A_267 = tpu.vector_load %arg10[%swap3A_265, %swap3A_266] {strides = array<i32>} : memref<4x128xf32, #tpu.memory_space<vmem>>, vector<1x16xf32>,
      %swap3A_268 = vector.shape_cast %swap3A_267 : vector<1x16xf32> to vector<16xf32>
      %swap3A_269 = vector.shape_cast %mul3A_263 : vector<16xf32> to vector<1x16xf32>
      tpu.vector_store %arg10[%swap3A_265, %swap3A_266], %swap3A_269 {strides = array<i32>} : memref<4x128xf32, #tpu.memory_space<vmem>>, vector<1x16xf32>,
      %mul3A_270 = arith.constant 2.000000e-02 : f32
      %mul3A_271 = vector.broadcast %mul3A_270 : f32 to vector<16xf32>
      %mul3A_272 = arith.mulf %scan3A_205#7, %mul3A_271 : vector<16xf32>
      %swap3A_273 = arith.constant 1 : i32
      %swap3A_274 = arith.index_cast %swap3A_273 : i32 to index
      %swap3A_275 = arith.constant 112 : index
      %swap3A_276 = tpu.vector_load %arg10[%swap3A_274, %swap3A_275] {strides = array<i32>} : memref<4x128xf32, #tpu.memory_space<vmem>>, vector<1x16xf32>,
      %swap3A_277 = vector.shape_cast %swap3A_276 : vector<1x16xf32> to vector<16xf32>
      %swap3A_278 = vector.shape_cast %mul3A_272 : vector<16xf32> to vector<1x16xf32>
      tpu.vector_store %arg10[%swap3A_274, %swap3A_275], %swap3A_278 {strides = array<i32>} : memref<4x128xf32, #tpu.memory_space<vmem>>, vector<1x16xf32>,
      %broadcast_in_dim3A_279 = arith.constant 0.000000e+00 : f32
      %broadcast_in_dim3A_280 = vector.broadcast %broadcast_in_dim3A_279 : f32 to vector<16xf32>
      %broadcast_in_dim3A_281 = arith.constant 0.000000e+00 : f32
      %broadcast_in_dim3A_282 = vector.broadcast %broadcast_in_dim3A_281 : f32 to vector<16xf32>
      %broadcast_in_dim3A_283 = arith.constant 0.000000e+00 : f32
      %broadcast_in_dim3A_284 = vector.broadcast %broadcast_in_dim3A_283 : f32 to vector<16xf32>
      %broadcast_in_dim3A_285 = arith.constant 0.000000e+00 : f32
      %broadcast_in_dim3A_286 = vector.broadcast %broadcast_in_dim3A_285 : f32 to vector<16xf32>
      %broadcast_in_dim3A_287 = arith.constant 0.000000e+00 : f32
      %broadcast_in_dim3A_288 = vector.broadcast %broadcast_in_dim3A_287 : f32 to vector<16xf32>
      %broadcast_in_dim3A_289 = arith.constant 0.000000e+00 : f32
      %broadcast_in_dim3A_290 = vector.broadcast %broadcast_in_dim3A_289 : f32 to vector<16xf32>
      %broadcast_in_dim3A_291 = arith.constant 0.000000e+00 : f32
      %broadcast_in_dim3A_292 = vector.broadcast %broadcast_in_dim3A_291 : f32 to vector<16xf32>
      %broadcast_in_dim3A_293 = arith.constant 0.000000e+00 : f32
      %broadcast_in_dim3A_294 = vector.broadcast %broadcast_in_dim3A_293 : f32 to vector<16xf32>
      %scan3A_295 = arith.constant 0 : i32
      %scan3A_296 = arith.constant 25 : i32
      %scan3A_297 = arith.addi %scan3A_295, %scan3A_296 : i32
      %scan3A_298 = arith.constant 1 : i32
      %scan3A_299:8 = scf.for %scan3A_1684 = %scan3A_295 to %scan3A_297 step %scan3A_298 iter_args(%scan3A_1685 = %broadcast_in_dim3A_280, %scan3A_1686 = %broadcast_in_dim3A_282, %scan3A_1687 = %broadcast_in_dim3A_284, %scan3A_1688 = %broadcast_in_dim3A_286, %scan3A_1689 = %broadcast_in_dim3A_288, %scan3A_1690 = %broadcast_in_dim3A_290, %scan3A_1691 = %broadcast_in_dim3A_292, %scan3A_1692 = %broadcast_in_dim3A_294) -> (vector<16xf32>, vector<16xf32>, vector<16xf32>, vector<16xf32>, vector<16xf32>, vector<16xf32>, vector<16xf32>, vector<16xf32>)  : i32 {
        %mul3A_1693 = arith.constant 2 : i32
        %mul3A_1694 = arith.muli %mul3A_1693, %scan3A_1684 : i32
        %add3A_1695 = arith.constant 100 : i32
        %add3A_1696 = arith.addi %add3A_1695, %mul3A_1694 : i32
        %get3A = arith.index_cast %add3A_1696 : i32 to index
        %get3A_1697 = arith.constant 0 : index
        %get3A_1698 = tpu.vector_load %arg6[%get3A, %get3A_1697] {strides = array<i32>} : memref<200x128xf32, #tpu.memory_space<vmem>>, vector<1x16xf32>,
        %get3A_1699 = vector.shape_cast %get3A_1698 : vector<1x16xf32> to vector<16xf32>
        %add3A_1700 = arith.addf %scan3A_1685, %get3A_1699 : vector<16xf32>
        %get3A_1701 = arith.index_cast %add3A_1696 : i32 to index
        %get3A_1702 = arith.constant 16 : index
        %get3A_1703 = tpu.vector_load %arg6[%get3A_1701, %get3A_1702] {strides = array<i32>} : memref<200x128xf32, #tpu.memory_space<vmem>>, vector<1x16xf32>,
        %get3A_1704 = vector.shape_cast %get3A_1703 : vector<1x16xf32> to vector<16xf32>
        %add3A_1705 = arith.addf %scan3A_1686, %get3A_1704 : vector<16xf32>
        %get3A_1706 = arith.index_cast %add3A_1696 : i32 to index
        %get3A_1707 = arith.constant 32 : index
        %get3A_1708 = tpu.vector_load %arg6[%get3A_1706, %get3A_1707] {strides = array<i32>} : memref<200x128xf32, #tpu.memory_space<vmem>>, vector<1x16xf32>,
        %get3A_1709 = vector.shape_cast %get3A_1708 : vector<1x16xf32> to vector<16xf32>
        %add3A_1710 = arith.addf %scan3A_1687, %get3A_1709 : vector<16xf32>
        %get3A_1711 = arith.index_cast %add3A_1696 : i32 to index
        %get3A_1712 = arith.constant 48 : index
        %get3A_1713 = tpu.vector_load %arg6[%get3A_1711, %get3A_1712] {strides = array<i32>} : memref<200x128xf32, #tpu.memory_space<vmem>>, vector<1x16xf32>,
        %get3A_1714 = vector.shape_cast %get3A_1713 : vector<1x16xf32> to vector<16xf32>
        %add3A_1715 = arith.addf %scan3A_1688, %get3A_1714 : vector<16xf32>
        %get3A_1716 = arith.index_cast %add3A_1696 : i32 to index
        %get3A_1717 = arith.constant 64 : index
        %get3A_1718 = tpu.vector_load %arg6[%get3A_1716, %get3A_1717] {strides = array<i32>} : memref<200x128xf32, #tpu.memory_space<vmem>>, vector<1x16xf32>,
        %get3A_1719 = vector.shape_cast %get3A_1718 : vector<1x16xf32> to vector<16xf32>
        %add3A_1720 = arith.addf %scan3A_1689, %get3A_1719 : vector<16xf32>
        %get3A_1721 = arith.index_cast %add3A_1696 : i32 to index
        %get3A_1722 = arith.constant 80 : index
        %get3A_1723 = tpu.vector_load %arg6[%get3A_1721, %get3A_1722] {strides = array<i32>} : memref<200x128xf32, #tpu.memory_space<vmem>>, vector<1x16xf32>,
        %get3A_1724 = vector.shape_cast %get3A_1723 : vector<1x16xf32> to vector<16xf32>
        %add3A_1725 = arith.addf %scan3A_1690, %get3A_1724 : vector<16xf32>
        %get3A_1726 = arith.index_cast %add3A_1696 : i32 to index
        %get3A_1727 = arith.constant 96 : index
        %get3A_1728 = tpu.vector_load %arg6[%get3A_1726, %get3A_1727] {strides = array<i32>} : memref<200x128xf32, #tpu.memory_space<vmem>>, vector<1x16xf32>,
        %get3A_1729 = vector.shape_cast %get3A_1728 : vector<1x16xf32> to vector<16xf32>
        %add3A_1730 = arith.addf %scan3A_1691, %get3A_1729 : vector<16xf32>
        %get3A_1731 = arith.index_cast %add3A_1696 : i32 to index
        %get3A_1732 = arith.constant 112 : index
        %get3A_1733 = tpu.vector_load %arg6[%get3A_1731, %get3A_1732] {strides = array<i32>} : memref<200x128xf32, #tpu.memory_space<vmem>>, vector<1x16xf32>,
        %get3A_1734 = vector.shape_cast %get3A_1733 : vector<1x16xf32> to vector<16xf32>
        %add3A_1735 = arith.addf %scan3A_1692, %get3A_1734 : vector<16xf32>
        %add3A_1736 = arith.constant 1 : i32
        %add3A_1737 = arith.addi %add3A_1696, %add3A_1736 : i32
        %get3A_1738 = arith.index_cast %add3A_1737 : i32 to index
        %get3A_1739 = arith.constant 0 : index
        %get3A_1740 = tpu.vector_load %arg6[%get3A_1738, %get3A_1739] {strides = array<i32>} : memref<200x128xf32, #tpu.memory_space<vmem>>, vector<1x16xf32>,
        %get3A_1741 = vector.shape_cast %get3A_1740 : vector<1x16xf32> to vector<16xf32>
        %add3A_1742 = arith.addf %add3A_1700, %get3A_1741 : vector<16xf32>
        %add3A_1743 = arith.constant 1 : i32
        %add3A_1744 = arith.addi %add3A_1696, %add3A_1743 : i32
        %get3A_1745 = arith.index_cast %add3A_1744 : i32 to index
        %get3A_1746 = arith.constant 16 : index
        %get3A_1747 = tpu.vector_load %arg6[%get3A_1745, %get3A_1746] {strides = array<i32>} : memref<200x128xf32, #tpu.memory_space<vmem>>, vector<1x16xf32>,
        %get3A_1748 = vector.shape_cast %get3A_1747 : vector<1x16xf32> to vector<16xf32>
        %add3A_1749 = arith.addf %add3A_1705, %get3A_1748 : vector<16xf32>
        %add3A_1750 = arith.constant 1 : i32
        %add3A_1751 = arith.addi %add3A_1696, %add3A_1750 : i32
        %get3A_1752 = arith.index_cast %add3A_1751 : i32 to index
        %get3A_1753 = arith.constant 32 : index
        %get3A_1754 = tpu.vector_load %arg6[%get3A_1752, %get3A_1753] {strides = array<i32>} : memref<200x128xf32, #tpu.memory_space<vmem>>, vector<1x16xf32>,
        %get3A_1755 = vector.shape_cast %get3A_1754 : vector<1x16xf32> to vector<16xf32>
        %add3A_1756 = arith.addf %add3A_1710, %get3A_1755 : vector<16xf32>
        %add3A_1757 = arith.constant 1 : i32
        %add3A_1758 = arith.addi %add3A_1696, %add3A_1757 : i32
        %get3A_1759 = arith.index_cast %add3A_1758 : i32 to index
        %get3A_1760 = arith.constant 48 : index
        %get3A_1761 = tpu.vector_load %arg6[%get3A_1759, %get3A_1760] {strides = array<i32>} : memref<200x128xf32, #tpu.memory_space<vmem>>, vector<1x16xf32>,
        %get3A_1762 = vector.shape_cast %get3A_1761 : vector<1x16xf32> to vector<16xf32>
        %add3A_1763 = arith.addf %add3A_1715, %get3A_1762 : vector<16xf32>
        %add3A_1764 = arith.constant 1 : i32
        %add3A_1765 = arith.addi %add3A_1696, %add3A_1764 : i32
        %get3A_1766 = arith.index_cast %add3A_1765 : i32 to index
        %get3A_1767 = arith.constant 64 : index
        %get3A_1768 = tpu.vector_load %arg6[%get3A_1766, %get3A_1767] {strides = array<i32>} : memref<200x128xf32, #tpu.memory_space<vmem>>, vector<1x16xf32>,
        %get3A_1769 = vector.shape_cast %get3A_1768 : vector<1x16xf32> to vector<16xf32>
        %add3A_1770 = arith.addf %add3A_1720, %get3A_1769 : vector<16xf32>
        %add3A_1771 = arith.constant 1 : i32
        %add3A_1772 = arith.addi %add3A_1696, %add3A_1771 : i32
        %get3A_1773 = arith.index_cast %add3A_1772 : i32 to index
        %get3A_1774 = arith.constant 80 : index
        %get3A_1775 = tpu.vector_load %arg6[%get3A_1773, %get3A_1774] {strides = array<i32>} : memref<200x128xf32, #tpu.memory_space<vmem>>, vector<1x16xf32>,
        %get3A_1776 = vector.shape_cast %get3A_1775 : vector<1x16xf32> to vector<16xf32>
        %add3A_1777 = arith.addf %add3A_1725, %get3A_1776 : vector<16xf32>
        %add3A_1778 = arith.constant 1 : i32
        %add3A_1779 = arith.addi %add3A_1696, %add3A_1778 : i32
        %get3A_1780 = arith.index_cast %add3A_1779 : i32 to index
        %get3A_1781 = arith.constant 96 : index
        %get3A_1782 = tpu.vector_load %arg6[%get3A_1780, %get3A_1781] {strides = array<i32>} : memref<200x128xf32, #tpu.memory_space<vmem>>, vector<1x16xf32>,
        %get3A_1783 = vector.shape_cast %get3A_1782 : vector<1x16xf32> to vector<16xf32>
        %add3A_1784 = arith.addf %add3A_1730, %get3A_1783 : vector<16xf32>
        %add3A_1785 = arith.constant 1 : i32
        %add3A_1786 = arith.addi %add3A_1696, %add3A_1785 : i32
        %get3A_1787 = arith.index_cast %add3A_1786 : i32 to index
        %get3A_1788 = arith.constant 112 : index
        %get3A_1789 = tpu.vector_load %arg6[%get3A_1787, %get3A_1788] {strides = array<i32>} : memref<200x128xf32, #tpu.memory_space<vmem>>, vector<1x16xf32>,
        %get3A_1790 = vector.shape_cast %get3A_1789 : vector<1x16xf32> to vector<16xf32>
        %add3A_1791 = arith.addf %add3A_1735, %get3A_1790 : vector<16xf32>
        scf.yield %add3A_1742, %add3A_1749, %add3A_1756, %add3A_1763, %add3A_1770, %add3A_1777, %add3A_1784, %add3A_1791 : vector<16xf32>, vector<16xf32>, vector<16xf32>, vector<16xf32>, vector<16xf32>, vector<16xf32>, vector<16xf32>, vector<16xf32>
      }
      %scan3A_300 = arith.constant 25 : i32
      %mul3A_301 = arith.constant 2.000000e-02 : f32
      %mul3A_302 = vector.broadcast %mul3A_301 : f32 to vector<16xf32>
      %mul3A_303 = arith.mulf %scan3A_299#0, %mul3A_302 : vector<16xf32>
      %swap3A_304 = arith.constant 2 : i32
      %swap3A_305 = arith.index_cast %swap3A_304 : i32 to index
      %swap3A_306 = arith.constant 0 : index
      %swap3A_307 = tpu.vector_load %arg10[%swap3A_305, %swap3A_306] {strides = array<i32>} : memref<4x128xf32, #tpu.memory_space<vmem>>, vector<1x16xf32>,
      %swap3A_308 = vector.shape_cast %swap3A_307 : vector<1x16xf32> to vector<16xf32>
      %swap3A_309 = vector.shape_cast %mul3A_303 : vector<16xf32> to vector<1x16xf32>
      tpu.vector_store %arg10[%swap3A_305, %swap3A_306], %swap3A_309 {strides = array<i32>} : memref<4x128xf32, #tpu.memory_space<vmem>>, vector<1x16xf32>,
      %mul3A_310 = arith.constant 2.000000e-02 : f32
      %mul3A_311 = vector.broadcast %mul3A_310 : f32 to vector<16xf32>
      %mul3A_312 = arith.mulf %scan3A_299#1, %mul3A_311 : vector<16xf32>
      %swap3A_313 = arith.constant 2 : i32
      %swap3A_314 = arith.index_cast %swap3A_313 : i32 to index
      %swap3A_315 = arith.constant 16 : index
      %swap3A_316 = tpu.vector_load %arg10[%swap3A_314, %swap3A_315] {strides = array<i32>} : memref<4x128xf32, #tpu.memory_space<vmem>>, vector<1x16xf32>,
      %swap3A_317 = vector.shape_cast %swap3A_316 : vector<1x16xf32> to vector<16xf32>
      %swap3A_318 = vector.shape_cast %mul3A_312 : vector<16xf32> to vector<1x16xf32>
      tpu.vector_store %arg10[%swap3A_314, %swap3A_315], %swap3A_318 {strides = array<i32>} : memref<4x128xf32, #tpu.memory_space<vmem>>, vector<1x16xf32>,
      %mul3A_319 = arith.constant 2.000000e-02 : f32
      %mul3A_320 = vector.broadcast %mul3A_319 : f32 to vector<16xf32>
      %mul3A_321 = arith.mulf %scan3A_299#2, %mul3A_320 : vector<16xf32>
      %swap3A_322 = arith.constant 2 : i32
      %swap3A_323 = arith.index_cast %swap3A_322 : i32 to index
      %swap3A_324 = arith.constant 32 : index
      %swap3A_325 = tpu.vector_load %arg10[%swap3A_323, %swap3A_324] {strides = array<i32>} : memref<4x128xf32, #tpu.memory_space<vmem>>, vector<1x16xf32>,
      %swap3A_326 = vector.shape_cast %swap3A_325 : vector<1x16xf32> to vector<16xf32>
      %swap3A_327 = vector.shape_cast %mul3A_321 : vector<16xf32> to vector<1x16xf32>
      tpu.vector_store %arg10[%swap3A_323, %swap3A_324], %swap3A_327 {strides = array<i32>} : memref<4x128xf32, #tpu.memory_space<vmem>>, vector<1x16xf32>,
      %mul3A_328 = arith.constant 2.000000e-02 : f32
      %mul3A_329 = vector.broadcast %mul3A_328 : f32 to vector<16xf32>
      %mul3A_330 = arith.mulf %scan3A_299#3, %mul3A_329 : vector<16xf32>
      %swap3A_331 = arith.constant 2 : i32
      %swap3A_332 = arith.index_cast %swap3A_331 : i32 to index
      %swap3A_333 = arith.constant 48 : index
      %swap3A_334 = tpu.vector_load %arg10[%swap3A_332, %swap3A_333] {strides = array<i32>} : memref<4x128xf32, #tpu.memory_space<vmem>>, vector<1x16xf32>,
      %swap3A_335 = vector.shape_cast %swap3A_334 : vector<1x16xf32> to vector<16xf32>
      %swap3A_336 = vector.shape_cast %mul3A_330 : vector<16xf32> to vector<1x16xf32>
      tpu.vector_store %arg10[%swap3A_332, %swap3A_333], %swap3A_336 {strides = array<i32>} : memref<4x128xf32, #tpu.memory_space<vmem>>, vector<1x16xf32>,
      %mul3A_337 = arith.constant 2.000000e-02 : f32
      %mul3A_338 = vector.broadcast %mul3A_337 : f32 to vector<16xf32>
      %mul3A_339 = arith.mulf %scan3A_299#4, %mul3A_338 : vector<16xf32>
      %swap3A_340 = arith.constant 2 : i32
      %swap3A_341 = arith.index_cast %swap3A_340 : i32 to index
      %swap3A_342 = arith.constant 64 : index
      %swap3A_343 = tpu.vector_load %arg10[%swap3A_341, %swap3A_342] {strides = array<i32>} : memref<4x128xf32, #tpu.memory_space<vmem>>, vector<1x16xf32>,
      %swap3A_344 = vector.shape_cast %swap3A_343 : vector<1x16xf32> to vector<16xf32>
      %swap3A_345 = vector.shape_cast %mul3A_339 : vector<16xf32> to vector<1x16xf32>
      tpu.vector_store %arg10[%swap3A_341, %swap3A_342], %swap3A_345 {strides = array<i32>} : memref<4x128xf32, #tpu.memory_space<vmem>>, vector<1x16xf32>,
      %mul3A_346 = arith.constant 2.000000e-02 : f32
      %mul3A_347 = vector.broadcast %mul3A_346 : f32 to vector<16xf32>
      %mul3A_348 = arith.mulf %scan3A_299#5, %mul3A_347 : vector<16xf32>
      %swap3A_349 = arith.constant 2 : i32
      %swap3A_350 = arith.index_cast %swap3A_349 : i32 to index
      %swap3A_351 = arith.constant 80 : index
      %swap3A_352 = tpu.vector_load %arg10[%swap3A_350, %swap3A_351] {strides = array<i32>} : memref<4x128xf32, #tpu.memory_space<vmem>>, vector<1x16xf32>,
      %swap3A_353 = vector.shape_cast %swap3A_352 : vector<1x16xf32> to vector<16xf32>
      %swap3A_354 = vector.shape_cast %mul3A_348 : vector<16xf32> to vector<1x16xf32>
      tpu.vector_store %arg10[%swap3A_350, %swap3A_351], %swap3A_354 {strides = array<i32>} : memref<4x128xf32, #tpu.memory_space<vmem>>, vector<1x16xf32>,
      %mul3A_355 = arith.constant 2.000000e-02 : f32
      %mul3A_356 = vector.broadcast %mul3A_355 : f32 to vector<16xf32>
      %mul3A_357 = arith.mulf %scan3A_299#6, %mul3A_356 : vector<16xf32>
      %swap3A_358 = arith.constant 2 : i32
      %swap3A_359 = arith.index_cast %swap3A_358 : i32 to index
      %swap3A_360 = arith.constant 96 : index
      %swap3A_361 = tpu.vector_load %arg10[%swap3A_359, %swap3A_360] {strides = array<i32>} : memref<4x128xf32, #tpu.memory_space<vmem>>, vector<1x16xf32>,
      %swap3A_362 = vector.shape_cast %swap3A_361 : vector<1x16xf32> to vector<16xf32>
      %swap3A_363 = vector.shape_cast %mul3A_357 : vector<16xf32> to vector<1x16xf32>
      tpu.vector_store %arg10[%swap3A_359, %swap3A_360], %swap3A_363 {strides = array<i32>} : memref<4x128xf32, #tpu.memory_space<vmem>>, vector<1x16xf32>,
      %mul3A_364 = arith.constant 2.000000e-02 : f32
      %mul3A_365 = vector.broadcast %mul3A_364 : f32 to vector<16xf32>
      %mul3A_366 = arith.mulf %scan3A_299#7, %mul3A_365 : vector<16xf32>
      %swap3A_367 = arith.constant 2 : i32
      %swap3A_368 = arith.index_cast %swap3A_367 : i32 to index
      %swap3A_369 = arith.constant 112 : index
      %swap3A_370 = tpu.vector_load %arg10[%swap3A_368, %swap3A_369] {strides = array<i32>} : memref<4x128xf32, #tpu.memory_space<vmem>>, vector<1x16xf32>,
      %swap3A_371 = vector.shape_cast %swap3A_370 : vector<1x16xf32> to vector<16xf32>
      %swap3A_372 = vector.shape_cast %mul3A_366 : vector<16xf32> to vector<1x16xf32>
      tpu.vector_store %arg10[%swap3A_368, %swap3A_369], %swap3A_372 {strides = array<i32>} : memref<4x128xf32, #tpu.memory_space<vmem>>, vector<1x16xf32>,
      %broadcast_in_dim3A_373 = arith.constant 0.000000e+00 : f32
      %broadcast_in_dim3A_374 = vector.broadcast %broadcast_in_dim3A_373 : f32 to vector<16xf32>
      %broadcast_in_dim3A_375 = arith.constant 0.000000e+00 : f32
      %broadcast_in_dim3A_376 = vector.broadcast %broadcast_in_dim3A_375 : f32 to vector<16xf32>
      %broadcast_in_dim3A_377 = arith.constant 0.000000e+00 : f32
      %broadcast_in_dim3A_378 = vector.broadcast %broadcast_in_dim3A_377 : f32 to vector<16xf32>
      %broadcast_in_dim3A_379 = arith.constant 0.000000e+00 : f32
      %broadcast_in_dim3A_380 = vector.broadcast %broadcast_in_dim3A_379 : f32 to vector<16xf32>
      %broadcast_in_dim3A_381 = arith.constant 0.000000e+00 : f32
      %broadcast_in_dim3A_382 = vector.broadcast %broadcast_in_dim3A_381 : f32 to vector<16xf32>
      %broadcast_in_dim3A_383 = arith.constant 0.000000e+00 : f32
      %broadcast_in_dim3A_384 = vector.broadcast %broadcast_in_dim3A_383 : f32 to vector<16xf32>
      %broadcast_in_dim3A_385 = arith.constant 0.000000e+00 : f32
      %broadcast_in_dim3A_386 = vector.broadcast %broadcast_in_dim3A_385 : f32 to vector<16xf32>
      %broadcast_in_dim3A_387 = arith.constant 0.000000e+00 : f32
      %broadcast_in_dim3A_388 = vector.broadcast %broadcast_in_dim3A_387 : f32 to vector<16xf32>
      %scan3A_389 = arith.constant 0 : i32
      %scan3A_390 = arith.constant 25 : i32
      %scan3A_391 = arith.addi %scan3A_389, %scan3A_390 : i32
      %scan3A_392 = arith.constant 1 : i32
      %scan3A_393:8 = scf.for %scan3A_1684 = %scan3A_389 to %scan3A_391 step %scan3A_392 iter_args(%scan3A_1685 = %broadcast_in_dim3A_374, %scan3A_1686 = %broadcast_in_dim3A_376, %scan3A_1687 = %broadcast_in_dim3A_378, %scan3A_1688 = %broadcast_in_dim3A_380, %scan3A_1689 = %broadcast_in_dim3A_382, %scan3A_1690 = %broadcast_in_dim3A_384, %scan3A_1691 = %broadcast_in_dim3A_386, %scan3A_1692 = %broadcast_in_dim3A_388) -> (vector<16xf32>, vector<16xf32>, vector<16xf32>, vector<16xf32>, vector<16xf32>, vector<16xf32>, vector<16xf32>, vector<16xf32>)  : i32 {
        %mul3A_1693 = arith.constant 2 : i32
        %mul3A_1694 = arith.muli %mul3A_1693, %scan3A_1684 : i32
        %add3A_1695 = arith.constant 150 : i32
        %add3A_1696 = arith.addi %add3A_1695, %mul3A_1694 : i32
        %get3A = arith.index_cast %add3A_1696 : i32 to index
        %get3A_1697 = arith.constant 0 : index
        %get3A_1698 = tpu.vector_load %arg6[%get3A, %get3A_1697] {strides = array<i32>} : memref<200x128xf32, #tpu.memory_space<vmem>>, vector<1x16xf32>,
        %get3A_1699 = vector.shape_cast %get3A_1698 : vector<1x16xf32> to vector<16xf32>
        %add3A_1700 = arith.addf %scan3A_1685, %get3A_1699 : vector<16xf32>
        %get3A_1701 = arith.index_cast %add3A_1696 : i32 to index
        %get3A_1702 = arith.constant 16 : index
        %get3A_1703 = tpu.vector_load %arg6[%get3A_1701, %get3A_1702] {strides = array<i32>} : memref<200x128xf32, #tpu.memory_space<vmem>>, vector<1x16xf32>,
        %get3A_1704 = vector.shape_cast %get3A_1703 : vector<1x16xf32> to vector<16xf32>
        %add3A_1705 = arith.addf %scan3A_1686, %get3A_1704 : vector<16xf32>
        %get3A_1706 = arith.index_cast %add3A_1696 : i32 to index
        %get3A_1707 = arith.constant 32 : index
        %get3A_1708 = tpu.vector_load %arg6[%get3A_1706, %get3A_1707] {strides = array<i32>} : memref<200x128xf32, #tpu.memory_space<vmem>>, vector<1x16xf32>,
        %get3A_1709 = vector.shape_cast %get3A_1708 : vector<1x16xf32> to vector<16xf32>
        %add3A_1710 = arith.addf %scan3A_1687, %get3A_1709 : vector<16xf32>
        %get3A_1711 = arith.index_cast %add3A_1696 : i32 to index
        %get3A_1712 = arith.constant 48 : index
        %get3A_1713 = tpu.vector_load %arg6[%get3A_1711, %get3A_1712] {strides = array<i32>} : memref<200x128xf32, #tpu.memory_space<vmem>>, vector<1x16xf32>,
        %get3A_1714 = vector.shape_cast %get3A_1713 : vector<1x16xf32> to vector<16xf32>
        %add3A_1715 = arith.addf %scan3A_1688, %get3A_1714 : vector<16xf32>
        %get3A_1716 = arith.index_cast %add3A_1696 : i32 to index
        %get3A_1717 = arith.constant 64 : index
        %get3A_1718 = tpu.vector_load %arg6[%get3A_1716, %get3A_1717] {strides = array<i32>} : memref<200x128xf32, #tpu.memory_space<vmem>>, vector<1x16xf32>,
        %get3A_1719 = vector.shape_cast %get3A_1718 : vector<1x16xf32> to vector<16xf32>
        %add3A_1720 = arith.addf %scan3A_1689, %get3A_1719 : vector<16xf32>
        %get3A_1721 = arith.index_cast %add3A_1696 : i32 to index
        %get3A_1722 = arith.constant 80 : index
        %get3A_1723 = tpu.vector_load %arg6[%get3A_1721, %get3A_1722] {strides = array<i32>} : memref<200x128xf32, #tpu.memory_space<vmem>>, vector<1x16xf32>,
        %get3A_1724 = vector.shape_cast %get3A_1723 : vector<1x16xf32> to vector<16xf32>
        %add3A_1725 = arith.addf %scan3A_1690, %get3A_1724 : vector<16xf32>
        %get3A_1726 = arith.index_cast %add3A_1696 : i32 to index
        %get3A_1727 = arith.constant 96 : index
        %get3A_1728 = tpu.vector_load %arg6[%get3A_1726, %get3A_1727] {strides = array<i32>} : memref<200x128xf32, #tpu.memory_space<vmem>>, vector<1x16xf32>,
        %get3A_1729 = vector.shape_cast %get3A_1728 : vector<1x16xf32> to vector<16xf32>
        %add3A_1730 = arith.addf %scan3A_1691, %get3A_1729 : vector<16xf32>
        %get3A_1731 = arith.index_cast %add3A_1696 : i32 to index
        %get3A_1732 = arith.constant 112 : index
        %get3A_1733 = tpu.vector_load %arg6[%get3A_1731, %get3A_1732] {strides = array<i32>} : memref<200x128xf32, #tpu.memory_space<vmem>>, vector<1x16xf32>,
        %get3A_1734 = vector.shape_cast %get3A_1733 : vector<1x16xf32> to vector<16xf32>
        %add3A_1735 = arith.addf %scan3A_1692, %get3A_1734 : vector<16xf32>
        %add3A_1736 = arith.constant 1 : i32
        %add3A_1737 = arith.addi %add3A_1696, %add3A_1736 : i32
        %get3A_1738 = arith.index_cast %add3A_1737 : i32 to index
        %get3A_1739 = arith.constant 0 : index
        %get3A_1740 = tpu.vector_load %arg6[%get3A_1738, %get3A_1739] {strides = array<i32>} : memref<200x128xf32, #tpu.memory_space<vmem>>, vector<1x16xf32>,
        %get3A_1741 = vector.shape_cast %get3A_1740 : vector<1x16xf32> to vector<16xf32>
        %add3A_1742 = arith.addf %add3A_1700, %get3A_1741 : vector<16xf32>
        %add3A_1743 = arith.constant 1 : i32
        %add3A_1744 = arith.addi %add3A_1696, %add3A_1743 : i32
        %get3A_1745 = arith.index_cast %add3A_1744 : i32 to index
        %get3A_1746 = arith.constant 16 : index
        %get3A_1747 = tpu.vector_load %arg6[%get3A_1745, %get3A_1746] {strides = array<i32>} : memref<200x128xf32, #tpu.memory_space<vmem>>, vector<1x16xf32>,
        %get3A_1748 = vector.shape_cast %get3A_1747 : vector<1x16xf32> to vector<16xf32>
        %add3A_1749 = arith.addf %add3A_1705, %get3A_1748 : vector<16xf32>
        %add3A_1750 = arith.constant 1 : i32
        %add3A_1751 = arith.addi %add3A_1696, %add3A_1750 : i32
        %get3A_1752 = arith.index_cast %add3A_1751 : i32 to index
        %get3A_1753 = arith.constant 32 : index
        %get3A_1754 = tpu.vector_load %arg6[%get3A_1752, %get3A_1753] {strides = array<i32>} : memref<200x128xf32, #tpu.memory_space<vmem>>, vector<1x16xf32>,
        %get3A_1755 = vector.shape_cast %get3A_1754 : vector<1x16xf32> to vector<16xf32>
        %add3A_1756 = arith.addf %add3A_1710, %get3A_1755 : vector<16xf32>
        %add3A_1757 = arith.constant 1 : i32
        %add3A_1758 = arith.addi %add3A_1696, %add3A_1757 : i32
        %get3A_1759 = arith.index_cast %add3A_1758 : i32 to index
        %get3A_1760 = arith.constant 48 : index
        %get3A_1761 = tpu.vector_load %arg6[%get3A_1759, %get3A_1760] {strides = array<i32>} : memref<200x128xf32, #tpu.memory_space<vmem>>, vector<1x16xf32>,
        %get3A_1762 = vector.shape_cast %get3A_1761 : vector<1x16xf32> to vector<16xf32>
        %add3A_1763 = arith.addf %add3A_1715, %get3A_1762 : vector<16xf32>
        %add3A_1764 = arith.constant 1 : i32
        %add3A_1765 = arith.addi %add3A_1696, %add3A_1764 : i32
        %get3A_1766 = arith.index_cast %add3A_1765 : i32 to index
        %get3A_1767 = arith.constant 64 : index
        %get3A_1768 = tpu.vector_load %arg6[%get3A_1766, %get3A_1767] {strides = array<i32>} : memref<200x128xf32, #tpu.memory_space<vmem>>, vector<1x16xf32>,
        %get3A_1769 = vector.shape_cast %get3A_1768 : vector<1x16xf32> to vector<16xf32>
        %add3A_1770 = arith.addf %add3A_1720, %get3A_1769 : vector<16xf32>
        %add3A_1771 = arith.constant 1 : i32
        %add3A_1772 = arith.addi %add3A_1696, %add3A_1771 : i32
        %get3A_1773 = arith.index_cast %add3A_1772 : i32 to index
        %get3A_1774 = arith.constant 80 : index
        %get3A_1775 = tpu.vector_load %arg6[%get3A_1773, %get3A_1774] {strides = array<i32>} : memref<200x128xf32, #tpu.memory_space<vmem>>, vector<1x16xf32>,
        %get3A_1776 = vector.shape_cast %get3A_1775 : vector<1x16xf32> to vector<16xf32>
        %add3A_1777 = arith.addf %add3A_1725, %get3A_1776 : vector<16xf32>
        %add3A_1778 = arith.constant 1 : i32
        %add3A_1779 = arith.addi %add3A_1696, %add3A_1778 : i32
        %get3A_1780 = arith.index_cast %add3A_1779 : i32 to index
        %get3A_1781 = arith.constant 96 : index
        %get3A_1782 = tpu.vector_load %arg6[%get3A_1780, %get3A_1781] {strides = array<i32>} : memref<200x128xf32, #tpu.memory_space<vmem>>, vector<1x16xf32>,
        %get3A_1783 = vector.shape_cast %get3A_1782 : vector<1x16xf32> to vector<16xf32>
        %add3A_1784 = arith.addf %add3A_1730, %get3A_1783 : vector<16xf32>
        %add3A_1785 = arith.constant 1 : i32
        %add3A_1786 = arith.addi %add3A_1696, %add3A_1785 : i32
        %get3A_1787 = arith.index_cast %add3A_1786 : i32 to index
        %get3A_1788 = arith.constant 112 : index
        %get3A_1789 = tpu.vector_load %arg6[%get3A_1787, %get3A_1788] {strides = array<i32>} : memref<200x128xf32, #tpu.memory_space<vmem>>, vector<1x16xf32>,
        %get3A_1790 = vector.shape_cast %get3A_1789 : vector<1x16xf32> to vector<16xf32>
        %add3A_1791 = arith.addf %add3A_1735, %get3A_1790 : vector<16xf32>
        scf.yield %add3A_1742, %add3A_1749, %add3A_1756, %add3A_1763, %add3A_1770, %add3A_1777, %add3A_1784, %add3A_1791 : vector<16xf32>, vector<16xf32>, vector<16xf32>, vector<16xf32>, vector<16xf32>, vector<16xf32>, vector<16xf32>, vector<16xf32>
      }
      %scan3A_394 = arith.constant 25 : i32
      %mul3A_395 = arith.constant 2.000000e-02 : f32
      %mul3A_396 = vector.broadcast %mul3A_395 : f32 to vector<16xf32>
      %mul3A_397 = arith.mulf %scan3A_393#0, %mul3A_396 : vector<16xf32>
      %swap3A_398 = arith.constant 3 : i32
      %swap3A_399 = arith.index_cast %swap3A_398 : i32 to index
      %swap3A_400 = arith.constant 0 : index
      %swap3A_401 = tpu.vector_load %arg10[%swap3A_399, %swap3A_400] {strides = array<i32>} : memref<4x128xf32, #tpu.memory_space<vmem>>, vector<1x16xf32>,
      %swap3A_402 = vector.shape_cast %swap3A_401 : vector<1x16xf32> to vector<16xf32>
      %swap3A_403 = vector.shape_cast %mul3A_397 : vector<16xf32> to vector<1x16xf32>
      tpu.vector_store %arg10[%swap3A_399, %swap3A_400], %swap3A_403 {strides = array<i32>} : memref<4x128xf32, #tpu.memory_space<vmem>>, vector<1x16xf32>,
      %mul3A_404 = arith.constant 2.000000e-02 : f32
      %mul3A_405 = vector.broadcast %mul3A_404 : f32 to vector<16xf32>
      %mul3A_406 = arith.mulf %scan3A_393#1, %mul3A_405 : vector<16xf32>
      %swap3A_407 = arith.constant 3 : i32
      %swap3A_408 = arith.index_cast %swap3A_407 : i32 to index
      %swap3A_409 = arith.constant 16 : index
      %swap3A_410 = tpu.vector_load %arg10[%swap3A_408, %swap3A_409] {strides = array<i32>} : memref<4x128xf32, #tpu.memory_space<vmem>>, vector<1x16xf32>,
      %swap3A_411 = vector.shape_cast %swap3A_410 : vector<1x16xf32> to vector<16xf32>
      %swap3A_412 = vector.shape_cast %mul3A_406 : vector<16xf32> to vector<1x16xf32>
      tpu.vector_store %arg10[%swap3A_408, %swap3A_409], %swap3A_412 {strides = array<i32>} : memref<4x128xf32, #tpu.memory_space<vmem>>, vector<1x16xf32>,
      %mul3A_413 = arith.constant 2.000000e-02 : f32
      %mul3A_414 = vector.broadcast %mul3A_413 : f32 to vector<16xf32>
      %mul3A_415 = arith.mulf %scan3A_393#2, %mul3A_414 : vector<16xf32>
      %swap3A_416 = arith.constant 3 : i32
      %swap3A_417 = arith.index_cast %swap3A_416 : i32 to index
      %swap3A_418 = arith.constant 32 : index
      %swap3A_419 = tpu.vector_load %arg10[%swap3A_417, %swap3A_418] {strides = array<i32>} : memref<4x128xf32, #tpu.memory_space<vmem>>, vector<1x16xf32>,
      %swap3A_420 = vector.shape_cast %swap3A_419 : vector<1x16xf32> to vector<16xf32>
      %swap3A_421 = vector.shape_cast %mul3A_415 : vector<16xf32> to vector<1x16xf32>
      tpu.vector_store %arg10[%swap3A_417, %swap3A_418], %swap3A_421 {strides = array<i32>} : memref<4x128xf32, #tpu.memory_space<vmem>>, vector<1x16xf32>,
      %mul3A_422 = arith.constant 2.000000e-02 : f32
      %mul3A_423 = vector.broadcast %mul3A_422 : f32 to vector<16xf32>
      %mul3A_424 = arith.mulf %scan3A_393#3, %mul3A_423 : vector<16xf32>
      %swap3A_425 = arith.constant 3 : i32
      %swap3A_426 = arith.index_cast %swap3A_425 : i32 to index
      %swap3A_427 = arith.constant 48 : index
      %swap3A_428 = tpu.vector_load %arg10[%swap3A_426, %swap3A_427] {strides = array<i32>} : memref<4x128xf32, #tpu.memory_space<vmem>>, vector<1x16xf32>,
      %swap3A_429 = vector.shape_cast %swap3A_428 : vector<1x16xf32> to vector<16xf32>
      %swap3A_430 = vector.shape_cast %mul3A_424 : vector<16xf32> to vector<1x16xf32>
      tpu.vector_store %arg10[%swap3A_426, %swap3A_427], %swap3A_430 {strides = array<i32>} : memref<4x128xf32, #tpu.memory_space<vmem>>, vector<1x16xf32>,
      %mul3A_431 = arith.constant 2.000000e-02 : f32
      %mul3A_432 = vector.broadcast %mul3A_431 : f32 to vector<16xf32>
      %mul3A_433 = arith.mulf %scan3A_393#4, %mul3A_432 : vector<16xf32>
      %swap3A_434 = arith.constant 3 : i32
      %swap3A_435 = arith.index_cast %swap3A_434 : i32 to index
      %swap3A_436 = arith.constant 64 : index
      %swap3A_437 = tpu.vector_load %arg10[%swap3A_435, %swap3A_436] {strides = array<i32>} : memref<4x128xf32, #tpu.memory_space<vmem>>, vector<1x16xf32>,
      %swap3A_438 = vector.shape_cast %swap3A_437 : vector<1x16xf32> to vector<16xf32>
      %swap3A_439 = vector.shape_cast %mul3A_433 : vector<16xf32> to vector<1x16xf32>
      tpu.vector_store %arg10[%swap3A_435, %swap3A_436], %swap3A_439 {strides = array<i32>} : memref<4x128xf32, #tpu.memory_space<vmem>>, vector<1x16xf32>,
      %mul3A_440 = arith.constant 2.000000e-02 : f32
      %mul3A_441 = vector.broadcast %mul3A_440 : f32 to vector<16xf32>
      %mul3A_442 = arith.mulf %scan3A_393#5, %mul3A_441 : vector<16xf32>
      %swap3A_443 = arith.constant 3 : i32
      %swap3A_444 = arith.index_cast %swap3A_443 : i32 to index
      %swap3A_445 = arith.constant 80 : index
      %swap3A_446 = tpu.vector_load %arg10[%swap3A_444, %swap3A_445] {strides = array<i32>} : memref<4x128xf32, #tpu.memory_space<vmem>>, vector<1x16xf32>,
      %swap3A_447 = vector.shape_cast %swap3A_446 : vector<1x16xf32> to vector<16xf32>
      %swap3A_448 = vector.shape_cast %mul3A_442 : vector<16xf32> to vector<1x16xf32>
      tpu.vector_store %arg10[%swap3A_444, %swap3A_445], %swap3A_448 {strides = array<i32>} : memref<4x128xf32, #tpu.memory_space<vmem>>, vector<1x16xf32>,
      %mul3A_449 = arith.constant 2.000000e-02 : f32
      %mul3A_450 = vector.broadcast %mul3A_449 : f32 to vector<16xf32>
      %mul3A_451 = arith.mulf %scan3A_393#6, %mul3A_450 : vector<16xf32>
      %swap3A_452 = arith.constant 3 : i32
      %swap3A_453 = arith.index_cast %swap3A_452 : i32 to index
      %swap3A_454 = arith.constant 96 : index
      %swap3A_455 = tpu.vector_load %arg10[%swap3A_453, %swap3A_454] {strides = array<i32>} : memref<4x128xf32, #tpu.memory_space<vmem>>, vector<1x16xf32>,
      %swap3A_456 = vector.shape_cast %swap3A_455 : vector<1x16xf32> to vector<16xf32>
      %swap3A_457 = vector.shape_cast %mul3A_451 : vector<16xf32> to vector<1x16xf32>
      tpu.vector_store %arg10[%swap3A_453, %swap3A_454], %swap3A_457 {strides = array<i32>} : memref<4x128xf32, #tpu.memory_space<vmem>>, vector<1x16xf32>,
      %mul3A_458 = arith.constant 2.000000e-02 : f32
      %mul3A_459 = vector.broadcast %mul3A_458 : f32 to vector<16xf32>
      %mul3A_460 = arith.mulf %scan3A_393#7, %mul3A_459 : vector<16xf32>
      %swap3A_461 = arith.constant 3 : i32
      %swap3A_462 = arith.index_cast %swap3A_461 : i32 to index
      %swap3A_463 = arith.constant 112 : index
      %swap3A_464 = tpu.vector_load %arg10[%swap3A_462, %swap3A_463] {strides = array<i32>} : memref<4x128xf32, #tpu.memory_space<vmem>>, vector<1x16xf32>,
      %swap3A_465 = vector.shape_cast %swap3A_464 : vector<1x16xf32> to vector<16xf32>
      %swap3A_466 = vector.shape_cast %mul3A_460 : vector<16xf32> to vector<1x16xf32>
      tpu.vector_store %arg10[%swap3A_462, %swap3A_463], %swap3A_466 {strides = array<i32>} : memref<4x128xf32, #tpu.memory_space<vmem>>, vector<1x16xf32>,
      %mul3A_467 = arith.constant 4 : i32
      %mul3A_468 = arith.muli %add3A_77, %mul3A_467 : i32
      %add3A_469 = arith.addi %mul3A_2, %mul3A_468 : i32
      "tpu.region"() ({
        %run_scoped3A = tpu.sem_alloc : memref<!tpu.dma_semaphore, #tpu.memory_space<semaphore_mem>>
        %dma_start3A_1684 = arith.constant 0 : i32
        %dma_start3A_1685 = tpu.memref_slice %arg4[%add3A_469, %dma_start3A_1684] : memref<4096x128xf32, #tpu.memory_space<hbm>> -> memref<4x128xf32, #tpu.memory_space<hbm>>
        %dma_start3A_1686 = arith.constant 0 : i32
        %dma_start3A_1687 = tpu.memref_slice %arg4[%add3A_469, %dma_start3A_1686] : memref<4096x128xf32, #tpu.memory_space<hbm>> -> memref<4x128xf32, #tpu.memory_space<hbm>>
        tpu.enqueue_dma source(%arg10 : memref<4x128xf32, #tpu.memory_space<vmem>>) target(%dma_start3A_1687 : memref<4x128xf32, #tpu.memory_space<hbm>>) target_semaphore(%run_scoped3A : memref<!tpu.dma_semaphore, #tpu.memory_space<semaphore_mem>>)
        %dma_wait3A_1688 = arith.constant 0 : i32
        %dma_wait3A_1689 = tpu.memref_slice %arg4[%add3A_469, %dma_wait3A_1688] : memref<4096x128xf32, #tpu.memory_space<hbm>> -> memref<4x128xf32, #tpu.memory_space<hbm>>
        %dma_wait3A_1690 = arith.constant 0 : i32
        %dma_wait3A_1691 = tpu.memref_slice %arg4[%add3A_469, %dma_wait3A_1690] : memref<4096x128xf32, #tpu.memory_space<hbm>> -> memref<4x128xf32, #tpu.memory_space<hbm>>
        tpu.wait_dma2 semaphore(%run_scoped3A : memref<!tpu.dma_semaphore, #tpu.memory_space<semaphore_mem>>) src(%arg10 : memref<4x128xf32, #tpu.memory_space<vmem>>) dst(%dma_wait3A_1691 : memref<4x128xf32, #tpu.memory_space<hbm>>)
        tpu.yield
      }) : () -> ()
      %lt3A = arith.constant 7 : i32
      %lt3A_470 = arith.cmpi slt, %scan3A_73, %lt3A : i32
      %convert_element_type3A = arith.extui %lt3A_470 : i1 to i32
      %cond3A = arith.constant 0 : i32
      %cond3A_471 = arith.cmpi ne, %convert_element_type3A, %cond3A : i32
      scf.if %cond3A_471 {
        %add3A_1684 = arith.constant 4 : i32
        %add3A_1685 = arith.addi %add3A_77, %add3A_1684 : i32
        %mul3A_1686 = arith.constant 4 : i32
        %mul3A_1687 = arith.muli %add3A_1685, %mul3A_1686 : i32
        %mul3A_1688 = arith.constant 50 : i32
        %mul3A_1689 = arith.muli %mul3A_1687, %mul3A_1688 : i32
        %dma_start3A_1690 = arith.constant 0 : i32
        %dma_start3A_1691 = arith.constant 0 : i32
        %dma_start3A_1692 = tpu.memref_slice %arg6[%dma_start3A_1690, %dma_start3A_1691] : memref<200x128xf32, #tpu.memory_space<vmem>> -> memref<104x128xf32, #tpu.memory_space<vmem>>
        %dma_start3A_1693 = tpu.memref_slice %arg5[%mul3A_1689] : memref<6400xi32, #tpu.memory_space<vmem>> -> memref<104xi32, #tpu.memory_space<vmem>>
        %dma_start3A_1694 = arith.constant 0 : i32
        %dma_start3A_1695 = arith.constant 0 : i32
        %dma_start3A_1696 = tpu.memref_slice %arg3[%dma_start3A_1694, %dma_start3A_1695] : memref<100000x128xf32, #tpu.memory_space<hbm>> -> memref<100000x128xf32, #tpu.memory_space<hbm>>
        tpu.enqueue_indirect_dma source(%dma_start3A_1696 : memref<100000x128xf32, #tpu.memory_space<hbm>>) target(%dma_start3A_1692 : memref<104x128xf32, #tpu.memory_space<vmem>>) offsets(%dma_start3A_1693 : memref<104xi32, #tpu.memory_space<vmem>>) semaphore(%arg11 : memref<!tpu.dma_semaphore, #tpu.memory_space<semaphore_mem>>)
        %add3A_1697 = arith.constant 104 : i32
        %add3A_1698 = arith.addi %mul3A_1689, %add3A_1697 : i32
        %dma_start3A_1699 = arith.constant 104 : i32
        %dma_start3A_1700 = arith.constant 0 : i32
        %dma_start3A_1701 = tpu.memref_slice %arg6[%dma_start3A_1699, %dma_start3A_1700] : memref<200x128xf32, #tpu.memory_space<vmem>> -> memref<96x128xf32, #tpu.memory_space<vmem>>
        %dma_start3A_1702 = tpu.memref_slice %arg5[%add3A_1698] : memref<6400xi32, #tpu.memory_space<vmem>> -> memref<96xi32, #tpu.memory_space<vmem>>
        %dma_start3A_1703 = arith.constant 0 : i32
        %dma_start3A_1704 = arith.constant 0 : i32
        %dma_start3A_1705 = tpu.memref_slice %arg3[%dma_start3A_1703, %dma_start3A_1704] : memref<100000x128xf32, #tpu.memory_space<hbm>> -> memref<100000x128xf32, #tpu.memory_space<hbm>>
        tpu.enqueue_indirect_dma source(%dma_start3A_1705 : memref<100000x128xf32, #tpu.memory_space<hbm>>) target(%dma_start3A_1701 : memref<96x128xf32, #tpu.memory_space<vmem>>) offsets(%dma_start3A_1702 : memref<96xi32, #tpu.memory_space<vmem>>) semaphore(%arg15 : memref<!tpu.dma_semaphore, #tpu.memory_space<semaphore_mem>>)
      } else {
      }
      %mul3A_472 = arith.constant 4 : i32
      %mul3A_473 = arith.muli %mul3A_472, %scan3A_73 : i32
      %add3A_474 = arith.constant 1 : i32
      %add3A_475 = arith.addi %mul3A_473, %add3A_474 : i32
      %dma_wait3A_476 = arith.constant 0 : i32
      %dma_wait3A_477 = arith.constant 0 : i32
      %dma_wait3A_478 = tpu.memref_slice %arg7[%dma_wait3A_476, %dma_wait3A_477] : memref<200x128xf32, #tpu.memory_space<vmem>> -> memref<104x128xf32, #tpu.memory_space<vmem>>
      %dma_wait3A_479 = arith.constant 0 : i32
      %dma_wait3A_480 = tpu.memref_slice %arg5[%dma_wait3A_479] : memref<6400xi32, #tpu.memory_space<vmem>> -> memref<104xi32, #tpu.memory_space<vmem>>
      %dma_wait3A_481 = arith.constant 0 : i32
      %dma_wait3A_482 = arith.constant 0 : i32
      %dma_wait3A_483 = tpu.memref_slice %arg3[%dma_wait3A_481, %dma_wait3A_482] : memref<100000x128xf32, #tpu.memory_space<hbm>> -> memref<100000x128xf32, #tpu.memory_space<hbm>>
      tpu.wait_indirect_dma semaphore(%arg12 : memref<!tpu.dma_semaphore, #tpu.memory_space<semaphore_mem>>) src(%dma_wait3A_483 : memref<100000x128xf32, #tpu.memory_space<hbm>>) dst(%dma_wait3A_478 : memref<104x128xf32, #tpu.memory_space<vmem>>)
      %dma_wait3A_484 = arith.constant 104 : i32
      %dma_wait3A_485 = arith.constant 0 : i32
      %dma_wait3A_486 = tpu.memref_slice %arg7[%dma_wait3A_484, %dma_wait3A_485] : memref<200x128xf32, #tpu.memory_space<vmem>> -> memref<96x128xf32, #tpu.memory_space<vmem>>
      %dma_wait3A_487 = arith.constant 0 : i32
      %dma_wait3A_488 = tpu.memref_slice %arg5[%dma_wait3A_487] : memref<6400xi32, #tpu.memory_space<vmem>> -> memref<96xi32, #tpu.memory_space<vmem>>
      %dma_wait3A_489 = arith.constant 0 : i32
      %dma_wait3A_490 = arith.constant 0 : i32
      %dma_wait3A_491 = tpu.memref_slice %arg3[%dma_wait3A_489, %dma_wait3A_490] : memref<100000x128xf32, #tpu.memory_space<hbm>> -> memref<100000x128xf32, #tpu.memory_space<hbm>>
      tpu.wait_indirect_dma semaphore(%arg16 : memref<!tpu.dma_semaphore, #tpu.memory_space<semaphore_mem>>) src(%dma_wait3A_491 : memref<100000x128xf32, #tpu.memory_space<hbm>>) dst(%dma_wait3A_486 : memref<96x128xf32, #tpu.memory_space<vmem>>)
      %broadcast_in_dim3A_492 = arith.constant 0.000000e+00 : f32
      %broadcast_in_dim3A_493 = vector.broadcast %broadcast_in_dim3A_492 : f32 to vector<16xf32>
      %broadcast_in_dim3A_494 = arith.constant 0.000000e+00 : f32
      %broadcast_in_dim3A_495 = vector.broadcast %broadcast_in_dim3A_494 : f32 to vector<16xf32>
      %broadcast_in_dim3A_496 = arith.constant 0.000000e+00 : f32
      %broadcast_in_dim3A_497 = vector.broadcast %broadcast_in_dim3A_496 : f32 to vector<16xf32>
      %broadcast_in_dim3A_498 = arith.constant 0.000000e+00 : f32
      %broadcast_in_dim3A_499 = vector.broadcast %broadcast_in_dim3A_498 : f32 to vector<16xf32>
      %broadcast_in_dim3A_500 = arith.constant 0.000000e+00 : f32
      %broadcast_in_dim3A_501 = vector.broadcast %broadcast_in_dim3A_500 : f32 to vector<16xf32>
      %broadcast_in_dim3A_502 = arith.constant 0.000000e+00 : f32
      %broadcast_in_dim3A_503 = vector.broadcast %broadcast_in_dim3A_502 : f32 to vector<16xf32>
      %broadcast_in_dim3A_504 = arith.constant 0.000000e+00 : f32
      %broadcast_in_dim3A_505 = vector.broadcast %broadcast_in_dim3A_504 : f32 to vector<16xf32>
      %broadcast_in_dim3A_506 = arith.constant 0.000000e+00 : f32
      %broadcast_in_dim3A_507 = vector.broadcast %broadcast_in_dim3A_506 : f32 to vector<16xf32>
      %scan3A_508 = arith.constant 0 : i32
      %scan3A_509 = arith.constant 25 : i32
      %scan3A_510 = arith.addi %scan3A_508, %scan3A_509 : i32
      %scan3A_511 = arith.constant 1 : i32
      %scan3A_512:8 = scf.for %scan3A_1684 = %scan3A_508 to %scan3A_510 step %scan3A_511 iter_args(%scan3A_1685 = %broadcast_in_dim3A_493, %scan3A_1686 = %broadcast_in_dim3A_495, %scan3A_1687 = %broadcast_in_dim3A_497, %scan3A_1688 = %broadcast_in_dim3A_499, %scan3A_1689 = %broadcast_in_dim3A_501, %scan3A_1690 = %broadcast_in_dim3A_503, %scan3A_1691 = %broadcast_in_dim3A_505, %scan3A_1692 = %broadcast_in_dim3A_507) -> (vector<16xf32>, vector<16xf32>, vector<16xf32>, vector<16xf32>, vector<16xf32>, vector<16xf32>, vector<16xf32>, vector<16xf32>)  : i32 {
        %mul3A_1693 = arith.constant 2 : i32
        %mul3A_1694 = arith.muli %mul3A_1693, %scan3A_1684 : i32
        %add3A_1695 = arith.constant 0 : i32
        %add3A_1696 = arith.addi %add3A_1695, %mul3A_1694 : i32
        %get3A = arith.index_cast %add3A_1696 : i32 to index
        %get3A_1697 = arith.constant 0 : index
        %get3A_1698 = tpu.vector_load %arg7[%get3A, %get3A_1697] {strides = array<i32>} : memref<200x128xf32, #tpu.memory_space<vmem>>, vector<1x16xf32>,
        %get3A_1699 = vector.shape_cast %get3A_1698 : vector<1x16xf32> to vector<16xf32>
        %add3A_1700 = arith.addf %scan3A_1685, %get3A_1699 : vector<16xf32>
        %get3A_1701 = arith.index_cast %add3A_1696 : i32 to index
        %get3A_1702 = arith.constant 16 : index
        %get3A_1703 = tpu.vector_load %arg7[%get3A_1701, %get3A_1702] {strides = array<i32>} : memref<200x128xf32, #tpu.memory_space<vmem>>, vector<1x16xf32>,
        %get3A_1704 = vector.shape_cast %get3A_1703 : vector<1x16xf32> to vector<16xf32>
        %add3A_1705 = arith.addf %scan3A_1686, %get3A_1704 : vector<16xf32>
        %get3A_1706 = arith.index_cast %add3A_1696 : i32 to index
        %get3A_1707 = arith.constant 32 : index
        %get3A_1708 = tpu.vector_load %arg7[%get3A_1706, %get3A_1707] {strides = array<i32>} : memref<200x128xf32, #tpu.memory_space<vmem>>, vector<1x16xf32>,
        %get3A_1709 = vector.shape_cast %get3A_1708 : vector<1x16xf32> to vector<16xf32>
        %add3A_1710 = arith.addf %scan3A_1687, %get3A_1709 : vector<16xf32>
        %get3A_1711 = arith.index_cast %add3A_1696 : i32 to index
        %get3A_1712 = arith.constant 48 : index
        %get3A_1713 = tpu.vector_load %arg7[%get3A_1711, %get3A_1712] {strides = array<i32>} : memref<200x128xf32, #tpu.memory_space<vmem>>, vector<1x16xf32>,
        %get3A_1714 = vector.shape_cast %get3A_1713 : vector<1x16xf32> to vector<16xf32>
        %add3A_1715 = arith.addf %scan3A_1688, %get3A_1714 : vector<16xf32>
        %get3A_1716 = arith.index_cast %add3A_1696 : i32 to index
        %get3A_1717 = arith.constant 64 : index
        %get3A_1718 = tpu.vector_load %arg7[%get3A_1716, %get3A_1717] {strides = array<i32>} : memref<200x128xf32, #tpu.memory_space<vmem>>, vector<1x16xf32>,
        %get3A_1719 = vector.shape_cast %get3A_1718 : vector<1x16xf32> to vector<16xf32>
        %add3A_1720 = arith.addf %scan3A_1689, %get3A_1719 : vector<16xf32>
        %get3A_1721 = arith.index_cast %add3A_1696 : i32 to index
        %get3A_1722 = arith.constant 80 : index
        %get3A_1723 = tpu.vector_load %arg7[%get3A_1721, %get3A_1722] {strides = array<i32>} : memref<200x128xf32, #tpu.memory_space<vmem>>, vector<1x16xf32>,
        %get3A_1724 = vector.shape_cast %get3A_1723 : vector<1x16xf32> to vector<16xf32>
        %add3A_1725 = arith.addf %scan3A_1690, %get3A_1724 : vector<16xf32>
        %get3A_1726 = arith.index_cast %add3A_1696 : i32 to index
        %get3A_1727 = arith.constant 96 : index
        %get3A_1728 = tpu.vector_load %arg7[%get3A_1726, %get3A_1727] {strides = array<i32>} : memref<200x128xf32, #tpu.memory_space<vmem>>, vector<1x16xf32>,
        %get3A_1729 = vector.shape_cast %get3A_1728 : vector<1x16xf32> to vector<16xf32>
        %add3A_1730 = arith.addf %scan3A_1691, %get3A_1729 : vector<16xf32>
        %get3A_1731 = arith.index_cast %add3A_1696 : i32 to index
        %get3A_1732 = arith.constant 112 : index
        %get3A_1733 = tpu.vector_load %arg7[%get3A_1731, %get3A_1732] {strides = array<i32>} : memref<200x128xf32, #tpu.memory_space<vmem>>, vector<1x16xf32>,
        %get3A_1734 = vector.shape_cast %get3A_1733 : vector<1x16xf32> to vector<16xf32>
        %add3A_1735 = arith.addf %scan3A_1692, %get3A_1734 : vector<16xf32>
        %add3A_1736 = arith.constant 1 : i32
        %add3A_1737 = arith.addi %add3A_1696, %add3A_1736 : i32
        %get3A_1738 = arith.index_cast %add3A_1737 : i32 to index
        %get3A_1739 = arith.constant 0 : index
        %get3A_1740 = tpu.vector_load %arg7[%get3A_1738, %get3A_1739] {strides = array<i32>} : memref<200x128xf32, #tpu.memory_space<vmem>>, vector<1x16xf32>,
        %get3A_1741 = vector.shape_cast %get3A_1740 : vector<1x16xf32> to vector<16xf32>
        %add3A_1742 = arith.addf %add3A_1700, %get3A_1741 : vector<16xf32>
        %add3A_1743 = arith.constant 1 : i32
        %add3A_1744 = arith.addi %add3A_1696, %add3A_1743 : i32
        %get3A_1745 = arith.index_cast %add3A_1744 : i32 to index
        %get3A_1746 = arith.constant 16 : index
        %get3A_1747 = tpu.vector_load %arg7[%get3A_1745, %get3A_1746] {strides = array<i32>} : memref<200x128xf32, #tpu.memory_space<vmem>>, vector<1x16xf32>,
        %get3A_1748 = vector.shape_cast %get3A_1747 : vector<1x16xf32> to vector<16xf32>
        %add3A_1749 = arith.addf %add3A_1705, %get3A_1748 : vector<16xf32>
        %add3A_1750 = arith.constant 1 : i32
        %add3A_1751 = arith.addi %add3A_1696, %add3A_1750 : i32
        %get3A_1752 = arith.index_cast %add3A_1751 : i32 to index
        %get3A_1753 = arith.constant 32 : index
        %get3A_1754 = tpu.vector_load %arg7[%get3A_1752, %get3A_1753] {strides = array<i32>} : memref<200x128xf32, #tpu.memory_space<vmem>>, vector<1x16xf32>,
        %get3A_1755 = vector.shape_cast %get3A_1754 : vector<1x16xf32> to vector<16xf32>
        %add3A_1756 = arith.addf %add3A_1710, %get3A_1755 : vector<16xf32>
        %add3A_1757 = arith.constant 1 : i32
        %add3A_1758 = arith.addi %add3A_1696, %add3A_1757 : i32
        %get3A_1759 = arith.index_cast %add3A_1758 : i32 to index
        %get3A_1760 = arith.constant 48 : index
        %get3A_1761 = tpu.vector_load %arg7[%get3A_1759, %get3A_1760] {strides = array<i32>} : memref<200x128xf32, #tpu.memory_space<vmem>>, vector<1x16xf32>,
        %get3A_1762 = vector.shape_cast %get3A_1761 : vector<1x16xf32> to vector<16xf32>
        %add3A_1763 = arith.addf %add3A_1715, %get3A_1762 : vector<16xf32>
        %add3A_1764 = arith.constant 1 : i32
        %add3A_1765 = arith.addi %add3A_1696, %add3A_1764 : i32
        %get3A_1766 = arith.index_cast %add3A_1765 : i32 to index
        %get3A_1767 = arith.constant 64 : index
        %get3A_1768 = tpu.vector_load %arg7[%get3A_1766, %get3A_1767] {strides = array<i32>} : memref<200x128xf32, #tpu.memory_space<vmem>>, vector<1x16xf32>,
        %get3A_1769 = vector.shape_cast %get3A_1768 : vector<1x16xf32> to vector<16xf32>
        %add3A_1770 = arith.addf %add3A_1720, %get3A_1769 : vector<16xf32>
        %add3A_1771 = arith.constant 1 : i32
        %add3A_1772 = arith.addi %add3A_1696, %add3A_1771 : i32
        %get3A_1773 = arith.index_cast %add3A_1772 : i32 to index
        %get3A_1774 = arith.constant 80 : index
        %get3A_1775 = tpu.vector_load %arg7[%get3A_1773, %get3A_1774] {strides = array<i32>} : memref<200x128xf32, #tpu.memory_space<vmem>>, vector<1x16xf32>,
        %get3A_1776 = vector.shape_cast %get3A_1775 : vector<1x16xf32> to vector<16xf32>
        %add3A_1777 = arith.addf %add3A_1725, %get3A_1776 : vector<16xf32>
        %add3A_1778 = arith.constant 1 : i32
        %add3A_1779 = arith.addi %add3A_1696, %add3A_1778 : i32
        %get3A_1780 = arith.index_cast %add3A_1779 : i32 to index
        %get3A_1781 = arith.constant 96 : index
        %get3A_1782 = tpu.vector_load %arg7[%get3A_1780, %get3A_1781] {strides = array<i32>} : memref<200x128xf32, #tpu.memory_space<vmem>>, vector<1x16xf32>,
        %get3A_1783 = vector.shape_cast %get3A_1782 : vector<1x16xf32> to vector<16xf32>
        %add3A_1784 = arith.addf %add3A_1730, %get3A_1783 : vector<16xf32>
        %add3A_1785 = arith.constant 1 : i32
        %add3A_1786 = arith.addi %add3A_1696, %add3A_1785 : i32
        %get3A_1787 = arith.index_cast %add3A_1786 : i32 to index
        %get3A_1788 = arith.constant 112 : index
        %get3A_1789 = tpu.vector_load %arg7[%get3A_1787, %get3A_1788] {strides = array<i32>} : memref<200x128xf32, #tpu.memory_space<vmem>>, vector<1x16xf32>,
        %get3A_1790 = vector.shape_cast %get3A_1789 : vector<1x16xf32> to vector<16xf32>
        %add3A_1791 = arith.addf %add3A_1735, %get3A_1790 : vector<16xf32>
        scf.yield %add3A_1742, %add3A_1749, %add3A_1756, %add3A_1763, %add3A_1770, %add3A_1777, %add3A_1784, %add3A_1791 : vector<16xf32>, vector<16xf32>, vector<16xf32>, vector<16xf32>, vector<16xf32>, vector<16xf32>, vector<16xf32>, vector<16xf32>
      }
      %scan3A_513 = arith.constant 25 : i32
      %mul3A_514 = arith.constant 2.000000e-02 : f32
      %mul3A_515 = vector.broadcast %mul3A_514 : f32 to vector<16xf32>
      %mul3A_516 = arith.mulf %scan3A_512#0, %mul3A_515 : vector<16xf32>
      %swap3A_517 = arith.constant 0 : i32
      %swap3A_518 = arith.index_cast %swap3A_517 : i32 to index
      %swap3A_519 = arith.constant 0 : index
      %swap3A_520 = tpu.vector_load %arg10[%swap3A_518, %swap3A_519] {strides = array<i32>} : memref<4x128xf32, #tpu.memory_space<vmem>>, vector<1x16xf32>,
      %swap3A_521 = vector.shape_cast %swap3A_520 : vector<1x16xf32> to vector<16xf32>
      %swap3A_522 = vector.shape_cast %mul3A_516 : vector<16xf32> to vector<1x16xf32>
      tpu.vector_store %arg10[%swap3A_518, %swap3A_519], %swap3A_522 {strides = array<i32>} : memref<4x128xf32, #tpu.memory_space<vmem>>, vector<1x16xf32>,
      %mul3A_523 = arith.constant 2.000000e-02 : f32
      %mul3A_524 = vector.broadcast %mul3A_523 : f32 to vector<16xf32>
      %mul3A_525 = arith.mulf %scan3A_512#1, %mul3A_524 : vector<16xf32>
      %swap3A_526 = arith.constant 0 : i32
      %swap3A_527 = arith.index_cast %swap3A_526 : i32 to index
      %swap3A_528 = arith.constant 16 : index
      %swap3A_529 = tpu.vector_load %arg10[%swap3A_527, %swap3A_528] {strides = array<i32>} : memref<4x128xf32, #tpu.memory_space<vmem>>, vector<1x16xf32>,
      %swap3A_530 = vector.shape_cast %swap3A_529 : vector<1x16xf32> to vector<16xf32>
      %swap3A_531 = vector.shape_cast %mul3A_525 : vector<16xf32> to vector<1x16xf32>
      tpu.vector_store %arg10[%swap3A_527, %swap3A_528], %swap3A_531 {strides = array<i32>} : memref<4x128xf32, #tpu.memory_space<vmem>>, vector<1x16xf32>,
      %mul3A_532 = arith.constant 2.000000e-02 : f32
      %mul3A_533 = vector.broadcast %mul3A_532 : f32 to vector<16xf32>
      %mul3A_534 = arith.mulf %scan3A_512#2, %mul3A_533 : vector<16xf32>
      %swap3A_535 = arith.constant 0 : i32
      %swap3A_536 = arith.index_cast %swap3A_535 : i32 to index
      %swap3A_537 = arith.constant 32 : index
      %swap3A_538 = tpu.vector_load %arg10[%swap3A_536, %swap3A_537] {strides = array<i32>} : memref<4x128xf32, #tpu.memory_space<vmem>>, vector<1x16xf32>,
      %swap3A_539 = vector.shape_cast %swap3A_538 : vector<1x16xf32> to vector<16xf32>
      %swap3A_540 = vector.shape_cast %mul3A_534 : vector<16xf32> to vector<1x16xf32>
      tpu.vector_store %arg10[%swap3A_536, %swap3A_537], %swap3A_540 {strides = array<i32>} : memref<4x128xf32, #tpu.memory_space<vmem>>, vector<1x16xf32>,
      %mul3A_541 = arith.constant 2.000000e-02 : f32
      %mul3A_542 = vector.broadcast %mul3A_541 : f32 to vector<16xf32>
      %mul3A_543 = arith.mulf %scan3A_512#3, %mul3A_542 : vector<16xf32>
      %swap3A_544 = arith.constant 0 : i32
      %swap3A_545 = arith.index_cast %swap3A_544 : i32 to index
      %swap3A_546 = arith.constant 48 : index
      %swap3A_547 = tpu.vector_load %arg10[%swap3A_545, %swap3A_546] {strides = array<i32>} : memref<4x128xf32, #tpu.memory_space<vmem>>, vector<1x16xf32>,
      %swap3A_548 = vector.shape_cast %swap3A_547 : vector<1x16xf32> to vector<16xf32>
      %swap3A_549 = vector.shape_cast %mul3A_543 : vector<16xf32> to vector<1x16xf32>
      tpu.vector_store %arg10[%swap3A_545, %swap3A_546], %swap3A_549 {strides = array<i32>} : memref<4x128xf32, #tpu.memory_space<vmem>>, vector<1x16xf32>,
      %mul3A_550 = arith.constant 2.000000e-02 : f32
      %mul3A_551 = vector.broadcast %mul3A_550 : f32 to vector<16xf32>
      %mul3A_552 = arith.mulf %scan3A_512#4, %mul3A_551 : vector<16xf32>
      %swap3A_553 = arith.constant 0 : i32
      %swap3A_554 = arith.index_cast %swap3A_553 : i32 to index
      %swap3A_555 = arith.constant 64 : index
      %swap3A_556 = tpu.vector_load %arg10[%swap3A_554, %swap3A_555] {strides = array<i32>} : memref<4x128xf32, #tpu.memory_space<vmem>>, vector<1x16xf32>,
      %swap3A_557 = vector.shape_cast %swap3A_556 : vector<1x16xf32> to vector<16xf32>
      %swap3A_558 = vector.shape_cast %mul3A_552 : vector<16xf32> to vector<1x16xf32>
      tpu.vector_store %arg10[%swap3A_554, %swap3A_555], %swap3A_558 {strides = array<i32>} : memref<4x128xf32, #tpu.memory_space<vmem>>, vector<1x16xf32>,
      %mul3A_559 = arith.constant 2.000000e-02 : f32
      %mul3A_560 = vector.broadcast %mul3A_559 : f32 to vector<16xf32>
      %mul3A_561 = arith.mulf %scan3A_512#5, %mul3A_560 : vector<16xf32>
      %swap3A_562 = arith.constant 0 : i32
      %swap3A_563 = arith.index_cast %swap3A_562 : i32 to index
      %swap3A_564 = arith.constant 80 : index
      %swap3A_565 = tpu.vector_load %arg10[%swap3A_563, %swap3A_564] {strides = array<i32>} : memref<4x128xf32, #tpu.memory_space<vmem>>, vector<1x16xf32>,
      %swap3A_566 = vector.shape_cast %swap3A_565 : vector<1x16xf32> to vector<16xf32>
      %swap3A_567 = vector.shape_cast %mul3A_561 : vector<16xf32> to vector<1x16xf32>
      tpu.vector_store %arg10[%swap3A_563, %swap3A_564], %swap3A_567 {strides = array<i32>} : memref<4x128xf32, #tpu.memory_space<vmem>>, vector<1x16xf32>,
      %mul3A_568 = arith.constant 2.000000e-02 : f32
      %mul3A_569 = vector.broadcast %mul3A_568 : f32 to vector<16xf32>
      %mul3A_570 = arith.mulf %scan3A_512#6, %mul3A_569 : vector<16xf32>
      %swap3A_571 = arith.constant 0 : i32
      %swap3A_572 = arith.index_cast %swap3A_571 : i32 to index
      %swap3A_573 = arith.constant 96 : index
      %swap3A_574 = tpu.vector_load %arg10[%swap3A_572, %swap3A_573] {strides = array<i32>} : memref<4x128xf32, #tpu.memory_space<vmem>>, vector<1x16xf32>,
      %swap3A_575 = vector.shape_cast %swap3A_574 : vector<1x16xf32> to vector<16xf32>
      %swap3A_576 = vector.shape_cast %mul3A_570 : vector<16xf32> to vector<1x16xf32>
      tpu.vector_store %arg10[%swap3A_572, %swap3A_573], %swap3A_576 {strides = array<i32>} : memref<4x128xf32, #tpu.memory_space<vmem>>, vector<1x16xf32>,
      %mul3A_577 = arith.constant 2.000000e-02 : f32
      %mul3A_578 = vector.broadcast %mul3A_577 : f32 to vector<16xf32>
      %mul3A_579 = arith.mulf %scan3A_512#7, %mul3A_578 : vector<16xf32>
      %swap3A_580 = arith.constant 0 : i32
      %swap3A_581 = arith.index_cast %swap3A_580 : i32 to index
      %swap3A_582 = arith.constant 112 : index
      %swap3A_583 = tpu.vector_load %arg10[%swap3A_581, %swap3A_582] {strides = array<i32>} : memref<4x128xf32, #tpu.memory_space<vmem>>, vector<1x16xf32>,
      %swap3A_584 = vector.shape_cast %swap3A_583 : vector<1x16xf32> to vector<16xf32>
      %swap3A_585 = vector.shape_cast %mul3A_579 : vector<16xf32> to vector<1x16xf32>
      tpu.vector_store %arg10[%swap3A_581, %swap3A_582], %swap3A_585 {strides = array<i32>} : memref<4x128xf32, #tpu.memory_space<vmem>>, vector<1x16xf32>,
      %broadcast_in_dim3A_586 = arith.constant 0.000000e+00 : f32
      %broadcast_in_dim3A_587 = vector.broadcast %broadcast_in_dim3A_586 : f32 to vector<16xf32>
      %broadcast_in_dim3A_588 = arith.constant 0.000000e+00 : f32
      %broadcast_in_dim3A_589 = vector.broadcast %broadcast_in_dim3A_588 : f32 to vector<16xf32>
      %broadcast_in_dim3A_590 = arith.constant 0.000000e+00 : f32
      %broadcast_in_dim3A_591 = vector.broadcast %broadcast_in_dim3A_590 : f32 to vector<16xf32>
      %broadcast_in_dim3A_592 = arith.constant 0.000000e+00 : f32
      %broadcast_in_dim3A_593 = vector.broadcast %broadcast_in_dim3A_592 : f32 to vector<16xf32>
      %broadcast_in_dim3A_594 = arith.constant 0.000000e+00 : f32
      %broadcast_in_dim3A_595 = vector.broadcast %broadcast_in_dim3A_594 : f32 to vector<16xf32>
      %broadcast_in_dim3A_596 = arith.constant 0.000000e+00 : f32
      %broadcast_in_dim3A_597 = vector.broadcast %broadcast_in_dim3A_596 : f32 to vector<16xf32>
      %broadcast_in_dim3A_598 = arith.constant 0.000000e+00 : f32
      %broadcast_in_dim3A_599 = vector.broadcast %broadcast_in_dim3A_598 : f32 to vector<16xf32>
      %broadcast_in_dim3A_600 = arith.constant 0.000000e+00 : f32
      %broadcast_in_dim3A_601 = vector.broadcast %broadcast_in_dim3A_600 : f32 to vector<16xf32>
      %scan3A_602 = arith.constant 0 : i32
      %scan3A_603 = arith.constant 25 : i32
      %scan3A_604 = arith.addi %scan3A_602, %scan3A_603 : i32
      %scan3A_605 = arith.constant 1 : i32
      %scan3A_606:8 = scf.for %scan3A_1684 = %scan3A_602 to %scan3A_604 step %scan3A_605 iter_args(%scan3A_1685 = %broadcast_in_dim3A_587, %scan3A_1686 = %broadcast_in_dim3A_589, %scan3A_1687 = %broadcast_in_dim3A_591, %scan3A_1688 = %broadcast_in_dim3A_593, %scan3A_1689 = %broadcast_in_dim3A_595, %scan3A_1690 = %broadcast_in_dim3A_597, %scan3A_1691 = %broadcast_in_dim3A_599, %scan3A_1692 = %broadcast_in_dim3A_601) -> (vector<16xf32>, vector<16xf32>, vector<16xf32>, vector<16xf32>, vector<16xf32>, vector<16xf32>, vector<16xf32>, vector<16xf32>)  : i32 {
        %mul3A_1693 = arith.constant 2 : i32
        %mul3A_1694 = arith.muli %mul3A_1693, %scan3A_1684 : i32
        %add3A_1695 = arith.constant 50 : i32
        %add3A_1696 = arith.addi %add3A_1695, %mul3A_1694 : i32
        %get3A = arith.index_cast %add3A_1696 : i32 to index
        %get3A_1697 = arith.constant 0 : index
        %get3A_1698 = tpu.vector_load %arg7[%get3A, %get3A_1697] {strides = array<i32>} : memref<200x128xf32, #tpu.memory_space<vmem>>, vector<1x16xf32>,
        %get3A_1699 = vector.shape_cast %get3A_1698 : vector<1x16xf32> to vector<16xf32>
        %add3A_1700 = arith.addf %scan3A_1685, %get3A_1699 : vector<16xf32>
        %get3A_1701 = arith.index_cast %add3A_1696 : i32 to index
        %get3A_1702 = arith.constant 16 : index
        %get3A_1703 = tpu.vector_load %arg7[%get3A_1701, %get3A_1702] {strides = array<i32>} : memref<200x128xf32, #tpu.memory_space<vmem>>, vector<1x16xf32>,
        %get3A_1704 = vector.shape_cast %get3A_1703 : vector<1x16xf32> to vector<16xf32>
        %add3A_1705 = arith.addf %scan3A_1686, %get3A_1704 : vector<16xf32>
        %get3A_1706 = arith.index_cast %add3A_1696 : i32 to index
        %get3A_1707 = arith.constant 32 : index
        %get3A_1708 = tpu.vector_load %arg7[%get3A_1706, %get3A_1707] {strides = array<i32>} : memref<200x128xf32, #tpu.memory_space<vmem>>, vector<1x16xf32>,
        %get3A_1709 = vector.shape_cast %get3A_1708 : vector<1x16xf32> to vector<16xf32>
        %add3A_1710 = arith.addf %scan3A_1687, %get3A_1709 : vector<16xf32>
        %get3A_1711 = arith.index_cast %add3A_1696 : i32 to index
        %get3A_1712 = arith.constant 48 : index
        %get3A_1713 = tpu.vector_load %arg7[%get3A_1711, %get3A_1712] {strides = array<i32>} : memref<200x128xf32, #tpu.memory_space<vmem>>, vector<1x16xf32>,
        %get3A_1714 = vector.shape_cast %get3A_1713 : vector<1x16xf32> to vector<16xf32>
        %add3A_1715 = arith.addf %scan3A_1688, %get3A_1714 : vector<16xf32>
        %get3A_1716 = arith.index_cast %add3A_1696 : i32 to index
        %get3A_1717 = arith.constant 64 : index
        %get3A_1718 = tpu.vector_load %arg7[%get3A_1716, %get3A_1717] {strides = array<i32>} : memref<200x128xf32, #tpu.memory_space<vmem>>, vector<1x16xf32>,
        %get3A_1719 = vector.shape_cast %get3A_1718 : vector<1x16xf32> to vector<16xf32>
        %add3A_1720 = arith.addf %scan3A_1689, %get3A_1719 : vector<16xf32>
        %get3A_1721 = arith.index_cast %add3A_1696 : i32 to index
        %get3A_1722 = arith.constant 80 : index
        %get3A_1723 = tpu.vector_load %arg7[%get3A_1721, %get3A_1722] {strides = array<i32>} : memref<200x128xf32, #tpu.memory_space<vmem>>, vector<1x16xf32>,
        %get3A_1724 = vector.shape_cast %get3A_1723 : vector<1x16xf32> to vector<16xf32>
        %add3A_1725 = arith.addf %scan3A_1690, %get3A_1724 : vector<16xf32>
        %get3A_1726 = arith.index_cast %add3A_1696 : i32 to index
        %get3A_1727 = arith.constant 96 : index
        %get3A_1728 = tpu.vector_load %arg7[%get3A_1726, %get3A_1727] {strides = array<i32>} : memref<200x128xf32, #tpu.memory_space<vmem>>, vector<1x16xf32>,
        %get3A_1729 = vector.shape_cast %get3A_1728 : vector<1x16xf32> to vector<16xf32>
        %add3A_1730 = arith.addf %scan3A_1691, %get3A_1729 : vector<16xf32>
        %get3A_1731 = arith.index_cast %add3A_1696 : i32 to index
        %get3A_1732 = arith.constant 112 : index
        %get3A_1733 = tpu.vector_load %arg7[%get3A_1731, %get3A_1732] {strides = array<i32>} : memref<200x128xf32, #tpu.memory_space<vmem>>, vector<1x16xf32>,
        %get3A_1734 = vector.shape_cast %get3A_1733 : vector<1x16xf32> to vector<16xf32>
        %add3A_1735 = arith.addf %scan3A_1692, %get3A_1734 : vector<16xf32>
        %add3A_1736 = arith.constant 1 : i32
        %add3A_1737 = arith.addi %add3A_1696, %add3A_1736 : i32
        %get3A_1738 = arith.index_cast %add3A_1737 : i32 to index
        %get3A_1739 = arith.constant 0 : index
        %get3A_1740 = tpu.vector_load %arg7[%get3A_1738, %get3A_1739] {strides = array<i32>} : memref<200x128xf32, #tpu.memory_space<vmem>>, vector<1x16xf32>,
        %get3A_1741 = vector.shape_cast %get3A_1740 : vector<1x16xf32> to vector<16xf32>
        %add3A_1742 = arith.addf %add3A_1700, %get3A_1741 : vector<16xf32>
        %add3A_1743 = arith.constant 1 : i32
        %add3A_1744 = arith.addi %add3A_1696, %add3A_1743 : i32
        %get3A_1745 = arith.index_cast %add3A_1744 : i32 to index
        %get3A_1746 = arith.constant 16 : index
        %get3A_1747 = tpu.vector_load %arg7[%get3A_1745, %get3A_1746] {strides = array<i32>} : memref<200x128xf32, #tpu.memory_space<vmem>>, vector<1x16xf32>,
        %get3A_1748 = vector.shape_cast %get3A_1747 : vector<1x16xf32> to vector<16xf32>
        %add3A_1749 = arith.addf %add3A_1705, %get3A_1748 : vector<16xf32>
        %add3A_1750 = arith.constant 1 : i32
        %add3A_1751 = arith.addi %add3A_1696, %add3A_1750 : i32
        %get3A_1752 = arith.index_cast %add3A_1751 : i32 to index
        %get3A_1753 = arith.constant 32 : index
        %get3A_1754 = tpu.vector_load %arg7[%get3A_1752, %get3A_1753] {strides = array<i32>} : memref<200x128xf32, #tpu.memory_space<vmem>>, vector<1x16xf32>,
        %get3A_1755 = vector.shape_cast %get3A_1754 : vector<1x16xf32> to vector<16xf32>
        %add3A_1756 = arith.addf %add3A_1710, %get3A_1755 : vector<16xf32>
        %add3A_1757 = arith.constant 1 : i32
        %add3A_1758 = arith.addi %add3A_1696, %add3A_1757 : i32
        %get3A_1759 = arith.index_cast %add3A_1758 : i32 to index
        %get3A_1760 = arith.constant 48 : index
        %get3A_1761 = tpu.vector_load %arg7[%get3A_1759, %get3A_1760] {strides = array<i32>} : memref<200x128xf32, #tpu.memory_space<vmem>>, vector<1x16xf32>,
        %get3A_1762 = vector.shape_cast %get3A_1761 : vector<1x16xf32> to vector<16xf32>
        %add3A_1763 = arith.addf %add3A_1715, %get3A_1762 : vector<16xf32>
        %add3A_1764 = arith.constant 1 : i32
        %add3A_1765 = arith.addi %add3A_1696, %add3A_1764 : i32
        %get3A_1766 = arith.index_cast %add3A_1765 : i32 to index
        %get3A_1767 = arith.constant 64 : index
        %get3A_1768 = tpu.vector_load %arg7[%get3A_1766, %get3A_1767] {strides = array<i32>} : memref<200x128xf32, #tpu.memory_space<vmem>>, vector<1x16xf32>,
        %get3A_1769 = vector.shape_cast %get3A_1768 : vector<1x16xf32> to vector<16xf32>
        %add3A_1770 = arith.addf %add3A_1720, %get3A_1769 : vector<16xf32>
        %add3A_1771 = arith.constant 1 : i32
        %add3A_1772 = arith.addi %add3A_1696, %add3A_1771 : i32
        %get3A_1773 = arith.index_cast %add3A_1772 : i32 to index
        %get3A_1774 = arith.constant 80 : index
        %get3A_1775 = tpu.vector_load %arg7[%get3A_1773, %get3A_1774] {strides = array<i32>} : memref<200x128xf32, #tpu.memory_space<vmem>>, vector<1x16xf32>,
        %get3A_1776 = vector.shape_cast %get3A_1775 : vector<1x16xf32> to vector<16xf32>
        %add3A_1777 = arith.addf %add3A_1725, %get3A_1776 : vector<16xf32>
        %add3A_1778 = arith.constant 1 : i32
        %add3A_1779 = arith.addi %add3A_1696, %add3A_1778 : i32
        %get3A_1780 = arith.index_cast %add3A_1779 : i32 to index
        %get3A_1781 = arith.constant 96 : index
        %get3A_1782 = tpu.vector_load %arg7[%get3A_1780, %get3A_1781] {strides = array<i32>} : memref<200x128xf32, #tpu.memory_space<vmem>>, vector<1x16xf32>,
        %get3A_1783 = vector.shape_cast %get3A_1782 : vector<1x16xf32> to vector<16xf32>
        %add3A_1784 = arith.addf %add3A_1730, %get3A_1783 : vector<16xf32>
        %add3A_1785 = arith.constant 1 : i32
        %add3A_1786 = arith.addi %add3A_1696, %add3A_1785 : i32
        %get3A_1787 = arith.index_cast %add3A_1786 : i32 to index
        %get3A_1788 = arith.constant 112 : index
        %get3A_1789 = tpu.vector_load %arg7[%get3A_1787, %get3A_1788] {strides = array<i32>} : memref<200x128xf32, #tpu.memory_space<vmem>>, vector<1x16xf32>,
        %get3A_1790 = vector.shape_cast %get3A_1789 : vector<1x16xf32> to vector<16xf32>
        %add3A_1791 = arith.addf %add3A_1735, %get3A_1790 : vector<16xf32>
        scf.yield %add3A_1742, %add3A_1749, %add3A_1756, %add3A_1763, %add3A_1770, %add3A_1777, %add3A_1784, %add3A_1791 : vector<16xf32>, vector<16xf32>, vector<16xf32>, vector<16xf32>, vector<16xf32>, vector<16xf32>, vector<16xf32>, vector<16xf32>
      }
      %scan3A_607 = arith.constant 25 : i32
      %mul3A_608 = arith.constant 2.000000e-02 : f32
      %mul3A_609 = vector.broadcast %mul3A_608 : f32 to vector<16xf32>
      %mul3A_610 = arith.mulf %scan3A_606#0, %mul3A_609 : vector<16xf32>
      %swap3A_611 = arith.constant 1 : i32
      %swap3A_612 = arith.index_cast %swap3A_611 : i32 to index
      %swap3A_613 = arith.constant 0 : index
      %swap3A_614 = tpu.vector_load %arg10[%swap3A_612, %swap3A_613] {strides = array<i32>} : memref<4x128xf32, #tpu.memory_space<vmem>>, vector<1x16xf32>,
      %swap3A_615 = vector.shape_cast %swap3A_614 : vector<1x16xf32> to vector<16xf32>
      %swap3A_616 = vector.shape_cast %mul3A_610 : vector<16xf32> to vector<1x16xf32>
      tpu.vector_store %arg10[%swap3A_612, %swap3A_613], %swap3A_616 {strides = array<i32>} : memref<4x128xf32, #tpu.memory_space<vmem>>, vector<1x16xf32>,
      %mul3A_617 = arith.constant 2.000000e-02 : f32
      %mul3A_618 = vector.broadcast %mul3A_617 : f32 to vector<16xf32>
      %mul3A_619 = arith.mulf %scan3A_606#1, %mul3A_618 : vector<16xf32>
      %swap3A_620 = arith.constant 1 : i32
      %swap3A_621 = arith.index_cast %swap3A_620 : i32 to index
      %swap3A_622 = arith.constant 16 : index
      %swap3A_623 = tpu.vector_load %arg10[%swap3A_621, %swap3A_622] {strides = array<i32>} : memref<4x128xf32, #tpu.memory_space<vmem>>, vector<1x16xf32>,
      %swap3A_624 = vector.shape_cast %swap3A_623 : vector<1x16xf32> to vector<16xf32>
      %swap3A_625 = vector.shape_cast %mul3A_619 : vector<16xf32> to vector<1x16xf32>
      tpu.vector_store %arg10[%swap3A_621, %swap3A_622], %swap3A_625 {strides = array<i32>} : memref<4x128xf32, #tpu.memory_space<vmem>>, vector<1x16xf32>,
      %mul3A_626 = arith.constant 2.000000e-02 : f32
      %mul3A_627 = vector.broadcast %mul3A_626 : f32 to vector<16xf32>
      %mul3A_628 = arith.mulf %scan3A_606#2, %mul3A_627 : vector<16xf32>
      %swap3A_629 = arith.constant 1 : i32
      %swap3A_630 = arith.index_cast %swap3A_629 : i32 to index
      %swap3A_631 = arith.constant 32 : index
      %swap3A_632 = tpu.vector_load %arg10[%swap3A_630, %swap3A_631] {strides = array<i32>} : memref<4x128xf32, #tpu.memory_space<vmem>>, vector<1x16xf32>,
      %swap3A_633 = vector.shape_cast %swap3A_632 : vector<1x16xf32> to vector<16xf32>
      %swap3A_634 = vector.shape_cast %mul3A_628 : vector<16xf32> to vector<1x16xf32>
      tpu.vector_store %arg10[%swap3A_630, %swap3A_631], %swap3A_634 {strides = array<i32>} : memref<4x128xf32, #tpu.memory_space<vmem>>, vector<1x16xf32>,
      %mul3A_635 = arith.constant 2.000000e-02 : f32
      %mul3A_636 = vector.broadcast %mul3A_635 : f32 to vector<16xf32>
      %mul3A_637 = arith.mulf %scan3A_606#3, %mul3A_636 : vector<16xf32>
      %swap3A_638 = arith.constant 1 : i32
      %swap3A_639 = arith.index_cast %swap3A_638 : i32 to index
      %swap3A_640 = arith.constant 48 : index
      %swap3A_641 = tpu.vector_load %arg10[%swap3A_639, %swap3A_640] {strides = array<i32>} : memref<4x128xf32, #tpu.memory_space<vmem>>, vector<1x16xf32>,
      %swap3A_642 = vector.shape_cast %swap3A_641 : vector<1x16xf32> to vector<16xf32>
      %swap3A_643 = vector.shape_cast %mul3A_637 : vector<16xf32> to vector<1x16xf32>
      tpu.vector_store %arg10[%swap3A_639, %swap3A_640], %swap3A_643 {strides = array<i32>} : memref<4x128xf32, #tpu.memory_space<vmem>>, vector<1x16xf32>,
      %mul3A_644 = arith.constant 2.000000e-02 : f32
      %mul3A_645 = vector.broadcast %mul3A_644 : f32 to vector<16xf32>
      %mul3A_646 = arith.mulf %scan3A_606#4, %mul3A_645 : vector<16xf32>
      %swap3A_647 = arith.constant 1 : i32
      %swap3A_648 = arith.index_cast %swap3A_647 : i32 to index
      %swap3A_649 = arith.constant 64 : index
      %swap3A_650 = tpu.vector_load %arg10[%swap3A_648, %swap3A_649] {strides = array<i32>} : memref<4x128xf32, #tpu.memory_space<vmem>>, vector<1x16xf32>,
      %swap3A_651 = vector.shape_cast %swap3A_650 : vector<1x16xf32> to vector<16xf32>
      %swap3A_652 = vector.shape_cast %mul3A_646 : vector<16xf32> to vector<1x16xf32>
      tpu.vector_store %arg10[%swap3A_648, %swap3A_649], %swap3A_652 {strides = array<i32>} : memref<4x128xf32, #tpu.memory_space<vmem>>, vector<1x16xf32>,
      %mul3A_653 = arith.constant 2.000000e-02 : f32
      %mul3A_654 = vector.broadcast %mul3A_653 : f32 to vector<16xf32>
      %mul3A_655 = arith.mulf %scan3A_606#5, %mul3A_654 : vector<16xf32>
      %swap3A_656 = arith.constant 1 : i32
      %swap3A_657 = arith.index_cast %swap3A_656 : i32 to index
      %swap3A_658 = arith.constant 80 : index
      %swap3A_659 = tpu.vector_load %arg10[%swap3A_657, %swap3A_658] {strides = array<i32>} : memref<4x128xf32, #tpu.memory_space<vmem>>, vector<1x16xf32>,
      %swap3A_660 = vector.shape_cast %swap3A_659 : vector<1x16xf32> to vector<16xf32>
      %swap3A_661 = vector.shape_cast %mul3A_655 : vector<16xf32> to vector<1x16xf32>
      tpu.vector_store %arg10[%swap3A_657, %swap3A_658], %swap3A_661 {strides = array<i32>} : memref<4x128xf32, #tpu.memory_space<vmem>>, vector<1x16xf32>,
      %mul3A_662 = arith.constant 2.000000e-02 : f32
      %mul3A_663 = vector.broadcast %mul3A_662 : f32 to vector<16xf32>
      %mul3A_664 = arith.mulf %scan3A_606#6, %mul3A_663 : vector<16xf32>
      %swap3A_665 = arith.constant 1 : i32
      %swap3A_666 = arith.index_cast %swap3A_665 : i32 to index
      %swap3A_667 = arith.constant 96 : index
      %swap3A_668 = tpu.vector_load %arg10[%swap3A_666, %swap3A_667] {strides = array<i32>} : memref<4x128xf32, #tpu.memory_space<vmem>>, vector<1x16xf32>,
      %swap3A_669 = vector.shape_cast %swap3A_668 : vector<1x16xf32> to vector<16xf32>
      %swap3A_670 = vector.shape_cast %mul3A_664 : vector<16xf32> to vector<1x16xf32>
      tpu.vector_store %arg10[%swap3A_666, %swap3A_667], %swap3A_670 {strides = array<i32>} : memref<4x128xf32, #tpu.memory_space<vmem>>, vector<1x16xf32>,
      %mul3A_671 = arith.constant 2.000000e-02 : f32
      %mul3A_672 = vector.broadcast %mul3A_671 : f32 to vector<16xf32>
      %mul3A_673 = arith.mulf %scan3A_606#7, %mul3A_672 : vector<16xf32>
      %swap3A_674 = arith.constant 1 : i32
      %swap3A_675 = arith.index_cast %swap3A_674 : i32 to index
      %swap3A_676 = arith.constant 112 : index
      %swap3A_677 = tpu.vector_load %arg10[%swap3A_675, %swap3A_676] {strides = array<i32>} : memref<4x128xf32, #tpu.memory_space<vmem>>, vector<1x16xf32>,
      %swap3A_678 = vector.shape_cast %swap3A_677 : vector<1x16xf32> to vector<16xf32>
      %swap3A_679 = vector.shape_cast %mul3A_673 : vector<16xf32> to vector<1x16xf32>
      tpu.vector_store %arg10[%swap3A_675, %swap3A_676], %swap3A_679 {strides = array<i32>} : memref<4x128xf32, #tpu.memory_space<vmem>>, vector<1x16xf32>,
      %broadcast_in_dim3A_680 = arith.constant 0.000000e+00 : f32
      %broadcast_in_dim3A_681 = vector.broadcast %broadcast_in_dim3A_680 : f32 to vector<16xf32>
      %broadcast_in_dim3A_682 = arith.constant 0.000000e+00 : f32
      %broadcast_in_dim3A_683 = vector.broadcast %broadcast_in_dim3A_682 : f32 to vector<16xf32>
      %broadcast_in_dim3A_684 = arith.constant 0.000000e+00 : f32
      %broadcast_in_dim3A_685 = vector.broadcast %broadcast_in_dim3A_684 : f32 to vector<16xf32>
      %broadcast_in_dim3A_686 = arith.constant 0.000000e+00 : f32
      %broadcast_in_dim3A_687 = vector.broadcast %broadcast_in_dim3A_686 : f32 to vector<16xf32>
      %broadcast_in_dim3A_688 = arith.constant 0.000000e+00 : f32
      %broadcast_in_dim3A_689 = vector.broadcast %broadcast_in_dim3A_688 : f32 to vector<16xf32>
      %broadcast_in_dim3A_690 = arith.constant 0.000000e+00 : f32
      %broadcast_in_dim3A_691 = vector.broadcast %broadcast_in_dim3A_690 : f32 to vector<16xf32>
      %broadcast_in_dim3A_692 = arith.constant 0.000000e+00 : f32
      %broadcast_in_dim3A_693 = vector.broadcast %broadcast_in_dim3A_692 : f32 to vector<16xf32>
      %broadcast_in_dim3A_694 = arith.constant 0.000000e+00 : f32
      %broadcast_in_dim3A_695 = vector.broadcast %broadcast_in_dim3A_694 : f32 to vector<16xf32>
      %scan3A_696 = arith.constant 0 : i32
      %scan3A_697 = arith.constant 25 : i32
      %scan3A_698 = arith.addi %scan3A_696, %scan3A_697 : i32
      %scan3A_699 = arith.constant 1 : i32
      %scan3A_700:8 = scf.for %scan3A_1684 = %scan3A_696 to %scan3A_698 step %scan3A_699 iter_args(%scan3A_1685 = %broadcast_in_dim3A_681, %scan3A_1686 = %broadcast_in_dim3A_683, %scan3A_1687 = %broadcast_in_dim3A_685, %scan3A_1688 = %broadcast_in_dim3A_687, %scan3A_1689 = %broadcast_in_dim3A_689, %scan3A_1690 = %broadcast_in_dim3A_691, %scan3A_1691 = %broadcast_in_dim3A_693, %scan3A_1692 = %broadcast_in_dim3A_695) -> (vector<16xf32>, vector<16xf32>, vector<16xf32>, vector<16xf32>, vector<16xf32>, vector<16xf32>, vector<16xf32>, vector<16xf32>)  : i32 {
        %mul3A_1693 = arith.constant 2 : i32
        %mul3A_1694 = arith.muli %mul3A_1693, %scan3A_1684 : i32
        %add3A_1695 = arith.constant 100 : i32
        %add3A_1696 = arith.addi %add3A_1695, %mul3A_1694 : i32
        %get3A = arith.index_cast %add3A_1696 : i32 to index
        %get3A_1697 = arith.constant 0 : index
        %get3A_1698 = tpu.vector_load %arg7[%get3A, %get3A_1697] {strides = array<i32>} : memref<200x128xf32, #tpu.memory_space<vmem>>, vector<1x16xf32>,
        %get3A_1699 = vector.shape_cast %get3A_1698 : vector<1x16xf32> to vector<16xf32>
        %add3A_1700 = arith.addf %scan3A_1685, %get3A_1699 : vector<16xf32>
        %get3A_1701 = arith.index_cast %add3A_1696 : i32 to index
        %get3A_1702 = arith.constant 16 : index
        %get3A_1703 = tpu.vector_load %arg7[%get3A_1701, %get3A_1702] {strides = array<i32>} : memref<200x128xf32, #tpu.memory_space<vmem>>, vector<1x16xf32>,
        %get3A_1704 = vector.shape_cast %get3A_1703 : vector<1x16xf32> to vector<16xf32>
        %add3A_1705 = arith.addf %scan3A_1686, %get3A_1704 : vector<16xf32>
        %get3A_1706 = arith.index_cast %add3A_1696 : i32 to index
        %get3A_1707 = arith.constant 32 : index
        %get3A_1708 = tpu.vector_load %arg7[%get3A_1706, %get3A_1707] {strides = array<i32>} : memref<200x128xf32, #tpu.memory_space<vmem>>, vector<1x16xf32>,
        %get3A_1709 = vector.shape_cast %get3A_1708 : vector<1x16xf32> to vector<16xf32>
        %add3A_1710 = arith.addf %scan3A_1687, %get3A_1709 : vector<16xf32>
        %get3A_1711 = arith.index_cast %add3A_1696 : i32 to index
        %get3A_1712 = arith.constant 48 : index
        %get3A_1713 = tpu.vector_load %arg7[%get3A_1711, %get3A_1712] {strides = array<i32>} : memref<200x128xf32, #tpu.memory_space<vmem>>, vector<1x16xf32>,
        %get3A_1714 = vector.shape_cast %get3A_1713 : vector<1x16xf32> to vector<16xf32>
        %add3A_1715 = arith.addf %scan3A_1688, %get3A_1714 : vector<16xf32>
        %get3A_1716 = arith.index_cast %add3A_1696 : i32 to index
        %get3A_1717 = arith.constant 64 : index
        %get3A_1718 = tpu.vector_load %arg7[%get3A_1716, %get3A_1717] {strides = array<i32>} : memref<200x128xf32, #tpu.memory_space<vmem>>, vector<1x16xf32>,
        %get3A_1719 = vector.shape_cast %get3A_1718 : vector<1x16xf32> to vector<16xf32>
        %add3A_1720 = arith.addf %scan3A_1689, %get3A_1719 : vector<16xf32>
        %get3A_1721 = arith.index_cast %add3A_1696 : i32 to index
        %get3A_1722 = arith.constant 80 : index
        %get3A_1723 = tpu.vector_load %arg7[%get3A_1721, %get3A_1722] {strides = array<i32>} : memref<200x128xf32, #tpu.memory_space<vmem>>, vector<1x16xf32>,
        %get3A_1724 = vector.shape_cast %get3A_1723 : vector<1x16xf32> to vector<16xf32>
        %add3A_1725 = arith.addf %scan3A_1690, %get3A_1724 : vector<16xf32>
        %get3A_1726 = arith.index_cast %add3A_1696 : i32 to index
        %get3A_1727 = arith.constant 96 : index
        %get3A_1728 = tpu.vector_load %arg7[%get3A_1726, %get3A_1727] {strides = array<i32>} : memref<200x128xf32, #tpu.memory_space<vmem>>, vector<1x16xf32>,
        %get3A_1729 = vector.shape_cast %get3A_1728 : vector<1x16xf32> to vector<16xf32>
        %add3A_1730 = arith.addf %scan3A_1691, %get3A_1729 : vector<16xf32>
        %get3A_1731 = arith.index_cast %add3A_1696 : i32 to index
        %get3A_1732 = arith.constant 112 : index
        %get3A_1733 = tpu.vector_load %arg7[%get3A_1731, %get3A_1732] {strides = array<i32>} : memref<200x128xf32, #tpu.memory_space<vmem>>, vector<1x16xf32>,
        %get3A_1734 = vector.shape_cast %get3A_1733 : vector<1x16xf32> to vector<16xf32>
        %add3A_1735 = arith.addf %scan3A_1692, %get3A_1734 : vector<16xf32>
        %add3A_1736 = arith.constant 1 : i32
        %add3A_1737 = arith.addi %add3A_1696, %add3A_1736 : i32
        %get3A_1738 = arith.index_cast %add3A_1737 : i32 to index
        %get3A_1739 = arith.constant 0 : index
        %get3A_1740 = tpu.vector_load %arg7[%get3A_1738, %get3A_1739] {strides = array<i32>} : memref<200x128xf32, #tpu.memory_space<vmem>>, vector<1x16xf32>,
        %get3A_1741 = vector.shape_cast %get3A_1740 : vector<1x16xf32> to vector<16xf32>
        %add3A_1742 = arith.addf %add3A_1700, %get3A_1741 : vector<16xf32>
        %add3A_1743 = arith.constant 1 : i32
        %add3A_1744 = arith.addi %add3A_1696, %add3A_1743 : i32
        %get3A_1745 = arith.index_cast %add3A_1744 : i32 to index
        %get3A_1746 = arith.constant 16 : index
        %get3A_1747 = tpu.vector_load %arg7[%get3A_1745, %get3A_1746] {strides = array<i32>} : memref<200x128xf32, #tpu.memory_space<vmem>>, vector<1x16xf32>,
        %get3A_1748 = vector.shape_cast %get3A_1747 : vector<1x16xf32> to vector<16xf32>
        %add3A_1749 = arith.addf %add3A_1705, %get3A_1748 : vector<16xf32>
        %add3A_1750 = arith.constant 1 : i32
        %add3A_1751 = arith.addi %add3A_1696, %add3A_1750 : i32
        %get3A_1752 = arith.index_cast %add3A_1751 : i32 to index
        %get3A_1753 = arith.constant 32 : index
        %get3A_1754 = tpu.vector_load %arg7[%get3A_1752, %get3A_1753] {strides = array<i32>} : memref<200x128xf32, #tpu.memory_space<vmem>>, vector<1x16xf32>,
        %get3A_1755 = vector.shape_cast %get3A_1754 : vector<1x16xf32> to vector<16xf32>
        %add3A_1756 = arith.addf %add3A_1710, %get3A_1755 : vector<16xf32>
        %add3A_1757 = arith.constant 1 : i32
        %add3A_1758 = arith.addi %add3A_1696, %add3A_1757 : i32
        %get3A_1759 = arith.index_cast %add3A_1758 : i32 to index
        %get3A_1760 = arith.constant 48 : index
        %get3A_1761 = tpu.vector_load %arg7[%get3A_1759, %get3A_1760] {strides = array<i32>} : memref<200x128xf32, #tpu.memory_space<vmem>>, vector<1x16xf32>,
        %get3A_1762 = vector.shape_cast %get3A_1761 : vector<1x16xf32> to vector<16xf32>
        %add3A_1763 = arith.addf %add3A_1715, %get3A_1762 : vector<16xf32>
        %add3A_1764 = arith.constant 1 : i32
        %add3A_1765 = arith.addi %add3A_1696, %add3A_1764 : i32
        %get3A_1766 = arith.index_cast %add3A_1765 : i32 to index
        %get3A_1767 = arith.constant 64 : index
        %get3A_1768 = tpu.vector_load %arg7[%get3A_1766, %get3A_1767] {strides = array<i32>} : memref<200x128xf32, #tpu.memory_space<vmem>>, vector<1x16xf32>,
        %get3A_1769 = vector.shape_cast %get3A_1768 : vector<1x16xf32> to vector<16xf32>
        %add3A_1770 = arith.addf %add3A_1720, %get3A_1769 : vector<16xf32>
        %add3A_1771 = arith.constant 1 : i32
        %add3A_1772 = arith.addi %add3A_1696, %add3A_1771 : i32
        %get3A_1773 = arith.index_cast %add3A_1772 : i32 to index
        %get3A_1774 = arith.constant 80 : index
        %get3A_1775 = tpu.vector_load %arg7[%get3A_1773, %get3A_1774] {strides = array<i32>} : memref<200x128xf32, #tpu.memory_space<vmem>>, vector<1x16xf32>,
        %get3A_1776 = vector.shape_cast %get3A_1775 : vector<1x16xf32> to vector<16xf32>
        %add3A_1777 = arith.addf %add3A_1725, %get3A_1776 : vector<16xf32>
        %add3A_1778 = arith.constant 1 : i32
        %add3A_1779 = arith.addi %add3A_1696, %add3A_1778 : i32
        %get3A_1780 = arith.index_cast %add3A_1779 : i32 to index
        %get3A_1781 = arith.constant 96 : index
        %get3A_1782 = tpu.vector_load %arg7[%get3A_1780, %get3A_1781] {strides = array<i32>} : memref<200x128xf32, #tpu.memory_space<vmem>>, vector<1x16xf32>,
        %get3A_1783 = vector.shape_cast %get3A_1782 : vector<1x16xf32> to vector<16xf32>
        %add3A_1784 = arith.addf %add3A_1730, %get3A_1783 : vector<16xf32>
        %add3A_1785 = arith.constant 1 : i32
        %add3A_1786 = arith.addi %add3A_1696, %add3A_1785 : i32
        %get3A_1787 = arith.index_cast %add3A_1786 : i32 to index
        %get3A_1788 = arith.constant 112 : index
        %get3A_1789 = tpu.vector_load %arg7[%get3A_1787, %get3A_1788] {strides = array<i32>} : memref<200x128xf32, #tpu.memory_space<vmem>>, vector<1x16xf32>,
        %get3A_1790 = vector.shape_cast %get3A_1789 : vector<1x16xf32> to vector<16xf32>
        %add3A_1791 = arith.addf %add3A_1735, %get3A_1790 : vector<16xf32>
        scf.yield %add3A_1742, %add3A_1749, %add3A_1756, %add3A_1763, %add3A_1770, %add3A_1777, %add3A_1784, %add3A_1791 : vector<16xf32>, vector<16xf32>, vector<16xf32>, vector<16xf32>, vector<16xf32>, vector<16xf32>, vector<16xf32>, vector<16xf32>
      }
      %scan3A_701 = arith.constant 25 : i32
      %mul3A_702 = arith.constant 2.000000e-02 : f32
      %mul3A_703 = vector.broadcast %mul3A_702 : f32 to vector<16xf32>
      %mul3A_704 = arith.mulf %scan3A_700#0, %mul3A_703 : vector<16xf32>
      %swap3A_705 = arith.constant 2 : i32
      %swap3A_706 = arith.index_cast %swap3A_705 : i32 to index
      %swap3A_707 = arith.constant 0 : index
      %swap3A_708 = tpu.vector_load %arg10[%swap3A_706, %swap3A_707] {strides = array<i32>} : memref<4x128xf32, #tpu.memory_space<vmem>>, vector<1x16xf32>,
      %swap3A_709 = vector.shape_cast %swap3A_708 : vector<1x16xf32> to vector<16xf32>
      %swap3A_710 = vector.shape_cast %mul3A_704 : vector<16xf32> to vector<1x16xf32>
      tpu.vector_store %arg10[%swap3A_706, %swap3A_707], %swap3A_710 {strides = array<i32>} : memref<4x128xf32, #tpu.memory_space<vmem>>, vector<1x16xf32>,
      %mul3A_711 = arith.constant 2.000000e-02 : f32
      %mul3A_712 = vector.broadcast %mul3A_711 : f32 to vector<16xf32>
      %mul3A_713 = arith.mulf %scan3A_700#1, %mul3A_712 : vector<16xf32>
      %swap3A_714 = arith.constant 2 : i32
      %swap3A_715 = arith.index_cast %swap3A_714 : i32 to index
      %swap3A_716 = arith.constant 16 : index
      %swap3A_717 = tpu.vector_load %arg10[%swap3A_715, %swap3A_716] {strides = array<i32>} : memref<4x128xf32, #tpu.memory_space<vmem>>, vector<1x16xf32>,
      %swap3A_718 = vector.shape_cast %swap3A_717 : vector<1x16xf32> to vector<16xf32>
      %swap3A_719 = vector.shape_cast %mul3A_713 : vector<16xf32> to vector<1x16xf32>
      tpu.vector_store %arg10[%swap3A_715, %swap3A_716], %swap3A_719 {strides = array<i32>} : memref<4x128xf32, #tpu.memory_space<vmem>>, vector<1x16xf32>,
      %mul3A_720 = arith.constant 2.000000e-02 : f32
      %mul3A_721 = vector.broadcast %mul3A_720 : f32 to vector<16xf32>
      %mul3A_722 = arith.mulf %scan3A_700#2, %mul3A_721 : vector<16xf32>
      %swap3A_723 = arith.constant 2 : i32
      %swap3A_724 = arith.index_cast %swap3A_723 : i32 to index
      %swap3A_725 = arith.constant 32 : index
      %swap3A_726 = tpu.vector_load %arg10[%swap3A_724, %swap3A_725] {strides = array<i32>} : memref<4x128xf32, #tpu.memory_space<vmem>>, vector<1x16xf32>,
      %swap3A_727 = vector.shape_cast %swap3A_726 : vector<1x16xf32> to vector<16xf32>
      %swap3A_728 = vector.shape_cast %mul3A_722 : vector<16xf32> to vector<1x16xf32>
      tpu.vector_store %arg10[%swap3A_724, %swap3A_725], %swap3A_728 {strides = array<i32>} : memref<4x128xf32, #tpu.memory_space<vmem>>, vector<1x16xf32>,
      %mul3A_729 = arith.constant 2.000000e-02 : f32
      %mul3A_730 = vector.broadcast %mul3A_729 : f32 to vector<16xf32>
      %mul3A_731 = arith.mulf %scan3A_700#3, %mul3A_730 : vector<16xf32>
      %swap3A_732 = arith.constant 2 : i32
      %swap3A_733 = arith.index_cast %swap3A_732 : i32 to index
      %swap3A_734 = arith.constant 48 : index
      %swap3A_735 = tpu.vector_load %arg10[%swap3A_733, %swap3A_734] {strides = array<i32>} : memref<4x128xf32, #tpu.memory_space<vmem>>, vector<1x16xf32>,
      %swap3A_736 = vector.shape_cast %swap3A_735 : vector<1x16xf32> to vector<16xf32>
      %swap3A_737 = vector.shape_cast %mul3A_731 : vector<16xf32> to vector<1x16xf32>
      tpu.vector_store %arg10[%swap3A_733, %swap3A_734], %swap3A_737 {strides = array<i32>} : memref<4x128xf32, #tpu.memory_space<vmem>>, vector<1x16xf32>,
      %mul3A_738 = arith.constant 2.000000e-02 : f32
      %mul3A_739 = vector.broadcast %mul3A_738 : f32 to vector<16xf32>
      %mul3A_740 = arith.mulf %scan3A_700#4, %mul3A_739 : vector<16xf32>
      %swap3A_741 = arith.constant 2 : i32
      %swap3A_742 = arith.index_cast %swap3A_741 : i32 to index
      %swap3A_743 = arith.constant 64 : index
      %swap3A_744 = tpu.vector_load %arg10[%swap3A_742, %swap3A_743] {strides = array<i32>} : memref<4x128xf32, #tpu.memory_space<vmem>>, vector<1x16xf32>,
      %swap3A_745 = vector.shape_cast %swap3A_744 : vector<1x16xf32> to vector<16xf32>
      %swap3A_746 = vector.shape_cast %mul3A_740 : vector<16xf32> to vector<1x16xf32>
      tpu.vector_store %arg10[%swap3A_742, %swap3A_743], %swap3A_746 {strides = array<i32>} : memref<4x128xf32, #tpu.memory_space<vmem>>, vector<1x16xf32>,
      %mul3A_747 = arith.constant 2.000000e-02 : f32
      %mul3A_748 = vector.broadcast %mul3A_747 : f32 to vector<16xf32>
      %mul3A_749 = arith.mulf %scan3A_700#5, %mul3A_748 : vector<16xf32>
      %swap3A_750 = arith.constant 2 : i32
      %swap3A_751 = arith.index_cast %swap3A_750 : i32 to index
      %swap3A_752 = arith.constant 80 : index
      %swap3A_753 = tpu.vector_load %arg10[%swap3A_751, %swap3A_752] {strides = array<i32>} : memref<4x128xf32, #tpu.memory_space<vmem>>, vector<1x16xf32>,
      %swap3A_754 = vector.shape_cast %swap3A_753 : vector<1x16xf32> to vector<16xf32>
      %swap3A_755 = vector.shape_cast %mul3A_749 : vector<16xf32> to vector<1x16xf32>
      tpu.vector_store %arg10[%swap3A_751, %swap3A_752], %swap3A_755 {strides = array<i32>} : memref<4x128xf32, #tpu.memory_space<vmem>>, vector<1x16xf32>,
      %mul3A_756 = arith.constant 2.000000e-02 : f32
      %mul3A_757 = vector.broadcast %mul3A_756 : f32 to vector<16xf32>
      %mul3A_758 = arith.mulf %scan3A_700#6, %mul3A_757 : vector<16xf32>
      %swap3A_759 = arith.constant 2 : i32
      %swap3A_760 = arith.index_cast %swap3A_759 : i32 to index
      %swap3A_761 = arith.constant 96 : index
      %swap3A_762 = tpu.vector_load %arg10[%swap3A_760, %swap3A_761] {strides = array<i32>} : memref<4x128xf32, #tpu.memory_space<vmem>>, vector<1x16xf32>,
      %swap3A_763 = vector.shape_cast %swap3A_762 : vector<1x16xf32> to vector<16xf32>
      %swap3A_764 = vector.shape_cast %mul3A_758 : vector<16xf32> to vector<1x16xf32>
      tpu.vector_store %arg10[%swap3A_760, %swap3A_761], %swap3A_764 {strides = array<i32>} : memref<4x128xf32, #tpu.memory_space<vmem>>, vector<1x16xf32>,
      %mul3A_765 = arith.constant 2.000000e-02 : f32
      %mul3A_766 = vector.broadcast %mul3A_765 : f32 to vector<16xf32>
      %mul3A_767 = arith.mulf %scan3A_700#7, %mul3A_766 : vector<16xf32>
      %swap3A_768 = arith.constant 2 : i32
      %swap3A_769 = arith.index_cast %swap3A_768 : i32 to index
      %swap3A_770 = arith.constant 112 : index
      %swap3A_771 = tpu.vector_load %arg10[%swap3A_769, %swap3A_770] {strides = array<i32>} : memref<4x128xf32, #tpu.memory_space<vmem>>, vector<1x16xf32>,
      %swap3A_772 = vector.shape_cast %swap3A_771 : vector<1x16xf32> to vector<16xf32>
      %swap3A_773 = vector.shape_cast %mul3A_767 : vector<16xf32> to vector<1x16xf32>
      tpu.vector_store %arg10[%swap3A_769, %swap3A_770], %swap3A_773 {strides = array<i32>} : memref<4x128xf32, #tpu.memory_space<vmem>>, vector<1x16xf32>,
      %broadcast_in_dim3A_774 = arith.constant 0.000000e+00 : f32
      %broadcast_in_dim3A_775 = vector.broadcast %broadcast_in_dim3A_774 : f32 to vector<16xf32>
      %broadcast_in_dim3A_776 = arith.constant 0.000000e+00 : f32
      %broadcast_in_dim3A_777 = vector.broadcast %broadcast_in_dim3A_776 : f32 to vector<16xf32>
      %broadcast_in_dim3A_778 = arith.constant 0.000000e+00 : f32
      %broadcast_in_dim3A_779 = vector.broadcast %broadcast_in_dim3A_778 : f32 to vector<16xf32>
      %broadcast_in_dim3A_780 = arith.constant 0.000000e+00 : f32
      %broadcast_in_dim3A_781 = vector.broadcast %broadcast_in_dim3A_780 : f32 to vector<16xf32>
      %broadcast_in_dim3A_782 = arith.constant 0.000000e+00 : f32
      %broadcast_in_dim3A_783 = vector.broadcast %broadcast_in_dim3A_782 : f32 to vector<16xf32>
      %broadcast_in_dim3A_784 = arith.constant 0.000000e+00 : f32
      %broadcast_in_dim3A_785 = vector.broadcast %broadcast_in_dim3A_784 : f32 to vector<16xf32>
      %broadcast_in_dim3A_786 = arith.constant 0.000000e+00 : f32
      %broadcast_in_dim3A_787 = vector.broadcast %broadcast_in_dim3A_786 : f32 to vector<16xf32>
      %broadcast_in_dim3A_788 = arith.constant 0.000000e+00 : f32
      %broadcast_in_dim3A_789 = vector.broadcast %broadcast_in_dim3A_788 : f32 to vector<16xf32>
      %scan3A_790 = arith.constant 0 : i32
      %scan3A_791 = arith.constant 25 : i32
      %scan3A_792 = arith.addi %scan3A_790, %scan3A_791 : i32
      %scan3A_793 = arith.constant 1 : i32
      %scan3A_794:8 = scf.for %scan3A_1684 = %scan3A_790 to %scan3A_792 step %scan3A_793 iter_args(%scan3A_1685 = %broadcast_in_dim3A_775, %scan3A_1686 = %broadcast_in_dim3A_777, %scan3A_1687 = %broadcast_in_dim3A_779, %scan3A_1688 = %broadcast_in_dim3A_781, %scan3A_1689 = %broadcast_in_dim3A_783, %scan3A_1690 = %broadcast_in_dim3A_785, %scan3A_1691 = %broadcast_in_dim3A_787, %scan3A_1692 = %broadcast_in_dim3A_789) -> (vector<16xf32>, vector<16xf32>, vector<16xf32>, vector<16xf32>, vector<16xf32>, vector<16xf32>, vector<16xf32>, vector<16xf32>)  : i32 {
        %mul3A_1693 = arith.constant 2 : i32
        %mul3A_1694 = arith.muli %mul3A_1693, %scan3A_1684 : i32
        %add3A_1695 = arith.constant 150 : i32
        %add3A_1696 = arith.addi %add3A_1695, %mul3A_1694 : i32
        %get3A = arith.index_cast %add3A_1696 : i32 to index
        %get3A_1697 = arith.constant 0 : index
        %get3A_1698 = tpu.vector_load %arg7[%get3A, %get3A_1697] {strides = array<i32>} : memref<200x128xf32, #tpu.memory_space<vmem>>, vector<1x16xf32>,
        %get3A_1699 = vector.shape_cast %get3A_1698 : vector<1x16xf32> to vector<16xf32>
        %add3A_1700 = arith.addf %scan3A_1685, %get3A_1699 : vector<16xf32>
        %get3A_1701 = arith.index_cast %add3A_1696 : i32 to index
        %get3A_1702 = arith.constant 16 : index
        %get3A_1703 = tpu.vector_load %arg7[%get3A_1701, %get3A_1702] {strides = array<i32>} : memref<200x128xf32, #tpu.memory_space<vmem>>, vector<1x16xf32>,
        %get3A_1704 = vector.shape_cast %get3A_1703 : vector<1x16xf32> to vector<16xf32>
        %add3A_1705 = arith.addf %scan3A_1686, %get3A_1704 : vector<16xf32>
        %get3A_1706 = arith.index_cast %add3A_1696 : i32 to index
        %get3A_1707 = arith.constant 32 : index
        %get3A_1708 = tpu.vector_load %arg7[%get3A_1706, %get3A_1707] {strides = array<i32>} : memref<200x128xf32, #tpu.memory_space<vmem>>, vector<1x16xf32>,
        %get3A_1709 = vector.shape_cast %get3A_1708 : vector<1x16xf32> to vector<16xf32>
        %add3A_1710 = arith.addf %scan3A_1687, %get3A_1709 : vector<16xf32>
        %get3A_1711 = arith.index_cast %add3A_1696 : i32 to index
        %get3A_1712 = arith.constant 48 : index
        %get3A_1713 = tpu.vector_load %arg7[%get3A_1711, %get3A_1712] {strides = array<i32>} : memref<200x128xf32, #tpu.memory_space<vmem>>, vector<1x16xf32>,
        %get3A_1714 = vector.shape_cast %get3A_1713 : vector<1x16xf32> to vector<16xf32>
        %add3A_1715 = arith.addf %scan3A_1688, %get3A_1714 : vector<16xf32>
        %get3A_1716 = arith.index_cast %add3A_1696 : i32 to index
        %get3A_1717 = arith.constant 64 : index
        %get3A_1718 = tpu.vector_load %arg7[%get3A_1716, %get3A_1717] {strides = array<i32>} : memref<200x128xf32, #tpu.memory_space<vmem>>, vector<1x16xf32>,
        %get3A_1719 = vector.shape_cast %get3A_1718 : vector<1x16xf32> to vector<16xf32>
        %add3A_1720 = arith.addf %scan3A_1689, %get3A_1719 : vector<16xf32>
        %get3A_1721 = arith.index_cast %add3A_1696 : i32 to index
        %get3A_1722 = arith.constant 80 : index
        %get3A_1723 = tpu.vector_load %arg7[%get3A_1721, %get3A_1722] {strides = array<i32>} : memref<200x128xf32, #tpu.memory_space<vmem>>, vector<1x16xf32>,
        %get3A_1724 = vector.shape_cast %get3A_1723 : vector<1x16xf32> to vector<16xf32>
        %add3A_1725 = arith.addf %scan3A_1690, %get3A_1724 : vector<16xf32>
        %get3A_1726 = arith.index_cast %add3A_1696 : i32 to index
        %get3A_1727 = arith.constant 96 : index
        %get3A_1728 = tpu.vector_load %arg7[%get3A_1726, %get3A_1727] {strides = array<i32>} : memref<200x128xf32, #tpu.memory_space<vmem>>, vector<1x16xf32>,
        %get3A_1729 = vector.shape_cast %get3A_1728 : vector<1x16xf32> to vector<16xf32>
        %add3A_1730 = arith.addf %scan3A_1691, %get3A_1729 : vector<16xf32>
        %get3A_1731 = arith.index_cast %add3A_1696 : i32 to index
        %get3A_1732 = arith.constant 112 : index
        %get3A_1733 = tpu.vector_load %arg7[%get3A_1731, %get3A_1732] {strides = array<i32>} : memref<200x128xf32, #tpu.memory_space<vmem>>, vector<1x16xf32>,
        %get3A_1734 = vector.shape_cast %get3A_1733 : vector<1x16xf32> to vector<16xf32>
        %add3A_1735 = arith.addf %scan3A_1692, %get3A_1734 : vector<16xf32>
        %add3A_1736 = arith.constant 1 : i32
        %add3A_1737 = arith.addi %add3A_1696, %add3A_1736 : i32
        %get3A_1738 = arith.index_cast %add3A_1737 : i32 to index
        %get3A_1739 = arith.constant 0 : index
        %get3A_1740 = tpu.vector_load %arg7[%get3A_1738, %get3A_1739] {strides = array<i32>} : memref<200x128xf32, #tpu.memory_space<vmem>>, vector<1x16xf32>,
        %get3A_1741 = vector.shape_cast %get3A_1740 : vector<1x16xf32> to vector<16xf32>
        %add3A_1742 = arith.addf %add3A_1700, %get3A_1741 : vector<16xf32>
        %add3A_1743 = arith.constant 1 : i32
        %add3A_1744 = arith.addi %add3A_1696, %add3A_1743 : i32
        %get3A_1745 = arith.index_cast %add3A_1744 : i32 to index
        %get3A_1746 = arith.constant 16 : index
        %get3A_1747 = tpu.vector_load %arg7[%get3A_1745, %get3A_1746] {strides = array<i32>} : memref<200x128xf32, #tpu.memory_space<vmem>>, vector<1x16xf32>,
        %get3A_1748 = vector.shape_cast %get3A_1747 : vector<1x16xf32> to vector<16xf32>
        %add3A_1749 = arith.addf %add3A_1705, %get3A_1748 : vector<16xf32>
        %add3A_1750 = arith.constant 1 : i32
        %add3A_1751 = arith.addi %add3A_1696, %add3A_1750 : i32
        %get3A_1752 = arith.index_cast %add3A_1751 : i32 to index
        %get3A_1753 = arith.constant 32 : index
        %get3A_1754 = tpu.vector_load %arg7[%get3A_1752, %get3A_1753] {strides = array<i32>} : memref<200x128xf32, #tpu.memory_space<vmem>>, vector<1x16xf32>,
        %get3A_1755 = vector.shape_cast %get3A_1754 : vector<1x16xf32> to vector<16xf32>
        %add3A_1756 = arith.addf %add3A_1710, %get3A_1755 : vector<16xf32>
        %add3A_1757 = arith.constant 1 : i32
        %add3A_1758 = arith.addi %add3A_1696, %add3A_1757 : i32
        %get3A_1759 = arith.index_cast %add3A_1758 : i32 to index
        %get3A_1760 = arith.constant 48 : index
        %get3A_1761 = tpu.vector_load %arg7[%get3A_1759, %get3A_1760] {strides = array<i32>} : memref<200x128xf32, #tpu.memory_space<vmem>>, vector<1x16xf32>,
        %get3A_1762 = vector.shape_cast %get3A_1761 : vector<1x16xf32> to vector<16xf32>
        %add3A_1763 = arith.addf %add3A_1715, %get3A_1762 : vector<16xf32>
        %add3A_1764 = arith.constant 1 : i32
        %add3A_1765 = arith.addi %add3A_1696, %add3A_1764 : i32
        %get3A_1766 = arith.index_cast %add3A_1765 : i32 to index
        %get3A_1767 = arith.constant 64 : index
        %get3A_1768 = tpu.vector_load %arg7[%get3A_1766, %get3A_1767] {strides = array<i32>} : memref<200x128xf32, #tpu.memory_space<vmem>>, vector<1x16xf32>,
        %get3A_1769 = vector.shape_cast %get3A_1768 : vector<1x16xf32> to vector<16xf32>
        %add3A_1770 = arith.addf %add3A_1720, %get3A_1769 : vector<16xf32>
        %add3A_1771 = arith.constant 1 : i32
        %add3A_1772 = arith.addi %add3A_1696, %add3A_1771 : i32
        %get3A_1773 = arith.index_cast %add3A_1772 : i32 to index
        %get3A_1774 = arith.constant 80 : index
        %get3A_1775 = tpu.vector_load %arg7[%get3A_1773, %get3A_1774] {strides = array<i32>} : memref<200x128xf32, #tpu.memory_space<vmem>>, vector<1x16xf32>,
        %get3A_1776 = vector.shape_cast %get3A_1775 : vector<1x16xf32> to vector<16xf32>
        %add3A_1777 = arith.addf %add3A_1725, %get3A_1776 : vector<16xf32>
        %add3A_1778 = arith.constant 1 : i32
        %add3A_1779 = arith.addi %add3A_1696, %add3A_1778 : i32
        %get3A_1780 = arith.index_cast %add3A_1779 : i32 to index
        %get3A_1781 = arith.constant 96 : index
        %get3A_1782 = tpu.vector_load %arg7[%get3A_1780, %get3A_1781] {strides = array<i32>} : memref<200x128xf32, #tpu.memory_space<vmem>>, vector<1x16xf32>,
        %get3A_1783 = vector.shape_cast %get3A_1782 : vector<1x16xf32> to vector<16xf32>
        %add3A_1784 = arith.addf %add3A_1730, %get3A_1783 : vector<16xf32>
        %add3A_1785 = arith.constant 1 : i32
        %add3A_1786 = arith.addi %add3A_1696, %add3A_1785 : i32
        %get3A_1787 = arith.index_cast %add3A_1786 : i32 to index
        %get3A_1788 = arith.constant 112 : index
        %get3A_1789 = tpu.vector_load %arg7[%get3A_1787, %get3A_1788] {strides = array<i32>} : memref<200x128xf32, #tpu.memory_space<vmem>>, vector<1x16xf32>,
        %get3A_1790 = vector.shape_cast %get3A_1789 : vector<1x16xf32> to vector<16xf32>
        %add3A_1791 = arith.addf %add3A_1735, %get3A_1790 : vector<16xf32>
        scf.yield %add3A_1742, %add3A_1749, %add3A_1756, %add3A_1763, %add3A_1770, %add3A_1777, %add3A_1784, %add3A_1791 : vector<16xf32>, vector<16xf32>, vector<16xf32>, vector<16xf32>, vector<16xf32>, vector<16xf32>, vector<16xf32>, vector<16xf32>
      }
      %scan3A_795 = arith.constant 25 : i32
      %mul3A_796 = arith.constant 2.000000e-02 : f32
      %mul3A_797 = vector.broadcast %mul3A_796 : f32 to vector<16xf32>
      %mul3A_798 = arith.mulf %scan3A_794#0, %mul3A_797 : vector<16xf32>
      %swap3A_799 = arith.constant 3 : i32
      %swap3A_800 = arith.index_cast %swap3A_799 : i32 to index
      %swap3A_801 = arith.constant 0 : index
      %swap3A_802 = tpu.vector_load %arg10[%swap3A_800, %swap3A_801] {strides = array<i32>} : memref<4x128xf32, #tpu.memory_space<vmem>>, vector<1x16xf32>,
      %swap3A_803 = vector.shape_cast %swap3A_802 : vector<1x16xf32> to vector<16xf32>
      %swap3A_804 = vector.shape_cast %mul3A_798 : vector<16xf32> to vector<1x16xf32>
      tpu.vector_store %arg10[%swap3A_800, %swap3A_801], %swap3A_804 {strides = array<i32>} : memref<4x128xf32, #tpu.memory_space<vmem>>, vector<1x16xf32>,
      %mul3A_805 = arith.constant 2.000000e-02 : f32
      %mul3A_806 = vector.broadcast %mul3A_805 : f32 to vector<16xf32>
      %mul3A_807 = arith.mulf %scan3A_794#1, %mul3A_806 : vector<16xf32>
      %swap3A_808 = arith.constant 3 : i32
      %swap3A_809 = arith.index_cast %swap3A_808 : i32 to index
      %swap3A_810 = arith.constant 16 : index
      %swap3A_811 = tpu.vector_load %arg10[%swap3A_809, %swap3A_810] {strides = array<i32>} : memref<4x128xf32, #tpu.memory_space<vmem>>, vector<1x16xf32>,
      %swap3A_812 = vector.shape_cast %swap3A_811 : vector<1x16xf32> to vector<16xf32>
      %swap3A_813 = vector.shape_cast %mul3A_807 : vector<16xf32> to vector<1x16xf32>
      tpu.vector_store %arg10[%swap3A_809, %swap3A_810], %swap3A_813 {strides = array<i32>} : memref<4x128xf32, #tpu.memory_space<vmem>>, vector<1x16xf32>,
      %mul3A_814 = arith.constant 2.000000e-02 : f32
      %mul3A_815 = vector.broadcast %mul3A_814 : f32 to vector<16xf32>
      %mul3A_816 = arith.mulf %scan3A_794#2, %mul3A_815 : vector<16xf32>
      %swap3A_817 = arith.constant 3 : i32
      %swap3A_818 = arith.index_cast %swap3A_817 : i32 to index
      %swap3A_819 = arith.constant 32 : index
      %swap3A_820 = tpu.vector_load %arg10[%swap3A_818, %swap3A_819] {strides = array<i32>} : memref<4x128xf32, #tpu.memory_space<vmem>>, vector<1x16xf32>,
      %swap3A_821 = vector.shape_cast %swap3A_820 : vector<1x16xf32> to vector<16xf32>
      %swap3A_822 = vector.shape_cast %mul3A_816 : vector<16xf32> to vector<1x16xf32>
      tpu.vector_store %arg10[%swap3A_818, %swap3A_819], %swap3A_822 {strides = array<i32>} : memref<4x128xf32, #tpu.memory_space<vmem>>, vector<1x16xf32>,
      %mul3A_823 = arith.constant 2.000000e-02 : f32
      %mul3A_824 = vector.broadcast %mul3A_823 : f32 to vector<16xf32>
      %mul3A_825 = arith.mulf %scan3A_794#3, %mul3A_824 : vector<16xf32>
      %swap3A_826 = arith.constant 3 : i32
      %swap3A_827 = arith.index_cast %swap3A_826 : i32 to index
      %swap3A_828 = arith.constant 48 : index
      %swap3A_829 = tpu.vector_load %arg10[%swap3A_827, %swap3A_828] {strides = array<i32>} : memref<4x128xf32, #tpu.memory_space<vmem>>, vector<1x16xf32>,
      %swap3A_830 = vector.shape_cast %swap3A_829 : vector<1x16xf32> to vector<16xf32>
      %swap3A_831 = vector.shape_cast %mul3A_825 : vector<16xf32> to vector<1x16xf32>
      tpu.vector_store %arg10[%swap3A_827, %swap3A_828], %swap3A_831 {strides = array<i32>} : memref<4x128xf32, #tpu.memory_space<vmem>>, vector<1x16xf32>,
      %mul3A_832 = arith.constant 2.000000e-02 : f32
      %mul3A_833 = vector.broadcast %mul3A_832 : f32 to vector<16xf32>
      %mul3A_834 = arith.mulf %scan3A_794#4, %mul3A_833 : vector<16xf32>
      %swap3A_835 = arith.constant 3 : i32
      %swap3A_836 = arith.index_cast %swap3A_835 : i32 to index
      %swap3A_837 = arith.constant 64 : index
      %swap3A_838 = tpu.vector_load %arg10[%swap3A_836, %swap3A_837] {strides = array<i32>} : memref<4x128xf32, #tpu.memory_space<vmem>>, vector<1x16xf32>,
      %swap3A_839 = vector.shape_cast %swap3A_838 : vector<1x16xf32> to vector<16xf32>
      %swap3A_840 = vector.shape_cast %mul3A_834 : vector<16xf32> to vector<1x16xf32>
      tpu.vector_store %arg10[%swap3A_836, %swap3A_837], %swap3A_840 {strides = array<i32>} : memref<4x128xf32, #tpu.memory_space<vmem>>, vector<1x16xf32>,
      %mul3A_841 = arith.constant 2.000000e-02 : f32
      %mul3A_842 = vector.broadcast %mul3A_841 : f32 to vector<16xf32>
      %mul3A_843 = arith.mulf %scan3A_794#5, %mul3A_842 : vector<16xf32>
      %swap3A_844 = arith.constant 3 : i32
      %swap3A_845 = arith.index_cast %swap3A_844 : i32 to index
      %swap3A_846 = arith.constant 80 : index
      %swap3A_847 = tpu.vector_load %arg10[%swap3A_845, %swap3A_846] {strides = array<i32>} : memref<4x128xf32, #tpu.memory_space<vmem>>, vector<1x16xf32>,
      %swap3A_848 = vector.shape_cast %swap3A_847 : vector<1x16xf32> to vector<16xf32>
      %swap3A_849 = vector.shape_cast %mul3A_843 : vector<16xf32> to vector<1x16xf32>
      tpu.vector_store %arg10[%swap3A_845, %swap3A_846], %swap3A_849 {strides = array<i32>} : memref<4x128xf32, #tpu.memory_space<vmem>>, vector<1x16xf32>,
      %mul3A_850 = arith.constant 2.000000e-02 : f32
      %mul3A_851 = vector.broadcast %mul3A_850 : f32 to vector<16xf32>
      %mul3A_852 = arith.mulf %scan3A_794#6, %mul3A_851 : vector<16xf32>
      %swap3A_853 = arith.constant 3 : i32
      %swap3A_854 = arith.index_cast %swap3A_853 : i32 to index
      %swap3A_855 = arith.constant 96 : index
      %swap3A_856 = tpu.vector_load %arg10[%swap3A_854, %swap3A_855] {strides = array<i32>} : memref<4x128xf32, #tpu.memory_space<vmem>>, vector<1x16xf32>,
      %swap3A_857 = vector.shape_cast %swap3A_856 : vector<1x16xf32> to vector<16xf32>
      %swap3A_858 = vector.shape_cast %mul3A_852 : vector<16xf32> to vector<1x16xf32>
      tpu.vector_store %arg10[%swap3A_854, %swap3A_855], %swap3A_858 {strides = array<i32>} : memref<4x128xf32, #tpu.memory_space<vmem>>, vector<1x16xf32>,
      %mul3A_859 = arith.constant 2.000000e-02 : f32
      %mul3A_860 = vector.broadcast %mul3A_859 : f32 to vector<16xf32>
      %mul3A_861 = arith.mulf %scan3A_794#7, %mul3A_860 : vector<16xf32>
      %swap3A_862 = arith.constant 3 : i32
      %swap3A_863 = arith.index_cast %swap3A_862 : i32 to index
      %swap3A_864 = arith.constant 112 : index
      %swap3A_865 = tpu.vector_load %arg10[%swap3A_863, %swap3A_864] {strides = array<i32>} : memref<4x128xf32, #tpu.memory_space<vmem>>, vector<1x16xf32>,
      %swap3A_866 = vector.shape_cast %swap3A_865 : vector<1x16xf32> to vector<16xf32>
      %swap3A_867 = vector.shape_cast %mul3A_861 : vector<16xf32> to vector<1x16xf32>
      tpu.vector_store %arg10[%swap3A_863, %swap3A_864], %swap3A_867 {strides = array<i32>} : memref<4x128xf32, #tpu.memory_space<vmem>>, vector<1x16xf32>,
      %mul3A_868 = arith.constant 4 : i32
      %mul3A_869 = arith.muli %add3A_475, %mul3A_868 : i32
      %add3A_870 = arith.addi %mul3A_2, %mul3A_869 : i32
      "tpu.region"() ({
        %run_scoped3A = tpu.sem_alloc : memref<!tpu.dma_semaphore, #tpu.memory_space<semaphore_mem>>
        %dma_start3A_1684 = arith.constant 0 : i32
        %dma_start3A_1685 = tpu.memref_slice %arg4[%add3A_870, %dma_start3A_1684] : memref<4096x128xf32, #tpu.memory_space<hbm>> -> memref<4x128xf32, #tpu.memory_space<hbm>>
        %dma_start3A_1686 = arith.constant 0 : i32
        %dma_start3A_1687 = tpu.memref_slice %arg4[%add3A_870, %dma_start3A_1686] : memref<4096x128xf32, #tpu.memory_space<hbm>> -> memref<4x128xf32, #tpu.memory_space<hbm>>
        tpu.enqueue_dma source(%arg10 : memref<4x128xf32, #tpu.memory_space<vmem>>) target(%dma_start3A_1687 : memref<4x128xf32, #tpu.memory_space<hbm>>) target_semaphore(%run_scoped3A : memref<!tpu.dma_semaphore, #tpu.memory_space<semaphore_mem>>)
        %dma_wait3A_1688 = arith.constant 0 : i32
        %dma_wait3A_1689 = tpu.memref_slice %arg4[%add3A_870, %dma_wait3A_1688] : memref<4096x128xf32, #tpu.memory_space<hbm>> -> memref<4x128xf32, #tpu.memory_space<hbm>>
        %dma_wait3A_1690 = arith.constant 0 : i32
        %dma_wait3A_1691 = tpu.memref_slice %arg4[%add3A_870, %dma_wait3A_1690] : memref<4096x128xf32, #tpu.memory_space<hbm>> -> memref<4x128xf32, #tpu.memory_space<hbm>>
        tpu.wait_dma2 semaphore(%run_scoped3A : memref<!tpu.dma_semaphore, #tpu.memory_space<semaphore_mem>>) src(%arg10 : memref<4x128xf32, #tpu.memory_space<vmem>>) dst(%dma_wait3A_1691 : memref<4x128xf32, #tpu.memory_space<hbm>>)
        tpu.yield
      }) : () -> ()
      %lt3A_871 = arith.constant 7 : i32
      %lt3A_872 = arith.cmpi slt, %scan3A_73, %lt3A_871 : i32
      %convert_element_type3A_873 = arith.extui %lt3A_872 : i1 to i32
      %cond3A_874 = arith.constant 0 : i32
      %cond3A_875 = arith.cmpi ne, %convert_element_type3A_873, %cond3A_874 : i32
      scf.if %cond3A_875 {
        %add3A_1684 = arith.constant 4 : i32
        %add3A_1685 = arith.addi %add3A_475, %add3A_1684 : i32
        %mul3A_1686 = arith.constant 4 : i32
        %mul3A_1687 = arith.muli %add3A_1685, %mul3A_1686 : i32
        %mul3A_1688 = arith.constant 50 : i32
        %mul3A_1689 = arith.muli %mul3A_1687, %mul3A_1688 : i32
        %dma_start3A_1690 = arith.constant 0 : i32
        %dma_start3A_1691 = arith.constant 0 : i32
        %dma_start3A_1692 = tpu.memref_slice %arg7[%dma_start3A_1690, %dma_start3A_1691] : memref<200x128xf32, #tpu.memory_space<vmem>> -> memref<104x128xf32, #tpu.memory_space<vmem>>
        %dma_start3A_1693 = tpu.memref_slice %arg5[%mul3A_1689] : memref<6400xi32, #tpu.memory_space<vmem>> -> memref<104xi32, #tpu.memory_space<vmem>>
        %dma_start3A_1694 = arith.constant 0 : i32
        %dma_start3A_1695 = arith.constant 0 : i32
        %dma_start3A_1696 = tpu.memref_slice %arg3[%dma_start3A_1694, %dma_start3A_1695] : memref<100000x128xf32, #tpu.memory_space<hbm>> -> memref<100000x128xf32, #tpu.memory_space<hbm>>
        tpu.enqueue_indirect_dma source(%dma_start3A_1696 : memref<100000x128xf32, #tpu.memory_space<hbm>>) target(%dma_start3A_1692 : memref<104x128xf32, #tpu.memory_space<vmem>>) offsets(%dma_start3A_1693 : memref<104xi32, #tpu.memory_space<vmem>>) semaphore(%arg12 : memref<!tpu.dma_semaphore, #tpu.memory_space<semaphore_mem>>)
        %add3A_1697 = arith.constant 104 : i32
        %add3A_1698 = arith.addi %mul3A_1689, %add3A_1697 : i32
        %dma_start3A_1699 = arith.constant 104 : i32
        %dma_start3A_1700 = arith.constant 0 : i32
        %dma_start3A_1701 = tpu.memref_slice %arg7[%dma_start3A_1699, %dma_start3A_1700] : memref<200x128xf32, #tpu.memory_space<vmem>> -> memref<96x128xf32, #tpu.memory_space<vmem>>
        %dma_start3A_1702 = tpu.memref_slice %arg5[%add3A_1698] : memref<6400xi32, #tpu.memory_space<vmem>> -> memref<96xi32, #tpu.memory_space<vmem>>
        %dma_start3A_1703 = arith.constant 0 : i32
        %dma_start3A_1704 = arith.constant 0 : i32
        %dma_start3A_1705 = tpu.memref_slice %arg3[%dma_start3A_1703, %dma_start3A_1704] : memref<100000x128xf32, #tpu.memory_space<hbm>> -> memref<100000x128xf32, #tpu.memory_space<hbm>>
        tpu.enqueue_indirect_dma source(%dma_start3A_1705 : memref<100000x128xf32, #tpu.memory_space<hbm>>) target(%dma_start3A_1701 : memref<96x128xf32, #tpu.memory_space<vmem>>) offsets(%dma_start3A_1702 : memref<96xi32, #tpu.memory_space<vmem>>) semaphore(%arg16 : memref<!tpu.dma_semaphore, #tpu.memory_space<semaphore_mem>>)
      } else {
      }
      %mul3A_876 = arith.constant 4 : i32
      %mul3A_877 = arith.muli %mul3A_876, %scan3A_73 : i32
      %add3A_878 = arith.constant 2 : i32
      %add3A_879 = arith.addi %mul3A_877, %add3A_878 : i32
      %dma_wait3A_880 = arith.constant 0 : i32
      %dma_wait3A_881 = arith.constant 0 : i32
      %dma_wait3A_882 = tpu.memref_slice %arg8[%dma_wait3A_880, %dma_wait3A_881] : memref<200x128xf32, #tpu.memory_space<vmem>> -> memref<104x128xf32, #tpu.memory_space<vmem>>
      %dma_wait3A_883 = arith.constant 0 : i32
      %dma_wait3A_884 = tpu.memref_slice %arg5[%dma_wait3A_883] : memref<6400xi32, #tpu.memory_space<vmem>> -> memref<104xi32, #tpu.memory_space<vmem>>
      %dma_wait3A_885 = arith.constant 0 : i32
      %dma_wait3A_886 = arith.constant 0 : i32
      %dma_wait3A_887 = tpu.memref_slice %arg3[%dma_wait3A_885, %dma_wait3A_886] : memref<100000x128xf32, #tpu.memory_space<hbm>> -> memref<100000x128xf32, #tpu.memory_space<hbm>>
      tpu.wait_indirect_dma semaphore(%arg13 : memref<!tpu.dma_semaphore, #tpu.memory_space<semaphore_mem>>) src(%dma_wait3A_887 : memref<100000x128xf32, #tpu.memory_space<hbm>>) dst(%dma_wait3A_882 : memref<104x128xf32, #tpu.memory_space<vmem>>)
      %dma_wait3A_888 = arith.constant 104 : i32
      %dma_wait3A_889 = arith.constant 0 : i32
      %dma_wait3A_890 = tpu.memref_slice %arg8[%dma_wait3A_888, %dma_wait3A_889] : memref<200x128xf32, #tpu.memory_space<vmem>> -> memref<96x128xf32, #tpu.memory_space<vmem>>
      %dma_wait3A_891 = arith.constant 0 : i32
      %dma_wait3A_892 = tpu.memref_slice %arg5[%dma_wait3A_891] : memref<6400xi32, #tpu.memory_space<vmem>> -> memref<96xi32, #tpu.memory_space<vmem>>
      %dma_wait3A_893 = arith.constant 0 : i32
      %dma_wait3A_894 = arith.constant 0 : i32
      %dma_wait3A_895 = tpu.memref_slice %arg3[%dma_wait3A_893, %dma_wait3A_894] : memref<100000x128xf32, #tpu.memory_space<hbm>> -> memref<100000x128xf32, #tpu.memory_space<hbm>>
      tpu.wait_indirect_dma semaphore(%arg17 : memref<!tpu.dma_semaphore, #tpu.memory_space<semaphore_mem>>) src(%dma_wait3A_895 : memref<100000x128xf32, #tpu.memory_space<hbm>>) dst(%dma_wait3A_890 : memref<96x128xf32, #tpu.memory_space<vmem>>)
      %broadcast_in_dim3A_896 = arith.constant 0.000000e+00 : f32
      %broadcast_in_dim3A_897 = vector.broadcast %broadcast_in_dim3A_896 : f32 to vector<16xf32>
      %broadcast_in_dim3A_898 = arith.constant 0.000000e+00 : f32
      %broadcast_in_dim3A_899 = vector.broadcast %broadcast_in_dim3A_898 : f32 to vector<16xf32>
      %broadcast_in_dim3A_900 = arith.constant 0.000000e+00 : f32
      %broadcast_in_dim3A_901 = vector.broadcast %broadcast_in_dim3A_900 : f32 to vector<16xf32>
      %broadcast_in_dim3A_902 = arith.constant 0.000000e+00 : f32
      %broadcast_in_dim3A_903 = vector.broadcast %broadcast_in_dim3A_902 : f32 to vector<16xf32>
      %broadcast_in_dim3A_904 = arith.constant 0.000000e+00 : f32
      %broadcast_in_dim3A_905 = vector.broadcast %broadcast_in_dim3A_904 : f32 to vector<16xf32>
      %broadcast_in_dim3A_906 = arith.constant 0.000000e+00 : f32
      %broadcast_in_dim3A_907 = vector.broadcast %broadcast_in_dim3A_906 : f32 to vector<16xf32>
      %broadcast_in_dim3A_908 = arith.constant 0.000000e+00 : f32
      %broadcast_in_dim3A_909 = vector.broadcast %broadcast_in_dim3A_908 : f32 to vector<16xf32>
      %broadcast_in_dim3A_910 = arith.constant 0.000000e+00 : f32
      %broadcast_in_dim3A_911 = vector.broadcast %broadcast_in_dim3A_910 : f32 to vector<16xf32>
      %scan3A_912 = arith.constant 0 : i32
      %scan3A_913 = arith.constant 25 : i32
      %scan3A_914 = arith.addi %scan3A_912, %scan3A_913 : i32
      %scan3A_915 = arith.constant 1 : i32
      %scan3A_916:8 = scf.for %scan3A_1684 = %scan3A_912 to %scan3A_914 step %scan3A_915 iter_args(%scan3A_1685 = %broadcast_in_dim3A_897, %scan3A_1686 = %broadcast_in_dim3A_899, %scan3A_1687 = %broadcast_in_dim3A_901, %scan3A_1688 = %broadcast_in_dim3A_903, %scan3A_1689 = %broadcast_in_dim3A_905, %scan3A_1690 = %broadcast_in_dim3A_907, %scan3A_1691 = %broadcast_in_dim3A_909, %scan3A_1692 = %broadcast_in_dim3A_911) -> (vector<16xf32>, vector<16xf32>, vector<16xf32>, vector<16xf32>, vector<16xf32>, vector<16xf32>, vector<16xf32>, vector<16xf32>)  : i32 {
        %mul3A_1693 = arith.constant 2 : i32
        %mul3A_1694 = arith.muli %mul3A_1693, %scan3A_1684 : i32
        %add3A_1695 = arith.constant 0 : i32
        %add3A_1696 = arith.addi %add3A_1695, %mul3A_1694 : i32
        %get3A = arith.index_cast %add3A_1696 : i32 to index
        %get3A_1697 = arith.constant 0 : index
        %get3A_1698 = tpu.vector_load %arg8[%get3A, %get3A_1697] {strides = array<i32>} : memref<200x128xf32, #tpu.memory_space<vmem>>, vector<1x16xf32>,
        %get3A_1699 = vector.shape_cast %get3A_1698 : vector<1x16xf32> to vector<16xf32>
        %add3A_1700 = arith.addf %scan3A_1685, %get3A_1699 : vector<16xf32>
        %get3A_1701 = arith.index_cast %add3A_1696 : i32 to index
        %get3A_1702 = arith.constant 16 : index
        %get3A_1703 = tpu.vector_load %arg8[%get3A_1701, %get3A_1702] {strides = array<i32>} : memref<200x128xf32, #tpu.memory_space<vmem>>, vector<1x16xf32>,
        %get3A_1704 = vector.shape_cast %get3A_1703 : vector<1x16xf32> to vector<16xf32>
        %add3A_1705 = arith.addf %scan3A_1686, %get3A_1704 : vector<16xf32>
        %get3A_1706 = arith.index_cast %add3A_1696 : i32 to index
        %get3A_1707 = arith.constant 32 : index
        %get3A_1708 = tpu.vector_load %arg8[%get3A_1706, %get3A_1707] {strides = array<i32>} : memref<200x128xf32, #tpu.memory_space<vmem>>, vector<1x16xf32>,
        %get3A_1709 = vector.shape_cast %get3A_1708 : vector<1x16xf32> to vector<16xf32>
        %add3A_1710 = arith.addf %scan3A_1687, %get3A_1709 : vector<16xf32>
        %get3A_1711 = arith.index_cast %add3A_1696 : i32 to index
        %get3A_1712 = arith.constant 48 : index
        %get3A_1713 = tpu.vector_load %arg8[%get3A_1711, %get3A_1712] {strides = array<i32>} : memref<200x128xf32, #tpu.memory_space<vmem>>, vector<1x16xf32>,
        %get3A_1714 = vector.shape_cast %get3A_1713 : vector<1x16xf32> to vector<16xf32>
        %add3A_1715 = arith.addf %scan3A_1688, %get3A_1714 : vector<16xf32>
        %get3A_1716 = arith.index_cast %add3A_1696 : i32 to index
        %get3A_1717 = arith.constant 64 : index
        %get3A_1718 = tpu.vector_load %arg8[%get3A_1716, %get3A_1717] {strides = array<i32>} : memref<200x128xf32, #tpu.memory_space<vmem>>, vector<1x16xf32>,
        %get3A_1719 = vector.shape_cast %get3A_1718 : vector<1x16xf32> to vector<16xf32>
        %add3A_1720 = arith.addf %scan3A_1689, %get3A_1719 : vector<16xf32>
        %get3A_1721 = arith.index_cast %add3A_1696 : i32 to index
        %get3A_1722 = arith.constant 80 : index
        %get3A_1723 = tpu.vector_load %arg8[%get3A_1721, %get3A_1722] {strides = array<i32>} : memref<200x128xf32, #tpu.memory_space<vmem>>, vector<1x16xf32>,
        %get3A_1724 = vector.shape_cast %get3A_1723 : vector<1x16xf32> to vector<16xf32>
        %add3A_1725 = arith.addf %scan3A_1690, %get3A_1724 : vector<16xf32>
        %get3A_1726 = arith.index_cast %add3A_1696 : i32 to index
        %get3A_1727 = arith.constant 96 : index
        %get3A_1728 = tpu.vector_load %arg8[%get3A_1726, %get3A_1727] {strides = array<i32>} : memref<200x128xf32, #tpu.memory_space<vmem>>, vector<1x16xf32>,
        %get3A_1729 = vector.shape_cast %get3A_1728 : vector<1x16xf32> to vector<16xf32>
        %add3A_1730 = arith.addf %scan3A_1691, %get3A_1729 : vector<16xf32>
        %get3A_1731 = arith.index_cast %add3A_1696 : i32 to index
        %get3A_1732 = arith.constant 112 : index
        %get3A_1733 = tpu.vector_load %arg8[%get3A_1731, %get3A_1732] {strides = array<i32>} : memref<200x128xf32, #tpu.memory_space<vmem>>, vector<1x16xf32>,
        %get3A_1734 = vector.shape_cast %get3A_1733 : vector<1x16xf32> to vector<16xf32>
        %add3A_1735 = arith.addf %scan3A_1692, %get3A_1734 : vector<16xf32>
        %add3A_1736 = arith.constant 1 : i32
        %add3A_1737 = arith.addi %add3A_1696, %add3A_1736 : i32
        %get3A_1738 = arith.index_cast %add3A_1737 : i32 to index
        %get3A_1739 = arith.constant 0 : index
        %get3A_1740 = tpu.vector_load %arg8[%get3A_1738, %get3A_1739] {strides = array<i32>} : memref<200x128xf32, #tpu.memory_space<vmem>>, vector<1x16xf32>,
        %get3A_1741 = vector.shape_cast %get3A_1740 : vector<1x16xf32> to vector<16xf32>
        %add3A_1742 = arith.addf %add3A_1700, %get3A_1741 : vector<16xf32>
        %add3A_1743 = arith.constant 1 : i32
        %add3A_1744 = arith.addi %add3A_1696, %add3A_1743 : i32
        %get3A_1745 = arith.index_cast %add3A_1744 : i32 to index
        %get3A_1746 = arith.constant 16 : index
        %get3A_1747 = tpu.vector_load %arg8[%get3A_1745, %get3A_1746] {strides = array<i32>} : memref<200x128xf32, #tpu.memory_space<vmem>>, vector<1x16xf32>,
        %get3A_1748 = vector.shape_cast %get3A_1747 : vector<1x16xf32> to vector<16xf32>
        %add3A_1749 = arith.addf %add3A_1705, %get3A_1748 : vector<16xf32>
        %add3A_1750 = arith.constant 1 : i32
        %add3A_1751 = arith.addi %add3A_1696, %add3A_1750 : i32
        %get3A_1752 = arith.index_cast %add3A_1751 : i32 to index
        %get3A_1753 = arith.constant 32 : index
        %get3A_1754 = tpu.vector_load %arg8[%get3A_1752, %get3A_1753] {strides = array<i32>} : memref<200x128xf32, #tpu.memory_space<vmem>>, vector<1x16xf32>,
        %get3A_1755 = vector.shape_cast %get3A_1754 : vector<1x16xf32> to vector<16xf32>
        %add3A_1756 = arith.addf %add3A_1710, %get3A_1755 : vector<16xf32>
        %add3A_1757 = arith.constant 1 : i32
        %add3A_1758 = arith.addi %add3A_1696, %add3A_1757 : i32
        %get3A_1759 = arith.index_cast %add3A_1758 : i32 to index
        %get3A_1760 = arith.constant 48 : index
        %get3A_1761 = tpu.vector_load %arg8[%get3A_1759, %get3A_1760] {strides = array<i32>} : memref<200x128xf32, #tpu.memory_space<vmem>>, vector<1x16xf32>,
        %get3A_1762 = vector.shape_cast %get3A_1761 : vector<1x16xf32> to vector<16xf32>
        %add3A_1763 = arith.addf %add3A_1715, %get3A_1762 : vector<16xf32>
        %add3A_1764 = arith.constant 1 : i32
        %add3A_1765 = arith.addi %add3A_1696, %add3A_1764 : i32
        %get3A_1766 = arith.index_cast %add3A_1765 : i32 to index
        %get3A_1767 = arith.constant 64 : index
        %get3A_1768 = tpu.vector_load %arg8[%get3A_1766, %get3A_1767] {strides = array<i32>} : memref<200x128xf32, #tpu.memory_space<vmem>>, vector<1x16xf32>,
        %get3A_1769 = vector.shape_cast %get3A_1768 : vector<1x16xf32> to vector<16xf32>
        %add3A_1770 = arith.addf %add3A_1720, %get3A_1769 : vector<16xf32>
        %add3A_1771 = arith.constant 1 : i32
        %add3A_1772 = arith.addi %add3A_1696, %add3A_1771 : i32
        %get3A_1773 = arith.index_cast %add3A_1772 : i32 to index
        %get3A_1774 = arith.constant 80 : index
        %get3A_1775 = tpu.vector_load %arg8[%get3A_1773, %get3A_1774] {strides = array<i32>} : memref<200x128xf32, #tpu.memory_space<vmem>>, vector<1x16xf32>,
        %get3A_1776 = vector.shape_cast %get3A_1775 : vector<1x16xf32> to vector<16xf32>
        %add3A_1777 = arith.addf %add3A_1725, %get3A_1776 : vector<16xf32>
        %add3A_1778 = arith.constant 1 : i32
        %add3A_1779 = arith.addi %add3A_1696, %add3A_1778 : i32
        %get3A_1780 = arith.index_cast %add3A_1779 : i32 to index
        %get3A_1781 = arith.constant 96 : index
        %get3A_1782 = tpu.vector_load %arg8[%get3A_1780, %get3A_1781] {strides = array<i32>} : memref<200x128xf32, #tpu.memory_space<vmem>>, vector<1x16xf32>,
        %get3A_1783 = vector.shape_cast %get3A_1782 : vector<1x16xf32> to vector<16xf32>
        %add3A_1784 = arith.addf %add3A_1730, %get3A_1783 : vector<16xf32>
        %add3A_1785 = arith.constant 1 : i32
        %add3A_1786 = arith.addi %add3A_1696, %add3A_1785 : i32
        %get3A_1787 = arith.index_cast %add3A_1786 : i32 to index
        %get3A_1788 = arith.constant 112 : index
        %get3A_1789 = tpu.vector_load %arg8[%get3A_1787, %get3A_1788] {strides = array<i32>} : memref<200x128xf32, #tpu.memory_space<vmem>>, vector<1x16xf32>,
        %get3A_1790 = vector.shape_cast %get3A_1789 : vector<1x16xf32> to vector<16xf32>
        %add3A_1791 = arith.addf %add3A_1735, %get3A_1790 : vector<16xf32>
        scf.yield %add3A_1742, %add3A_1749, %add3A_1756, %add3A_1763, %add3A_1770, %add3A_1777, %add3A_1784, %add3A_1791 : vector<16xf32>, vector<16xf32>, vector<16xf32>, vector<16xf32>, vector<16xf32>, vector<16xf32>, vector<16xf32>, vector<16xf32>
      }
      %scan3A_917 = arith.constant 25 : i32
      %mul3A_918 = arith.constant 2.000000e-02 : f32
      %mul3A_919 = vector.broadcast %mul3A_918 : f32 to vector<16xf32>
      %mul3A_920 = arith.mulf %scan3A_916#0, %mul3A_919 : vector<16xf32>
      %swap3A_921 = arith.constant 0 : i32
      %swap3A_922 = arith.index_cast %swap3A_921 : i32 to index
      %swap3A_923 = arith.constant 0 : index
      %swap3A_924 = tpu.vector_load %arg10[%swap3A_922, %swap3A_923] {strides = array<i32>} : memref<4x128xf32, #tpu.memory_space<vmem>>, vector<1x16xf32>,
      %swap3A_925 = vector.shape_cast %swap3A_924 : vector<1x16xf32> to vector<16xf32>
      %swap3A_926 = vector.shape_cast %mul3A_920 : vector<16xf32> to vector<1x16xf32>
      tpu.vector_store %arg10[%swap3A_922, %swap3A_923], %swap3A_926 {strides = array<i32>} : memref<4x128xf32, #tpu.memory_space<vmem>>, vector<1x16xf32>,
      %mul3A_927 = arith.constant 2.000000e-02 : f32
      %mul3A_928 = vector.broadcast %mul3A_927 : f32 to vector<16xf32>
      %mul3A_929 = arith.mulf %scan3A_916#1, %mul3A_928 : vector<16xf32>
      %swap3A_930 = arith.constant 0 : i32
      %swap3A_931 = arith.index_cast %swap3A_930 : i32 to index
      %swap3A_932 = arith.constant 16 : index
      %swap3A_933 = tpu.vector_load %arg10[%swap3A_931, %swap3A_932] {strides = array<i32>} : memref<4x128xf32, #tpu.memory_space<vmem>>, vector<1x16xf32>,
      %swap3A_934 = vector.shape_cast %swap3A_933 : vector<1x16xf32> to vector<16xf32>
      %swap3A_935 = vector.shape_cast %mul3A_929 : vector<16xf32> to vector<1x16xf32>
      tpu.vector_store %arg10[%swap3A_931, %swap3A_932], %swap3A_935 {strides = array<i32>} : memref<4x128xf32, #tpu.memory_space<vmem>>, vector<1x16xf32>,
      %mul3A_936 = arith.constant 2.000000e-02 : f32
      %mul3A_937 = vector.broadcast %mul3A_936 : f32 to vector<16xf32>
      %mul3A_938 = arith.mulf %scan3A_916#2, %mul3A_937 : vector<16xf32>
      %swap3A_939 = arith.constant 0 : i32
      %swap3A_940 = arith.index_cast %swap3A_939 : i32 to index
      %swap3A_941 = arith.constant 32 : index
      %swap3A_942 = tpu.vector_load %arg10[%swap3A_940, %swap3A_941] {strides = array<i32>} : memref<4x128xf32, #tpu.memory_space<vmem>>, vector<1x16xf32>,
      %swap3A_943 = vector.shape_cast %swap3A_942 : vector<1x16xf32> to vector<16xf32>
      %swap3A_944 = vector.shape_cast %mul3A_938 : vector<16xf32> to vector<1x16xf32>
      tpu.vector_store %arg10[%swap3A_940, %swap3A_941], %swap3A_944 {strides = array<i32>} : memref<4x128xf32, #tpu.memory_space<vmem>>, vector<1x16xf32>,
      %mul3A_945 = arith.constant 2.000000e-02 : f32
      %mul3A_946 = vector.broadcast %mul3A_945 : f32 to vector<16xf32>
      %mul3A_947 = arith.mulf %scan3A_916#3, %mul3A_946 : vector<16xf32>
      %swap3A_948 = arith.constant 0 : i32
      %swap3A_949 = arith.index_cast %swap3A_948 : i32 to index
      %swap3A_950 = arith.constant 48 : index
      %swap3A_951 = tpu.vector_load %arg10[%swap3A_949, %swap3A_950] {strides = array<i32>} : memref<4x128xf32, #tpu.memory_space<vmem>>, vector<1x16xf32>,
      %swap3A_952 = vector.shape_cast %swap3A_951 : vector<1x16xf32> to vector<16xf32>
      %swap3A_953 = vector.shape_cast %mul3A_947 : vector<16xf32> to vector<1x16xf32>
      tpu.vector_store %arg10[%swap3A_949, %swap3A_950], %swap3A_953 {strides = array<i32>} : memref<4x128xf32, #tpu.memory_space<vmem>>, vector<1x16xf32>,
      %mul3A_954 = arith.constant 2.000000e-02 : f32
      %mul3A_955 = vector.broadcast %mul3A_954 : f32 to vector<16xf32>
      %mul3A_956 = arith.mulf %scan3A_916#4, %mul3A_955 : vector<16xf32>
      %swap3A_957 = arith.constant 0 : i32
      %swap3A_958 = arith.index_cast %swap3A_957 : i32 to index
      %swap3A_959 = arith.constant 64 : index
      %swap3A_960 = tpu.vector_load %arg10[%swap3A_958, %swap3A_959] {strides = array<i32>} : memref<4x128xf32, #tpu.memory_space<vmem>>, vector<1x16xf32>,
      %swap3A_961 = vector.shape_cast %swap3A_960 : vector<1x16xf32> to vector<16xf32>
      %swap3A_962 = vector.shape_cast %mul3A_956 : vector<16xf32> to vector<1x16xf32>
      tpu.vector_store %arg10[%swap3A_958, %swap3A_959], %swap3A_962 {strides = array<i32>} : memref<4x128xf32, #tpu.memory_space<vmem>>, vector<1x16xf32>,
      %mul3A_963 = arith.constant 2.000000e-02 : f32
      %mul3A_964 = vector.broadcast %mul3A_963 : f32 to vector<16xf32>
      %mul3A_965 = arith.mulf %scan3A_916#5, %mul3A_964 : vector<16xf32>
      %swap3A_966 = arith.constant 0 : i32
      %swap3A_967 = arith.index_cast %swap3A_966 : i32 to index
      %swap3A_968 = arith.constant 80 : index
      %swap3A_969 = tpu.vector_load %arg10[%swap3A_967, %swap3A_968] {strides = array<i32>} : memref<4x128xf32, #tpu.memory_space<vmem>>, vector<1x16xf32>,
      %swap3A_970 = vector.shape_cast %swap3A_969 : vector<1x16xf32> to vector<16xf32>
      %swap3A_971 = vector.shape_cast %mul3A_965 : vector<16xf32> to vector<1x16xf32>
      tpu.vector_store %arg10[%swap3A_967, %swap3A_968], %swap3A_971 {strides = array<i32>} : memref<4x128xf32, #tpu.memory_space<vmem>>, vector<1x16xf32>,
      %mul3A_972 = arith.constant 2.000000e-02 : f32
      %mul3A_973 = vector.broadcast %mul3A_972 : f32 to vector<16xf32>
      %mul3A_974 = arith.mulf %scan3A_916#6, %mul3A_973 : vector<16xf32>
      %swap3A_975 = arith.constant 0 : i32
      %swap3A_976 = arith.index_cast %swap3A_975 : i32 to index
      %swap3A_977 = arith.constant 96 : index
      %swap3A_978 = tpu.vector_load %arg10[%swap3A_976, %swap3A_977] {strides = array<i32>} : memref<4x128xf32, #tpu.memory_space<vmem>>, vector<1x16xf32>,
      %swap3A_979 = vector.shape_cast %swap3A_978 : vector<1x16xf32> to vector<16xf32>
      %swap3A_980 = vector.shape_cast %mul3A_974 : vector<16xf32> to vector<1x16xf32>
      tpu.vector_store %arg10[%swap3A_976, %swap3A_977], %swap3A_980 {strides = array<i32>} : memref<4x128xf32, #tpu.memory_space<vmem>>, vector<1x16xf32>,
      %mul3A_981 = arith.constant 2.000000e-02 : f32
      %mul3A_982 = vector.broadcast %mul3A_981 : f32 to vector<16xf32>
      %mul3A_983 = arith.mulf %scan3A_916#7, %mul3A_982 : vector<16xf32>
      %swap3A_984 = arith.constant 0 : i32
      %swap3A_985 = arith.index_cast %swap3A_984 : i32 to index
      %swap3A_986 = arith.constant 112 : index
      %swap3A_987 = tpu.vector_load %arg10[%swap3A_985, %swap3A_986] {strides = array<i32>} : memref<4x128xf32, #tpu.memory_space<vmem>>, vector<1x16xf32>,
      %swap3A_988 = vector.shape_cast %swap3A_987 : vector<1x16xf32> to vector<16xf32>
      %swap3A_989 = vector.shape_cast %mul3A_983 : vector<16xf32> to vector<1x16xf32>
      tpu.vector_store %arg10[%swap3A_985, %swap3A_986], %swap3A_989 {strides = array<i32>} : memref<4x128xf32, #tpu.memory_space<vmem>>, vector<1x16xf32>,
      %broadcast_in_dim3A_990 = arith.constant 0.000000e+00 : f32
      %broadcast_in_dim3A_991 = vector.broadcast %broadcast_in_dim3A_990 : f32 to vector<16xf32>
      %broadcast_in_dim3A_992 = arith.constant 0.000000e+00 : f32
      %broadcast_in_dim3A_993 = vector.broadcast %broadcast_in_dim3A_992 : f32 to vector<16xf32>
      %broadcast_in_dim3A_994 = arith.constant 0.000000e+00 : f32
      %broadcast_in_dim3A_995 = vector.broadcast %broadcast_in_dim3A_994 : f32 to vector<16xf32>
      %broadcast_in_dim3A_996 = arith.constant 0.000000e+00 : f32
      %broadcast_in_dim3A_997 = vector.broadcast %broadcast_in_dim3A_996 : f32 to vector<16xf32>
      %broadcast_in_dim3A_998 = arith.constant 0.000000e+00 : f32
      %broadcast_in_dim3A_999 = vector.broadcast %broadcast_in_dim3A_998 : f32 to vector<16xf32>
      %broadcast_in_dim3A_1000 = arith.constant 0.000000e+00 : f32
      %broadcast_in_dim3A_1001 = vector.broadcast %broadcast_in_dim3A_1000 : f32 to vector<16xf32>
      %broadcast_in_dim3A_1002 = arith.constant 0.000000e+00 : f32
      %broadcast_in_dim3A_1003 = vector.broadcast %broadcast_in_dim3A_1002 : f32 to vector<16xf32>
      %broadcast_in_dim3A_1004 = arith.constant 0.000000e+00 : f32
      %broadcast_in_dim3A_1005 = vector.broadcast %broadcast_in_dim3A_1004 : f32 to vector<16xf32>
      %scan3A_1006 = arith.constant 0 : i32
      %scan3A_1007 = arith.constant 25 : i32
      %scan3A_1008 = arith.addi %scan3A_1006, %scan3A_1007 : i32
      %scan3A_1009 = arith.constant 1 : i32
      %scan3A_1010:8 = scf.for %scan3A_1684 = %scan3A_1006 to %scan3A_1008 step %scan3A_1009 iter_args(%scan3A_1685 = %broadcast_in_dim3A_991, %scan3A_1686 = %broadcast_in_dim3A_993, %scan3A_1687 = %broadcast_in_dim3A_995, %scan3A_1688 = %broadcast_in_dim3A_997, %scan3A_1689 = %broadcast_in_dim3A_999, %scan3A_1690 = %broadcast_in_dim3A_1001, %scan3A_1691 = %broadcast_in_dim3A_1003, %scan3A_1692 = %broadcast_in_dim3A_1005) -> (vector<16xf32>, vector<16xf32>, vector<16xf32>, vector<16xf32>, vector<16xf32>, vector<16xf32>, vector<16xf32>, vector<16xf32>)  : i32 {
        %mul3A_1693 = arith.constant 2 : i32
        %mul3A_1694 = arith.muli %mul3A_1693, %scan3A_1684 : i32
        %add3A_1695 = arith.constant 50 : i32
        %add3A_1696 = arith.addi %add3A_1695, %mul3A_1694 : i32
        %get3A = arith.index_cast %add3A_1696 : i32 to index
        %get3A_1697 = arith.constant 0 : index
        %get3A_1698 = tpu.vector_load %arg8[%get3A, %get3A_1697] {strides = array<i32>} : memref<200x128xf32, #tpu.memory_space<vmem>>, vector<1x16xf32>,
        %get3A_1699 = vector.shape_cast %get3A_1698 : vector<1x16xf32> to vector<16xf32>
        %add3A_1700 = arith.addf %scan3A_1685, %get3A_1699 : vector<16xf32>
        %get3A_1701 = arith.index_cast %add3A_1696 : i32 to index
        %get3A_1702 = arith.constant 16 : index
        %get3A_1703 = tpu.vector_load %arg8[%get3A_1701, %get3A_1702] {strides = array<i32>} : memref<200x128xf32, #tpu.memory_space<vmem>>, vector<1x16xf32>,
        %get3A_1704 = vector.shape_cast %get3A_1703 : vector<1x16xf32> to vector<16xf32>
        %add3A_1705 = arith.addf %scan3A_1686, %get3A_1704 : vector<16xf32>
        %get3A_1706 = arith.index_cast %add3A_1696 : i32 to index
        %get3A_1707 = arith.constant 32 : index
        %get3A_1708 = tpu.vector_load %arg8[%get3A_1706, %get3A_1707] {strides = array<i32>} : memref<200x128xf32, #tpu.memory_space<vmem>>, vector<1x16xf32>,
        %get3A_1709 = vector.shape_cast %get3A_1708 : vector<1x16xf32> to vector<16xf32>
        %add3A_1710 = arith.addf %scan3A_1687, %get3A_1709 : vector<16xf32>
        %get3A_1711 = arith.index_cast %add3A_1696 : i32 to index
        %get3A_1712 = arith.constant 48 : index
        %get3A_1713 = tpu.vector_load %arg8[%get3A_1711, %get3A_1712] {strides = array<i32>} : memref<200x128xf32, #tpu.memory_space<vmem>>, vector<1x16xf32>,
        %get3A_1714 = vector.shape_cast %get3A_1713 : vector<1x16xf32> to vector<16xf32>
        %add3A_1715 = arith.addf %scan3A_1688, %get3A_1714 : vector<16xf32>
        %get3A_1716 = arith.index_cast %add3A_1696 : i32 to index
        %get3A_1717 = arith.constant 64 : index
        %get3A_1718 = tpu.vector_load %arg8[%get3A_1716, %get3A_1717] {strides = array<i32>} : memref<200x128xf32, #tpu.memory_space<vmem>>, vector<1x16xf32>,
        %get3A_1719 = vector.shape_cast %get3A_1718 : vector<1x16xf32> to vector<16xf32>
        %add3A_1720 = arith.addf %scan3A_1689, %get3A_1719 : vector<16xf32>
        %get3A_1721 = arith.index_cast %add3A_1696 : i32 to index
        %get3A_1722 = arith.constant 80 : index
        %get3A_1723 = tpu.vector_load %arg8[%get3A_1721, %get3A_1722] {strides = array<i32>} : memref<200x128xf32, #tpu.memory_space<vmem>>, vector<1x16xf32>,
        %get3A_1724 = vector.shape_cast %get3A_1723 : vector<1x16xf32> to vector<16xf32>
        %add3A_1725 = arith.addf %scan3A_1690, %get3A_1724 : vector<16xf32>
        %get3A_1726 = arith.index_cast %add3A_1696 : i32 to index
        %get3A_1727 = arith.constant 96 : index
        %get3A_1728 = tpu.vector_load %arg8[%get3A_1726, %get3A_1727] {strides = array<i32>} : memref<200x128xf32, #tpu.memory_space<vmem>>, vector<1x16xf32>,
        %get3A_1729 = vector.shape_cast %get3A_1728 : vector<1x16xf32> to vector<16xf32>
        %add3A_1730 = arith.addf %scan3A_1691, %get3A_1729 : vector<16xf32>
        %get3A_1731 = arith.index_cast %add3A_1696 : i32 to index
        %get3A_1732 = arith.constant 112 : index
        %get3A_1733 = tpu.vector_load %arg8[%get3A_1731, %get3A_1732] {strides = array<i32>} : memref<200x128xf32, #tpu.memory_space<vmem>>, vector<1x16xf32>,
        %get3A_1734 = vector.shape_cast %get3A_1733 : vector<1x16xf32> to vector<16xf32>
        %add3A_1735 = arith.addf %scan3A_1692, %get3A_1734 : vector<16xf32>
        %add3A_1736 = arith.constant 1 : i32
        %add3A_1737 = arith.addi %add3A_1696, %add3A_1736 : i32
        %get3A_1738 = arith.index_cast %add3A_1737 : i32 to index
        %get3A_1739 = arith.constant 0 : index
        %get3A_1740 = tpu.vector_load %arg8[%get3A_1738, %get3A_1739] {strides = array<i32>} : memref<200x128xf32, #tpu.memory_space<vmem>>, vector<1x16xf32>,
        %get3A_1741 = vector.shape_cast %get3A_1740 : vector<1x16xf32> to vector<16xf32>
        %add3A_1742 = arith.addf %add3A_1700, %get3A_1741 : vector<16xf32>
        %add3A_1743 = arith.constant 1 : i32
        %add3A_1744 = arith.addi %add3A_1696, %add3A_1743 : i32
        %get3A_1745 = arith.index_cast %add3A_1744 : i32 to index
        %get3A_1746 = arith.constant 16 : index
        %get3A_1747 = tpu.vector_load %arg8[%get3A_1745, %get3A_1746] {strides = array<i32>} : memref<200x128xf32, #tpu.memory_space<vmem>>, vector<1x16xf32>,
        %get3A_1748 = vector.shape_cast %get3A_1747 : vector<1x16xf32> to vector<16xf32>
        %add3A_1749 = arith.addf %add3A_1705, %get3A_1748 : vector<16xf32>
        %add3A_1750 = arith.constant 1 : i32
        %add3A_1751 = arith.addi %add3A_1696, %add3A_1750 : i32
        %get3A_1752 = arith.index_cast %add3A_1751 : i32 to index
        %get3A_1753 = arith.constant 32 : index
        %get3A_1754 = tpu.vector_load %arg8[%get3A_1752, %get3A_1753] {strides = array<i32>} : memref<200x128xf32, #tpu.memory_space<vmem>>, vector<1x16xf32>,
        %get3A_1755 = vector.shape_cast %get3A_1754 : vector<1x16xf32> to vector<16xf32>
        %add3A_1756 = arith.addf %add3A_1710, %get3A_1755 : vector<16xf32>
        %add3A_1757 = arith.constant 1 : i32
        %add3A_1758 = arith.addi %add3A_1696, %add3A_1757 : i32
        %get3A_1759 = arith.index_cast %add3A_1758 : i32 to index
        %get3A_1760 = arith.constant 48 : index
        %get3A_1761 = tpu.vector_load %arg8[%get3A_1759, %get3A_1760] {strides = array<i32>} : memref<200x128xf32, #tpu.memory_space<vmem>>, vector<1x16xf32>,
        %get3A_1762 = vector.shape_cast %get3A_1761 : vector<1x16xf32> to vector<16xf32>
        %add3A_1763 = arith.addf %add3A_1715, %get3A_1762 : vector<16xf32>
        %add3A_1764 = arith.constant 1 : i32
        %add3A_1765 = arith.addi %add3A_1696, %add3A_1764 : i32
        %get3A_1766 = arith.index_cast %add3A_1765 : i32 to index
        %get3A_1767 = arith.constant 64 : index
        %get3A_1768 = tpu.vector_load %arg8[%get3A_1766, %get3A_1767] {strides = array<i32>} : memref<200x128xf32, #tpu.memory_space<vmem>>, vector<1x16xf32>,
        %get3A_1769 = vector.shape_cast %get3A_1768 : vector<1x16xf32> to vector<16xf32>
        %add3A_1770 = arith.addf %add3A_1720, %get3A_1769 : vector<16xf32>
        %add3A_1771 = arith.constant 1 : i32
        %add3A_1772 = arith.addi %add3A_1696, %add3A_1771 : i32
        %get3A_1773 = arith.index_cast %add3A_1772 : i32 to index
        %get3A_1774 = arith.constant 80 : index
        %get3A_1775 = tpu.vector_load %arg8[%get3A_1773, %get3A_1774] {strides = array<i32>} : memref<200x128xf32, #tpu.memory_space<vmem>>, vector<1x16xf32>,
        %get3A_1776 = vector.shape_cast %get3A_1775 : vector<1x16xf32> to vector<16xf32>
        %add3A_1777 = arith.addf %add3A_1725, %get3A_1776 : vector<16xf32>
        %add3A_1778 = arith.constant 1 : i32
        %add3A_1779 = arith.addi %add3A_1696, %add3A_1778 : i32
        %get3A_1780 = arith.index_cast %add3A_1779 : i32 to index
        %get3A_1781 = arith.constant 96 : index
        %get3A_1782 = tpu.vector_load %arg8[%get3A_1780, %get3A_1781] {strides = array<i32>} : memref<200x128xf32, #tpu.memory_space<vmem>>, vector<1x16xf32>,
        %get3A_1783 = vector.shape_cast %get3A_1782 : vector<1x16xf32> to vector<16xf32>
        %add3A_1784 = arith.addf %add3A_1730, %get3A_1783 : vector<16xf32>
        %add3A_1785 = arith.constant 1 : i32
        %add3A_1786 = arith.addi %add3A_1696, %add3A_1785 : i32
        %get3A_1787 = arith.index_cast %add3A_1786 : i32 to index
        %get3A_1788 = arith.constant 112 : index
        %get3A_1789 = tpu.vector_load %arg8[%get3A_1787, %get3A_1788] {strides = array<i32>} : memref<200x128xf32, #tpu.memory_space<vmem>>, vector<1x16xf32>,
        %get3A_1790 = vector.shape_cast %get3A_1789 : vector<1x16xf32> to vector<16xf32>
        %add3A_1791 = arith.addf %add3A_1735, %get3A_1790 : vector<16xf32>
        scf.yield %add3A_1742, %add3A_1749, %add3A_1756, %add3A_1763, %add3A_1770, %add3A_1777, %add3A_1784, %add3A_1791 : vector<16xf32>, vector<16xf32>, vector<16xf32>, vector<16xf32>, vector<16xf32>, vector<16xf32>, vector<16xf32>, vector<16xf32>
      }
      %scan3A_1011 = arith.constant 25 : i32
      %mul3A_1012 = arith.constant 2.000000e-02 : f32
      %mul3A_1013 = vector.broadcast %mul3A_1012 : f32 to vector<16xf32>
      %mul3A_1014 = arith.mulf %scan3A_1010#0, %mul3A_1013 : vector<16xf32>
      %swap3A_1015 = arith.constant 1 : i32
      %swap3A_1016 = arith.index_cast %swap3A_1015 : i32 to index
      %swap3A_1017 = arith.constant 0 : index
      %swap3A_1018 = tpu.vector_load %arg10[%swap3A_1016, %swap3A_1017] {strides = array<i32>} : memref<4x128xf32, #tpu.memory_space<vmem>>, vector<1x16xf32>,
      %swap3A_1019 = vector.shape_cast %swap3A_1018 : vector<1x16xf32> to vector<16xf32>
      %swap3A_1020 = vector.shape_cast %mul3A_1014 : vector<16xf32> to vector<1x16xf32>
      tpu.vector_store %arg10[%swap3A_1016, %swap3A_1017], %swap3A_1020 {strides = array<i32>} : memref<4x128xf32, #tpu.memory_space<vmem>>, vector<1x16xf32>,
      %mul3A_1021 = arith.constant 2.000000e-02 : f32
      %mul3A_1022 = vector.broadcast %mul3A_1021 : f32 to vector<16xf32>
      %mul3A_1023 = arith.mulf %scan3A_1010#1, %mul3A_1022 : vector<16xf32>
      %swap3A_1024 = arith.constant 1 : i32
      %swap3A_1025 = arith.index_cast %swap3A_1024 : i32 to index
      %swap3A_1026 = arith.constant 16 : index
      %swap3A_1027 = tpu.vector_load %arg10[%swap3A_1025, %swap3A_1026] {strides = array<i32>} : memref<4x128xf32, #tpu.memory_space<vmem>>, vector<1x16xf32>,
      %swap3A_1028 = vector.shape_cast %swap3A_1027 : vector<1x16xf32> to vector<16xf32>
      %swap3A_1029 = vector.shape_cast %mul3A_1023 : vector<16xf32> to vector<1x16xf32>
      tpu.vector_store %arg10[%swap3A_1025, %swap3A_1026], %swap3A_1029 {strides = array<i32>} : memref<4x128xf32, #tpu.memory_space<vmem>>, vector<1x16xf32>,
      %mul3A_1030 = arith.constant 2.000000e-02 : f32
      %mul3A_1031 = vector.broadcast %mul3A_1030 : f32 to vector<16xf32>
      %mul3A_1032 = arith.mulf %scan3A_1010#2, %mul3A_1031 : vector<16xf32>
      %swap3A_1033 = arith.constant 1 : i32
      %swap3A_1034 = arith.index_cast %swap3A_1033 : i32 to index
      %swap3A_1035 = arith.constant 32 : index
      %swap3A_1036 = tpu.vector_load %arg10[%swap3A_1034, %swap3A_1035] {strides = array<i32>} : memref<4x128xf32, #tpu.memory_space<vmem>>, vector<1x16xf32>,
      %swap3A_1037 = vector.shape_cast %swap3A_1036 : vector<1x16xf32> to vector<16xf32>
      %swap3A_1038 = vector.shape_cast %mul3A_1032 : vector<16xf32> to vector<1x16xf32>
      tpu.vector_store %arg10[%swap3A_1034, %swap3A_1035], %swap3A_1038 {strides = array<i32>} : memref<4x128xf32, #tpu.memory_space<vmem>>, vector<1x16xf32>,
      %mul3A_1039 = arith.constant 2.000000e-02 : f32
      %mul3A_1040 = vector.broadcast %mul3A_1039 : f32 to vector<16xf32>
      %mul3A_1041 = arith.mulf %scan3A_1010#3, %mul3A_1040 : vector<16xf32>
      %swap3A_1042 = arith.constant 1 : i32
      %swap3A_1043 = arith.index_cast %swap3A_1042 : i32 to index
      %swap3A_1044 = arith.constant 48 : index
      %swap3A_1045 = tpu.vector_load %arg10[%swap3A_1043, %swap3A_1044] {strides = array<i32>} : memref<4x128xf32, #tpu.memory_space<vmem>>, vector<1x16xf32>,
      %swap3A_1046 = vector.shape_cast %swap3A_1045 : vector<1x16xf32> to vector<16xf32>
      %swap3A_1047 = vector.shape_cast %mul3A_1041 : vector<16xf32> to vector<1x16xf32>
      tpu.vector_store %arg10[%swap3A_1043, %swap3A_1044], %swap3A_1047 {strides = array<i32>} : memref<4x128xf32, #tpu.memory_space<vmem>>, vector<1x16xf32>,
      %mul3A_1048 = arith.constant 2.000000e-02 : f32
      %mul3A_1049 = vector.broadcast %mul3A_1048 : f32 to vector<16xf32>
      %mul3A_1050 = arith.mulf %scan3A_1010#4, %mul3A_1049 : vector<16xf32>
      %swap3A_1051 = arith.constant 1 : i32
      %swap3A_1052 = arith.index_cast %swap3A_1051 : i32 to index
      %swap3A_1053 = arith.constant 64 : index
      %swap3A_1054 = tpu.vector_load %arg10[%swap3A_1052, %swap3A_1053] {strides = array<i32>} : memref<4x128xf32, #tpu.memory_space<vmem>>, vector<1x16xf32>,
      %swap3A_1055 = vector.shape_cast %swap3A_1054 : vector<1x16xf32> to vector<16xf32>
      %swap3A_1056 = vector.shape_cast %mul3A_1050 : vector<16xf32> to vector<1x16xf32>
      tpu.vector_store %arg10[%swap3A_1052, %swap3A_1053], %swap3A_1056 {strides = array<i32>} : memref<4x128xf32, #tpu.memory_space<vmem>>, vector<1x16xf32>,
      %mul3A_1057 = arith.constant 2.000000e-02 : f32
      %mul3A_1058 = vector.broadcast %mul3A_1057 : f32 to vector<16xf32>
      %mul3A_1059 = arith.mulf %scan3A_1010#5, %mul3A_1058 : vector<16xf32>
      %swap3A_1060 = arith.constant 1 : i32
      %swap3A_1061 = arith.index_cast %swap3A_1060 : i32 to index
      %swap3A_1062 = arith.constant 80 : index
      %swap3A_1063 = tpu.vector_load %arg10[%swap3A_1061, %swap3A_1062] {strides = array<i32>} : memref<4x128xf32, #tpu.memory_space<vmem>>, vector<1x16xf32>,
      %swap3A_1064 = vector.shape_cast %swap3A_1063 : vector<1x16xf32> to vector<16xf32>
      %swap3A_1065 = vector.shape_cast %mul3A_1059 : vector<16xf32> to vector<1x16xf32>
      tpu.vector_store %arg10[%swap3A_1061, %swap3A_1062], %swap3A_1065 {strides = array<i32>} : memref<4x128xf32, #tpu.memory_space<vmem>>, vector<1x16xf32>,
      %mul3A_1066 = arith.constant 2.000000e-02 : f32
      %mul3A_1067 = vector.broadcast %mul3A_1066 : f32 to vector<16xf32>
      %mul3A_1068 = arith.mulf %scan3A_1010#6, %mul3A_1067 : vector<16xf32>
      %swap3A_1069 = arith.constant 1 : i32
      %swap3A_1070 = arith.index_cast %swap3A_1069 : i32 to index
      %swap3A_1071 = arith.constant 96 : index
      %swap3A_1072 = tpu.vector_load %arg10[%swap3A_1070, %swap3A_1071] {strides = array<i32>} : memref<4x128xf32, #tpu.memory_space<vmem>>, vector<1x16xf32>,
      %swap3A_1073 = vector.shape_cast %swap3A_1072 : vector<1x16xf32> to vector<16xf32>
      %swap3A_1074 = vector.shape_cast %mul3A_1068 : vector<16xf32> to vector<1x16xf32>
      tpu.vector_store %arg10[%swap3A_1070, %swap3A_1071], %swap3A_1074 {strides = array<i32>} : memref<4x128xf32, #tpu.memory_space<vmem>>, vector<1x16xf32>,
      %mul3A_1075 = arith.constant 2.000000e-02 : f32
      %mul3A_1076 = vector.broadcast %mul3A_1075 : f32 to vector<16xf32>
      %mul3A_1077 = arith.mulf %scan3A_1010#7, %mul3A_1076 : vector<16xf32>
      %swap3A_1078 = arith.constant 1 : i32
      %swap3A_1079 = arith.index_cast %swap3A_1078 : i32 to index
      %swap3A_1080 = arith.constant 112 : index
      %swap3A_1081 = tpu.vector_load %arg10[%swap3A_1079, %swap3A_1080] {strides = array<i32>} : memref<4x128xf32, #tpu.memory_space<vmem>>, vector<1x16xf32>,
      %swap3A_1082 = vector.shape_cast %swap3A_1081 : vector<1x16xf32> to vector<16xf32>
      %swap3A_1083 = vector.shape_cast %mul3A_1077 : vector<16xf32> to vector<1x16xf32>
      tpu.vector_store %arg10[%swap3A_1079, %swap3A_1080], %swap3A_1083 {strides = array<i32>} : memref<4x128xf32, #tpu.memory_space<vmem>>, vector<1x16xf32>,
      %broadcast_in_dim3A_1084 = arith.constant 0.000000e+00 : f32
      %broadcast_in_dim3A_1085 = vector.broadcast %broadcast_in_dim3A_1084 : f32 to vector<16xf32>
      %broadcast_in_dim3A_1086 = arith.constant 0.000000e+00 : f32
      %broadcast_in_dim3A_1087 = vector.broadcast %broadcast_in_dim3A_1086 : f32 to vector<16xf32>
      %broadcast_in_dim3A_1088 = arith.constant 0.000000e+00 : f32
      %broadcast_in_dim3A_1089 = vector.broadcast %broadcast_in_dim3A_1088 : f32 to vector<16xf32>
      %broadcast_in_dim3A_1090 = arith.constant 0.000000e+00 : f32
      %broadcast_in_dim3A_1091 = vector.broadcast %broadcast_in_dim3A_1090 : f32 to vector<16xf32>
      %broadcast_in_dim3A_1092 = arith.constant 0.000000e+00 : f32
      %broadcast_in_dim3A_1093 = vector.broadcast %broadcast_in_dim3A_1092 : f32 to vector<16xf32>
      %broadcast_in_dim3A_1094 = arith.constant 0.000000e+00 : f32
      %broadcast_in_dim3A_1095 = vector.broadcast %broadcast_in_dim3A_1094 : f32 to vector<16xf32>
      %broadcast_in_dim3A_1096 = arith.constant 0.000000e+00 : f32
      %broadcast_in_dim3A_1097 = vector.broadcast %broadcast_in_dim3A_1096 : f32 to vector<16xf32>
      %broadcast_in_dim3A_1098 = arith.constant 0.000000e+00 : f32
      %broadcast_in_dim3A_1099 = vector.broadcast %broadcast_in_dim3A_1098 : f32 to vector<16xf32>
      %scan3A_1100 = arith.constant 0 : i32
      %scan3A_1101 = arith.constant 25 : i32
      %scan3A_1102 = arith.addi %scan3A_1100, %scan3A_1101 : i32
      %scan3A_1103 = arith.constant 1 : i32
      %scan3A_1104:8 = scf.for %scan3A_1684 = %scan3A_1100 to %scan3A_1102 step %scan3A_1103 iter_args(%scan3A_1685 = %broadcast_in_dim3A_1085, %scan3A_1686 = %broadcast_in_dim3A_1087, %scan3A_1687 = %broadcast_in_dim3A_1089, %scan3A_1688 = %broadcast_in_dim3A_1091, %scan3A_1689 = %broadcast_in_dim3A_1093, %scan3A_1690 = %broadcast_in_dim3A_1095, %scan3A_1691 = %broadcast_in_dim3A_1097, %scan3A_1692 = %broadcast_in_dim3A_1099) -> (vector<16xf32>, vector<16xf32>, vector<16xf32>, vector<16xf32>, vector<16xf32>, vector<16xf32>, vector<16xf32>, vector<16xf32>)  : i32 {
        %mul3A_1693 = arith.constant 2 : i32
        %mul3A_1694 = arith.muli %mul3A_1693, %scan3A_1684 : i32
        %add3A_1695 = arith.constant 100 : i32
        %add3A_1696 = arith.addi %add3A_1695, %mul3A_1694 : i32
        %get3A = arith.index_cast %add3A_1696 : i32 to index
        %get3A_1697 = arith.constant 0 : index
        %get3A_1698 = tpu.vector_load %arg8[%get3A, %get3A_1697] {strides = array<i32>} : memref<200x128xf32, #tpu.memory_space<vmem>>, vector<1x16xf32>,
        %get3A_1699 = vector.shape_cast %get3A_1698 : vector<1x16xf32> to vector<16xf32>
        %add3A_1700 = arith.addf %scan3A_1685, %get3A_1699 : vector<16xf32>
        %get3A_1701 = arith.index_cast %add3A_1696 : i32 to index
        %get3A_1702 = arith.constant 16 : index
        %get3A_1703 = tpu.vector_load %arg8[%get3A_1701, %get3A_1702] {strides = array<i32>} : memref<200x128xf32, #tpu.memory_space<vmem>>, vector<1x16xf32>,
        %get3A_1704 = vector.shape_cast %get3A_1703 : vector<1x16xf32> to vector<16xf32>
        %add3A_1705 = arith.addf %scan3A_1686, %get3A_1704 : vector<16xf32>
        %get3A_1706 = arith.index_cast %add3A_1696 : i32 to index
        %get3A_1707 = arith.constant 32 : index
        %get3A_1708 = tpu.vector_load %arg8[%get3A_1706, %get3A_1707] {strides = array<i32>} : memref<200x128xf32, #tpu.memory_space<vmem>>, vector<1x16xf32>,
        %get3A_1709 = vector.shape_cast %get3A_1708 : vector<1x16xf32> to vector<16xf32>
        %add3A_1710 = arith.addf %scan3A_1687, %get3A_1709 : vector<16xf32>
        %get3A_1711 = arith.index_cast %add3A_1696 : i32 to index
        %get3A_1712 = arith.constant 48 : index
        %get3A_1713 = tpu.vector_load %arg8[%get3A_1711, %get3A_1712] {strides = array<i32>} : memref<200x128xf32, #tpu.memory_space<vmem>>, vector<1x16xf32>,
        %get3A_1714 = vector.shape_cast %get3A_1713 : vector<1x16xf32> to vector<16xf32>
        %add3A_1715 = arith.addf %scan3A_1688, %get3A_1714 : vector<16xf32>
        %get3A_1716 = arith.index_cast %add3A_1696 : i32 to index
        %get3A_1717 = arith.constant 64 : index
        %get3A_1718 = tpu.vector_load %arg8[%get3A_1716, %get3A_1717] {strides = array<i32>} : memref<200x128xf32, #tpu.memory_space<vmem>>, vector<1x16xf32>,
        %get3A_1719 = vector.shape_cast %get3A_1718 : vector<1x16xf32> to vector<16xf32>
        %add3A_1720 = arith.addf %scan3A_1689, %get3A_1719 : vector<16xf32>
        %get3A_1721 = arith.index_cast %add3A_1696 : i32 to index
        %get3A_1722 = arith.constant 80 : index
        %get3A_1723 = tpu.vector_load %arg8[%get3A_1721, %get3A_1722] {strides = array<i32>} : memref<200x128xf32, #tpu.memory_space<vmem>>, vector<1x16xf32>,
        %get3A_1724 = vector.shape_cast %get3A_1723 : vector<1x16xf32> to vector<16xf32>
        %add3A_1725 = arith.addf %scan3A_1690, %get3A_1724 : vector<16xf32>
        %get3A_1726 = arith.index_cast %add3A_1696 : i32 to index
        %get3A_1727 = arith.constant 96 : index
        %get3A_1728 = tpu.vector_load %arg8[%get3A_1726, %get3A_1727] {strides = array<i32>} : memref<200x128xf32, #tpu.memory_space<vmem>>, vector<1x16xf32>,
        %get3A_1729 = vector.shape_cast %get3A_1728 : vector<1x16xf32> to vector<16xf32>
        %add3A_1730 = arith.addf %scan3A_1691, %get3A_1729 : vector<16xf32>
        %get3A_1731 = arith.index_cast %add3A_1696 : i32 to index
        %get3A_1732 = arith.constant 112 : index
        %get3A_1733 = tpu.vector_load %arg8[%get3A_1731, %get3A_1732] {strides = array<i32>} : memref<200x128xf32, #tpu.memory_space<vmem>>, vector<1x16xf32>,
        %get3A_1734 = vector.shape_cast %get3A_1733 : vector<1x16xf32> to vector<16xf32>
        %add3A_1735 = arith.addf %scan3A_1692, %get3A_1734 : vector<16xf32>
        %add3A_1736 = arith.constant 1 : i32
        %add3A_1737 = arith.addi %add3A_1696, %add3A_1736 : i32
        %get3A_1738 = arith.index_cast %add3A_1737 : i32 to index
        %get3A_1739 = arith.constant 0 : index
        %get3A_1740 = tpu.vector_load %arg8[%get3A_1738, %get3A_1739] {strides = array<i32>} : memref<200x128xf32, #tpu.memory_space<vmem>>, vector<1x16xf32>,
        %get3A_1741 = vector.shape_cast %get3A_1740 : vector<1x16xf32> to vector<16xf32>
        %add3A_1742 = arith.addf %add3A_1700, %get3A_1741 : vector<16xf32>
        %add3A_1743 = arith.constant 1 : i32
        %add3A_1744 = arith.addi %add3A_1696, %add3A_1743 : i32
        %get3A_1745 = arith.index_cast %add3A_1744 : i32 to index
        %get3A_1746 = arith.constant 16 : index
        %get3A_1747 = tpu.vector_load %arg8[%get3A_1745, %get3A_1746] {strides = array<i32>} : memref<200x128xf32, #tpu.memory_space<vmem>>, vector<1x16xf32>,
        %get3A_1748 = vector.shape_cast %get3A_1747 : vector<1x16xf32> to vector<16xf32>
        %add3A_1749 = arith.addf %add3A_1705, %get3A_1748 : vector<16xf32>
        %add3A_1750 = arith.constant 1 : i32
        %add3A_1751 = arith.addi %add3A_1696, %add3A_1750 : i32
        %get3A_1752 = arith.index_cast %add3A_1751 : i32 to index
        %get3A_1753 = arith.constant 32 : index
        %get3A_1754 = tpu.vector_load %arg8[%get3A_1752, %get3A_1753] {strides = array<i32>} : memref<200x128xf32, #tpu.memory_space<vmem>>, vector<1x16xf32>,
        %get3A_1755 = vector.shape_cast %get3A_1754 : vector<1x16xf32> to vector<16xf32>
        %add3A_1756 = arith.addf %add3A_1710, %get3A_1755 : vector<16xf32>
        %add3A_1757 = arith.constant 1 : i32
        %add3A_1758 = arith.addi %add3A_1696, %add3A_1757 : i32
        %get3A_1759 = arith.index_cast %add3A_1758 : i32 to index
        %get3A_1760 = arith.constant 48 : index
        %get3A_1761 = tpu.vector_load %arg8[%get3A_1759, %get3A_1760] {strides = array<i32>} : memref<200x128xf32, #tpu.memory_space<vmem>>, vector<1x16xf32>,
        %get3A_1762 = vector.shape_cast %get3A_1761 : vector<1x16xf32> to vector<16xf32>
        %add3A_1763 = arith.addf %add3A_1715, %get3A_1762 : vector<16xf32>
        %add3A_1764 = arith.constant 1 : i32
        %add3A_1765 = arith.addi %add3A_1696, %add3A_1764 : i32
        %get3A_1766 = arith.index_cast %add3A_1765 : i32 to index
        %get3A_1767 = arith.constant 64 : index
        %get3A_1768 = tpu.vector_load %arg8[%get3A_1766, %get3A_1767] {strides = array<i32>} : memref<200x128xf32, #tpu.memory_space<vmem>>, vector<1x16xf32>,
        %get3A_1769 = vector.shape_cast %get3A_1768 : vector<1x16xf32> to vector<16xf32>
        %add3A_1770 = arith.addf %add3A_1720, %get3A_1769 : vector<16xf32>
        %add3A_1771 = arith.constant 1 : i32
        %add3A_1772 = arith.addi %add3A_1696, %add3A_1771 : i32
        %get3A_1773 = arith.index_cast %add3A_1772 : i32 to index
        %get3A_1774 = arith.constant 80 : index
        %get3A_1775 = tpu.vector_load %arg8[%get3A_1773, %get3A_1774] {strides = array<i32>} : memref<200x128xf32, #tpu.memory_space<vmem>>, vector<1x16xf32>,
        %get3A_1776 = vector.shape_cast %get3A_1775 : vector<1x16xf32> to vector<16xf32>
        %add3A_1777 = arith.addf %add3A_1725, %get3A_1776 : vector<16xf32>
        %add3A_1778 = arith.constant 1 : i32
        %add3A_1779 = arith.addi %add3A_1696, %add3A_1778 : i32
        %get3A_1780 = arith.index_cast %add3A_1779 : i32 to index
        %get3A_1781 = arith.constant 96 : index
        %get3A_1782 = tpu.vector_load %arg8[%get3A_1780, %get3A_1781] {strides = array<i32>} : memref<200x128xf32, #tpu.memory_space<vmem>>, vector<1x16xf32>,
        %get3A_1783 = vector.shape_cast %get3A_1782 : vector<1x16xf32> to vector<16xf32>
        %add3A_1784 = arith.addf %add3A_1730, %get3A_1783 : vector<16xf32>
        %add3A_1785 = arith.constant 1 : i32
        %add3A_1786 = arith.addi %add3A_1696, %add3A_1785 : i32
        %get3A_1787 = arith.index_cast %add3A_1786 : i32 to index
        %get3A_1788 = arith.constant 112 : index
        %get3A_1789 = tpu.vector_load %arg8[%get3A_1787, %get3A_1788] {strides = array<i32>} : memref<200x128xf32, #tpu.memory_space<vmem>>, vector<1x16xf32>,
        %get3A_1790 = vector.shape_cast %get3A_1789 : vector<1x16xf32> to vector<16xf32>
        %add3A_1791 = arith.addf %add3A_1735, %get3A_1790 : vector<16xf32>
        scf.yield %add3A_1742, %add3A_1749, %add3A_1756, %add3A_1763, %add3A_1770, %add3A_1777, %add3A_1784, %add3A_1791 : vector<16xf32>, vector<16xf32>, vector<16xf32>, vector<16xf32>, vector<16xf32>, vector<16xf32>, vector<16xf32>, vector<16xf32>
      }
      %scan3A_1105 = arith.constant 25 : i32
      %mul3A_1106 = arith.constant 2.000000e-02 : f32
      %mul3A_1107 = vector.broadcast %mul3A_1106 : f32 to vector<16xf32>
      %mul3A_1108 = arith.mulf %scan3A_1104#0, %mul3A_1107 : vector<16xf32>
      %swap3A_1109 = arith.constant 2 : i32
      %swap3A_1110 = arith.index_cast %swap3A_1109 : i32 to index
      %swap3A_1111 = arith.constant 0 : index
      %swap3A_1112 = tpu.vector_load %arg10[%swap3A_1110, %swap3A_1111] {strides = array<i32>} : memref<4x128xf32, #tpu.memory_space<vmem>>, vector<1x16xf32>,
      %swap3A_1113 = vector.shape_cast %swap3A_1112 : vector<1x16xf32> to vector<16xf32>
      %swap3A_1114 = vector.shape_cast %mul3A_1108 : vector<16xf32> to vector<1x16xf32>
      tpu.vector_store %arg10[%swap3A_1110, %swap3A_1111], %swap3A_1114 {strides = array<i32>} : memref<4x128xf32, #tpu.memory_space<vmem>>, vector<1x16xf32>,
      %mul3A_1115 = arith.constant 2.000000e-02 : f32
      %mul3A_1116 = vector.broadcast %mul3A_1115 : f32 to vector<16xf32>
      %mul3A_1117 = arith.mulf %scan3A_1104#1, %mul3A_1116 : vector<16xf32>
      %swap3A_1118 = arith.constant 2 : i32
      %swap3A_1119 = arith.index_cast %swap3A_1118 : i32 to index
      %swap3A_1120 = arith.constant 16 : index
      %swap3A_1121 = tpu.vector_load %arg10[%swap3A_1119, %swap3A_1120] {strides = array<i32>} : memref<4x128xf32, #tpu.memory_space<vmem>>, vector<1x16xf32>,
      %swap3A_1122 = vector.shape_cast %swap3A_1121 : vector<1x16xf32> to vector<16xf32>
      %swap3A_1123 = vector.shape_cast %mul3A_1117 : vector<16xf32> to vector<1x16xf32>
      tpu.vector_store %arg10[%swap3A_1119, %swap3A_1120], %swap3A_1123 {strides = array<i32>} : memref<4x128xf32, #tpu.memory_space<vmem>>, vector<1x16xf32>,
      %mul3A_1124 = arith.constant 2.000000e-02 : f32
      %mul3A_1125 = vector.broadcast %mul3A_1124 : f32 to vector<16xf32>
      %mul3A_1126 = arith.mulf %scan3A_1104#2, %mul3A_1125 : vector<16xf32>
      %swap3A_1127 = arith.constant 2 : i32
      %swap3A_1128 = arith.index_cast %swap3A_1127 : i32 to index
      %swap3A_1129 = arith.constant 32 : index
      %swap3A_1130 = tpu.vector_load %arg10[%swap3A_1128, %swap3A_1129] {strides = array<i32>} : memref<4x128xf32, #tpu.memory_space<vmem>>, vector<1x16xf32>,
      %swap3A_1131 = vector.shape_cast %swap3A_1130 : vector<1x16xf32> to vector<16xf32>
      %swap3A_1132 = vector.shape_cast %mul3A_1126 : vector<16xf32> to vector<1x16xf32>
      tpu.vector_store %arg10[%swap3A_1128, %swap3A_1129], %swap3A_1132 {strides = array<i32>} : memref<4x128xf32, #tpu.memory_space<vmem>>, vector<1x16xf32>,
      %mul3A_1133 = arith.constant 2.000000e-02 : f32
      %mul3A_1134 = vector.broadcast %mul3A_1133 : f32 to vector<16xf32>
      %mul3A_1135 = arith.mulf %scan3A_1104#3, %mul3A_1134 : vector<16xf32>
      %swap3A_1136 = arith.constant 2 : i32
      %swap3A_1137 = arith.index_cast %swap3A_1136 : i32 to index
      %swap3A_1138 = arith.constant 48 : index
      %swap3A_1139 = tpu.vector_load %arg10[%swap3A_1137, %swap3A_1138] {strides = array<i32>} : memref<4x128xf32, #tpu.memory_space<vmem>>, vector<1x16xf32>,
      %swap3A_1140 = vector.shape_cast %swap3A_1139 : vector<1x16xf32> to vector<16xf32>
      %swap3A_1141 = vector.shape_cast %mul3A_1135 : vector<16xf32> to vector<1x16xf32>
      tpu.vector_store %arg10[%swap3A_1137, %swap3A_1138], %swap3A_1141 {strides = array<i32>} : memref<4x128xf32, #tpu.memory_space<vmem>>, vector<1x16xf32>,
      %mul3A_1142 = arith.constant 2.000000e-02 : f32
      %mul3A_1143 = vector.broadcast %mul3A_1142 : f32 to vector<16xf32>
      %mul3A_1144 = arith.mulf %scan3A_1104#4, %mul3A_1143 : vector<16xf32>
      %swap3A_1145 = arith.constant 2 : i32
      %swap3A_1146 = arith.index_cast %swap3A_1145 : i32 to index
      %swap3A_1147 = arith.constant 64 : index
      %swap3A_1148 = tpu.vector_load %arg10[%swap3A_1146, %swap3A_1147] {strides = array<i32>} : memref<4x128xf32, #tpu.memory_space<vmem>>, vector<1x16xf32>,
      %swap3A_1149 = vector.shape_cast %swap3A_1148 : vector<1x16xf32> to vector<16xf32>
      %swap3A_1150 = vector.shape_cast %mul3A_1144 : vector<16xf32> to vector<1x16xf32>
      tpu.vector_store %arg10[%swap3A_1146, %swap3A_1147], %swap3A_1150 {strides = array<i32>} : memref<4x128xf32, #tpu.memory_space<vmem>>, vector<1x16xf32>,
      %mul3A_1151 = arith.constant 2.000000e-02 : f32
      %mul3A_1152 = vector.broadcast %mul3A_1151 : f32 to vector<16xf32>
      %mul3A_1153 = arith.mulf %scan3A_1104#5, %mul3A_1152 : vector<16xf32>
      %swap3A_1154 = arith.constant 2 : i32
      %swap3A_1155 = arith.index_cast %swap3A_1154 : i32 to index
      %swap3A_1156 = arith.constant 80 : index
      %swap3A_1157 = tpu.vector_load %arg10[%swap3A_1155, %swap3A_1156] {strides = array<i32>} : memref<4x128xf32, #tpu.memory_space<vmem>>, vector<1x16xf32>,
      %swap3A_1158 = vector.shape_cast %swap3A_1157 : vector<1x16xf32> to vector<16xf32>
      %swap3A_1159 = vector.shape_cast %mul3A_1153 : vector<16xf32> to vector<1x16xf32>
      tpu.vector_store %arg10[%swap3A_1155, %swap3A_1156], %swap3A_1159 {strides = array<i32>} : memref<4x128xf32, #tpu.memory_space<vmem>>, vector<1x16xf32>,
      %mul3A_1160 = arith.constant 2.000000e-02 : f32
      %mul3A_1161 = vector.broadcast %mul3A_1160 : f32 to vector<16xf32>
      %mul3A_1162 = arith.mulf %scan3A_1104#6, %mul3A_1161 : vector<16xf32>
      %swap3A_1163 = arith.constant 2 : i32
      %swap3A_1164 = arith.index_cast %swap3A_1163 : i32 to index
      %swap3A_1165 = arith.constant 96 : index
      %swap3A_1166 = tpu.vector_load %arg10[%swap3A_1164, %swap3A_1165] {strides = array<i32>} : memref<4x128xf32, #tpu.memory_space<vmem>>, vector<1x16xf32>,
      %swap3A_1167 = vector.shape_cast %swap3A_1166 : vector<1x16xf32> to vector<16xf32>
      %swap3A_1168 = vector.shape_cast %mul3A_1162 : vector<16xf32> to vector<1x16xf32>
      tpu.vector_store %arg10[%swap3A_1164, %swap3A_1165], %swap3A_1168 {strides = array<i32>} : memref<4x128xf32, #tpu.memory_space<vmem>>, vector<1x16xf32>,
      %mul3A_1169 = arith.constant 2.000000e-02 : f32
      %mul3A_1170 = vector.broadcast %mul3A_1169 : f32 to vector<16xf32>
      %mul3A_1171 = arith.mulf %scan3A_1104#7, %mul3A_1170 : vector<16xf32>
      %swap3A_1172 = arith.constant 2 : i32
      %swap3A_1173 = arith.index_cast %swap3A_1172 : i32 to index
      %swap3A_1174 = arith.constant 112 : index
      %swap3A_1175 = tpu.vector_load %arg10[%swap3A_1173, %swap3A_1174] {strides = array<i32>} : memref<4x128xf32, #tpu.memory_space<vmem>>, vector<1x16xf32>,
      %swap3A_1176 = vector.shape_cast %swap3A_1175 : vector<1x16xf32> to vector<16xf32>
      %swap3A_1177 = vector.shape_cast %mul3A_1171 : vector<16xf32> to vector<1x16xf32>
      tpu.vector_store %arg10[%swap3A_1173, %swap3A_1174], %swap3A_1177 {strides = array<i32>} : memref<4x128xf32, #tpu.memory_space<vmem>>, vector<1x16xf32>,
      %broadcast_in_dim3A_1178 = arith.constant 0.000000e+00 : f32
      %broadcast_in_dim3A_1179 = vector.broadcast %broadcast_in_dim3A_1178 : f32 to vector<16xf32>
      %broadcast_in_dim3A_1180 = arith.constant 0.000000e+00 : f32
      %broadcast_in_dim3A_1181 = vector.broadcast %broadcast_in_dim3A_1180 : f32 to vector<16xf32>
      %broadcast_in_dim3A_1182 = arith.constant 0.000000e+00 : f32
      %broadcast_in_dim3A_1183 = vector.broadcast %broadcast_in_dim3A_1182 : f32 to vector<16xf32>
      %broadcast_in_dim3A_1184 = arith.constant 0.000000e+00 : f32
      %broadcast_in_dim3A_1185 = vector.broadcast %broadcast_in_dim3A_1184 : f32 to vector<16xf32>
      %broadcast_in_dim3A_1186 = arith.constant 0.000000e+00 : f32
      %broadcast_in_dim3A_1187 = vector.broadcast %broadcast_in_dim3A_1186 : f32 to vector<16xf32>
      %broadcast_in_dim3A_1188 = arith.constant 0.000000e+00 : f32
      %broadcast_in_dim3A_1189 = vector.broadcast %broadcast_in_dim3A_1188 : f32 to vector<16xf32>
      %broadcast_in_dim3A_1190 = arith.constant 0.000000e+00 : f32
      %broadcast_in_dim3A_1191 = vector.broadcast %broadcast_in_dim3A_1190 : f32 to vector<16xf32>
      %broadcast_in_dim3A_1192 = arith.constant 0.000000e+00 : f32
      %broadcast_in_dim3A_1193 = vector.broadcast %broadcast_in_dim3A_1192 : f32 to vector<16xf32>
      %scan3A_1194 = arith.constant 0 : i32
      %scan3A_1195 = arith.constant 25 : i32
      %scan3A_1196 = arith.addi %scan3A_1194, %scan3A_1195 : i32
      %scan3A_1197 = arith.constant 1 : i32
      %scan3A_1198:8 = scf.for %scan3A_1684 = %scan3A_1194 to %scan3A_1196 step %scan3A_1197 iter_args(%scan3A_1685 = %broadcast_in_dim3A_1179, %scan3A_1686 = %broadcast_in_dim3A_1181, %scan3A_1687 = %broadcast_in_dim3A_1183, %scan3A_1688 = %broadcast_in_dim3A_1185, %scan3A_1689 = %broadcast_in_dim3A_1187, %scan3A_1690 = %broadcast_in_dim3A_1189, %scan3A_1691 = %broadcast_in_dim3A_1191, %scan3A_1692 = %broadcast_in_dim3A_1193) -> (vector<16xf32>, vector<16xf32>, vector<16xf32>, vector<16xf32>, vector<16xf32>, vector<16xf32>, vector<16xf32>, vector<16xf32>)  : i32 {
        %mul3A_1693 = arith.constant 2 : i32
        %mul3A_1694 = arith.muli %mul3A_1693, %scan3A_1684 : i32
        %add3A_1695 = arith.constant 150 : i32
        %add3A_1696 = arith.addi %add3A_1695, %mul3A_1694 : i32
        %get3A = arith.index_cast %add3A_1696 : i32 to index
        %get3A_1697 = arith.constant 0 : index
        %get3A_1698 = tpu.vector_load %arg8[%get3A, %get3A_1697] {strides = array<i32>} : memref<200x128xf32, #tpu.memory_space<vmem>>, vector<1x16xf32>,
        %get3A_1699 = vector.shape_cast %get3A_1698 : vector<1x16xf32> to vector<16xf32>
        %add3A_1700 = arith.addf %scan3A_1685, %get3A_1699 : vector<16xf32>
        %get3A_1701 = arith.index_cast %add3A_1696 : i32 to index
        %get3A_1702 = arith.constant 16 : index
        %get3A_1703 = tpu.vector_load %arg8[%get3A_1701, %get3A_1702] {strides = array<i32>} : memref<200x128xf32, #tpu.memory_space<vmem>>, vector<1x16xf32>,
        %get3A_1704 = vector.shape_cast %get3A_1703 : vector<1x16xf32> to vector<16xf32>
        %add3A_1705 = arith.addf %scan3A_1686, %get3A_1704 : vector<16xf32>
        %get3A_1706 = arith.index_cast %add3A_1696 : i32 to index
        %get3A_1707 = arith.constant 32 : index
        %get3A_1708 = tpu.vector_load %arg8[%get3A_1706, %get3A_1707] {strides = array<i32>} : memref<200x128xf32, #tpu.memory_space<vmem>>, vector<1x16xf32>,
        %get3A_1709 = vector.shape_cast %get3A_1708 : vector<1x16xf32> to vector<16xf32>
        %add3A_1710 = arith.addf %scan3A_1687, %get3A_1709 : vector<16xf32>
        %get3A_1711 = arith.index_cast %add3A_1696 : i32 to index
        %get3A_1712 = arith.constant 48 : index
        %get3A_1713 = tpu.vector_load %arg8[%get3A_1711, %get3A_1712] {strides = array<i32>} : memref<200x128xf32, #tpu.memory_space<vmem>>, vector<1x16xf32>,
        %get3A_1714 = vector.shape_cast %get3A_1713 : vector<1x16xf32> to vector<16xf32>
        %add3A_1715 = arith.addf %scan3A_1688, %get3A_1714 : vector<16xf32>
        %get3A_1716 = arith.index_cast %add3A_1696 : i32 to index
        %get3A_1717 = arith.constant 64 : index
        %get3A_1718 = tpu.vector_load %arg8[%get3A_1716, %get3A_1717] {strides = array<i32>} : memref<200x128xf32, #tpu.memory_space<vmem>>, vector<1x16xf32>,
        %get3A_1719 = vector.shape_cast %get3A_1718 : vector<1x16xf32> to vector<16xf32>
        %add3A_1720 = arith.addf %scan3A_1689, %get3A_1719 : vector<16xf32>
        %get3A_1721 = arith.index_cast %add3A_1696 : i32 to index
        %get3A_1722 = arith.constant 80 : index
        %get3A_1723 = tpu.vector_load %arg8[%get3A_1721, %get3A_1722] {strides = array<i32>} : memref<200x128xf32, #tpu.memory_space<vmem>>, vector<1x16xf32>,
        %get3A_1724 = vector.shape_cast %get3A_1723 : vector<1x16xf32> to vector<16xf32>
        %add3A_1725 = arith.addf %scan3A_1690, %get3A_1724 : vector<16xf32>
        %get3A_1726 = arith.index_cast %add3A_1696 : i32 to index
        %get3A_1727 = arith.constant 96 : index
        %get3A_1728 = tpu.vector_load %arg8[%get3A_1726, %get3A_1727] {strides = array<i32>} : memref<200x128xf32, #tpu.memory_space<vmem>>, vector<1x16xf32>,
        %get3A_1729 = vector.shape_cast %get3A_1728 : vector<1x16xf32> to vector<16xf32>
        %add3A_1730 = arith.addf %scan3A_1691, %get3A_1729 : vector<16xf32>
        %get3A_1731 = arith.index_cast %add3A_1696 : i32 to index
        %get3A_1732 = arith.constant 112 : index
        %get3A_1733 = tpu.vector_load %arg8[%get3A_1731, %get3A_1732] {strides = array<i32>} : memref<200x128xf32, #tpu.memory_space<vmem>>, vector<1x16xf32>,
        %get3A_1734 = vector.shape_cast %get3A_1733 : vector<1x16xf32> to vector<16xf32>
        %add3A_1735 = arith.addf %scan3A_1692, %get3A_1734 : vector<16xf32>
        %add3A_1736 = arith.constant 1 : i32
        %add3A_1737 = arith.addi %add3A_1696, %add3A_1736 : i32
        %get3A_1738 = arith.index_cast %add3A_1737 : i32 to index
        %get3A_1739 = arith.constant 0 : index
        %get3A_1740 = tpu.vector_load %arg8[%get3A_1738, %get3A_1739] {strides = array<i32>} : memref<200x128xf32, #tpu.memory_space<vmem>>, vector<1x16xf32>,
        %get3A_1741 = vector.shape_cast %get3A_1740 : vector<1x16xf32> to vector<16xf32>
        %add3A_1742 = arith.addf %add3A_1700, %get3A_1741 : vector<16xf32>
        %add3A_1743 = arith.constant 1 : i32
        %add3A_1744 = arith.addi %add3A_1696, %add3A_1743 : i32
        %get3A_1745 = arith.index_cast %add3A_1744 : i32 to index
        %get3A_1746 = arith.constant 16 : index
        %get3A_1747 = tpu.vector_load %arg8[%get3A_1745, %get3A_1746] {strides = array<i32>} : memref<200x128xf32, #tpu.memory_space<vmem>>, vector<1x16xf32>,
        %get3A_1748 = vector.shape_cast %get3A_1747 : vector<1x16xf32> to vector<16xf32>
        %add3A_1749 = arith.addf %add3A_1705, %get3A_1748 : vector<16xf32>
        %add3A_1750 = arith.constant 1 : i32
        %add3A_1751 = arith.addi %add3A_1696, %add3A_1750 : i32
        %get3A_1752 = arith.index_cast %add3A_1751 : i32 to index
        %get3A_1753 = arith.constant 32 : index
        %get3A_1754 = tpu.vector_load %arg8[%get3A_1752, %get3A_1753] {strides = array<i32>} : memref<200x128xf32, #tpu.memory_space<vmem>>, vector<1x16xf32>,
        %get3A_1755 = vector.shape_cast %get3A_1754 : vector<1x16xf32> to vector<16xf32>
        %add3A_1756 = arith.addf %add3A_1710, %get3A_1755 : vector<16xf32>
        %add3A_1757 = arith.constant 1 : i32
        %add3A_1758 = arith.addi %add3A_1696, %add3A_1757 : i32
        %get3A_1759 = arith.index_cast %add3A_1758 : i32 to index
        %get3A_1760 = arith.constant 48 : index
        %get3A_1761 = tpu.vector_load %arg8[%get3A_1759, %get3A_1760] {strides = array<i32>} : memref<200x128xf32, #tpu.memory_space<vmem>>, vector<1x16xf32>,
        %get3A_1762 = vector.shape_cast %get3A_1761 : vector<1x16xf32> to vector<16xf32>
        %add3A_1763 = arith.addf %add3A_1715, %get3A_1762 : vector<16xf32>
        %add3A_1764 = arith.constant 1 : i32
        %add3A_1765 = arith.addi %add3A_1696, %add3A_1764 : i32
        %get3A_1766 = arith.index_cast %add3A_1765 : i32 to index
        %get3A_1767 = arith.constant 64 : index
        %get3A_1768 = tpu.vector_load %arg8[%get3A_1766, %get3A_1767] {strides = array<i32>} : memref<200x128xf32, #tpu.memory_space<vmem>>, vector<1x16xf32>,
        %get3A_1769 = vector.shape_cast %get3A_1768 : vector<1x16xf32> to vector<16xf32>
        %add3A_1770 = arith.addf %add3A_1720, %get3A_1769 : vector<16xf32>
        %add3A_1771 = arith.constant 1 : i32
        %add3A_1772 = arith.addi %add3A_1696, %add3A_1771 : i32
        %get3A_1773 = arith.index_cast %add3A_1772 : i32 to index
        %get3A_1774 = arith.constant 80 : index
        %get3A_1775 = tpu.vector_load %arg8[%get3A_1773, %get3A_1774] {strides = array<i32>} : memref<200x128xf32, #tpu.memory_space<vmem>>, vector<1x16xf32>,
        %get3A_1776 = vector.shape_cast %get3A_1775 : vector<1x16xf32> to vector<16xf32>
        %add3A_1777 = arith.addf %add3A_1725, %get3A_1776 : vector<16xf32>
        %add3A_1778 = arith.constant 1 : i32
        %add3A_1779 = arith.addi %add3A_1696, %add3A_1778 : i32
        %get3A_1780 = arith.index_cast %add3A_1779 : i32 to index
        %get3A_1781 = arith.constant 96 : index
        %get3A_1782 = tpu.vector_load %arg8[%get3A_1780, %get3A_1781] {strides = array<i32>} : memref<200x128xf32, #tpu.memory_space<vmem>>, vector<1x16xf32>,
        %get3A_1783 = vector.shape_cast %get3A_1782 : vector<1x16xf32> to vector<16xf32>
        %add3A_1784 = arith.addf %add3A_1730, %get3A_1783 : vector<16xf32>
        %add3A_1785 = arith.constant 1 : i32
        %add3A_1786 = arith.addi %add3A_1696, %add3A_1785 : i32
        %get3A_1787 = arith.index_cast %add3A_1786 : i32 to index
        %get3A_1788 = arith.constant 112 : index
        %get3A_1789 = tpu.vector_load %arg8[%get3A_1787, %get3A_1788] {strides = array<i32>} : memref<200x128xf32, #tpu.memory_space<vmem>>, vector<1x16xf32>,
        %get3A_1790 = vector.shape_cast %get3A_1789 : vector<1x16xf32> to vector<16xf32>
        %add3A_1791 = arith.addf %add3A_1735, %get3A_1790 : vector<16xf32>
        scf.yield %add3A_1742, %add3A_1749, %add3A_1756, %add3A_1763, %add3A_1770, %add3A_1777, %add3A_1784, %add3A_1791 : vector<16xf32>, vector<16xf32>, vector<16xf32>, vector<16xf32>, vector<16xf32>, vector<16xf32>, vector<16xf32>, vector<16xf32>
      }
      %scan3A_1199 = arith.constant 25 : i32
      %mul3A_1200 = arith.constant 2.000000e-02 : f32
      %mul3A_1201 = vector.broadcast %mul3A_1200 : f32 to vector<16xf32>
      %mul3A_1202 = arith.mulf %scan3A_1198#0, %mul3A_1201 : vector<16xf32>
      %swap3A_1203 = arith.constant 3 : i32
      %swap3A_1204 = arith.index_cast %swap3A_1203 : i32 to index
      %swap3A_1205 = arith.constant 0 : index
      %swap3A_1206 = tpu.vector_load %arg10[%swap3A_1204, %swap3A_1205] {strides = array<i32>} : memref<4x128xf32, #tpu.memory_space<vmem>>, vector<1x16xf32>,
      %swap3A_1207 = vector.shape_cast %swap3A_1206 : vector<1x16xf32> to vector<16xf32>
      %swap3A_1208 = vector.shape_cast %mul3A_1202 : vector<16xf32> to vector<1x16xf32>
      tpu.vector_store %arg10[%swap3A_1204, %swap3A_1205], %swap3A_1208 {strides = array<i32>} : memref<4x128xf32, #tpu.memory_space<vmem>>, vector<1x16xf32>,
      %mul3A_1209 = arith.constant 2.000000e-02 : f32
      %mul3A_1210 = vector.broadcast %mul3A_1209 : f32 to vector<16xf32>
      %mul3A_1211 = arith.mulf %scan3A_1198#1, %mul3A_1210 : vector<16xf32>
      %swap3A_1212 = arith.constant 3 : i32
      %swap3A_1213 = arith.index_cast %swap3A_1212 : i32 to index
      %swap3A_1214 = arith.constant 16 : index
      %swap3A_1215 = tpu.vector_load %arg10[%swap3A_1213, %swap3A_1214] {strides = array<i32>} : memref<4x128xf32, #tpu.memory_space<vmem>>, vector<1x16xf32>,
      %swap3A_1216 = vector.shape_cast %swap3A_1215 : vector<1x16xf32> to vector<16xf32>
      %swap3A_1217 = vector.shape_cast %mul3A_1211 : vector<16xf32> to vector<1x16xf32>
      tpu.vector_store %arg10[%swap3A_1213, %swap3A_1214], %swap3A_1217 {strides = array<i32>} : memref<4x128xf32, #tpu.memory_space<vmem>>, vector<1x16xf32>,
      %mul3A_1218 = arith.constant 2.000000e-02 : f32
      %mul3A_1219 = vector.broadcast %mul3A_1218 : f32 to vector<16xf32>
      %mul3A_1220 = arith.mulf %scan3A_1198#2, %mul3A_1219 : vector<16xf32>
      %swap3A_1221 = arith.constant 3 : i32
      %swap3A_1222 = arith.index_cast %swap3A_1221 : i32 to index
      %swap3A_1223 = arith.constant 32 : index
      %swap3A_1224 = tpu.vector_load %arg10[%swap3A_1222, %swap3A_1223] {strides = array<i32>} : memref<4x128xf32, #tpu.memory_space<vmem>>, vector<1x16xf32>,
      %swap3A_1225 = vector.shape_cast %swap3A_1224 : vector<1x16xf32> to vector<16xf32>
      %swap3A_1226 = vector.shape_cast %mul3A_1220 : vector<16xf32> to vector<1x16xf32>
      tpu.vector_store %arg10[%swap3A_1222, %swap3A_1223], %swap3A_1226 {strides = array<i32>} : memref<4x128xf32, #tpu.memory_space<vmem>>, vector<1x16xf32>,
      %mul3A_1227 = arith.constant 2.000000e-02 : f32
      %mul3A_1228 = vector.broadcast %mul3A_1227 : f32 to vector<16xf32>
      %mul3A_1229 = arith.mulf %scan3A_1198#3, %mul3A_1228 : vector<16xf32>
      %swap3A_1230 = arith.constant 3 : i32
      %swap3A_1231 = arith.index_cast %swap3A_1230 : i32 to index
      %swap3A_1232 = arith.constant 48 : index
      %swap3A_1233 = tpu.vector_load %arg10[%swap3A_1231, %swap3A_1232] {strides = array<i32>} : memref<4x128xf32, #tpu.memory_space<vmem>>, vector<1x16xf32>,
      %swap3A_1234 = vector.shape_cast %swap3A_1233 : vector<1x16xf32> to vector<16xf32>
      %swap3A_1235 = vector.shape_cast %mul3A_1229 : vector<16xf32> to vector<1x16xf32>
      tpu.vector_store %arg10[%swap3A_1231, %swap3A_1232], %swap3A_1235 {strides = array<i32>} : memref<4x128xf32, #tpu.memory_space<vmem>>, vector<1x16xf32>,
      %mul3A_1236 = arith.constant 2.000000e-02 : f32
      %mul3A_1237 = vector.broadcast %mul3A_1236 : f32 to vector<16xf32>
      %mul3A_1238 = arith.mulf %scan3A_1198#4, %mul3A_1237 : vector<16xf32>
      %swap3A_1239 = arith.constant 3 : i32
      %swap3A_1240 = arith.index_cast %swap3A_1239 : i32 to index
      %swap3A_1241 = arith.constant 64 : index
      %swap3A_1242 = tpu.vector_load %arg10[%swap3A_1240, %swap3A_1241] {strides = array<i32>} : memref<4x128xf32, #tpu.memory_space<vmem>>, vector<1x16xf32>,
      %swap3A_1243 = vector.shape_cast %swap3A_1242 : vector<1x16xf32> to vector<16xf32>
      %swap3A_1244 = vector.shape_cast %mul3A_1238 : vector<16xf32> to vector<1x16xf32>
      tpu.vector_store %arg10[%swap3A_1240, %swap3A_1241], %swap3A_1244 {strides = array<i32>} : memref<4x128xf32, #tpu.memory_space<vmem>>, vector<1x16xf32>,
      %mul3A_1245 = arith.constant 2.000000e-02 : f32
      %mul3A_1246 = vector.broadcast %mul3A_1245 : f32 to vector<16xf32>
      %mul3A_1247 = arith.mulf %scan3A_1198#5, %mul3A_1246 : vector<16xf32>
      %swap3A_1248 = arith.constant 3 : i32
      %swap3A_1249 = arith.index_cast %swap3A_1248 : i32 to index
      %swap3A_1250 = arith.constant 80 : index
      %swap3A_1251 = tpu.vector_load %arg10[%swap3A_1249, %swap3A_1250] {strides = array<i32>} : memref<4x128xf32, #tpu.memory_space<vmem>>, vector<1x16xf32>,
      %swap3A_1252 = vector.shape_cast %swap3A_1251 : vector<1x16xf32> to vector<16xf32>
      %swap3A_1253 = vector.shape_cast %mul3A_1247 : vector<16xf32> to vector<1x16xf32>
      tpu.vector_store %arg10[%swap3A_1249, %swap3A_1250], %swap3A_1253 {strides = array<i32>} : memref<4x128xf32, #tpu.memory_space<vmem>>, vector<1x16xf32>,
      %mul3A_1254 = arith.constant 2.000000e-02 : f32
      %mul3A_1255 = vector.broadcast %mul3A_1254 : f32 to vector<16xf32>
      %mul3A_1256 = arith.mulf %scan3A_1198#6, %mul3A_1255 : vector<16xf32>
      %swap3A_1257 = arith.constant 3 : i32
      %swap3A_1258 = arith.index_cast %swap3A_1257 : i32 to index
      %swap3A_1259 = arith.constant 96 : index
      %swap3A_1260 = tpu.vector_load %arg10[%swap3A_1258, %swap3A_1259] {strides = array<i32>} : memref<4x128xf32, #tpu.memory_space<vmem>>, vector<1x16xf32>,
      %swap3A_1261 = vector.shape_cast %swap3A_1260 : vector<1x16xf32> to vector<16xf32>
      %swap3A_1262 = vector.shape_cast %mul3A_1256 : vector<16xf32> to vector<1x16xf32>
      tpu.vector_store %arg10[%swap3A_1258, %swap3A_1259], %swap3A_1262 {strides = array<i32>} : memref<4x128xf32, #tpu.memory_space<vmem>>, vector<1x16xf32>,
      %mul3A_1263 = arith.constant 2.000000e-02 : f32
      %mul3A_1264 = vector.broadcast %mul3A_1263 : f32 to vector<16xf32>
      %mul3A_1265 = arith.mulf %scan3A_1198#7, %mul3A_1264 : vector<16xf32>
      %swap3A_1266 = arith.constant 3 : i32
      %swap3A_1267 = arith.index_cast %swap3A_1266 : i32 to index
      %swap3A_1268 = arith.constant 112 : index
      %swap3A_1269 = tpu.vector_load %arg10[%swap3A_1267, %swap3A_1268] {strides = array<i32>} : memref<4x128xf32, #tpu.memory_space<vmem>>, vector<1x16xf32>,
      %swap3A_1270 = vector.shape_cast %swap3A_1269 : vector<1x16xf32> to vector<16xf32>
      %swap3A_1271 = vector.shape_cast %mul3A_1265 : vector<16xf32> to vector<1x16xf32>
      tpu.vector_store %arg10[%swap3A_1267, %swap3A_1268], %swap3A_1271 {strides = array<i32>} : memref<4x128xf32, #tpu.memory_space<vmem>>, vector<1x16xf32>,
      %mul3A_1272 = arith.constant 4 : i32
      %mul3A_1273 = arith.muli %add3A_879, %mul3A_1272 : i32
      %add3A_1274 = arith.addi %mul3A_2, %mul3A_1273 : i32
      "tpu.region"() ({
        %run_scoped3A = tpu.sem_alloc : memref<!tpu.dma_semaphore, #tpu.memory_space<semaphore_mem>>
        %dma_start3A_1684 = arith.constant 0 : i32
        %dma_start3A_1685 = tpu.memref_slice %arg4[%add3A_1274, %dma_start3A_1684] : memref<4096x128xf32, #tpu.memory_space<hbm>> -> memref<4x128xf32, #tpu.memory_space<hbm>>
        %dma_start3A_1686 = arith.constant 0 : i32
        %dma_start3A_1687 = tpu.memref_slice %arg4[%add3A_1274, %dma_start3A_1686] : memref<4096x128xf32, #tpu.memory_space<hbm>> -> memref<4x128xf32, #tpu.memory_space<hbm>>
        tpu.enqueue_dma source(%arg10 : memref<4x128xf32, #tpu.memory_space<vmem>>) target(%dma_start3A_1687 : memref<4x128xf32, #tpu.memory_space<hbm>>) target_semaphore(%run_scoped3A : memref<!tpu.dma_semaphore, #tpu.memory_space<semaphore_mem>>)
        %dma_wait3A_1688 = arith.constant 0 : i32
        %dma_wait3A_1689 = tpu.memref_slice %arg4[%add3A_1274, %dma_wait3A_1688] : memref<4096x128xf32, #tpu.memory_space<hbm>> -> memref<4x128xf32, #tpu.memory_space<hbm>>
        %dma_wait3A_1690 = arith.constant 0 : i32
        %dma_wait3A_1691 = tpu.memref_slice %arg4[%add3A_1274, %dma_wait3A_1690] : memref<4096x128xf32, #tpu.memory_space<hbm>> -> memref<4x128xf32, #tpu.memory_space<hbm>>
        tpu.wait_dma2 semaphore(%run_scoped3A : memref<!tpu.dma_semaphore, #tpu.memory_space<semaphore_mem>>) src(%arg10 : memref<4x128xf32, #tpu.memory_space<vmem>>) dst(%dma_wait3A_1691 : memref<4x128xf32, #tpu.memory_space<hbm>>)
        tpu.yield
      }) : () -> ()
      %lt3A_1275 = arith.constant 7 : i32
      %lt3A_1276 = arith.cmpi slt, %scan3A_73, %lt3A_1275 : i32
      %convert_element_type3A_1277 = arith.extui %lt3A_1276 : i1 to i32
      %cond3A_1278 = arith.constant 0 : i32
      %cond3A_1279 = arith.cmpi ne, %convert_element_type3A_1277, %cond3A_1278 : i32
      scf.if %cond3A_1279 {
        %add3A_1684 = arith.constant 4 : i32
        %add3A_1685 = arith.addi %add3A_879, %add3A_1684 : i32
        %mul3A_1686 = arith.constant 4 : i32
        %mul3A_1687 = arith.muli %add3A_1685, %mul3A_1686 : i32
        %mul3A_1688 = arith.constant 50 : i32
        %mul3A_1689 = arith.muli %mul3A_1687, %mul3A_1688 : i32
        %dma_start3A_1690 = arith.constant 0 : i32
        %dma_start3A_1691 = arith.constant 0 : i32
        %dma_start3A_1692 = tpu.memref_slice %arg8[%dma_start3A_1690, %dma_start3A_1691] : memref<200x128xf32, #tpu.memory_space<vmem>> -> memref<104x128xf32, #tpu.memory_space<vmem>>
        %dma_start3A_1693 = tpu.memref_slice %arg5[%mul3A_1689] : memref<6400xi32, #tpu.memory_space<vmem>> -> memref<104xi32, #tpu.memory_space<vmem>>
        %dma_start3A_1694 = arith.constant 0 : i32
        %dma_start3A_1695 = arith.constant 0 : i32
        %dma_start3A_1696 = tpu.memref_slice %arg3[%dma_start3A_1694, %dma_start3A_1695] : memref<100000x128xf32, #tpu.memory_space<hbm>> -> memref<100000x128xf32, #tpu.memory_space<hbm>>
        tpu.enqueue_indirect_dma source(%dma_start3A_1696 : memref<100000x128xf32, #tpu.memory_space<hbm>>) target(%dma_start3A_1692 : memref<104x128xf32, #tpu.memory_space<vmem>>) offsets(%dma_start3A_1693 : memref<104xi32, #tpu.memory_space<vmem>>) semaphore(%arg13 : memref<!tpu.dma_semaphore, #tpu.memory_space<semaphore_mem>>)
        %add3A_1697 = arith.constant 104 : i32
        %add3A_1698 = arith.addi %mul3A_1689, %add3A_1697 : i32
        %dma_start3A_1699 = arith.constant 104 : i32
        %dma_start3A_1700 = arith.constant 0 : i32
        %dma_start3A_1701 = tpu.memref_slice %arg8[%dma_start3A_1699, %dma_start3A_1700] : memref<200x128xf32, #tpu.memory_space<vmem>> -> memref<96x128xf32, #tpu.memory_space<vmem>>
        %dma_start3A_1702 = tpu.memref_slice %arg5[%add3A_1698] : memref<6400xi32, #tpu.memory_space<vmem>> -> memref<96xi32, #tpu.memory_space<vmem>>
        %dma_start3A_1703 = arith.constant 0 : i32
        %dma_start3A_1704 = arith.constant 0 : i32
        %dma_start3A_1705 = tpu.memref_slice %arg3[%dma_start3A_1703, %dma_start3A_1704] : memref<100000x128xf32, #tpu.memory_space<hbm>> -> memref<100000x128xf32, #tpu.memory_space<hbm>>
        tpu.enqueue_indirect_dma source(%dma_start3A_1705 : memref<100000x128xf32, #tpu.memory_space<hbm>>) target(%dma_start3A_1701 : memref<96x128xf32, #tpu.memory_space<vmem>>) offsets(%dma_start3A_1702 : memref<96xi32, #tpu.memory_space<vmem>>) semaphore(%arg17 : memref<!tpu.dma_semaphore, #tpu.memory_space<semaphore_mem>>)
      } else {
      }
      %mul3A_1280 = arith.constant 4 : i32
      %mul3A_1281 = arith.muli %mul3A_1280, %scan3A_73 : i32
      %add3A_1282 = arith.constant 3 : i32
      %add3A_1283 = arith.addi %mul3A_1281, %add3A_1282 : i32
      %dma_wait3A_1284 = arith.constant 0 : i32
      %dma_wait3A_1285 = arith.constant 0 : i32
      %dma_wait3A_1286 = tpu.memref_slice %arg9[%dma_wait3A_1284, %dma_wait3A_1285] : memref<200x128xf32, #tpu.memory_space<vmem>> -> memref<104x128xf32, #tpu.memory_space<vmem>>
      %dma_wait3A_1287 = arith.constant 0 : i32
      %dma_wait3A_1288 = tpu.memref_slice %arg5[%dma_wait3A_1287] : memref<6400xi32, #tpu.memory_space<vmem>> -> memref<104xi32, #tpu.memory_space<vmem>>
      %dma_wait3A_1289 = arith.constant 0 : i32
      %dma_wait3A_1290 = arith.constant 0 : i32
      %dma_wait3A_1291 = tpu.memref_slice %arg3[%dma_wait3A_1289, %dma_wait3A_1290] : memref<100000x128xf32, #tpu.memory_space<hbm>> -> memref<100000x128xf32, #tpu.memory_space<hbm>>
      tpu.wait_indirect_dma semaphore(%arg14 : memref<!tpu.dma_semaphore, #tpu.memory_space<semaphore_mem>>) src(%dma_wait3A_1291 : memref<100000x128xf32, #tpu.memory_space<hbm>>) dst(%dma_wait3A_1286 : memref<104x128xf32, #tpu.memory_space<vmem>>)
      %dma_wait3A_1292 = arith.constant 104 : i32
      %dma_wait3A_1293 = arith.constant 0 : i32
      %dma_wait3A_1294 = tpu.memref_slice %arg9[%dma_wait3A_1292, %dma_wait3A_1293] : memref<200x128xf32, #tpu.memory_space<vmem>> -> memref<96x128xf32, #tpu.memory_space<vmem>>
      %dma_wait3A_1295 = arith.constant 0 : i32
      %dma_wait3A_1296 = tpu.memref_slice %arg5[%dma_wait3A_1295] : memref<6400xi32, #tpu.memory_space<vmem>> -> memref<96xi32, #tpu.memory_space<vmem>>
      %dma_wait3A_1297 = arith.constant 0 : i32
      %dma_wait3A_1298 = arith.constant 0 : i32
      %dma_wait3A_1299 = tpu.memref_slice %arg3[%dma_wait3A_1297, %dma_wait3A_1298] : memref<100000x128xf32, #tpu.memory_space<hbm>> -> memref<100000x128xf32, #tpu.memory_space<hbm>>
      tpu.wait_indirect_dma semaphore(%arg18 : memref<!tpu.dma_semaphore, #tpu.memory_space<semaphore_mem>>) src(%dma_wait3A_1299 : memref<100000x128xf32, #tpu.memory_space<hbm>>) dst(%dma_wait3A_1294 : memref<96x128xf32, #tpu.memory_space<vmem>>)
      %broadcast_in_dim3A_1300 = arith.constant 0.000000e+00 : f32
      %broadcast_in_dim3A_1301 = vector.broadcast %broadcast_in_dim3A_1300 : f32 to vector<16xf32>
      %broadcast_in_dim3A_1302 = arith.constant 0.000000e+00 : f32
      %broadcast_in_dim3A_1303 = vector.broadcast %broadcast_in_dim3A_1302 : f32 to vector<16xf32>
      %broadcast_in_dim3A_1304 = arith.constant 0.000000e+00 : f32
      %broadcast_in_dim3A_1305 = vector.broadcast %broadcast_in_dim3A_1304 : f32 to vector<16xf32>
      %broadcast_in_dim3A_1306 = arith.constant 0.000000e+00 : f32
      %broadcast_in_dim3A_1307 = vector.broadcast %broadcast_in_dim3A_1306 : f32 to vector<16xf32>
      %broadcast_in_dim3A_1308 = arith.constant 0.000000e+00 : f32
      %broadcast_in_dim3A_1309 = vector.broadcast %broadcast_in_dim3A_1308 : f32 to vector<16xf32>
      %broadcast_in_dim3A_1310 = arith.constant 0.000000e+00 : f32
      %broadcast_in_dim3A_1311 = vector.broadcast %broadcast_in_dim3A_1310 : f32 to vector<16xf32>
      %broadcast_in_dim3A_1312 = arith.constant 0.000000e+00 : f32
      %broadcast_in_dim3A_1313 = vector.broadcast %broadcast_in_dim3A_1312 : f32 to vector<16xf32>
      %broadcast_in_dim3A_1314 = arith.constant 0.000000e+00 : f32
      %broadcast_in_dim3A_1315 = vector.broadcast %broadcast_in_dim3A_1314 : f32 to vector<16xf32>
      %scan3A_1316 = arith.constant 0 : i32
      %scan3A_1317 = arith.constant 25 : i32
      %scan3A_1318 = arith.addi %scan3A_1316, %scan3A_1317 : i32
      %scan3A_1319 = arith.constant 1 : i32
      %scan3A_1320:8 = scf.for %scan3A_1684 = %scan3A_1316 to %scan3A_1318 step %scan3A_1319 iter_args(%scan3A_1685 = %broadcast_in_dim3A_1301, %scan3A_1686 = %broadcast_in_dim3A_1303, %scan3A_1687 = %broadcast_in_dim3A_1305, %scan3A_1688 = %broadcast_in_dim3A_1307, %scan3A_1689 = %broadcast_in_dim3A_1309, %scan3A_1690 = %broadcast_in_dim3A_1311, %scan3A_1691 = %broadcast_in_dim3A_1313, %scan3A_1692 = %broadcast_in_dim3A_1315) -> (vector<16xf32>, vector<16xf32>, vector<16xf32>, vector<16xf32>, vector<16xf32>, vector<16xf32>, vector<16xf32>, vector<16xf32>)  : i32 {
        %mul3A_1693 = arith.constant 2 : i32
        %mul3A_1694 = arith.muli %mul3A_1693, %scan3A_1684 : i32
        %add3A_1695 = arith.constant 0 : i32
        %add3A_1696 = arith.addi %add3A_1695, %mul3A_1694 : i32
        %get3A = arith.index_cast %add3A_1696 : i32 to index
        %get3A_1697 = arith.constant 0 : index
        %get3A_1698 = tpu.vector_load %arg9[%get3A, %get3A_1697] {strides = array<i32>} : memref<200x128xf32, #tpu.memory_space<vmem>>, vector<1x16xf32>,
        %get3A_1699 = vector.shape_cast %get3A_1698 : vector<1x16xf32> to vector<16xf32>
        %add3A_1700 = arith.addf %scan3A_1685, %get3A_1699 : vector<16xf32>
        %get3A_1701 = arith.index_cast %add3A_1696 : i32 to index
        %get3A_1702 = arith.constant 16 : index
        %get3A_1703 = tpu.vector_load %arg9[%get3A_1701, %get3A_1702] {strides = array<i32>} : memref<200x128xf32, #tpu.memory_space<vmem>>, vector<1x16xf32>,
        %get3A_1704 = vector.shape_cast %get3A_1703 : vector<1x16xf32> to vector<16xf32>
        %add3A_1705 = arith.addf %scan3A_1686, %get3A_1704 : vector<16xf32>
        %get3A_1706 = arith.index_cast %add3A_1696 : i32 to index
        %get3A_1707 = arith.constant 32 : index
        %get3A_1708 = tpu.vector_load %arg9[%get3A_1706, %get3A_1707] {strides = array<i32>} : memref<200x128xf32, #tpu.memory_space<vmem>>, vector<1x16xf32>,
        %get3A_1709 = vector.shape_cast %get3A_1708 : vector<1x16xf32> to vector<16xf32>
        %add3A_1710 = arith.addf %scan3A_1687, %get3A_1709 : vector<16xf32>
        %get3A_1711 = arith.index_cast %add3A_1696 : i32 to index
        %get3A_1712 = arith.constant 48 : index
        %get3A_1713 = tpu.vector_load %arg9[%get3A_1711, %get3A_1712] {strides = array<i32>} : memref<200x128xf32, #tpu.memory_space<vmem>>, vector<1x16xf32>,
        %get3A_1714 = vector.shape_cast %get3A_1713 : vector<1x16xf32> to vector<16xf32>
        %add3A_1715 = arith.addf %scan3A_1688, %get3A_1714 : vector<16xf32>
        %get3A_1716 = arith.index_cast %add3A_1696 : i32 to index
        %get3A_1717 = arith.constant 64 : index
        %get3A_1718 = tpu.vector_load %arg9[%get3A_1716, %get3A_1717] {strides = array<i32>} : memref<200x128xf32, #tpu.memory_space<vmem>>, vector<1x16xf32>,
        %get3A_1719 = vector.shape_cast %get3A_1718 : vector<1x16xf32> to vector<16xf32>
        %add3A_1720 = arith.addf %scan3A_1689, %get3A_1719 : vector<16xf32>
        %get3A_1721 = arith.index_cast %add3A_1696 : i32 to index
        %get3A_1722 = arith.constant 80 : index
        %get3A_1723 = tpu.vector_load %arg9[%get3A_1721, %get3A_1722] {strides = array<i32>} : memref<200x128xf32, #tpu.memory_space<vmem>>, vector<1x16xf32>,
        %get3A_1724 = vector.shape_cast %get3A_1723 : vector<1x16xf32> to vector<16xf32>
        %add3A_1725 = arith.addf %scan3A_1690, %get3A_1724 : vector<16xf32>
        %get3A_1726 = arith.index_cast %add3A_1696 : i32 to index
        %get3A_1727 = arith.constant 96 : index
        %get3A_1728 = tpu.vector_load %arg9[%get3A_1726, %get3A_1727] {strides = array<i32>} : memref<200x128xf32, #tpu.memory_space<vmem>>, vector<1x16xf32>,
        %get3A_1729 = vector.shape_cast %get3A_1728 : vector<1x16xf32> to vector<16xf32>
        %add3A_1730 = arith.addf %scan3A_1691, %get3A_1729 : vector<16xf32>
        %get3A_1731 = arith.index_cast %add3A_1696 : i32 to index
        %get3A_1732 = arith.constant 112 : index
        %get3A_1733 = tpu.vector_load %arg9[%get3A_1731, %get3A_1732] {strides = array<i32>} : memref<200x128xf32, #tpu.memory_space<vmem>>, vector<1x16xf32>,
        %get3A_1734 = vector.shape_cast %get3A_1733 : vector<1x16xf32> to vector<16xf32>
        %add3A_1735 = arith.addf %scan3A_1692, %get3A_1734 : vector<16xf32>
        %add3A_1736 = arith.constant 1 : i32
        %add3A_1737 = arith.addi %add3A_1696, %add3A_1736 : i32
        %get3A_1738 = arith.index_cast %add3A_1737 : i32 to index
        %get3A_1739 = arith.constant 0 : index
        %get3A_1740 = tpu.vector_load %arg9[%get3A_1738, %get3A_1739] {strides = array<i32>} : memref<200x128xf32, #tpu.memory_space<vmem>>, vector<1x16xf32>,
        %get3A_1741 = vector.shape_cast %get3A_1740 : vector<1x16xf32> to vector<16xf32>
        %add3A_1742 = arith.addf %add3A_1700, %get3A_1741 : vector<16xf32>
        %add3A_1743 = arith.constant 1 : i32
        %add3A_1744 = arith.addi %add3A_1696, %add3A_1743 : i32
        %get3A_1745 = arith.index_cast %add3A_1744 : i32 to index
        %get3A_1746 = arith.constant 16 : index
        %get3A_1747 = tpu.vector_load %arg9[%get3A_1745, %get3A_1746] {strides = array<i32>} : memref<200x128xf32, #tpu.memory_space<vmem>>, vector<1x16xf32>,
        %get3A_1748 = vector.shape_cast %get3A_1747 : vector<1x16xf32> to vector<16xf32>
        %add3A_1749 = arith.addf %add3A_1705, %get3A_1748 : vector<16xf32>
        %add3A_1750 = arith.constant 1 : i32
        %add3A_1751 = arith.addi %add3A_1696, %add3A_1750 : i32
        %get3A_1752 = arith.index_cast %add3A_1751 : i32 to index
        %get3A_1753 = arith.constant 32 : index
        %get3A_1754 = tpu.vector_load %arg9[%get3A_1752, %get3A_1753] {strides = array<i32>} : memref<200x128xf32, #tpu.memory_space<vmem>>, vector<1x16xf32>,
        %get3A_1755 = vector.shape_cast %get3A_1754 : vector<1x16xf32> to vector<16xf32>
        %add3A_1756 = arith.addf %add3A_1710, %get3A_1755 : vector<16xf32>
        %add3A_1757 = arith.constant 1 : i32
        %add3A_1758 = arith.addi %add3A_1696, %add3A_1757 : i32
        %get3A_1759 = arith.index_cast %add3A_1758 : i32 to index
        %get3A_1760 = arith.constant 48 : index
        %get3A_1761 = tpu.vector_load %arg9[%get3A_1759, %get3A_1760] {strides = array<i32>} : memref<200x128xf32, #tpu.memory_space<vmem>>, vector<1x16xf32>,
        %get3A_1762 = vector.shape_cast %get3A_1761 : vector<1x16xf32> to vector<16xf32>
        %add3A_1763 = arith.addf %add3A_1715, %get3A_1762 : vector<16xf32>
        %add3A_1764 = arith.constant 1 : i32
        %add3A_1765 = arith.addi %add3A_1696, %add3A_1764 : i32
        %get3A_1766 = arith.index_cast %add3A_1765 : i32 to index
        %get3A_1767 = arith.constant 64 : index
        %get3A_1768 = tpu.vector_load %arg9[%get3A_1766, %get3A_1767] {strides = array<i32>} : memref<200x128xf32, #tpu.memory_space<vmem>>, vector<1x16xf32>,
        %get3A_1769 = vector.shape_cast %get3A_1768 : vector<1x16xf32> to vector<16xf32>
        %add3A_1770 = arith.addf %add3A_1720, %get3A_1769 : vector<16xf32>
        %add3A_1771 = arith.constant 1 : i32
        %add3A_1772 = arith.addi %add3A_1696, %add3A_1771 : i32
        %get3A_1773 = arith.index_cast %add3A_1772 : i32 to index
        %get3A_1774 = arith.constant 80 : index
        %get3A_1775 = tpu.vector_load %arg9[%get3A_1773, %get3A_1774] {strides = array<i32>} : memref<200x128xf32, #tpu.memory_space<vmem>>, vector<1x16xf32>,
        %get3A_1776 = vector.shape_cast %get3A_1775 : vector<1x16xf32> to vector<16xf32>
        %add3A_1777 = arith.addf %add3A_1725, %get3A_1776 : vector<16xf32>
        %add3A_1778 = arith.constant 1 : i32
        %add3A_1779 = arith.addi %add3A_1696, %add3A_1778 : i32
        %get3A_1780 = arith.index_cast %add3A_1779 : i32 to index
        %get3A_1781 = arith.constant 96 : index
        %get3A_1782 = tpu.vector_load %arg9[%get3A_1780, %get3A_1781] {strides = array<i32>} : memref<200x128xf32, #tpu.memory_space<vmem>>, vector<1x16xf32>,
        %get3A_1783 = vector.shape_cast %get3A_1782 : vector<1x16xf32> to vector<16xf32>
        %add3A_1784 = arith.addf %add3A_1730, %get3A_1783 : vector<16xf32>
        %add3A_1785 = arith.constant 1 : i32
        %add3A_1786 = arith.addi %add3A_1696, %add3A_1785 : i32
        %get3A_1787 = arith.index_cast %add3A_1786 : i32 to index
        %get3A_1788 = arith.constant 112 : index
        %get3A_1789 = tpu.vector_load %arg9[%get3A_1787, %get3A_1788] {strides = array<i32>} : memref<200x128xf32, #tpu.memory_space<vmem>>, vector<1x16xf32>,
        %get3A_1790 = vector.shape_cast %get3A_1789 : vector<1x16xf32> to vector<16xf32>
        %add3A_1791 = arith.addf %add3A_1735, %get3A_1790 : vector<16xf32>
        scf.yield %add3A_1742, %add3A_1749, %add3A_1756, %add3A_1763, %add3A_1770, %add3A_1777, %add3A_1784, %add3A_1791 : vector<16xf32>, vector<16xf32>, vector<16xf32>, vector<16xf32>, vector<16xf32>, vector<16xf32>, vector<16xf32>, vector<16xf32>
      }
      %scan3A_1321 = arith.constant 25 : i32
      %mul3A_1322 = arith.constant 2.000000e-02 : f32
      %mul3A_1323 = vector.broadcast %mul3A_1322 : f32 to vector<16xf32>
      %mul3A_1324 = arith.mulf %scan3A_1320#0, %mul3A_1323 : vector<16xf32>
      %swap3A_1325 = arith.constant 0 : i32
      %swap3A_1326 = arith.index_cast %swap3A_1325 : i32 to index
      %swap3A_1327 = arith.constant 0 : index
      %swap3A_1328 = tpu.vector_load %arg10[%swap3A_1326, %swap3A_1327] {strides = array<i32>} : memref<4x128xf32, #tpu.memory_space<vmem>>, vector<1x16xf32>,
      %swap3A_1329 = vector.shape_cast %swap3A_1328 : vector<1x16xf32> to vector<16xf32>
      %swap3A_1330 = vector.shape_cast %mul3A_1324 : vector<16xf32> to vector<1x16xf32>
      tpu.vector_store %arg10[%swap3A_1326, %swap3A_1327], %swap3A_1330 {strides = array<i32>} : memref<4x128xf32, #tpu.memory_space<vmem>>, vector<1x16xf32>,
      %mul3A_1331 = arith.constant 2.000000e-02 : f32
      %mul3A_1332 = vector.broadcast %mul3A_1331 : f32 to vector<16xf32>
      %mul3A_1333 = arith.mulf %scan3A_1320#1, %mul3A_1332 : vector<16xf32>
      %swap3A_1334 = arith.constant 0 : i32
      %swap3A_1335 = arith.index_cast %swap3A_1334 : i32 to index
      %swap3A_1336 = arith.constant 16 : index
      %swap3A_1337 = tpu.vector_load %arg10[%swap3A_1335, %swap3A_1336] {strides = array<i32>} : memref<4x128xf32, #tpu.memory_space<vmem>>, vector<1x16xf32>,
      %swap3A_1338 = vector.shape_cast %swap3A_1337 : vector<1x16xf32> to vector<16xf32>
      %swap3A_1339 = vector.shape_cast %mul3A_1333 : vector<16xf32> to vector<1x16xf32>
      tpu.vector_store %arg10[%swap3A_1335, %swap3A_1336], %swap3A_1339 {strides = array<i32>} : memref<4x128xf32, #tpu.memory_space<vmem>>, vector<1x16xf32>,
      %mul3A_1340 = arith.constant 2.000000e-02 : f32
      %mul3A_1341 = vector.broadcast %mul3A_1340 : f32 to vector<16xf32>
      %mul3A_1342 = arith.mulf %scan3A_1320#2, %mul3A_1341 : vector<16xf32>
      %swap3A_1343 = arith.constant 0 : i32
      %swap3A_1344 = arith.index_cast %swap3A_1343 : i32 to index
      %swap3A_1345 = arith.constant 32 : index
      %swap3A_1346 = tpu.vector_load %arg10[%swap3A_1344, %swap3A_1345] {strides = array<i32>} : memref<4x128xf32, #tpu.memory_space<vmem>>, vector<1x16xf32>,
      %swap3A_1347 = vector.shape_cast %swap3A_1346 : vector<1x16xf32> to vector<16xf32>
      %swap3A_1348 = vector.shape_cast %mul3A_1342 : vector<16xf32> to vector<1x16xf32>
      tpu.vector_store %arg10[%swap3A_1344, %swap3A_1345], %swap3A_1348 {strides = array<i32>} : memref<4x128xf32, #tpu.memory_space<vmem>>, vector<1x16xf32>,
      %mul3A_1349 = arith.constant 2.000000e-02 : f32
      %mul3A_1350 = vector.broadcast %mul3A_1349 : f32 to vector<16xf32>
      %mul3A_1351 = arith.mulf %scan3A_1320#3, %mul3A_1350 : vector<16xf32>
      %swap3A_1352 = arith.constant 0 : i32
      %swap3A_1353 = arith.index_cast %swap3A_1352 : i32 to index
      %swap3A_1354 = arith.constant 48 : index
      %swap3A_1355 = tpu.vector_load %arg10[%swap3A_1353, %swap3A_1354] {strides = array<i32>} : memref<4x128xf32, #tpu.memory_space<vmem>>, vector<1x16xf32>,
      %swap3A_1356 = vector.shape_cast %swap3A_1355 : vector<1x16xf32> to vector<16xf32>
      %swap3A_1357 = vector.shape_cast %mul3A_1351 : vector<16xf32> to vector<1x16xf32>
      tpu.vector_store %arg10[%swap3A_1353, %swap3A_1354], %swap3A_1357 {strides = array<i32>} : memref<4x128xf32, #tpu.memory_space<vmem>>, vector<1x16xf32>,
      %mul3A_1358 = arith.constant 2.000000e-02 : f32
      %mul3A_1359 = vector.broadcast %mul3A_1358 : f32 to vector<16xf32>
      %mul3A_1360 = arith.mulf %scan3A_1320#4, %mul3A_1359 : vector<16xf32>
      %swap3A_1361 = arith.constant 0 : i32
      %swap3A_1362 = arith.index_cast %swap3A_1361 : i32 to index
      %swap3A_1363 = arith.constant 64 : index
      %swap3A_1364 = tpu.vector_load %arg10[%swap3A_1362, %swap3A_1363] {strides = array<i32>} : memref<4x128xf32, #tpu.memory_space<vmem>>, vector<1x16xf32>,
      %swap3A_1365 = vector.shape_cast %swap3A_1364 : vector<1x16xf32> to vector<16xf32>
      %swap3A_1366 = vector.shape_cast %mul3A_1360 : vector<16xf32> to vector<1x16xf32>
      tpu.vector_store %arg10[%swap3A_1362, %swap3A_1363], %swap3A_1366 {strides = array<i32>} : memref<4x128xf32, #tpu.memory_space<vmem>>, vector<1x16xf32>,
      %mul3A_1367 = arith.constant 2.000000e-02 : f32
      %mul3A_1368 = vector.broadcast %mul3A_1367 : f32 to vector<16xf32>
      %mul3A_1369 = arith.mulf %scan3A_1320#5, %mul3A_1368 : vector<16xf32>
      %swap3A_1370 = arith.constant 0 : i32
      %swap3A_1371 = arith.index_cast %swap3A_1370 : i32 to index
      %swap3A_1372 = arith.constant 80 : index
      %swap3A_1373 = tpu.vector_load %arg10[%swap3A_1371, %swap3A_1372] {strides = array<i32>} : memref<4x128xf32, #tpu.memory_space<vmem>>, vector<1x16xf32>,
      %swap3A_1374 = vector.shape_cast %swap3A_1373 : vector<1x16xf32> to vector<16xf32>
      %swap3A_1375 = vector.shape_cast %mul3A_1369 : vector<16xf32> to vector<1x16xf32>
      tpu.vector_store %arg10[%swap3A_1371, %swap3A_1372], %swap3A_1375 {strides = array<i32>} : memref<4x128xf32, #tpu.memory_space<vmem>>, vector<1x16xf32>,
      %mul3A_1376 = arith.constant 2.000000e-02 : f32
      %mul3A_1377 = vector.broadcast %mul3A_1376 : f32 to vector<16xf32>
      %mul3A_1378 = arith.mulf %scan3A_1320#6, %mul3A_1377 : vector<16xf32>
      %swap3A_1379 = arith.constant 0 : i32
      %swap3A_1380 = arith.index_cast %swap3A_1379 : i32 to index
      %swap3A_1381 = arith.constant 96 : index
      %swap3A_1382 = tpu.vector_load %arg10[%swap3A_1380, %swap3A_1381] {strides = array<i32>} : memref<4x128xf32, #tpu.memory_space<vmem>>, vector<1x16xf32>,
      %swap3A_1383 = vector.shape_cast %swap3A_1382 : vector<1x16xf32> to vector<16xf32>
      %swap3A_1384 = vector.shape_cast %mul3A_1378 : vector<16xf32> to vector<1x16xf32>
      tpu.vector_store %arg10[%swap3A_1380, %swap3A_1381], %swap3A_1384 {strides = array<i32>} : memref<4x128xf32, #tpu.memory_space<vmem>>, vector<1x16xf32>,
      %mul3A_1385 = arith.constant 2.000000e-02 : f32
      %mul3A_1386 = vector.broadcast %mul3A_1385 : f32 to vector<16xf32>
      %mul3A_1387 = arith.mulf %scan3A_1320#7, %mul3A_1386 : vector<16xf32>
      %swap3A_1388 = arith.constant 0 : i32
      %swap3A_1389 = arith.index_cast %swap3A_1388 : i32 to index
      %swap3A_1390 = arith.constant 112 : index
      %swap3A_1391 = tpu.vector_load %arg10[%swap3A_1389, %swap3A_1390] {strides = array<i32>} : memref<4x128xf32, #tpu.memory_space<vmem>>, vector<1x16xf32>,
      %swap3A_1392 = vector.shape_cast %swap3A_1391 : vector<1x16xf32> to vector<16xf32>
      %swap3A_1393 = vector.shape_cast %mul3A_1387 : vector<16xf32> to vector<1x16xf32>
      tpu.vector_store %arg10[%swap3A_1389, %swap3A_1390], %swap3A_1393 {strides = array<i32>} : memref<4x128xf32, #tpu.memory_space<vmem>>, vector<1x16xf32>,
      %broadcast_in_dim3A_1394 = arith.constant 0.000000e+00 : f32
      %broadcast_in_dim3A_1395 = vector.broadcast %broadcast_in_dim3A_1394 : f32 to vector<16xf32>
      %broadcast_in_dim3A_1396 = arith.constant 0.000000e+00 : f32
      %broadcast_in_dim3A_1397 = vector.broadcast %broadcast_in_dim3A_1396 : f32 to vector<16xf32>
      %broadcast_in_dim3A_1398 = arith.constant 0.000000e+00 : f32
      %broadcast_in_dim3A_1399 = vector.broadcast %broadcast_in_dim3A_1398 : f32 to vector<16xf32>
      %broadcast_in_dim3A_1400 = arith.constant 0.000000e+00 : f32
      %broadcast_in_dim3A_1401 = vector.broadcast %broadcast_in_dim3A_1400 : f32 to vector<16xf32>
      %broadcast_in_dim3A_1402 = arith.constant 0.000000e+00 : f32
      %broadcast_in_dim3A_1403 = vector.broadcast %broadcast_in_dim3A_1402 : f32 to vector<16xf32>
      %broadcast_in_dim3A_1404 = arith.constant 0.000000e+00 : f32
      %broadcast_in_dim3A_1405 = vector.broadcast %broadcast_in_dim3A_1404 : f32 to vector<16xf32>
      %broadcast_in_dim3A_1406 = arith.constant 0.000000e+00 : f32
      %broadcast_in_dim3A_1407 = vector.broadcast %broadcast_in_dim3A_1406 : f32 to vector<16xf32>
      %broadcast_in_dim3A_1408 = arith.constant 0.000000e+00 : f32
      %broadcast_in_dim3A_1409 = vector.broadcast %broadcast_in_dim3A_1408 : f32 to vector<16xf32>
      %scan3A_1410 = arith.constant 0 : i32
      %scan3A_1411 = arith.constant 25 : i32
      %scan3A_1412 = arith.addi %scan3A_1410, %scan3A_1411 : i32
      %scan3A_1413 = arith.constant 1 : i32
      %scan3A_1414:8 = scf.for %scan3A_1684 = %scan3A_1410 to %scan3A_1412 step %scan3A_1413 iter_args(%scan3A_1685 = %broadcast_in_dim3A_1395, %scan3A_1686 = %broadcast_in_dim3A_1397, %scan3A_1687 = %broadcast_in_dim3A_1399, %scan3A_1688 = %broadcast_in_dim3A_1401, %scan3A_1689 = %broadcast_in_dim3A_1403, %scan3A_1690 = %broadcast_in_dim3A_1405, %scan3A_1691 = %broadcast_in_dim3A_1407, %scan3A_1692 = %broadcast_in_dim3A_1409) -> (vector<16xf32>, vector<16xf32>, vector<16xf32>, vector<16xf32>, vector<16xf32>, vector<16xf32>, vector<16xf32>, vector<16xf32>)  : i32 {
        %mul3A_1693 = arith.constant 2 : i32
        %mul3A_1694 = arith.muli %mul3A_1693, %scan3A_1684 : i32
        %add3A_1695 = arith.constant 50 : i32
        %add3A_1696 = arith.addi %add3A_1695, %mul3A_1694 : i32
        %get3A = arith.index_cast %add3A_1696 : i32 to index
        %get3A_1697 = arith.constant 0 : index
        %get3A_1698 = tpu.vector_load %arg9[%get3A, %get3A_1697] {strides = array<i32>} : memref<200x128xf32, #tpu.memory_space<vmem>>, vector<1x16xf32>,
        %get3A_1699 = vector.shape_cast %get3A_1698 : vector<1x16xf32> to vector<16xf32>
        %add3A_1700 = arith.addf %scan3A_1685, %get3A_1699 : vector<16xf32>
        %get3A_1701 = arith.index_cast %add3A_1696 : i32 to index
        %get3A_1702 = arith.constant 16 : index
        %get3A_1703 = tpu.vector_load %arg9[%get3A_1701, %get3A_1702] {strides = array<i32>} : memref<200x128xf32, #tpu.memory_space<vmem>>, vector<1x16xf32>,
        %get3A_1704 = vector.shape_cast %get3A_1703 : vector<1x16xf32> to vector<16xf32>
        %add3A_1705 = arith.addf %scan3A_1686, %get3A_1704 : vector<16xf32>
        %get3A_1706 = arith.index_cast %add3A_1696 : i32 to index
        %get3A_1707 = arith.constant 32 : index
        %get3A_1708 = tpu.vector_load %arg9[%get3A_1706, %get3A_1707] {strides = array<i32>} : memref<200x128xf32, #tpu.memory_space<vmem>>, vector<1x16xf32>,
        %get3A_1709 = vector.shape_cast %get3A_1708 : vector<1x16xf32> to vector<16xf32>
        %add3A_1710 = arith.addf %scan3A_1687, %get3A_1709 : vector<16xf32>
        %get3A_1711 = arith.index_cast %add3A_1696 : i32 to index
        %get3A_1712 = arith.constant 48 : index
        %get3A_1713 = tpu.vector_load %arg9[%get3A_1711, %get3A_1712] {strides = array<i32>} : memref<200x128xf32, #tpu.memory_space<vmem>>, vector<1x16xf32>,
        %get3A_1714 = vector.shape_cast %get3A_1713 : vector<1x16xf32> to vector<16xf32>
        %add3A_1715 = arith.addf %scan3A_1688, %get3A_1714 : vector<16xf32>
        %get3A_1716 = arith.index_cast %add3A_1696 : i32 to index
        %get3A_1717 = arith.constant 64 : index
        %get3A_1718 = tpu.vector_load %arg9[%get3A_1716, %get3A_1717] {strides = array<i32>} : memref<200x128xf32, #tpu.memory_space<vmem>>, vector<1x16xf32>,
        %get3A_1719 = vector.shape_cast %get3A_1718 : vector<1x16xf32> to vector<16xf32>
        %add3A_1720 = arith.addf %scan3A_1689, %get3A_1719 : vector<16xf32>
        %get3A_1721 = arith.index_cast %add3A_1696 : i32 to index
        %get3A_1722 = arith.constant 80 : index
        %get3A_1723 = tpu.vector_load %arg9[%get3A_1721, %get3A_1722] {strides = array<i32>} : memref<200x128xf32, #tpu.memory_space<vmem>>, vector<1x16xf32>,
        %get3A_1724 = vector.shape_cast %get3A_1723 : vector<1x16xf32> to vector<16xf32>
        %add3A_1725 = arith.addf %scan3A_1690, %get3A_1724 : vector<16xf32>
        %get3A_1726 = arith.index_cast %add3A_1696 : i32 to index
        %get3A_1727 = arith.constant 96 : index
        %get3A_1728 = tpu.vector_load %arg9[%get3A_1726, %get3A_1727] {strides = array<i32>} : memref<200x128xf32, #tpu.memory_space<vmem>>, vector<1x16xf32>,
        %get3A_1729 = vector.shape_cast %get3A_1728 : vector<1x16xf32> to vector<16xf32>
        %add3A_1730 = arith.addf %scan3A_1691, %get3A_1729 : vector<16xf32>
        %get3A_1731 = arith.index_cast %add3A_1696 : i32 to index
        %get3A_1732 = arith.constant 112 : index
        %get3A_1733 = tpu.vector_load %arg9[%get3A_1731, %get3A_1732] {strides = array<i32>} : memref<200x128xf32, #tpu.memory_space<vmem>>, vector<1x16xf32>,
        %get3A_1734 = vector.shape_cast %get3A_1733 : vector<1x16xf32> to vector<16xf32>
        %add3A_1735 = arith.addf %scan3A_1692, %get3A_1734 : vector<16xf32>
        %add3A_1736 = arith.constant 1 : i32
        %add3A_1737 = arith.addi %add3A_1696, %add3A_1736 : i32
        %get3A_1738 = arith.index_cast %add3A_1737 : i32 to index
        %get3A_1739 = arith.constant 0 : index
        %get3A_1740 = tpu.vector_load %arg9[%get3A_1738, %get3A_1739] {strides = array<i32>} : memref<200x128xf32, #tpu.memory_space<vmem>>, vector<1x16xf32>,
        %get3A_1741 = vector.shape_cast %get3A_1740 : vector<1x16xf32> to vector<16xf32>
        %add3A_1742 = arith.addf %add3A_1700, %get3A_1741 : vector<16xf32>
        %add3A_1743 = arith.constant 1 : i32
        %add3A_1744 = arith.addi %add3A_1696, %add3A_1743 : i32
        %get3A_1745 = arith.index_cast %add3A_1744 : i32 to index
        %get3A_1746 = arith.constant 16 : index
        %get3A_1747 = tpu.vector_load %arg9[%get3A_1745, %get3A_1746] {strides = array<i32>} : memref<200x128xf32, #tpu.memory_space<vmem>>, vector<1x16xf32>,
        %get3A_1748 = vector.shape_cast %get3A_1747 : vector<1x16xf32> to vector<16xf32>
        %add3A_1749 = arith.addf %add3A_1705, %get3A_1748 : vector<16xf32>
        %add3A_1750 = arith.constant 1 : i32
        %add3A_1751 = arith.addi %add3A_1696, %add3A_1750 : i32
        %get3A_1752 = arith.index_cast %add3A_1751 : i32 to index
        %get3A_1753 = arith.constant 32 : index
        %get3A_1754 = tpu.vector_load %arg9[%get3A_1752, %get3A_1753] {strides = array<i32>} : memref<200x128xf32, #tpu.memory_space<vmem>>, vector<1x16xf32>,
        %get3A_1755 = vector.shape_cast %get3A_1754 : vector<1x16xf32> to vector<16xf32>
        %add3A_1756 = arith.addf %add3A_1710, %get3A_1755 : vector<16xf32>
        %add3A_1757 = arith.constant 1 : i32
        %add3A_1758 = arith.addi %add3A_1696, %add3A_1757 : i32
        %get3A_1759 = arith.index_cast %add3A_1758 : i32 to index
        %get3A_1760 = arith.constant 48 : index
        %get3A_1761 = tpu.vector_load %arg9[%get3A_1759, %get3A_1760] {strides = array<i32>} : memref<200x128xf32, #tpu.memory_space<vmem>>, vector<1x16xf32>,
        %get3A_1762 = vector.shape_cast %get3A_1761 : vector<1x16xf32> to vector<16xf32>
        %add3A_1763 = arith.addf %add3A_1715, %get3A_1762 : vector<16xf32>
        %add3A_1764 = arith.constant 1 : i32
        %add3A_1765 = arith.addi %add3A_1696, %add3A_1764 : i32
        %get3A_1766 = arith.index_cast %add3A_1765 : i32 to index
        %get3A_1767 = arith.constant 64 : index
        %get3A_1768 = tpu.vector_load %arg9[%get3A_1766, %get3A_1767] {strides = array<i32>} : memref<200x128xf32, #tpu.memory_space<vmem>>, vector<1x16xf32>,
        %get3A_1769 = vector.shape_cast %get3A_1768 : vector<1x16xf32> to vector<16xf32>
        %add3A_1770 = arith.addf %add3A_1720, %get3A_1769 : vector<16xf32>
        %add3A_1771 = arith.constant 1 : i32
        %add3A_1772 = arith.addi %add3A_1696, %add3A_1771 : i32
        %get3A_1773 = arith.index_cast %add3A_1772 : i32 to index
        %get3A_1774 = arith.constant 80 : index
        %get3A_1775 = tpu.vector_load %arg9[%get3A_1773, %get3A_1774] {strides = array<i32>} : memref<200x128xf32, #tpu.memory_space<vmem>>, vector<1x16xf32>,
        %get3A_1776 = vector.shape_cast %get3A_1775 : vector<1x16xf32> to vector<16xf32>
        %add3A_1777 = arith.addf %add3A_1725, %get3A_1776 : vector<16xf32>
        %add3A_1778 = arith.constant 1 : i32
        %add3A_1779 = arith.addi %add3A_1696, %add3A_1778 : i32
        %get3A_1780 = arith.index_cast %add3A_1779 : i32 to index
        %get3A_1781 = arith.constant 96 : index
        %get3A_1782 = tpu.vector_load %arg9[%get3A_1780, %get3A_1781] {strides = array<i32>} : memref<200x128xf32, #tpu.memory_space<vmem>>, vector<1x16xf32>,
        %get3A_1783 = vector.shape_cast %get3A_1782 : vector<1x16xf32> to vector<16xf32>
        %add3A_1784 = arith.addf %add3A_1730, %get3A_1783 : vector<16xf32>
        %add3A_1785 = arith.constant 1 : i32
        %add3A_1786 = arith.addi %add3A_1696, %add3A_1785 : i32
        %get3A_1787 = arith.index_cast %add3A_1786 : i32 to index
        %get3A_1788 = arith.constant 112 : index
        %get3A_1789 = tpu.vector_load %arg9[%get3A_1787, %get3A_1788] {strides = array<i32>} : memref<200x128xf32, #tpu.memory_space<vmem>>, vector<1x16xf32>,
        %get3A_1790 = vector.shape_cast %get3A_1789 : vector<1x16xf32> to vector<16xf32>
        %add3A_1791 = arith.addf %add3A_1735, %get3A_1790 : vector<16xf32>
        scf.yield %add3A_1742, %add3A_1749, %add3A_1756, %add3A_1763, %add3A_1770, %add3A_1777, %add3A_1784, %add3A_1791 : vector<16xf32>, vector<16xf32>, vector<16xf32>, vector<16xf32>, vector<16xf32>, vector<16xf32>, vector<16xf32>, vector<16xf32>
      }
      %scan3A_1415 = arith.constant 25 : i32
      %mul3A_1416 = arith.constant 2.000000e-02 : f32
      %mul3A_1417 = vector.broadcast %mul3A_1416 : f32 to vector<16xf32>
      %mul3A_1418 = arith.mulf %scan3A_1414#0, %mul3A_1417 : vector<16xf32>
      %swap3A_1419 = arith.constant 1 : i32
      %swap3A_1420 = arith.index_cast %swap3A_1419 : i32 to index
      %swap3A_1421 = arith.constant 0 : index
      %swap3A_1422 = tpu.vector_load %arg10[%swap3A_1420, %swap3A_1421] {strides = array<i32>} : memref<4x128xf32, #tpu.memory_space<vmem>>, vector<1x16xf32>,
      %swap3A_1423 = vector.shape_cast %swap3A_1422 : vector<1x16xf32> to vector<16xf32>
      %swap3A_1424 = vector.shape_cast %mul3A_1418 : vector<16xf32> to vector<1x16xf32>
      tpu.vector_store %arg10[%swap3A_1420, %swap3A_1421], %swap3A_1424 {strides = array<i32>} : memref<4x128xf32, #tpu.memory_space<vmem>>, vector<1x16xf32>,
      %mul3A_1425 = arith.constant 2.000000e-02 : f32
      %mul3A_1426 = vector.broadcast %mul3A_1425 : f32 to vector<16xf32>
      %mul3A_1427 = arith.mulf %scan3A_1414#1, %mul3A_1426 : vector<16xf32>
      %swap3A_1428 = arith.constant 1 : i32
      %swap3A_1429 = arith.index_cast %swap3A_1428 : i32 to index
      %swap3A_1430 = arith.constant 16 : index
      %swap3A_1431 = tpu.vector_load %arg10[%swap3A_1429, %swap3A_1430] {strides = array<i32>} : memref<4x128xf32, #tpu.memory_space<vmem>>, vector<1x16xf32>,
      %swap3A_1432 = vector.shape_cast %swap3A_1431 : vector<1x16xf32> to vector<16xf32>
      %swap3A_1433 = vector.shape_cast %mul3A_1427 : vector<16xf32> to vector<1x16xf32>
      tpu.vector_store %arg10[%swap3A_1429, %swap3A_1430], %swap3A_1433 {strides = array<i32>} : memref<4x128xf32, #tpu.memory_space<vmem>>, vector<1x16xf32>,
      %mul3A_1434 = arith.constant 2.000000e-02 : f32
      %mul3A_1435 = vector.broadcast %mul3A_1434 : f32 to vector<16xf32>
      %mul3A_1436 = arith.mulf %scan3A_1414#2, %mul3A_1435 : vector<16xf32>
      %swap3A_1437 = arith.constant 1 : i32
      %swap3A_1438 = arith.index_cast %swap3A_1437 : i32 to index
      %swap3A_1439 = arith.constant 32 : index
      %swap3A_1440 = tpu.vector_load %arg10[%swap3A_1438, %swap3A_1439] {strides = array<i32>} : memref<4x128xf32, #tpu.memory_space<vmem>>, vector<1x16xf32>,
      %swap3A_1441 = vector.shape_cast %swap3A_1440 : vector<1x16xf32> to vector<16xf32>
      %swap3A_1442 = vector.shape_cast %mul3A_1436 : vector<16xf32> to vector<1x16xf32>
      tpu.vector_store %arg10[%swap3A_1438, %swap3A_1439], %swap3A_1442 {strides = array<i32>} : memref<4x128xf32, #tpu.memory_space<vmem>>, vector<1x16xf32>,
      %mul3A_1443 = arith.constant 2.000000e-02 : f32
      %mul3A_1444 = vector.broadcast %mul3A_1443 : f32 to vector<16xf32>
      %mul3A_1445 = arith.mulf %scan3A_1414#3, %mul3A_1444 : vector<16xf32>
      %swap3A_1446 = arith.constant 1 : i32
      %swap3A_1447 = arith.index_cast %swap3A_1446 : i32 to index
      %swap3A_1448 = arith.constant 48 : index
      %swap3A_1449 = tpu.vector_load %arg10[%swap3A_1447, %swap3A_1448] {strides = array<i32>} : memref<4x128xf32, #tpu.memory_space<vmem>>, vector<1x16xf32>,
      %swap3A_1450 = vector.shape_cast %swap3A_1449 : vector<1x16xf32> to vector<16xf32>
      %swap3A_1451 = vector.shape_cast %mul3A_1445 : vector<16xf32> to vector<1x16xf32>
      tpu.vector_store %arg10[%swap3A_1447, %swap3A_1448], %swap3A_1451 {strides = array<i32>} : memref<4x128xf32, #tpu.memory_space<vmem>>, vector<1x16xf32>,
      %mul3A_1452 = arith.constant 2.000000e-02 : f32
      %mul3A_1453 = vector.broadcast %mul3A_1452 : f32 to vector<16xf32>
      %mul3A_1454 = arith.mulf %scan3A_1414#4, %mul3A_1453 : vector<16xf32>
      %swap3A_1455 = arith.constant 1 : i32
      %swap3A_1456 = arith.index_cast %swap3A_1455 : i32 to index
      %swap3A_1457 = arith.constant 64 : index
      %swap3A_1458 = tpu.vector_load %arg10[%swap3A_1456, %swap3A_1457] {strides = array<i32>} : memref<4x128xf32, #tpu.memory_space<vmem>>, vector<1x16xf32>,
      %swap3A_1459 = vector.shape_cast %swap3A_1458 : vector<1x16xf32> to vector<16xf32>
      %swap3A_1460 = vector.shape_cast %mul3A_1454 : vector<16xf32> to vector<1x16xf32>
      tpu.vector_store %arg10[%swap3A_1456, %swap3A_1457], %swap3A_1460 {strides = array<i32>} : memref<4x128xf32, #tpu.memory_space<vmem>>, vector<1x16xf32>,
      %mul3A_1461 = arith.constant 2.000000e-02 : f32
      %mul3A_1462 = vector.broadcast %mul3A_1461 : f32 to vector<16xf32>
      %mul3A_1463 = arith.mulf %scan3A_1414#5, %mul3A_1462 : vector<16xf32>
      %swap3A_1464 = arith.constant 1 : i32
      %swap3A_1465 = arith.index_cast %swap3A_1464 : i32 to index
      %swap3A_1466 = arith.constant 80 : index
      %swap3A_1467 = tpu.vector_load %arg10[%swap3A_1465, %swap3A_1466] {strides = array<i32>} : memref<4x128xf32, #tpu.memory_space<vmem>>, vector<1x16xf32>,
      %swap3A_1468 = vector.shape_cast %swap3A_1467 : vector<1x16xf32> to vector<16xf32>
      %swap3A_1469 = vector.shape_cast %mul3A_1463 : vector<16xf32> to vector<1x16xf32>
      tpu.vector_store %arg10[%swap3A_1465, %swap3A_1466], %swap3A_1469 {strides = array<i32>} : memref<4x128xf32, #tpu.memory_space<vmem>>, vector<1x16xf32>,
      %mul3A_1470 = arith.constant 2.000000e-02 : f32
      %mul3A_1471 = vector.broadcast %mul3A_1470 : f32 to vector<16xf32>
      %mul3A_1472 = arith.mulf %scan3A_1414#6, %mul3A_1471 : vector<16xf32>
      %swap3A_1473 = arith.constant 1 : i32
      %swap3A_1474 = arith.index_cast %swap3A_1473 : i32 to index
      %swap3A_1475 = arith.constant 96 : index
      %swap3A_1476 = tpu.vector_load %arg10[%swap3A_1474, %swap3A_1475] {strides = array<i32>} : memref<4x128xf32, #tpu.memory_space<vmem>>, vector<1x16xf32>,
      %swap3A_1477 = vector.shape_cast %swap3A_1476 : vector<1x16xf32> to vector<16xf32>
      %swap3A_1478 = vector.shape_cast %mul3A_1472 : vector<16xf32> to vector<1x16xf32>
      tpu.vector_store %arg10[%swap3A_1474, %swap3A_1475], %swap3A_1478 {strides = array<i32>} : memref<4x128xf32, #tpu.memory_space<vmem>>, vector<1x16xf32>,
      %mul3A_1479 = arith.constant 2.000000e-02 : f32
      %mul3A_1480 = vector.broadcast %mul3A_1479 : f32 to vector<16xf32>
      %mul3A_1481 = arith.mulf %scan3A_1414#7, %mul3A_1480 : vector<16xf32>
      %swap3A_1482 = arith.constant 1 : i32
      %swap3A_1483 = arith.index_cast %swap3A_1482 : i32 to index
      %swap3A_1484 = arith.constant 112 : index
      %swap3A_1485 = tpu.vector_load %arg10[%swap3A_1483, %swap3A_1484] {strides = array<i32>} : memref<4x128xf32, #tpu.memory_space<vmem>>, vector<1x16xf32>,
      %swap3A_1486 = vector.shape_cast %swap3A_1485 : vector<1x16xf32> to vector<16xf32>
      %swap3A_1487 = vector.shape_cast %mul3A_1481 : vector<16xf32> to vector<1x16xf32>
      tpu.vector_store %arg10[%swap3A_1483, %swap3A_1484], %swap3A_1487 {strides = array<i32>} : memref<4x128xf32, #tpu.memory_space<vmem>>, vector<1x16xf32>,
      %broadcast_in_dim3A_1488 = arith.constant 0.000000e+00 : f32
      %broadcast_in_dim3A_1489 = vector.broadcast %broadcast_in_dim3A_1488 : f32 to vector<16xf32>
      %broadcast_in_dim3A_1490 = arith.constant 0.000000e+00 : f32
      %broadcast_in_dim3A_1491 = vector.broadcast %broadcast_in_dim3A_1490 : f32 to vector<16xf32>
      %broadcast_in_dim3A_1492 = arith.constant 0.000000e+00 : f32
      %broadcast_in_dim3A_1493 = vector.broadcast %broadcast_in_dim3A_1492 : f32 to vector<16xf32>
      %broadcast_in_dim3A_1494 = arith.constant 0.000000e+00 : f32
      %broadcast_in_dim3A_1495 = vector.broadcast %broadcast_in_dim3A_1494 : f32 to vector<16xf32>
      %broadcast_in_dim3A_1496 = arith.constant 0.000000e+00 : f32
      %broadcast_in_dim3A_1497 = vector.broadcast %broadcast_in_dim3A_1496 : f32 to vector<16xf32>
      %broadcast_in_dim3A_1498 = arith.constant 0.000000e+00 : f32
      %broadcast_in_dim3A_1499 = vector.broadcast %broadcast_in_dim3A_1498 : f32 to vector<16xf32>
      %broadcast_in_dim3A_1500 = arith.constant 0.000000e+00 : f32
      %broadcast_in_dim3A_1501 = vector.broadcast %broadcast_in_dim3A_1500 : f32 to vector<16xf32>
      %broadcast_in_dim3A_1502 = arith.constant 0.000000e+00 : f32
      %broadcast_in_dim3A_1503 = vector.broadcast %broadcast_in_dim3A_1502 : f32 to vector<16xf32>
      %scan3A_1504 = arith.constant 0 : i32
      %scan3A_1505 = arith.constant 25 : i32
      %scan3A_1506 = arith.addi %scan3A_1504, %scan3A_1505 : i32
      %scan3A_1507 = arith.constant 1 : i32
      %scan3A_1508:8 = scf.for %scan3A_1684 = %scan3A_1504 to %scan3A_1506 step %scan3A_1507 iter_args(%scan3A_1685 = %broadcast_in_dim3A_1489, %scan3A_1686 = %broadcast_in_dim3A_1491, %scan3A_1687 = %broadcast_in_dim3A_1493, %scan3A_1688 = %broadcast_in_dim3A_1495, %scan3A_1689 = %broadcast_in_dim3A_1497, %scan3A_1690 = %broadcast_in_dim3A_1499, %scan3A_1691 = %broadcast_in_dim3A_1501, %scan3A_1692 = %broadcast_in_dim3A_1503) -> (vector<16xf32>, vector<16xf32>, vector<16xf32>, vector<16xf32>, vector<16xf32>, vector<16xf32>, vector<16xf32>, vector<16xf32>)  : i32 {
        %mul3A_1693 = arith.constant 2 : i32
        %mul3A_1694 = arith.muli %mul3A_1693, %scan3A_1684 : i32
        %add3A_1695 = arith.constant 100 : i32
        %add3A_1696 = arith.addi %add3A_1695, %mul3A_1694 : i32
        %get3A = arith.index_cast %add3A_1696 : i32 to index
        %get3A_1697 = arith.constant 0 : index
        %get3A_1698 = tpu.vector_load %arg9[%get3A, %get3A_1697] {strides = array<i32>} : memref<200x128xf32, #tpu.memory_space<vmem>>, vector<1x16xf32>,
        %get3A_1699 = vector.shape_cast %get3A_1698 : vector<1x16xf32> to vector<16xf32>
        %add3A_1700 = arith.addf %scan3A_1685, %get3A_1699 : vector<16xf32>
        %get3A_1701 = arith.index_cast %add3A_1696 : i32 to index
        %get3A_1702 = arith.constant 16 : index
        %get3A_1703 = tpu.vector_load %arg9[%get3A_1701, %get3A_1702] {strides = array<i32>} : memref<200x128xf32, #tpu.memory_space<vmem>>, vector<1x16xf32>,
        %get3A_1704 = vector.shape_cast %get3A_1703 : vector<1x16xf32> to vector<16xf32>
        %add3A_1705 = arith.addf %scan3A_1686, %get3A_1704 : vector<16xf32>
        %get3A_1706 = arith.index_cast %add3A_1696 : i32 to index
        %get3A_1707 = arith.constant 32 : index
        %get3A_1708 = tpu.vector_load %arg9[%get3A_1706, %get3A_1707] {strides = array<i32>} : memref<200x128xf32, #tpu.memory_space<vmem>>, vector<1x16xf32>,
        %get3A_1709 = vector.shape_cast %get3A_1708 : vector<1x16xf32> to vector<16xf32>
        %add3A_1710 = arith.addf %scan3A_1687, %get3A_1709 : vector<16xf32>
        %get3A_1711 = arith.index_cast %add3A_1696 : i32 to index
        %get3A_1712 = arith.constant 48 : index
        %get3A_1713 = tpu.vector_load %arg9[%get3A_1711, %get3A_1712] {strides = array<i32>} : memref<200x128xf32, #tpu.memory_space<vmem>>, vector<1x16xf32>,
        %get3A_1714 = vector.shape_cast %get3A_1713 : vector<1x16xf32> to vector<16xf32>
        %add3A_1715 = arith.addf %scan3A_1688, %get3A_1714 : vector<16xf32>
        %get3A_1716 = arith.index_cast %add3A_1696 : i32 to index
        %get3A_1717 = arith.constant 64 : index
        %get3A_1718 = tpu.vector_load %arg9[%get3A_1716, %get3A_1717] {strides = array<i32>} : memref<200x128xf32, #tpu.memory_space<vmem>>, vector<1x16xf32>,
        %get3A_1719 = vector.shape_cast %get3A_1718 : vector<1x16xf32> to vector<16xf32>
        %add3A_1720 = arith.addf %scan3A_1689, %get3A_1719 : vector<16xf32>
        %get3A_1721 = arith.index_cast %add3A_1696 : i32 to index
        %get3A_1722 = arith.constant 80 : index
        %get3A_1723 = tpu.vector_load %arg9[%get3A_1721, %get3A_1722] {strides = array<i32>} : memref<200x128xf32, #tpu.memory_space<vmem>>, vector<1x16xf32>,
        %get3A_1724 = vector.shape_cast %get3A_1723 : vector<1x16xf32> to vector<16xf32>
        %add3A_1725 = arith.addf %scan3A_1690, %get3A_1724 : vector<16xf32>
        %get3A_1726 = arith.index_cast %add3A_1696 : i32 to index
        %get3A_1727 = arith.constant 96 : index
        %get3A_1728 = tpu.vector_load %arg9[%get3A_1726, %get3A_1727] {strides = array<i32>} : memref<200x128xf32, #tpu.memory_space<vmem>>, vector<1x16xf32>,
        %get3A_1729 = vector.shape_cast %get3A_1728 : vector<1x16xf32> to vector<16xf32>
        %add3A_1730 = arith.addf %scan3A_1691, %get3A_1729 : vector<16xf32>
        %get3A_1731 = arith.index_cast %add3A_1696 : i32 to index
        %get3A_1732 = arith.constant 112 : index
        %get3A_1733 = tpu.vector_load %arg9[%get3A_1731, %get3A_1732] {strides = array<i32>} : memref<200x128xf32, #tpu.memory_space<vmem>>, vector<1x16xf32>,
        %get3A_1734 = vector.shape_cast %get3A_1733 : vector<1x16xf32> to vector<16xf32>
        %add3A_1735 = arith.addf %scan3A_1692, %get3A_1734 : vector<16xf32>
        %add3A_1736 = arith.constant 1 : i32
        %add3A_1737 = arith.addi %add3A_1696, %add3A_1736 : i32
        %get3A_1738 = arith.index_cast %add3A_1737 : i32 to index
        %get3A_1739 = arith.constant 0 : index
        %get3A_1740 = tpu.vector_load %arg9[%get3A_1738, %get3A_1739] {strides = array<i32>} : memref<200x128xf32, #tpu.memory_space<vmem>>, vector<1x16xf32>,
        %get3A_1741 = vector.shape_cast %get3A_1740 : vector<1x16xf32> to vector<16xf32>
        %add3A_1742 = arith.addf %add3A_1700, %get3A_1741 : vector<16xf32>
        %add3A_1743 = arith.constant 1 : i32
        %add3A_1744 = arith.addi %add3A_1696, %add3A_1743 : i32
        %get3A_1745 = arith.index_cast %add3A_1744 : i32 to index
        %get3A_1746 = arith.constant 16 : index
        %get3A_1747 = tpu.vector_load %arg9[%get3A_1745, %get3A_1746] {strides = array<i32>} : memref<200x128xf32, #tpu.memory_space<vmem>>, vector<1x16xf32>,
        %get3A_1748 = vector.shape_cast %get3A_1747 : vector<1x16xf32> to vector<16xf32>
        %add3A_1749 = arith.addf %add3A_1705, %get3A_1748 : vector<16xf32>
        %add3A_1750 = arith.constant 1 : i32
        %add3A_1751 = arith.addi %add3A_1696, %add3A_1750 : i32
        %get3A_1752 = arith.index_cast %add3A_1751 : i32 to index
        %get3A_1753 = arith.constant 32 : index
        %get3A_1754 = tpu.vector_load %arg9[%get3A_1752, %get3A_1753] {strides = array<i32>} : memref<200x128xf32, #tpu.memory_space<vmem>>, vector<1x16xf32>,
        %get3A_1755 = vector.shape_cast %get3A_1754 : vector<1x16xf32> to vector<16xf32>
        %add3A_1756 = arith.addf %add3A_1710, %get3A_1755 : vector<16xf32>
        %add3A_1757 = arith.constant 1 : i32
        %add3A_1758 = arith.addi %add3A_1696, %add3A_1757 : i32
        %get3A_1759 = arith.index_cast %add3A_1758 : i32 to index
        %get3A_1760 = arith.constant 48 : index
        %get3A_1761 = tpu.vector_load %arg9[%get3A_1759, %get3A_1760] {strides = array<i32>} : memref<200x128xf32, #tpu.memory_space<vmem>>, vector<1x16xf32>,
        %get3A_1762 = vector.shape_cast %get3A_1761 : vector<1x16xf32> to vector<16xf32>
        %add3A_1763 = arith.addf %add3A_1715, %get3A_1762 : vector<16xf32>
        %add3A_1764 = arith.constant 1 : i32
        %add3A_1765 = arith.addi %add3A_1696, %add3A_1764 : i32
        %get3A_1766 = arith.index_cast %add3A_1765 : i32 to index
        %get3A_1767 = arith.constant 64 : index
        %get3A_1768 = tpu.vector_load %arg9[%get3A_1766, %get3A_1767] {strides = array<i32>} : memref<200x128xf32, #tpu.memory_space<vmem>>, vector<1x16xf32>,
        %get3A_1769 = vector.shape_cast %get3A_1768 : vector<1x16xf32> to vector<16xf32>
        %add3A_1770 = arith.addf %add3A_1720, %get3A_1769 : vector<16xf32>
        %add3A_1771 = arith.constant 1 : i32
        %add3A_1772 = arith.addi %add3A_1696, %add3A_1771 : i32
        %get3A_1773 = arith.index_cast %add3A_1772 : i32 to index
        %get3A_1774 = arith.constant 80 : index
        %get3A_1775 = tpu.vector_load %arg9[%get3A_1773, %get3A_1774] {strides = array<i32>} : memref<200x128xf32, #tpu.memory_space<vmem>>, vector<1x16xf32>,
        %get3A_1776 = vector.shape_cast %get3A_1775 : vector<1x16xf32> to vector<16xf32>
        %add3A_1777 = arith.addf %add3A_1725, %get3A_1776 : vector<16xf32>
        %add3A_1778 = arith.constant 1 : i32
        %add3A_1779 = arith.addi %add3A_1696, %add3A_1778 : i32
        %get3A_1780 = arith.index_cast %add3A_1779 : i32 to index
        %get3A_1781 = arith.constant 96 : index
        %get3A_1782 = tpu.vector_load %arg9[%get3A_1780, %get3A_1781] {strides = array<i32>} : memref<200x128xf32, #tpu.memory_space<vmem>>, vector<1x16xf32>,
        %get3A_1783 = vector.shape_cast %get3A_1782 : vector<1x16xf32> to vector<16xf32>
        %add3A_1784 = arith.addf %add3A_1730, %get3A_1783 : vector<16xf32>
        %add3A_1785 = arith.constant 1 : i32
        %add3A_1786 = arith.addi %add3A_1696, %add3A_1785 : i32
        %get3A_1787 = arith.index_cast %add3A_1786 : i32 to index
        %get3A_1788 = arith.constant 112 : index
        %get3A_1789 = tpu.vector_load %arg9[%get3A_1787, %get3A_1788] {strides = array<i32>} : memref<200x128xf32, #tpu.memory_space<vmem>>, vector<1x16xf32>,
        %get3A_1790 = vector.shape_cast %get3A_1789 : vector<1x16xf32> to vector<16xf32>
        %add3A_1791 = arith.addf %add3A_1735, %get3A_1790 : vector<16xf32>
        scf.yield %add3A_1742, %add3A_1749, %add3A_1756, %add3A_1763, %add3A_1770, %add3A_1777, %add3A_1784, %add3A_1791 : vector<16xf32>, vector<16xf32>, vector<16xf32>, vector<16xf32>, vector<16xf32>, vector<16xf32>, vector<16xf32>, vector<16xf32>
      }
      %scan3A_1509 = arith.constant 25 : i32
      %mul3A_1510 = arith.constant 2.000000e-02 : f32
      %mul3A_1511 = vector.broadcast %mul3A_1510 : f32 to vector<16xf32>
      %mul3A_1512 = arith.mulf %scan3A_1508#0, %mul3A_1511 : vector<16xf32>
      %swap3A_1513 = arith.constant 2 : i32
      %swap3A_1514 = arith.index_cast %swap3A_1513 : i32 to index
      %swap3A_1515 = arith.constant 0 : index
      %swap3A_1516 = tpu.vector_load %arg10[%swap3A_1514, %swap3A_1515] {strides = array<i32>} : memref<4x128xf32, #tpu.memory_space<vmem>>, vector<1x16xf32>,
      %swap3A_1517 = vector.shape_cast %swap3A_1516 : vector<1x16xf32> to vector<16xf32>
      %swap3A_1518 = vector.shape_cast %mul3A_1512 : vector<16xf32> to vector<1x16xf32>
      tpu.vector_store %arg10[%swap3A_1514, %swap3A_1515], %swap3A_1518 {strides = array<i32>} : memref<4x128xf32, #tpu.memory_space<vmem>>, vector<1x16xf32>,
      %mul3A_1519 = arith.constant 2.000000e-02 : f32
      %mul3A_1520 = vector.broadcast %mul3A_1519 : f32 to vector<16xf32>
      %mul3A_1521 = arith.mulf %scan3A_1508#1, %mul3A_1520 : vector<16xf32>
      %swap3A_1522 = arith.constant 2 : i32
      %swap3A_1523 = arith.index_cast %swap3A_1522 : i32 to index
      %swap3A_1524 = arith.constant 16 : index
      %swap3A_1525 = tpu.vector_load %arg10[%swap3A_1523, %swap3A_1524] {strides = array<i32>} : memref<4x128xf32, #tpu.memory_space<vmem>>, vector<1x16xf32>,
      %swap3A_1526 = vector.shape_cast %swap3A_1525 : vector<1x16xf32> to vector<16xf32>
      %swap3A_1527 = vector.shape_cast %mul3A_1521 : vector<16xf32> to vector<1x16xf32>
      tpu.vector_store %arg10[%swap3A_1523, %swap3A_1524], %swap3A_1527 {strides = array<i32>} : memref<4x128xf32, #tpu.memory_space<vmem>>, vector<1x16xf32>,
      %mul3A_1528 = arith.constant 2.000000e-02 : f32
      %mul3A_1529 = vector.broadcast %mul3A_1528 : f32 to vector<16xf32>
      %mul3A_1530 = arith.mulf %scan3A_1508#2, %mul3A_1529 : vector<16xf32>
      %swap3A_1531 = arith.constant 2 : i32
      %swap3A_1532 = arith.index_cast %swap3A_1531 : i32 to index
      %swap3A_1533 = arith.constant 32 : index
      %swap3A_1534 = tpu.vector_load %arg10[%swap3A_1532, %swap3A_1533] {strides = array<i32>} : memref<4x128xf32, #tpu.memory_space<vmem>>, vector<1x16xf32>,
      %swap3A_1535 = vector.shape_cast %swap3A_1534 : vector<1x16xf32> to vector<16xf32>
      %swap3A_1536 = vector.shape_cast %mul3A_1530 : vector<16xf32> to vector<1x16xf32>
      tpu.vector_store %arg10[%swap3A_1532, %swap3A_1533], %swap3A_1536 {strides = array<i32>} : memref<4x128xf32, #tpu.memory_space<vmem>>, vector<1x16xf32>,
      %mul3A_1537 = arith.constant 2.000000e-02 : f32
      %mul3A_1538 = vector.broadcast %mul3A_1537 : f32 to vector<16xf32>
      %mul3A_1539 = arith.mulf %scan3A_1508#3, %mul3A_1538 : vector<16xf32>
      %swap3A_1540 = arith.constant 2 : i32
      %swap3A_1541 = arith.index_cast %swap3A_1540 : i32 to index
      %swap3A_1542 = arith.constant 48 : index
      %swap3A_1543 = tpu.vector_load %arg10[%swap3A_1541, %swap3A_1542] {strides = array<i32>} : memref<4x128xf32, #tpu.memory_space<vmem>>, vector<1x16xf32>,
      %swap3A_1544 = vector.shape_cast %swap3A_1543 : vector<1x16xf32> to vector<16xf32>
      %swap3A_1545 = vector.shape_cast %mul3A_1539 : vector<16xf32> to vector<1x16xf32>
      tpu.vector_store %arg10[%swap3A_1541, %swap3A_1542], %swap3A_1545 {strides = array<i32>} : memref<4x128xf32, #tpu.memory_space<vmem>>, vector<1x16xf32>,
      %mul3A_1546 = arith.constant 2.000000e-02 : f32
      %mul3A_1547 = vector.broadcast %mul3A_1546 : f32 to vector<16xf32>
      %mul3A_1548 = arith.mulf %scan3A_1508#4, %mul3A_1547 : vector<16xf32>
      %swap3A_1549 = arith.constant 2 : i32
      %swap3A_1550 = arith.index_cast %swap3A_1549 : i32 to index
      %swap3A_1551 = arith.constant 64 : index
      %swap3A_1552 = tpu.vector_load %arg10[%swap3A_1550, %swap3A_1551] {strides = array<i32>} : memref<4x128xf32, #tpu.memory_space<vmem>>, vector<1x16xf32>,
      %swap3A_1553 = vector.shape_cast %swap3A_1552 : vector<1x16xf32> to vector<16xf32>
      %swap3A_1554 = vector.shape_cast %mul3A_1548 : vector<16xf32> to vector<1x16xf32>
      tpu.vector_store %arg10[%swap3A_1550, %swap3A_1551], %swap3A_1554 {strides = array<i32>} : memref<4x128xf32, #tpu.memory_space<vmem>>, vector<1x16xf32>,
      %mul3A_1555 = arith.constant 2.000000e-02 : f32
      %mul3A_1556 = vector.broadcast %mul3A_1555 : f32 to vector<16xf32>
      %mul3A_1557 = arith.mulf %scan3A_1508#5, %mul3A_1556 : vector<16xf32>
      %swap3A_1558 = arith.constant 2 : i32
      %swap3A_1559 = arith.index_cast %swap3A_1558 : i32 to index
      %swap3A_1560 = arith.constant 80 : index
      %swap3A_1561 = tpu.vector_load %arg10[%swap3A_1559, %swap3A_1560] {strides = array<i32>} : memref<4x128xf32, #tpu.memory_space<vmem>>, vector<1x16xf32>,
      %swap3A_1562 = vector.shape_cast %swap3A_1561 : vector<1x16xf32> to vector<16xf32>
      %swap3A_1563 = vector.shape_cast %mul3A_1557 : vector<16xf32> to vector<1x16xf32>
      tpu.vector_store %arg10[%swap3A_1559, %swap3A_1560], %swap3A_1563 {strides = array<i32>} : memref<4x128xf32, #tpu.memory_space<vmem>>, vector<1x16xf32>,
      %mul3A_1564 = arith.constant 2.000000e-02 : f32
      %mul3A_1565 = vector.broadcast %mul3A_1564 : f32 to vector<16xf32>
      %mul3A_1566 = arith.mulf %scan3A_1508#6, %mul3A_1565 : vector<16xf32>
      %swap3A_1567 = arith.constant 2 : i32
      %swap3A_1568 = arith.index_cast %swap3A_1567 : i32 to index
      %swap3A_1569 = arith.constant 96 : index
      %swap3A_1570 = tpu.vector_load %arg10[%swap3A_1568, %swap3A_1569] {strides = array<i32>} : memref<4x128xf32, #tpu.memory_space<vmem>>, vector<1x16xf32>,
      %swap3A_1571 = vector.shape_cast %swap3A_1570 : vector<1x16xf32> to vector<16xf32>
      %swap3A_1572 = vector.shape_cast %mul3A_1566 : vector<16xf32> to vector<1x16xf32>
      tpu.vector_store %arg10[%swap3A_1568, %swap3A_1569], %swap3A_1572 {strides = array<i32>} : memref<4x128xf32, #tpu.memory_space<vmem>>, vector<1x16xf32>,
      %mul3A_1573 = arith.constant 2.000000e-02 : f32
      %mul3A_1574 = vector.broadcast %mul3A_1573 : f32 to vector<16xf32>
      %mul3A_1575 = arith.mulf %scan3A_1508#7, %mul3A_1574 : vector<16xf32>
      %swap3A_1576 = arith.constant 2 : i32
      %swap3A_1577 = arith.index_cast %swap3A_1576 : i32 to index
      %swap3A_1578 = arith.constant 112 : index
      %swap3A_1579 = tpu.vector_load %arg10[%swap3A_1577, %swap3A_1578] {strides = array<i32>} : memref<4x128xf32, #tpu.memory_space<vmem>>, vector<1x16xf32>,
      %swap3A_1580 = vector.shape_cast %swap3A_1579 : vector<1x16xf32> to vector<16xf32>
      %swap3A_1581 = vector.shape_cast %mul3A_1575 : vector<16xf32> to vector<1x16xf32>
      tpu.vector_store %arg10[%swap3A_1577, %swap3A_1578], %swap3A_1581 {strides = array<i32>} : memref<4x128xf32, #tpu.memory_space<vmem>>, vector<1x16xf32>,
      %broadcast_in_dim3A_1582 = arith.constant 0.000000e+00 : f32
      %broadcast_in_dim3A_1583 = vector.broadcast %broadcast_in_dim3A_1582 : f32 to vector<16xf32>
      %broadcast_in_dim3A_1584 = arith.constant 0.000000e+00 : f32
      %broadcast_in_dim3A_1585 = vector.broadcast %broadcast_in_dim3A_1584 : f32 to vector<16xf32>
      %broadcast_in_dim3A_1586 = arith.constant 0.000000e+00 : f32
      %broadcast_in_dim3A_1587 = vector.broadcast %broadcast_in_dim3A_1586 : f32 to vector<16xf32>
      %broadcast_in_dim3A_1588 = arith.constant 0.000000e+00 : f32
      %broadcast_in_dim3A_1589 = vector.broadcast %broadcast_in_dim3A_1588 : f32 to vector<16xf32>
      %broadcast_in_dim3A_1590 = arith.constant 0.000000e+00 : f32
      %broadcast_in_dim3A_1591 = vector.broadcast %broadcast_in_dim3A_1590 : f32 to vector<16xf32>
      %broadcast_in_dim3A_1592 = arith.constant 0.000000e+00 : f32
      %broadcast_in_dim3A_1593 = vector.broadcast %broadcast_in_dim3A_1592 : f32 to vector<16xf32>
      %broadcast_in_dim3A_1594 = arith.constant 0.000000e+00 : f32
      %broadcast_in_dim3A_1595 = vector.broadcast %broadcast_in_dim3A_1594 : f32 to vector<16xf32>
      %broadcast_in_dim3A_1596 = arith.constant 0.000000e+00 : f32
      %broadcast_in_dim3A_1597 = vector.broadcast %broadcast_in_dim3A_1596 : f32 to vector<16xf32>
      %scan3A_1598 = arith.constant 0 : i32
      %scan3A_1599 = arith.constant 25 : i32
      %scan3A_1600 = arith.addi %scan3A_1598, %scan3A_1599 : i32
      %scan3A_1601 = arith.constant 1 : i32
      %scan3A_1602:8 = scf.for %scan3A_1684 = %scan3A_1598 to %scan3A_1600 step %scan3A_1601 iter_args(%scan3A_1685 = %broadcast_in_dim3A_1583, %scan3A_1686 = %broadcast_in_dim3A_1585, %scan3A_1687 = %broadcast_in_dim3A_1587, %scan3A_1688 = %broadcast_in_dim3A_1589, %scan3A_1689 = %broadcast_in_dim3A_1591, %scan3A_1690 = %broadcast_in_dim3A_1593, %scan3A_1691 = %broadcast_in_dim3A_1595, %scan3A_1692 = %broadcast_in_dim3A_1597) -> (vector<16xf32>, vector<16xf32>, vector<16xf32>, vector<16xf32>, vector<16xf32>, vector<16xf32>, vector<16xf32>, vector<16xf32>)  : i32 {
        %mul3A_1693 = arith.constant 2 : i32
        %mul3A_1694 = arith.muli %mul3A_1693, %scan3A_1684 : i32
        %add3A_1695 = arith.constant 150 : i32
        %add3A_1696 = arith.addi %add3A_1695, %mul3A_1694 : i32
        %get3A = arith.index_cast %add3A_1696 : i32 to index
        %get3A_1697 = arith.constant 0 : index
        %get3A_1698 = tpu.vector_load %arg9[%get3A, %get3A_1697] {strides = array<i32>} : memref<200x128xf32, #tpu.memory_space<vmem>>, vector<1x16xf32>,
        %get3A_1699 = vector.shape_cast %get3A_1698 : vector<1x16xf32> to vector<16xf32>
        %add3A_1700 = arith.addf %scan3A_1685, %get3A_1699 : vector<16xf32>
        %get3A_1701 = arith.index_cast %add3A_1696 : i32 to index
        %get3A_1702 = arith.constant 16 : index
        %get3A_1703 = tpu.vector_load %arg9[%get3A_1701, %get3A_1702] {strides = array<i32>} : memref<200x128xf32, #tpu.memory_space<vmem>>, vector<1x16xf32>,
        %get3A_1704 = vector.shape_cast %get3A_1703 : vector<1x16xf32> to vector<16xf32>
        %add3A_1705 = arith.addf %scan3A_1686, %get3A_1704 : vector<16xf32>
        %get3A_1706 = arith.index_cast %add3A_1696 : i32 to index
        %get3A_1707 = arith.constant 32 : index
        %get3A_1708 = tpu.vector_load %arg9[%get3A_1706, %get3A_1707] {strides = array<i32>} : memref<200x128xf32, #tpu.memory_space<vmem>>, vector<1x16xf32>,
        %get3A_1709 = vector.shape_cast %get3A_1708 : vector<1x16xf32> to vector<16xf32>
        %add3A_1710 = arith.addf %scan3A_1687, %get3A_1709 : vector<16xf32>
        %get3A_1711 = arith.index_cast %add3A_1696 : i32 to index
        %get3A_1712 = arith.constant 48 : index
        %get3A_1713 = tpu.vector_load %arg9[%get3A_1711, %get3A_1712] {strides = array<i32>} : memref<200x128xf32, #tpu.memory_space<vmem>>, vector<1x16xf32>,
        %get3A_1714 = vector.shape_cast %get3A_1713 : vector<1x16xf32> to vector<16xf32>
        %add3A_1715 = arith.addf %scan3A_1688, %get3A_1714 : vector<16xf32>
        %get3A_1716 = arith.index_cast %add3A_1696 : i32 to index
        %get3A_1717 = arith.constant 64 : index
        %get3A_1718 = tpu.vector_load %arg9[%get3A_1716, %get3A_1717] {strides = array<i32>} : memref<200x128xf32, #tpu.memory_space<vmem>>, vector<1x16xf32>,
        %get3A_1719 = vector.shape_cast %get3A_1718 : vector<1x16xf32> to vector<16xf32>
        %add3A_1720 = arith.addf %scan3A_1689, %get3A_1719 : vector<16xf32>
        %get3A_1721 = arith.index_cast %add3A_1696 : i32 to index
        %get3A_1722 = arith.constant 80 : index
        %get3A_1723 = tpu.vector_load %arg9[%get3A_1721, %get3A_1722] {strides = array<i32>} : memref<200x128xf32, #tpu.memory_space<vmem>>, vector<1x16xf32>,
        %get3A_1724 = vector.shape_cast %get3A_1723 : vector<1x16xf32> to vector<16xf32>
        %add3A_1725 = arith.addf %scan3A_1690, %get3A_1724 : vector<16xf32>
        %get3A_1726 = arith.index_cast %add3A_1696 : i32 to index
        %get3A_1727 = arith.constant 96 : index
        %get3A_1728 = tpu.vector_load %arg9[%get3A_1726, %get3A_1727] {strides = array<i32>} : memref<200x128xf32, #tpu.memory_space<vmem>>, vector<1x16xf32>,
        %get3A_1729 = vector.shape_cast %get3A_1728 : vector<1x16xf32> to vector<16xf32>
        %add3A_1730 = arith.addf %scan3A_1691, %get3A_1729 : vector<16xf32>
        %get3A_1731 = arith.index_cast %add3A_1696 : i32 to index
        %get3A_1732 = arith.constant 112 : index
        %get3A_1733 = tpu.vector_load %arg9[%get3A_1731, %get3A_1732] {strides = array<i32>} : memref<200x128xf32, #tpu.memory_space<vmem>>, vector<1x16xf32>,
        %get3A_1734 = vector.shape_cast %get3A_1733 : vector<1x16xf32> to vector<16xf32>
        %add3A_1735 = arith.addf %scan3A_1692, %get3A_1734 : vector<16xf32>
        %add3A_1736 = arith.constant 1 : i32
        %add3A_1737 = arith.addi %add3A_1696, %add3A_1736 : i32
        %get3A_1738 = arith.index_cast %add3A_1737 : i32 to index
        %get3A_1739 = arith.constant 0 : index
        %get3A_1740 = tpu.vector_load %arg9[%get3A_1738, %get3A_1739] {strides = array<i32>} : memref<200x128xf32, #tpu.memory_space<vmem>>, vector<1x16xf32>,
        %get3A_1741 = vector.shape_cast %get3A_1740 : vector<1x16xf32> to vector<16xf32>
        %add3A_1742 = arith.addf %add3A_1700, %get3A_1741 : vector<16xf32>
        %add3A_1743 = arith.constant 1 : i32
        %add3A_1744 = arith.addi %add3A_1696, %add3A_1743 : i32
        %get3A_1745 = arith.index_cast %add3A_1744 : i32 to index
        %get3A_1746 = arith.constant 16 : index
        %get3A_1747 = tpu.vector_load %arg9[%get3A_1745, %get3A_1746] {strides = array<i32>} : memref<200x128xf32, #tpu.memory_space<vmem>>, vector<1x16xf32>,
        %get3A_1748 = vector.shape_cast %get3A_1747 : vector<1x16xf32> to vector<16xf32>
        %add3A_1749 = arith.addf %add3A_1705, %get3A_1748 : vector<16xf32>
        %add3A_1750 = arith.constant 1 : i32
        %add3A_1751 = arith.addi %add3A_1696, %add3A_1750 : i32
        %get3A_1752 = arith.index_cast %add3A_1751 : i32 to index
        %get3A_1753 = arith.constant 32 : index
        %get3A_1754 = tpu.vector_load %arg9[%get3A_1752, %get3A_1753] {strides = array<i32>} : memref<200x128xf32, #tpu.memory_space<vmem>>, vector<1x16xf32>,
        %get3A_1755 = vector.shape_cast %get3A_1754 : vector<1x16xf32> to vector<16xf32>
        %add3A_1756 = arith.addf %add3A_1710, %get3A_1755 : vector<16xf32>
        %add3A_1757 = arith.constant 1 : i32
        %add3A_1758 = arith.addi %add3A_1696, %add3A_1757 : i32
        %get3A_1759 = arith.index_cast %add3A_1758 : i32 to index
        %get3A_1760 = arith.constant 48 : index
        %get3A_1761 = tpu.vector_load %arg9[%get3A_1759, %get3A_1760] {strides = array<i32>} : memref<200x128xf32, #tpu.memory_space<vmem>>, vector<1x16xf32>,
        %get3A_1762 = vector.shape_cast %get3A_1761 : vector<1x16xf32> to vector<16xf32>
        %add3A_1763 = arith.addf %add3A_1715, %get3A_1762 : vector<16xf32>
        %add3A_1764 = arith.constant 1 : i32
        %add3A_1765 = arith.addi %add3A_1696, %add3A_1764 : i32
        %get3A_1766 = arith.index_cast %add3A_1765 : i32 to index
        %get3A_1767 = arith.constant 64 : index
        %get3A_1768 = tpu.vector_load %arg9[%get3A_1766, %get3A_1767] {strides = array<i32>} : memref<200x128xf32, #tpu.memory_space<vmem>>, vector<1x16xf32>,
        %get3A_1769 = vector.shape_cast %get3A_1768 : vector<1x16xf32> to vector<16xf32>
        %add3A_1770 = arith.addf %add3A_1720, %get3A_1769 : vector<16xf32>
        %add3A_1771 = arith.constant 1 : i32
        %add3A_1772 = arith.addi %add3A_1696, %add3A_1771 : i32
        %get3A_1773 = arith.index_cast %add3A_1772 : i32 to index
        %get3A_1774 = arith.constant 80 : index
        %get3A_1775 = tpu.vector_load %arg9[%get3A_1773, %get3A_1774] {strides = array<i32>} : memref<200x128xf32, #tpu.memory_space<vmem>>, vector<1x16xf32>,
        %get3A_1776 = vector.shape_cast %get3A_1775 : vector<1x16xf32> to vector<16xf32>
        %add3A_1777 = arith.addf %add3A_1725, %get3A_1776 : vector<16xf32>
        %add3A_1778 = arith.constant 1 : i32
        %add3A_1779 = arith.addi %add3A_1696, %add3A_1778 : i32
        %get3A_1780 = arith.index_cast %add3A_1779 : i32 to index
        %get3A_1781 = arith.constant 96 : index
        %get3A_1782 = tpu.vector_load %arg9[%get3A_1780, %get3A_1781] {strides = array<i32>} : memref<200x128xf32, #tpu.memory_space<vmem>>, vector<1x16xf32>,
        %get3A_1783 = vector.shape_cast %get3A_1782 : vector<1x16xf32> to vector<16xf32>
        %add3A_1784 = arith.addf %add3A_1730, %get3A_1783 : vector<16xf32>
        %add3A_1785 = arith.constant 1 : i32
        %add3A_1786 = arith.addi %add3A_1696, %add3A_1785 : i32
        %get3A_1787 = arith.index_cast %add3A_1786 : i32 to index
        %get3A_1788 = arith.constant 112 : index
        %get3A_1789 = tpu.vector_load %arg9[%get3A_1787, %get3A_1788] {strides = array<i32>} : memref<200x128xf32, #tpu.memory_space<vmem>>, vector<1x16xf32>,
        %get3A_1790 = vector.shape_cast %get3A_1789 : vector<1x16xf32> to vector<16xf32>
        %add3A_1791 = arith.addf %add3A_1735, %get3A_1790 : vector<16xf32>
        scf.yield %add3A_1742, %add3A_1749, %add3A_1756, %add3A_1763, %add3A_1770, %add3A_1777, %add3A_1784, %add3A_1791 : vector<16xf32>, vector<16xf32>, vector<16xf32>, vector<16xf32>, vector<16xf32>, vector<16xf32>, vector<16xf32>, vector<16xf32>
      }
      %scan3A_1603 = arith.constant 25 : i32
      %mul3A_1604 = arith.constant 2.000000e-02 : f32
      %mul3A_1605 = vector.broadcast %mul3A_1604 : f32 to vector<16xf32>
      %mul3A_1606 = arith.mulf %scan3A_1602#0, %mul3A_1605 : vector<16xf32>
      %swap3A_1607 = arith.constant 3 : i32
      %swap3A_1608 = arith.index_cast %swap3A_1607 : i32 to index
      %swap3A_1609 = arith.constant 0 : index
      %swap3A_1610 = tpu.vector_load %arg10[%swap3A_1608, %swap3A_1609] {strides = array<i32>} : memref<4x128xf32, #tpu.memory_space<vmem>>, vector<1x16xf32>,
      %swap3A_1611 = vector.shape_cast %swap3A_1610 : vector<1x16xf32> to vector<16xf32>
      %swap3A_1612 = vector.shape_cast %mul3A_1606 : vector<16xf32> to vector<1x16xf32>
      tpu.vector_store %arg10[%swap3A_1608, %swap3A_1609], %swap3A_1612 {strides = array<i32>} : memref<4x128xf32, #tpu.memory_space<vmem>>, vector<1x16xf32>,
      %mul3A_1613 = arith.constant 2.000000e-02 : f32
      %mul3A_1614 = vector.broadcast %mul3A_1613 : f32 to vector<16xf32>
      %mul3A_1615 = arith.mulf %scan3A_1602#1, %mul3A_1614 : vector<16xf32>
      %swap3A_1616 = arith.constant 3 : i32
      %swap3A_1617 = arith.index_cast %swap3A_1616 : i32 to index
      %swap3A_1618 = arith.constant 16 : index
      %swap3A_1619 = tpu.vector_load %arg10[%swap3A_1617, %swap3A_1618] {strides = array<i32>} : memref<4x128xf32, #tpu.memory_space<vmem>>, vector<1x16xf32>,
      %swap3A_1620 = vector.shape_cast %swap3A_1619 : vector<1x16xf32> to vector<16xf32>
      %swap3A_1621 = vector.shape_cast %mul3A_1615 : vector<16xf32> to vector<1x16xf32>
      tpu.vector_store %arg10[%swap3A_1617, %swap3A_1618], %swap3A_1621 {strides = array<i32>} : memref<4x128xf32, #tpu.memory_space<vmem>>, vector<1x16xf32>,
      %mul3A_1622 = arith.constant 2.000000e-02 : f32
      %mul3A_1623 = vector.broadcast %mul3A_1622 : f32 to vector<16xf32>
      %mul3A_1624 = arith.mulf %scan3A_1602#2, %mul3A_1623 : vector<16xf32>
      %swap3A_1625 = arith.constant 3 : i32
      %swap3A_1626 = arith.index_cast %swap3A_1625 : i32 to index
      %swap3A_1627 = arith.constant 32 : index
      %swap3A_1628 = tpu.vector_load %arg10[%swap3A_1626, %swap3A_1627] {strides = array<i32>} : memref<4x128xf32, #tpu.memory_space<vmem>>, vector<1x16xf32>,
      %swap3A_1629 = vector.shape_cast %swap3A_1628 : vector<1x16xf32> to vector<16xf32>
      %swap3A_1630 = vector.shape_cast %mul3A_1624 : vector<16xf32> to vector<1x16xf32>
      tpu.vector_store %arg10[%swap3A_1626, %swap3A_1627], %swap3A_1630 {strides = array<i32>} : memref<4x128xf32, #tpu.memory_space<vmem>>, vector<1x16xf32>,
      %mul3A_1631 = arith.constant 2.000000e-02 : f32
      %mul3A_1632 = vector.broadcast %mul3A_1631 : f32 to vector<16xf32>
      %mul3A_1633 = arith.mulf %scan3A_1602#3, %mul3A_1632 : vector<16xf32>
      %swap3A_1634 = arith.constant 3 : i32
      %swap3A_1635 = arith.index_cast %swap3A_1634 : i32 to index
      %swap3A_1636 = arith.constant 48 : index
      %swap3A_1637 = tpu.vector_load %arg10[%swap3A_1635, %swap3A_1636] {strides = array<i32>} : memref<4x128xf32, #tpu.memory_space<vmem>>, vector<1x16xf32>,
      %swap3A_1638 = vector.shape_cast %swap3A_1637 : vector<1x16xf32> to vector<16xf32>
      %swap3A_1639 = vector.shape_cast %mul3A_1633 : vector<16xf32> to vector<1x16xf32>
      tpu.vector_store %arg10[%swap3A_1635, %swap3A_1636], %swap3A_1639 {strides = array<i32>} : memref<4x128xf32, #tpu.memory_space<vmem>>, vector<1x16xf32>,
      %mul3A_1640 = arith.constant 2.000000e-02 : f32
      %mul3A_1641 = vector.broadcast %mul3A_1640 : f32 to vector<16xf32>
      %mul3A_1642 = arith.mulf %scan3A_1602#4, %mul3A_1641 : vector<16xf32>
      %swap3A_1643 = arith.constant 3 : i32
      %swap3A_1644 = arith.index_cast %swap3A_1643 : i32 to index
      %swap3A_1645 = arith.constant 64 : index
      %swap3A_1646 = tpu.vector_load %arg10[%swap3A_1644, %swap3A_1645] {strides = array<i32>} : memref<4x128xf32, #tpu.memory_space<vmem>>, vector<1x16xf32>,
      %swap3A_1647 = vector.shape_cast %swap3A_1646 : vector<1x16xf32> to vector<16xf32>
      %swap3A_1648 = vector.shape_cast %mul3A_1642 : vector<16xf32> to vector<1x16xf32>
      tpu.vector_store %arg10[%swap3A_1644, %swap3A_1645], %swap3A_1648 {strides = array<i32>} : memref<4x128xf32, #tpu.memory_space<vmem>>, vector<1x16xf32>,
      %mul3A_1649 = arith.constant 2.000000e-02 : f32
      %mul3A_1650 = vector.broadcast %mul3A_1649 : f32 to vector<16xf32>
      %mul3A_1651 = arith.mulf %scan3A_1602#5, %mul3A_1650 : vector<16xf32>
      %swap3A_1652 = arith.constant 3 : i32
      %swap3A_1653 = arith.index_cast %swap3A_1652 : i32 to index
      %swap3A_1654 = arith.constant 80 : index
      %swap3A_1655 = tpu.vector_load %arg10[%swap3A_1653, %swap3A_1654] {strides = array<i32>} : memref<4x128xf32, #tpu.memory_space<vmem>>, vector<1x16xf32>,
      %swap3A_1656 = vector.shape_cast %swap3A_1655 : vector<1x16xf32> to vector<16xf32>
      %swap3A_1657 = vector.shape_cast %mul3A_1651 : vector<16xf32> to vector<1x16xf32>
      tpu.vector_store %arg10[%swap3A_1653, %swap3A_1654], %swap3A_1657 {strides = array<i32>} : memref<4x128xf32, #tpu.memory_space<vmem>>, vector<1x16xf32>,
      %mul3A_1658 = arith.constant 2.000000e-02 : f32
      %mul3A_1659 = vector.broadcast %mul3A_1658 : f32 to vector<16xf32>
      %mul3A_1660 = arith.mulf %scan3A_1602#6, %mul3A_1659 : vector<16xf32>
      %swap3A_1661 = arith.constant 3 : i32
      %swap3A_1662 = arith.index_cast %swap3A_1661 : i32 to index
      %swap3A_1663 = arith.constant 96 : index
      %swap3A_1664 = tpu.vector_load %arg10[%swap3A_1662, %swap3A_1663] {strides = array<i32>} : memref<4x128xf32, #tpu.memory_space<vmem>>, vector<1x16xf32>,
      %swap3A_1665 = vector.shape_cast %swap3A_1664 : vector<1x16xf32> to vector<16xf32>
      %swap3A_1666 = vector.shape_cast %mul3A_1660 : vector<16xf32> to vector<1x16xf32>
      tpu.vector_store %arg10[%swap3A_1662, %swap3A_1663], %swap3A_1666 {strides = array<i32>} : memref<4x128xf32, #tpu.memory_space<vmem>>, vector<1x16xf32>,
      %mul3A_1667 = arith.constant 2.000000e-02 : f32
      %mul3A_1668 = vector.broadcast %mul3A_1667 : f32 to vector<16xf32>
      %mul3A_1669 = arith.mulf %scan3A_1602#7, %mul3A_1668 : vector<16xf32>
      %swap3A_1670 = arith.constant 3 : i32
      %swap3A_1671 = arith.index_cast %swap3A_1670 : i32 to index
      %swap3A_1672 = arith.constant 112 : index
      %swap3A_1673 = tpu.vector_load %arg10[%swap3A_1671, %swap3A_1672] {strides = array<i32>} : memref<4x128xf32, #tpu.memory_space<vmem>>, vector<1x16xf32>,
      %swap3A_1674 = vector.shape_cast %swap3A_1673 : vector<1x16xf32> to vector<16xf32>
      %swap3A_1675 = vector.shape_cast %mul3A_1669 : vector<16xf32> to vector<1x16xf32>
      tpu.vector_store %arg10[%swap3A_1671, %swap3A_1672], %swap3A_1675 {strides = array<i32>} : memref<4x128xf32, #tpu.memory_space<vmem>>, vector<1x16xf32>,
      %mul3A_1676 = arith.constant 4 : i32
      %mul3A_1677 = arith.muli %add3A_1283, %mul3A_1676 : i32
      %add3A_1678 = arith.addi %mul3A_2, %mul3A_1677 : i32
      "tpu.region"() ({
        %run_scoped3A = tpu.sem_alloc : memref<!tpu.dma_semaphore, #tpu.memory_space<semaphore_mem>>
        %dma_start3A_1684 = arith.constant 0 : i32
        %dma_start3A_1685 = tpu.memref_slice %arg4[%add3A_1678, %dma_start3A_1684] : memref<4096x128xf32, #tpu.memory_space<hbm>> -> memref<4x128xf32, #tpu.memory_space<hbm>>
        %dma_start3A_1686 = arith.constant 0 : i32
        %dma_start3A_1687 = tpu.memref_slice %arg4[%add3A_1678, %dma_start3A_1686] : memref<4096x128xf32, #tpu.memory_space<hbm>> -> memref<4x128xf32, #tpu.memory_space<hbm>>
        tpu.enqueue_dma source(%arg10 : memref<4x128xf32, #tpu.memory_space<vmem>>) target(%dma_start3A_1687 : memref<4x128xf32, #tpu.memory_space<hbm>>) target_semaphore(%run_scoped3A : memref<!tpu.dma_semaphore, #tpu.memory_space<semaphore_mem>>)
        %dma_wait3A_1688 = arith.constant 0 : i32
        %dma_wait3A_1689 = tpu.memref_slice %arg4[%add3A_1678, %dma_wait3A_1688] : memref<4096x128xf32, #tpu.memory_space<hbm>> -> memref<4x128xf32, #tpu.memory_space<hbm>>
        %dma_wait3A_1690 = arith.constant 0 : i32
        %dma_wait3A_1691 = tpu.memref_slice %arg4[%add3A_1678, %dma_wait3A_1690] : memref<4096x128xf32, #tpu.memory_space<hbm>> -> memref<4x128xf32, #tpu.memory_space<hbm>>
        tpu.wait_dma2 semaphore(%run_scoped3A : memref<!tpu.dma_semaphore, #tpu.memory_space<semaphore_mem>>) src(%arg10 : memref<4x128xf32, #tpu.memory_space<vmem>>) dst(%dma_wait3A_1691 : memref<4x128xf32, #tpu.memory_space<hbm>>)
        tpu.yield
      }) : () -> ()
      %lt3A_1679 = arith.constant 7 : i32
      %lt3A_1680 = arith.cmpi slt, %scan3A_73, %lt3A_1679 : i32
      %convert_element_type3A_1681 = arith.extui %lt3A_1680 : i1 to i32
      %cond3A_1682 = arith.constant 0 : i32
      %cond3A_1683 = arith.cmpi ne, %convert_element_type3A_1681, %cond3A_1682 : i32
      scf.if %cond3A_1683 {
        %add3A_1684 = arith.constant 4 : i32
        %add3A_1685 = arith.addi %add3A_1283, %add3A_1684 : i32
        %mul3A_1686 = arith.constant 4 : i32
        %mul3A_1687 = arith.muli %add3A_1685, %mul3A_1686 : i32
        %mul3A_1688 = arith.constant 50 : i32
        %mul3A_1689 = arith.muli %mul3A_1687, %mul3A_1688 : i32
        %dma_start3A_1690 = arith.constant 0 : i32
        %dma_start3A_1691 = arith.constant 0 : i32
        %dma_start3A_1692 = tpu.memref_slice %arg9[%dma_start3A_1690, %dma_start3A_1691] : memref<200x128xf32, #tpu.memory_space<vmem>> -> memref<104x128xf32, #tpu.memory_space<vmem>>
        %dma_start3A_1693 = tpu.memref_slice %arg5[%mul3A_1689] : memref<6400xi32, #tpu.memory_space<vmem>> -> memref<104xi32, #tpu.memory_space<vmem>>
        %dma_start3A_1694 = arith.constant 0 : i32
        %dma_start3A_1695 = arith.constant 0 : i32
        %dma_start3A_1696 = tpu.memref_slice %arg3[%dma_start3A_1694, %dma_start3A_1695] : memref<100000x128xf32, #tpu.memory_space<hbm>> -> memref<100000x128xf32, #tpu.memory_space<hbm>>
        tpu.enqueue_indirect_dma source(%dma_start3A_1696 : memref<100000x128xf32, #tpu.memory_space<hbm>>) target(%dma_start3A_1692 : memref<104x128xf32, #tpu.memory_space<vmem>>) offsets(%dma_start3A_1693 : memref<104xi32, #tpu.memory_space<vmem>>) semaphore(%arg14 : memref<!tpu.dma_semaphore, #tpu.memory_space<semaphore_mem>>)
        %add3A_1697 = arith.constant 104 : i32
        %add3A_1698 = arith.addi %mul3A_1689, %add3A_1697 : i32
        %dma_start3A_1699 = arith.constant 104 : i32
        %dma_start3A_1700 = arith.constant 0 : i32
        %dma_start3A_1701 = tpu.memref_slice %arg9[%dma_start3A_1699, %dma_start3A_1700] : memref<200x128xf32, #tpu.memory_space<vmem>> -> memref<96x128xf32, #tpu.memory_space<vmem>>
        %dma_start3A_1702 = tpu.memref_slice %arg5[%add3A_1698] : memref<6400xi32, #tpu.memory_space<vmem>> -> memref<96xi32, #tpu.memory_space<vmem>>
        %dma_start3A_1703 = arith.constant 0 : i32
        %dma_start3A_1704 = arith.constant 0 : i32
        %dma_start3A_1705 = tpu.memref_slice %arg3[%dma_start3A_1703, %dma_start3A_1704] : memref<100000x128xf32, #tpu.memory_space<hbm>> -> memref<100000x128xf32, #tpu.memory_space<hbm>>
        tpu.enqueue_indirect_dma source(%dma_start3A_1705 : memref<100000x128xf32, #tpu.memory_space<hbm>>) target(%dma_start3A_1701 : memref<96x128xf32, #tpu.memory_space<vmem>>) offsets(%dma_start3A_1702 : memref<96xi32, #tpu.memory_space<vmem>>) semaphore(%arg18 : memref<!tpu.dma_semaphore, #tpu.memory_space<semaphore_mem>>)
      } else {
      }
    }
    %scan3A_72 = arith.constant 8 : i32
    return
  }
}

module attributes {stable_mosaic.version = 14 : i64} {
  func.func @_mlp_body(%arg0: i32, %arg1: memref<2048x128xf32, #tpu.memory_space<vmem>>, %arg2: memref<128x256xf32, #tpu.memory_space<vmem>>, %arg3: memref<1x256xf32, #tpu.memory_space<vmem>>, %arg4: memref<256x256xf32, #tpu.memory_space<vmem>>, %arg5: memref<1x256xf32, #tpu.memory_space<vmem>>, %arg6: memref<2048x256xf32, #tpu.memory_space<vmem>>) attributes {dimension_semantics = [#tpu.dimension_semantics<arbitrary>], iteration_bounds = array<i64: 2>, scalar_prefetch = 0 : i64, scratch_operands = 0 : i64, tpu.core_type = #tpu.core_type<tc>, window_params = [{transform_indices = @transform_0, window_bounds = array<i64: 2048, 128>}, {pipeline_mode = #tpu.pipeline_mode<synchronous>, transform_indices = @transform_1, window_bounds = array<i64: 128, 256>}, {pipeline_mode = #tpu.pipeline_mode<synchronous>, transform_indices = @transform_2, window_bounds = array<i64: 1, 256>}, {pipeline_mode = #tpu.pipeline_mode<synchronous>, transform_indices = @transform_3, window_bounds = array<i64: 256, 256>}, {pipeline_mode = #tpu.pipeline_mode<synchronous>, transform_indices = @transform_4, window_bounds = array<i64: 1, 256>}, {transform_indices = @transform_5, window_bounds = array<i64: 2048, 256>}]} {
    %get3A = arith.constant 0 : index
    %get3A_0 = arith.constant 0 : index
    %get3A_1 = vector.load %arg1[%get3A, %get3A_0] : memref<2048x128xf32, #tpu.memory_space<vmem>>, vector<2048x128xf32>
    %get3A_2 = arith.constant 0 : index
    %get3A_3 = arith.constant 0 : index
    %get3A_4 = vector.load %arg2[%get3A_2, %get3A_3] : memref<128x256xf32, #tpu.memory_space<vmem>>, vector<128x256xf32>
    %dot_general3A = arith.constant dense<0.000000e+00> : vector<2048x256xf32>
    %dot_general3A_5 = tpu.matmul %get3A_1, %get3A_4, %dot_general3A {dimension_numbers = #tpu.dot_dimension_numbers<[1], [0], [0], [1], [0, 0, 1, 1], [], []>, transpose_lhs_hint = false} : vector<2048x128xf32>, vector<128x256xf32>, vector<2048x256xf32> -> vector<2048x256xf32>
    %get3A_6 = arith.constant 0 : index
    %get3A_7 = arith.constant 0 : index
    %get3A_8 = vector.load %arg3[%get3A_6, %get3A_7] : memref<1x256xf32, #tpu.memory_space<vmem>>, vector<1x256xf32>
    %add3A = vector.broadcast %get3A_8 : vector<1x256xf32> to vector<2048x256xf32>
    %add3A_9 = arith.addf %dot_general3A_5, %add3A : vector<2048x256xf32>
    %max3A = arith.constant 0.000000e+00 : f32
    %max3A_10 = vector.broadcast %max3A : f32 to vector<2048x256xf32>
    %max3A_11 = arith.maximumf %add3A_9, %max3A_10 : vector<2048x256xf32>
    %get3A_12 = arith.constant 0 : index
    %get3A_13 = arith.constant 0 : index
    %get3A_14 = vector.load %arg4[%get3A_12, %get3A_13] : memref<256x256xf32, #tpu.memory_space<vmem>>, vector<256x256xf32>
    %dot_general3A_15 = arith.constant dense<0.000000e+00> : vector<2048x256xf32>
    %dot_general3A_16 = tpu.matmul %max3A_11, %get3A_14, %dot_general3A_15 {dimension_numbers = #tpu.dot_dimension_numbers<[1], [0], [0], [1], [0, 0, 1, 1], [], []>, transpose_lhs_hint = false} : vector<2048x256xf32>, vector<256x256xf32>, vector<2048x256xf32> -> vector<2048x256xf32>
    %get3A_17 = arith.constant 0 : index
    %get3A_18 = arith.constant 0 : index
    %get3A_19 = vector.load %arg5[%get3A_17, %get3A_18] : memref<1x256xf32, #tpu.memory_space<vmem>>, vector<1x256xf32>
    %add3A_20 = vector.broadcast %get3A_19 : vector<1x256xf32> to vector<2048x256xf32>
    %add3A_21 = arith.addf %dot_general3A_16, %add3A_20 : vector<2048x256xf32>
    %swap3A = arith.constant 0 : index
    %swap3A_22 = arith.constant 0 : index
    %swap3A_23 = vector.load %arg6[%swap3A, %swap3A_22] : memref<2048x256xf32, #tpu.memory_space<vmem>>, vector<2048x256xf32>
    tpu.vector_store %arg6[%swap3A, %swap3A_22], %add3A_21 {strides = array<i32>} : memref<2048x256xf32, #tpu.memory_space<vmem>>, vector<2048x256xf32>,
    return
  }
  func.func @transform_0(%arg0: i32) -> (i32, i32) {
    %c0_i32 = arith.constant 0 : i32
    %c0_i32_0 = arith.constant 0 : i32
    return %arg0, %c0_i32 : i32, i32
  }
  func.func @transform_1(%arg0: i32) -> (i32, i32) {
    %c0_i32 = arith.constant 0 : i32
    %c0_i32_0 = arith.constant 0 : i32
    %c0_i32_1 = arith.constant 0 : i32
    return %c0_i32, %c0_i32_0 : i32, i32
  }
  func.func @transform_2(%arg0: i32) -> (i32, i32) {
    %c0_i32 = arith.constant 0 : i32
    %c0_i32_0 = arith.constant 0 : i32
    %c0_i32_1 = arith.constant 0 : i32
    return %c0_i32, %c0_i32_0 : i32, i32
  }
  func.func @transform_3(%arg0: i32) -> (i32, i32) {
    %c0_i32 = arith.constant 0 : i32
    %c0_i32_0 = arith.constant 0 : i32
    %c0_i32_1 = arith.constant 0 : i32
    return %c0_i32, %c0_i32_0 : i32, i32
  }
  func.func @transform_4(%arg0: i32) -> (i32, i32) {
    %c0_i32 = arith.constant 0 : i32
    %c0_i32_0 = arith.constant 0 : i32
    %c0_i32_1 = arith.constant 0 : i32
    return %c0_i32, %c0_i32_0 : i32, i32
  }
  func.func @transform_5(%arg0: i32) -> (i32, i32) {
    %c0_i32 = arith.constant 0 : i32
    %c0_i32_0 = arith.constant 0 : i32
    return %arg0, %c0_i32 : i32, i32
  }
}

</mosaic_0001>

<sc_bundles>
// kernel: kernel.4.cloned.1.call-start
scs
__scs_entry_jumppad:
0x0: {  	(pc) =	sbr.rel $0x88, $3  }
0x1: {  	(tag) =	ssettag $0x0;
	lr =	simm.s32 $0x1  }
0x2: {  	[smem:$0x3F9B] =	sst lr;
	_ =	strace $0xD0000000  }
0x3: {  	_ = 	snop  }
0x4: {  	_ = 	snop  }
0x5: {  	_ = 	snop  }
0x6: {  	_ = 	snop  }
0x7: {  	_ = 	snop  }
__scs_overlays_trampoline_lowered:
0x8: {  	[smem:$0x3FAA] =	sst s0  }
0x9: {  	[smem:$0x3FAB] =	sst s1  }
0xa: {  	[smem:$0x3FAC] =	sst s2  }
0xb: {  	[smem:$0x3FAD] =	sst s3  }
0xc: {  	[smem:$0x3FAE] =	sst s4  }
0xd: {  	[smem:$0x3FAF] =	sst s5  }
0xe: {  	[smem:$0x3FB0] =	sst s6  }
0xf: {  	[smem:$0x3FB1] =	sst s7  }
0x10: {  	[smem:$0x3FB2] =	sst s8  }
0x11: {  	[smem:$0x3FB3] =	sst s9;
	s0 =	simm.s32 @!p0 $0x0  }
0x12: {  	s1 =	sld [smem:$0x3F99];
	s0 =	simm.s32 @p0 $0x1  }
0x13: {  	[smem:$0x3FB4] =	sst s0;
	s0 =	simm.s32 @!p1 $0x0  }
0x14: {  	s2 =	sld [smem:$0x3F98];
	s0 =	simm.s32 @p1 $0x1  }
0x15: {  	[smem:$0x3FB5] =	sst s0;
	s0 =	simm.s32 @!p2 $0x0  }
0x16: {  	s3 =	sld [smem:$0x3FDB];
	s0 =	simm.s32 @p2 $0x1  }
0x17: {  	s4 =	simm.s32 $0x1BF5;
	[smem:$0x3FB7] =	sst s0  }
0x18: {  	s0 =	sld [smem:$0x3F9A];
	_ =	swait.ge [sflag:s4], $0x0  }
0x19: {  	s7 =	sld [smem:$0x3F9B]  }
0x1a: {  	s8 =	sadd.s32 $0xFFFFE003, lr  }
0x1b: {  	s9 =	sadd.s32 $0xFFFFFEF7, lr;
	s5 =	simm.s32 $0xFFFFFFFF;
	p2 =	slt.u32 s8, $0xFFFFF086  }
0x1c: {  	p1 =	slt.u32 s9, $0xF7A;
	s5 =	simm.s32 @!p2 $0x0  }
0x1d: {  	s5 =	simm.s32 @p1 $0x1;
	p0 =	seq.s32 s7, s2  }
0x1e: {  	s7 =	smul.u32 @!p0 $0xF7A, s2;
	p2 =	seq.s32 @!p0 s5, $0x0  }
0x1f: {  	s9 =	smul.u32 $0xF7A, s1;
	s8 =	simm.s32 @!p0 $0x1BF5;
	p2 =	por !p2, p0  }
0x20: {  	[sflag:s8] =	ssyncset.s32 @!p0 $0xFFFFF086;
	s6 =	sadd.s32 @!p0 s3, s7;
	s7 =	simm.s32 @!p0 $0x108  }
0x21: {  	s3 =	sadd.s32 s3, s9;
	s6 =	sadd.s32 @!p0 $0x88, s6;
	s7 =	simm.s32 @p2 $0x1082  }
0x22: {  	[simem:s7], [sflag:s8] =	dma.local @!p0 [hbm:s6], $0xF7A  }
0x23: {  	s9 =	sor.u32 $0xD0000000, s2;
	s6 =	simm.s32 $0x108;
	_ =	swait.ge @!p0 [sflag:s8], $0x0  }
0x24: {  	s3 =	sadd.s32 $0x88, s3;
	s6 =	simm.s32 @!p1 $0x1082;
	[sflag:s4] =	ssyncset.s32 $0xFFFFF086  }
0x25: {  	[simem:s6], [sflag:s4] =	dma.local [hbm:s3], $0xF7A  }
0x26: {  	[smem:$0x3F9B] =	sst s1;
	(tag) =	ssettag s2;
	_ =	strace s9  }
0x27: {  	s1 =	sld [smem:$0x3FAB]  }
0x28: {  	s2 =	sld [smem:$0x3FAC]  }
0x29: {  	s4 =	sld [smem:$0x3FAE]  }
0x2a: {  	p0 =	seq.s32 s5, $0x0;
	s5 =	sld [smem:$0x3FAF]  }
0x2b: {  	s6 =	sld [smem:$0x3FB0]  }
0x2c: {  	s7 =	sld [smem:$0x3FB1]  }
0x2d: {  	s3 =	simm.s32 $0x108;
	s8 =	sld [smem:$0x3FB2]  }
0x2e: {  	s3 =	simm.s32 @!p0 $0x1082;
	s9 =	sld [smem:$0x3FB3]  }
0x2f: {  	lr =	sadd.s32 s0, s3;
	s0 =	sld [smem:$0x3FAA]  }
0x30: {  	s3 =	sld [smem:$0x3FAD]  }
0x31: {  	[smem:$0x3FB6] =	sst s10  }
0x32: {  	s10 =	sld [smem:$0x3FB4];
	_ =	sdelay $0x3  }
0x33: {  	p0 =	seq.s32 s10, $0x1;
	s10 =	sld [smem:$0x3FB6];
	_ =	sdelay $0x3  }
0x34: {  	[smem:$0x3FB6] =	sst s10  }
0x35: {  	s10 =	sld [smem:$0x3FB5];
	_ =	sdelay $0x3  }
0x36: {  	p1 =	seq.s32 s10, $0x1;
	s10 =	sld [smem:$0x3FB6];
	_ =	sdelay $0x3  }
0x37: {  	[smem:$0x3FB6] =	sst s10  }
0x38: {  	s10 =	sld [smem:$0x3FB7]  }
0x39: {  	_ = 	snop;
	(pc) =	sbr.ind lr, $3  }
0x3a: {  	_ = 	snop  }
0x3b: {  	_ = 	snop  }
0x3c: {  	p2 =	seq.s32 s10, $0x1;
	s10 =	sld [smem:$0x3FB6]  }
0x3d: {  	_ =	shalt  }
0x3e: {  	_ =	shalt  }
0x3f: {  	_ =	shalt  }
0x40: {  	_ =	shalt  }
0x41: {  	_ =	shalt  }
0x42: {  	_ =	shalt  }
0x43: {  	_ =	shalt  }
0x44: {  	_ =	shalt  }
0x45: {  	_ =	shalt  }
0x46: {  	_ =	shalt  }
0x47: {  	_ =	shalt  }
0x48: {  	_ =	shalt  }
0x49: {  	_ =	shalt  }
0x4a: {  	_ =	shalt  }
0x4b: {  	_ =	shalt  }
0x4c: {  	_ =	shalt  }
0x4d: {  	_ =	shalt  }
0x4e: {  	_ =	shalt  }
0x4f: {  	_ =	shalt  }
0x50: {  	_ =	shalt  }
0x51: {  	_ =	shalt  }
0x52: {  	_ =	shalt  }
0x53: {  	_ =	shalt  }
0x54: {  	_ =	shalt  }
0x55: {  	_ =	shalt  }
0x56: {  	_ =	shalt  }
0x57: {  	_ =	shalt  }
0x58: {  	_ =	shalt  }
0x59: {  	_ =	shalt  }
0x5a: {  	_ =	shalt  }
0x5b: {  	_ =	shalt  }
0x5c: {  	_ =	shalt  }
0x5d: {  	_ =	shalt  }
0x5e: {  	_ =	shalt  }
0x5f: {  	_ =	shalt  }
0x60: {  	_ =	shalt  }
0x61: {  	_ =	shalt  }
0x62: {  	_ =	shalt  }
0x63: {  	_ =	shalt  }
0x64: {  	_ =	shalt  }
0x65: {  	_ =	shalt  }
0x66: {  	_ =	shalt  }
0x67: {  	_ =	shalt  }
0x68: {  	_ =	shalt  }
0x69: {  	_ =	shalt  }
0x6a: {  	_ =	shalt  }
0x6b: {  	_ =	shalt  }
0x6c: {  	_ =	shalt  }
0x6d: {  	_ =	shalt  }
0x6e: {  	_ =	shalt  }
0x6f: {  	_ =	shalt  }
0x70: {  	_ =	shalt  }
0x71: {  	_ =	shalt  }
0x72: {  	_ =	shalt  }
0x73: {  	_ =	shalt  }
0x74: {  	_ =	shalt  }
0x75: {  	_ =	shalt  }
0x76: {  	_ =	shalt  }
0x77: {  	_ =	shalt  }
0x78: {  	_ =	shalt  }
0x79: {  	_ =	shalt  }
0x7a: {  	_ =	shalt  }
0x7b: {  	_ =	shalt  }
0x7c: {  	_ =	shalt  }
0x7d: {  	_ =	shalt  }
0x7e: {  	_ =	shalt  }
0x7f: {  	_ =	shalt  }
0x80: {  	_ =	shalt  }
0x81: {  	_ =	shalt  }
0x82: {  	_ =	shalt  }
0x83: {  	_ =	shalt  }
0x84: {  	_ =	shalt  }
0x85: {  	_ =	shalt  }
0x86: {  	_ =	shalt  }
0x87: {  	_ =	shalt  }
.Lfunc_end0:
.L_simem_size_0:
called_computation_lowered:
.L_overlay_start_0:
0x88: {  	s2 =	sld [smem:$0x3FD9]  }
0x89: {  	s3 =	sld [smem:$0x3FFE];
	_ =	sdelay $0x1  }
0x8a: {  	s1 =	srdreg.scid  }
0x8b: {  	s0 =	sand.u32 $0x1, s1  }
0x8c: {  	s17 =	sshll.u32 s0, $0xA;
	s2 =	sadd.s32 s3, s2  }
0x8d: {  	s2 =	sadd.s32 s2, s17  }
0x8e: {  	[smem:$0x3FC2] =	sst s2  }
0x8f: {  	_ = 	snop  }
0x90: {  	s2 =	sld [smem:$0x3FC8]  }
0x91: {  	s18 =	sld [smem:$0x3FD0];
	(tm) =	ssettm $0x1  }
0x92: {  	s4 =	sld [smem:$0x3FFB];
	_ =	sdelay $0x3  }
0x93: {  	_ =	strace s4  }
0x94: {  	s4 =	sld [smem:$0x3FFC];
	_ =	sdelay $0x3  }
0x95: {  	_ =	strace s4  }
0x96: {  	s4 =	sld [smem:$0x3FFD];
	_ =	sdelay $0x3  }
0x97: {  	_ =	strace s4  }
0x98: {  	_ =	strace $0x8FFFFFFF  }
0x99: {  	s19 =	sld [smem:$0x3FDB];
	_ =	sdelay $0x1  }
0x9a: {  	s5 =	simm.s32 $_scs_section_size  }
0x9b: {  	s6 =	simm.s32 $_size__tile_overlayer_lowered;
	s7 =	simm.s32 $_tile_overlayer_lowered  }
0x9c: {  	s22 =	simm.s32 $0x1BFF;
	s21 =	sshll.u32 s7, $0x1;
	s4 =	sadd.s32 s5, s19  }
0x9d: {  	s8 =	simm.s32 $0x0;
	s20 =	sshll.u32 s6, $0x1;
	s6 =	sadd.s32 s21, s4  }
0x9e: {  	[timem:s8], [sflag:s22] =	dma.local [hbm:s6], s20  }
0x9f: {  	_ =	swait.ge [sflag:s22], s20  }
0xa0: {  	s5 =	ssub.s32 $0x0, s20;
	[sflag:s22] =	ssyncset.done $0x0  }
0xa1: {  	[sflag:s22] =	ssyncadd.s32 s5;
	_ =	sdelay $0x1  }
0xa2: {  	s23 =	simm.s32 $0x1B8B  }
0xa3: {  	_ =	swait.ge [sflag:s23], $0x1  }
0xa4: {  	[sflag:s23] =	ssyncset.done $0x0  }
0xa5: {  	s25 =	simm.s32 $0x1B8E;
	s24 =	sld [smem:$0x3FFE];
	[sflag:s23] =	ssyncadd.s32 $0xFFFFFFFF  }
0xa6: {  	s26 =	simm.s32 $execute0_lowered;
	[smem:$0x3FD2] =	sst s25  }
0xa7: {  	s6 =	sshll.u32 s26, $0x1;
	_ =	strace $0x80000046;
	[dreg:$0x1] =	wrdreg $0xFFFFFFFF  }
0xa8: {  	s28 =	simm.s32 $_size_execute0_lowered;
	s4 =	sadd.s32 s4, s6;
	[dreg:$0x0] =	wrdreg $0x0  }
0xa9: {  	s6 =	sshll.u32 s28, $0x1;
	[dreg:$0x2] =	wrdreg s4  }
0xaa: {  	[dreg:$0x3] =	wrdreg s6  }
0xab: {  	[dreg:$0x4] =	wrdreg $0xC0  }
0xac: {  	_ =	task [dreg:s8], $0x5FFFF  }
0xad: {  	[dreg:$0x1] =	wrdreg $0xFFFFFFFF  }
0xae: {  	[dreg:$0x0] =	wrdreg $0x60  }
0xaf: {  	[dreg:$0x2] =	wrdreg s24  }
0xb0: {  	[dreg:$0x3] =	wrdreg s2  }
0xb1: {  	[dreg:$0x4] =	wrdreg s18  }
0xb2: {  	[dreg:$0x5] =	wrdreg $0x9  }
0xb3: {  	_ =	task.clear_ibuf [dreg:s8], $0x6FFFF;
	_ =	strace $0x90000046  }
0xb4: {  	s29 =	simm.s32 $0x9;
	_ =	strace $0x80000048  }
0xb5: {  	_ =	swait.ge [sflag:s29], $0x1  }
0xb6: {  	[sflag:s29] =	ssyncadd.s32 $0xFFFFFFFF  }
0xb7: {  	_ =	strace $0x90000048  }
0xb8: {  	_ =	sfence  }
0xb9: {  	s30 =	sld [smem:$0x0];
	_ =	sdelay $0x2  }
0xba: {  	s31 =	sshll.u32 s1, $0xD;
	s1 =	sshrl.u32 s1, $0x2  }
0xbb: {  	s3 =	sand.u32 $0x4000, s31;
	s1 =	sadd.s32 s1, s30  }
0xbc: {  	s0 =	sor.u32 s3, s0;
	s1 =	sshll.u32 s1, $0x11  }
0xbd: {  	s0 =	sor.u32 s1, s0  }
0xbe: {  	s0 =	sadd.s32 $0x8F2B, s0  }
0xbf: {  	[sflag:s0] =	ssyncadd.remote.s32 $0x1  }
0xc0: {  	_ =	sfence.sel $0xFFFF  }
0xc1: {  	[dreg:$0x0] =	wrdreg $0xFFFFFFFF;
	(pc) =	sbr.abs _section_cstart, $3  }
0xc2: {  	[dreg:$0x1] =	wrdreg $0xFFFFFFFF  }
0xc3: {  	_ =	task.clear_ibuf [dreg:s8], $0x2FFFF;
	_ =	strace $0x9FFFFFFF  }
0xc4: {  	(tm) =	ssettm $0x7FFFFFFF  }
0xc5: {  	_ =	shalt  }
tec
execute0_lowered:
.L_overlay_start_1:
0x0: {  	(tag) =	ssettag $0x1  }
0x1: {  	s0 =	rddreg [dreg:$0x0];
	s1 =	srdreg.scid  }
0x2: {  	s3 =	stileid.u32;
	s2 =	rddreg [dreg:$0x1]  }
0x3: {  	s9 =	simm.s32 $0x9;
	s10 =	simm.s32 $0x68;
	s12 =	simm.s32 $0x60  }
0x4: {  	s21 =	simm.s32 $0x11500;
	s22 =	simm.s32 $0x258;
	s23 =	simm.s32 $0x14500  }
0x5: {  	s24 =	simm.s32 $0x2C0;
	s25 =	simm.s32 $0x17900;
	s28 =	simm.s32 $0x5  }
0x6: {  	s29 =	simm.s32 $0x1A900;
	s30 =	simm.s32 $0x2;
	s31 =	simm.s32 $0x6  }
0x7: {  	s11 =	simm.s32 $0x4;
	s1 =	sand.u32 $0x1, s1;
	s4 =	sshll.u32 s3, $0x1  }
0x8: {  	s13 =	simm.s32 $0x8;
	s14 =	simm.s32 $0x0;
	s6 =	sor.u32 s1, s4  }
0x9: {  	s3 =	rddreg [dreg:$0x2];
	s4 =	simm.s32 $0x0;
	s5 =	smul.u32 $0x320, s6  }
.Ltmp0:
0xa: {  	s1 =	ssub.s32 $0x2, s1;
	[smem:$0x7FF] =	sst s4;
	(pc) =	sbr.rel .LBB2_1-.Ltmp0, $4  }
0xb: {  	s26 =	sshrl.u32 s1, $0x1;
	s7 =	sshll.u32 s6, $0xB;
	_ =	strace $0x80000047  }
0xc: {  	s1 =	ssub.s32 s1, s26;
	s7 =	sadd.s32 s3, s7;
	s26 =	simm.s32 $0x1  }
0xd: {  	s0 =	sadd.s32 s5, s0;
	s5 =	sshll.u32 s6, $0x7;
	s8 =	smax.u32 s1, $0x1  }
0xe: {  	s1 =	simm.s32 $0x3;
	s6 =	sadd.s32 $0xE00, s0;
	s0 =	simm.s32 $0x7  }
.LBB2_36:
0xf: {  	s14 =	sadd.s32 $0x1, s14  }
0x10: {  	p0 =	sne.s32 s14, s8  }
.Ltmp1:
0x11: {  	_ = 	snop;
	(pc) =	sbr.rel @!p0 .LBB2_37-.Ltmp1, $1  }
0x12: {  	_ =	sdelay $0x3  }
.LBB2_1:
0x13: {  	[tilespmem:s4], [sflag:$0x9] =	stream.linear.gather [hbm4b:s6+s4], $0x1900, $0x38;
	[tilespmem:$0x1AB00] =	vst v63  }
0x14: {  	_ =	swait.ge [sflag:s9], $0x1900  }
0x15: {  	[sflag:s9] =	ssyncset.done $0x0  }
0x16: {  	s15 =	simm.s32 $0x1900;
	[sflag:s9] =	ssyncadd.s32 $0xFFFFE700  }
0x17: {  	[tilespmem:s15], [sflag:$0x1] =	stream.indirect.gather [hbm4b:s2+s10], $0x80, s4, s10, $0xb8;
	[tilespmem:$0x1AB00] =	vst v63  }
0x18: {  	s19 =	simm.s32 $0x4D00  }
0x19: {  	[tilespmem:s19], [sflag:$0x5] =	stream.indirect.gather [hbm4b:s2+s12], $0x80, s10, s12, $0xb8;
	[tilespmem:$0x1AB00] =	vst v63  }
0x1a: {  	s20 =	simm.s32 $0xC8;
	s16 =	simm.s32 $0x7D00  }
0x1b: {  	[tilespmem:s16], [sflag:$0x2] =	stream.indirect.gather [hbm4b:s2+s10], $0x80, s20, s10, $0xb8;
	[tilespmem:$0x1AB00] =	vst v63  }
0x1c: {  	s17 =	simm.s32 $0xB100;
	s16 =	simm.s32 $0x130  }
0x1d: {  	[tilespmem:s17], [sflag:$0x6] =	stream.indirect.gather [hbm4b:s2+s12], $0x80, s16, s12, $0xb8;
	[tilespmem:$0x1AB00] =	vst v63  }
0x1e: {  	s18 =	simm.s32 $0x190;
	s19 =	simm.s32 $0xE100  }
0x1f: {  	[tilespmem:s19], [sflag:$0x3] =	stream.indirect.gather [hbm4b:s2+s10], $0x80, s18, s10, $0xb8;
	[tilespmem:$0x1AB00] =	vst v63  }
0x20: {  	s20 =	simm.s32 $0x1F8  }
0x21: {  	[tilespmem:s21], [sflag:$0x7] =	stream.indirect.gather [hbm4b:s2+s12], $0x80, s20, s12, $0xb8;
	[tilespmem:$0x1AB00] =	vst v63  }
0x22: {  	_ = 	snop  }
0x23: {  	[tilespmem:s23], [sflag:$0x4] =	stream.indirect.gather [hbm4b:s2+s10], $0x80, s22, s10, $0xb8;
	[tilespmem:$0x1AB00] =	vst v63  }
0x24: {  	s15 =	simm.s32 $0x0  }
0x25: {  	[tilespmem:s25], [sflag:$0x8] =	stream.indirect.gather [hbm4b:s2+s12], $0x80, s24, s12, $0xb8;
	[tilespmem:$0x1AB00] =	vst v63  }
.LBB2_2:
0x26: {  	_ =	swait.ge [sflag:s26], $0x3400  }
0x27: {  	[sflag:s26] =	ssyncset.done $0x0  }
0x28: {  	[sflag:s26] =	ssyncadd.s32 $0xFFFFCC00  }
0x29: {  	_ =	swait.ge [sflag:s28], $0x3000  }
0x2a: {  	[sflag:s28] =	ssyncset.done $0x0  }
0x2b: {  	s16 =	simm.s32 $0x0;
	[sflag:s28] =	ssyncadd.s32 $0xFFFFD000  }
0x2c: {  	v3 =	vld [tilespmem:s16+$0x1980]  }
0x2d: {  	v5 =	vld [tilespmem:s16+$0x1990]  }
0x2e: {  	v2 =	vld [tilespmem:s16+$0x19A0]  }
0x2f: {  	v4 =	vld [tilespmem:s16+$0x19B0]  }
0x30: {  	v0 =	vld [tilespmem:s16+$0x19C0]  }
0x31: {  	v1 =	vld [tilespmem:s16+$0x19D0]  }
0x32: {  	v19 =	vld [tilespmem:s16+$0x1900]  }
0x33: {  	v20 =	vld [tilespmem:s16+$0x1910]  }
0x34: {  	v17 =	vld [tilespmem:s16+$0x1920]  }
0x35: {  	v18 =	vld [tilespmem:s16+$0x1930]  }
0x36: {  	v10 =	vimm.f32 $0.0e+00;
	v11 =	vimm.f32 $0.0e+00;
	v14 =	vld [tilespmem:s16+$0x1940]  }
0x37: {  	v13 =	vimm.f32 $0.0e+00;
	v12 =	vimm.f32 $0.0e+00;
	v8 =	vimm.f32 $0.0e+00;
	v15 =	vld [tilespmem:s16+$0x1950]  }
0x38: {  	s17 =	simm.s32 $0x400;
	v9 =	vimm.f32 $0.0e+00;
	v7 =	vimm.f32 $0.0e+00;
	v6 =	vimm.f32 $0.0e+00;
	v16 =	vld [tilespmem:s16+$0x1960]  }
.LBB2_3:
0x39: {  	p0 =	sne.s32 s17, $0x6000;
	v10 =	vadd.f32 v19, v10;
	v11 =	vadd.f32 v20, v11;
	v19 =	vld [tilespmem:s16+$0x1970]  }
0x3a: {  	v13 =	vadd.f32 v17, v13;
	v12 =	vadd.f32 v18, v12;
	v17 =	vld [tilespmem:s16+$0x19E0]  }
0x3b: {  	v10 =	vadd.f32 v3, v10;
	v11 =	vadd.f32 v5, v11;
	v18 =	vld [tilespmem:s16+$0x19F0];
	s16 =	sshra.s32 s17, $0x2  }
0x3c: {  	v13 =	vadd.f32 v2, v13;
	v3 =	vld [tilespmem:s16+$0x1980];
	v12 =	vadd.f32 v4, v12  }
0x3d: {  	v8 =	vadd.f32 v14, v8;
	v9 =	vadd.f32 v15, v9;
	v5 =	vld [tilespmem:s16+$0x1990]  }
0x3e: {  	v7 =	vadd.f32 v16, v7;
	v2 =	vld [tilespmem:s16+$0x19A0];
	v6 =	vadd.f32 v19, v6  }
0x3f: {  	v8 =	vadd.f32 v0, v8;
	v9 =	vadd.f32 v1, v9;
	v4 =	vld [tilespmem:s16+$0x19B0]  }
0x40: {  	v7 =	vadd.f32 v17, v7;
	v0 =	vld [tilespmem:s16+$0x19C0];
	v6 =	vadd.f32 v18, v6  }
0x41: {  	v1 =	vld [tilespmem:s16+$0x19D0]  }
0x42: {  	v19 =	vld [tilespmem:s16+$0x1900]  }
0x43: {  	v20 =	vld [tilespmem:s16+$0x1910]  }
.Ltmp2:
0x44: {  	v17 =	vld [tilespmem:s16+$0x1920];
	(pc) =	sbr.rel @p0 .LBB2_3-.Ltmp2, $4  }
0x45: {  	v18 =	vld [tilespmem:s16+$0x1930]  }
0x46: {  	v14 =	vld [tilespmem:s16+$0x1940]  }
0x47: {  	v15 =	vld [tilespmem:s16+$0x1950]  }
0x48: {  	s17 =	sadd.s32 $0x400, s17;
	v16 =	vld [tilespmem:s16+$0x1960]  }
0x49: {  	v10 =	vadd.f32 v19, v10  }
0x4a: {  	v11 =	vadd.f32 v20, v11  }
0x4b: {  	v19 =	vld [tilespmem:s16+$0x1970];
	v13 =	vadd.f32 v17, v13;
	v3 =	vadd.f32 v3, v10  }
0x4c: {  	v10 =	vadd.f32 v18, v12;
	v12 =	vld [tilespmem:s16+$0x19E0];
	v5 =	vadd.f32 v5, v11  }
0x4d: {  	v11 =	vld [tilespmem:s16+$0x19F0];
	v2 =	vadd.f32 v2, v13;
	v8 =	vadd.f32 v14, v8;
	v3 =	vmul.f32 $1.999999960e-02, v3  }
0x4e: {  	v9 =	vadd.f32 v15, v9;
	v4 =	vadd.f32 v4, v10;
	v5 =	vmul.f32 $1.999999960e-02, v5  }
0x4f: {  	v7 =	vadd.f32 v16, v7;
	v0 =	vadd.f32 v0, v8;
	v2 =	vmul.f32 $1.999999960e-02, v2;
	[tilespmem:$0x1A900] =	vst v3  }
0x50: {  	v1 =	vadd.f32 v1, v9;
	v3 =	vadd.f32 v19, v6;
	[tilespmem:$0x1A910] =	vst v5;
	v4 =	vmul.f32 $1.999999960e-02, v4  }
0x51: {  	[tilespmem:$0x1A920] =	vst v2;
	v0 =	vmul.f32 $1.999999960e-02, v0;
	v5 =	vadd.f32 v12, v7  }
0x52: {  	v1 =	vmul.f32 $1.999999960e-02, v1;
	v2 =	vadd.f32 v11, v3;
	[tilespmem:$0x1A930] =	vst v4  }
0x53: {  	[tilespmem:$0x1A940] =	vst v0;
	v0 =	vmul.f32 $1.999999960e-02, v5  }
0x54: {  	[tilespmem:$0x1A950] =	vst v1;
	v1 =	vmul.f32 $1.999999960e-02, v2  }
0x55: {  	[tilespmem:$0x1A960] =	vst v0  }
0x56: {  	s16 =	simm.s32 $0x0;
	[tilespmem:$0x1A970] =	vst v1  }
0x57: {  	v3 =	vld [tilespmem:s16+$0x3280]  }
0x58: {  	v5 =	vld [tilespmem:s16+$0x3290]  }
0x59: {  	v2 =	vld [tilespmem:s16+$0x32A0]  }
0x5a: {  	v4 =	vld [tilespmem:s16+$0x32B0]  }
0x5b: {  	v0 =	vld [tilespmem:s16+$0x32C0]  }
0x5c: {  	v1 =	vld [tilespmem:s16+$0x32D0]  }
0x5d: {  	v19 =	vld [tilespmem:s16+$0x3200]  }
0x5e: {  	v20 =	vld [tilespmem:s16+$0x3210]  }
0x5f: {  	v17 =	vld [tilespmem:s16+$0x3220]  }
0x60: {  	v18 =	vld [tilespmem:s16+$0x3230]  }
0x61: {  	v13 =	vimm.f32 $0.0e+00;
	v10 =	vimm.f32 $0.0e+00;
	v14 =	vld [tilespmem:s16+$0x3240]  }
0x62: {  	v8 =	vimm.f32 $0.0e+00;
	v9 =	vimm.f32 $0.0e+00;
	v6 =	vimm.f32 $0.0e+00;
	v15 =	vld [tilespmem:s16+$0x3250]  }
0x63: {  	s17 =	simm.s32 $0x400;
	v12 =	vimm.f32 $0.0e+00;
	v7 =	vimm.f32 $0.0e+00;
	v11 =	vimm.f32 $0.0e+00;
	v16 =	vld [tilespmem:s16+$0x3260]  }
.LBB2_5:
0x64: {  	p0 =	sne.s32 s17, $0x6000;
	v10 =	vadd.f32 v19, v10;
	v11 =	vadd.f32 v20, v11;
	v19 =	vld [tilespmem:s16+$0x3270]  }
0x65: {  	v13 =	vadd.f32 v17, v13;
	v12 =	vadd.f32 v18, v12;
	v17 =	vld [tilespmem:s16+$0x32E0]  }
0x66: {  	v10 =	vadd.f32 v3, v10;
	v11 =	vadd.f32 v5, v11;
	v18 =	vld [tilespmem:s16+$0x32F0];
	s16 =	sshra.s32 s17, $0x2  }
0x67: {  	v13 =	vadd.f32 v2, v13;
	v3 =	vld [tilespmem:s16+$0x3280];
	v12 =	vadd.f32 v4, v12  }
0x68: {  	v8 =	vadd.f32 v14, v8;
	v9 =	vadd.f32 v15, v9;
	v5 =	vld [tilespmem:s16+$0x3290]  }
0x69: {  	v7 =	vadd.f32 v16, v7;
	v2 =	vld [tilespmem:s16+$0x32A0];
	v6 =	vadd.f32 v19, v6  }
0x6a: {  	v8 =	vadd.f32 v0, v8;
	v9 =	vadd.f32 v1, v9;
	v4 =	vld [tilespmem:s16+$0x32B0]  }
0x6b: {  	v7 =	vadd.f32 v17, v7;
	v0 =	vld [tilespmem:s16+$0x32C0];
	v6 =	vadd.f32 v18, v6  }
0x6c: {  	v1 =	vld [tilespmem:s16+$0x32D0]  }
0x6d: {  	v19 =	vld [tilespmem:s16+$0x3200]  }
0x6e: {  	v20 =	vld [tilespmem:s16+$0x3210]  }
.Ltmp3:
0x6f: {  	v17 =	vld [tilespmem:s16+$0x3220];
	(pc) =	sbr.rel @p0 .LBB2_5-.Ltmp3, $4  }
0x70: {  	v18 =	vld [tilespmem:s16+$0x3230]  }
0x71: {  	v14 =	vld [tilespmem:s16+$0x3240]  }
0x72: {  	v15 =	vld [tilespmem:s16+$0x3250]  }
0x73: {  	s17 =	sadd.s32 $0x400, s17;
	v16 =	vld [tilespmem:s16+$0x3260]  }
0x74: {  	v10 =	vadd.f32 v19, v10  }
0x75: {  	v11 =	vadd.f32 v20, v11  }
0x76: {  	v19 =	vld [tilespmem:s16+$0x3270];
	v13 =	vadd.f32 v17, v13;
	v3 =	vadd.f32 v3, v10  }
0x77: {  	v10 =	vadd.f32 v18, v12;
	v12 =	vld [tilespmem:s16+$0x32E0];
	v5 =	vadd.f32 v5, v11  }
0x78: {  	v11 =	vld [tilespmem:s16+$0x32F0];
	v2 =	vadd.f32 v2, v13;
	v8 =	vadd.f32 v14, v8;
	v3 =	vmul.f32 $1.999999960e-02, v3  }
0x79: {  	v9 =	vadd.f32 v15, v9;
	v4 =	vadd.f32 v4, v10;
	v5 =	vmul.f32 $1.999999960e-02, v5  }
0x7a: {  	v7 =	vadd.f32 v16, v7;
	v0 =	vadd.f32 v0, v8;
	v2 =	vmul.f32 $1.999999960e-02, v2;
	[tilespmem:$0x1A980] =	vst v3  }
0x7b: {  	v1 =	vadd.f32 v1, v9;
	v3 =	vadd.f32 v19, v6;
	[tilespmem:$0x1A990] =	vst v5;
	v4 =	vmul.f32 $1.999999960e-02, v4  }
0x7c: {  	[tilespmem:$0x1A9A0] =	vst v2;
	v0 =	vmul.f32 $1.999999960e-02, v0;
	v5 =	vadd.f32 v12, v7  }
0x7d: {  	v1 =	vmul.f32 $1.999999960e-02, v1;
	v2 =	vadd.f32 v11, v3;
	[tilespmem:$0x1A9B0] =	vst v4  }
0x7e: {  	[tilespmem:$0x1A9C0] =	vst v0;
	v0 =	vmul.f32 $1.999999960e-02, v5  }
0x7f: {  	[tilespmem:$0x1A9D0] =	vst v1;
	v1 =	vmul.f32 $1.999999960e-02, v2  }
0x80: {  	[tilespmem:$0x1A9E0] =	vst v0  }
0x81: {  	s16 =	simm.s32 $0x0;
	[tilespmem:$0x1A9F0] =	vst v1  }
0x82: {  	v3 =	vld [tilespmem:s16+$0x4B80]  }
0x83: {  	v5 =	vld [tilespmem:s16+$0x4B90]  }
0x84: {  	v2 =	vld [tilespmem:s16+$0x4BA0]  }
0x85: {  	v4 =	vld [tilespmem:s16+$0x4BB0]  }
0x86: {  	v0 =	vld [tilespmem:s16+$0x4BC0]  }
0x87: {  	v1 =	vld [tilespmem:s16+$0x4BD0]  }
0x88: {  	v19 =	vld [tilespmem:s16+$0x4B00]  }
0x89: {  	v20 =	vld [tilespmem:s16+$0x4B10]  }
0x8a: {  	v17 =	vld [tilespmem:s16+$0x4B20]  }
0x8b: {  	v18 =	vld [tilespmem:s16+$0x4B30]  }
0x8c: {  	v13 =	vimm.f32 $0.0e+00;
	v10 =	vimm.f32 $0.0e+00;
	v14 =	vld [tilespmem:s16+$0x4B40]  }
0x8d: {  	v8 =	vimm.f32 $0.0e+00;
	v9 =	vimm.f32 $0.0e+00;
	v6 =	vimm.f32 $0.0e+00;
	v15 =	vld [tilespmem:s16+$0x4B50]  }
0x8e: {  	s17 =	simm.s32 $0x400;
	v12 =	vimm.f32 $0.0e+00;
	v7 =	vimm.f32 $0.0e+00;
	v11 =	vimm.f32 $0.0e+00;
	v16 =	vld [tilespmem:s16+$0x4B60]  }
.LBB2_7:
0x8f: {  	p0 =	sne.s32 s17, $0x6000;
	v10 =	vadd.f32 v19, v10;
	v11 =	vadd.f32 v20, v11;
	v19 =	vld [tilespmem:s16+$0x4B70]  }
0x90: {  	v13 =	vadd.f32 v17, v13;
	v12 =	vadd.f32 v18, v12;
	v17 =	vld [tilespmem:s16+$0x4BE0]  }
0x91: {  	v10 =	vadd.f32 v3, v10;
	v11 =	vadd.f32 v5, v11;
	v18 =	vld [tilespmem:s16+$0x4BF0];
	s16 =	sshra.s32 s17, $0x2  }
0x92: {  	v13 =	vadd.f32 v2, v13;
	v3 =	vld [tilespmem:s16+$0x4B80];
	v12 =	vadd.f32 v4, v12  }
0x93: {  	v8 =	vadd.f32 v14, v8;
	v9 =	vadd.f32 v15, v9;
	v5 =	vld [tilespmem:s16+$0x4B90]  }
0x94: {  	v7 =	vadd.f32 v16, v7;
	v2 =	vld [tilespmem:s16+$0x4BA0];
	v6 =	vadd.f32 v19, v6  }
0x95: {  	v8 =	vadd.f32 v0, v8;
	v9 =	vadd.f32 v1, v9;
	v4 =	vld [tilespmem:s16+$0x4BB0]  }
0x96: {  	v7 =	vadd.f32 v17, v7;
	v0 =	vld [tilespmem:s16+$0x4BC0];
	v6 =	vadd.f32 v18, v6  }
0x97: {  	v1 =	vld [tilespmem:s16+$0x4BD0]  }
0x98: {  	v19 =	vld [tilespmem:s16+$0x4B00]  }
0x99: {  	v20 =	vld [tilespmem:s16+$0x4B10]  }
.Ltmp4:
0x9a: {  	v17 =	vld [tilespmem:s16+$0x4B20];
	(pc) =	sbr.rel @p0 .LBB2_7-.Ltmp4, $4  }
0x9b: {  	v18 =	vld [tilespmem:s16+$0x4B30]  }
0x9c: {  	v14 =	vld [tilespmem:s16+$0x4B40]  }
0x9d: {  	v15 =	vld [tilespmem:s16+$0x4B50]  }
0x9e: {  	s17 =	sadd.s32 $0x400, s17;
	v16 =	vld [tilespmem:s16+$0x4B60]  }
0x9f: {  	v10 =	vadd.f32 v19, v10  }
0xa0: {  	v11 =	vadd.f32 v20, v11  }
0xa1: {  	v19 =	vld [tilespmem:s16+$0x4B70];
	v13 =	vadd.f32 v17, v13;
	v3 =	vadd.f32 v3, v10  }
0xa2: {  	v10 =	vadd.f32 v18, v12;
	v12 =	vld [tilespmem:s16+$0x4BE0];
	v5 =	vadd.f32 v5, v11  }
0xa3: {  	v11 =	vld [tilespmem:s16+$0x4BF0];
	v2 =	vadd.f32 v2, v13;
	v8 =	vadd.f32 v14, v8;
	v3 =	vmul.f32 $1.999999960e-02, v3  }
0xa4: {  	v9 =	vadd.f32 v15, v9;
	v4 =	vadd.f32 v4, v10;
	v5 =	vmul.f32 $1.999999960e-02, v5  }
0xa5: {  	v7 =	vadd.f32 v16, v7;
	v0 =	vadd.f32 v0, v8;
	v2 =	vmul.f32 $1.999999960e-02, v2;
	[tilespmem:$0x1AA00] =	vst v3  }
0xa6: {  	v1 =	vadd.f32 v1, v9;
	v3 =	vadd.f32 v19, v6;
	[tilespmem:$0x1AA10] =	vst v5;
	v4 =	vmul.f32 $1.999999960e-02, v4  }
0xa7: {  	[tilespmem:$0x1AA20] =	vst v2;
	v0 =	vmul.f32 $1.999999960e-02, v0;
	v5 =	vadd.f32 v12, v7  }
0xa8: {  	v1 =	vmul.f32 $1.999999960e-02, v1;
	v2 =	vadd.f32 v11, v3;
	[tilespmem:$0x1AA30] =	vst v4  }
0xa9: {  	[tilespmem:$0x1AA40] =	vst v0;
	v0 =	vmul.f32 $1.999999960e-02, v5  }
0xaa: {  	[tilespmem:$0x1AA50] =	vst v1;
	v1 =	vmul.f32 $1.999999960e-02, v2  }
0xab: {  	[tilespmem:$0x1AA60] =	vst v0  }
0xac: {  	s16 =	simm.s32 $0x0;
	[tilespmem:$0x1AA70] =	vst v1  }
0xad: {  	v3 =	vld [tilespmem:s16+$0x6480]  }
0xae: {  	v5 =	vld [tilespmem:s16+$0x6490]  }
0xaf: {  	v2 =	vld [tilespmem:s16+$0x64A0]  }
0xb0: {  	v4 =	vld [tilespmem:s16+$0x64B0]  }
0xb1: {  	v0 =	vld [tilespmem:s16+$0x64C0]  }
0xb2: {  	v1 =	vld [tilespmem:s16+$0x64D0]  }
0xb3: {  	v19 =	vld [tilespmem:s16+$0x6400]  }
0xb4: {  	v20 =	vld [tilespmem:s16+$0x6410]  }
0xb5: {  	v17 =	vld [tilespmem:s16+$0x6420]  }
0xb6: {  	v18 =	vld [tilespmem:s16+$0x6430]  }
0xb7: {  	v13 =	vimm.f32 $0.0e+00;
	v10 =	vimm.f32 $0.0e+00;
	v14 =	vld [tilespmem:s16+$0x6440]  }
0xb8: {  	v8 =	vimm.f32 $0.0e+00;
	v9 =	vimm.f32 $0.0e+00;
	v6 =	vimm.f32 $0.0e+00;
	v15 =	vld [tilespmem:s16+$0x6450]  }
0xb9: {  	s17 =	simm.s32 $0x400;
	v12 =	vimm.f32 $0.0e+00;
	v7 =	vimm.f32 $0.0e+00;
	v11 =	vimm.f32 $0.0e+00;
	v16 =	vld [tilespmem:s16+$0x6460]  }
.LBB2_9:
0xba: {  	p0 =	sne.s32 s17, $0x6000;
	v10 =	vadd.f32 v19, v10;
	v11 =	vadd.f32 v20, v11;
	v19 =	vld [tilespmem:s16+$0x6470]  }
0xbb: {  	v13 =	vadd.f32 v17, v13;
	v12 =	vadd.f32 v18, v12;
	v17 =	vld [tilespmem:s16+$0x64E0]  }
0xbc: {  	v10 =	vadd.f32 v3, v10;
	v11 =	vadd.f32 v5, v11;
	v18 =	vld [tilespmem:s16+$0x64F0];
	s16 =	sshra.s32 s17, $0x2  }
0xbd: {  	v13 =	vadd.f32 v2, v13;
	v3 =	vld [tilespmem:s16+$0x6480];
	v12 =	vadd.f32 v4, v12  }
0xbe: {  	v8 =	vadd.f32 v14, v8;
	v9 =	vadd.f32 v15, v9;
	v5 =	vld [tilespmem:s16+$0x6490]  }
0xbf: {  	v7 =	vadd.f32 v16, v7;
	v2 =	vld [tilespmem:s16+$0x64A0];
	v6 =	vadd.f32 v19, v6  }
0xc0: {  	v8 =	vadd.f32 v0, v8;
	v9 =	vadd.f32 v1, v9;
	v4 =	vld [tilespmem:s16+$0x64B0]  }
0xc1: {  	v7 =	vadd.f32 v17, v7;
	v0 =	vld [tilespmem:s16+$0x64C0];
	v6 =	vadd.f32 v18, v6  }
0xc2: {  	v1 =	vld [tilespmem:s16+$0x64D0]  }
0xc3: {  	v19 =	vld [tilespmem:s16+$0x6400]  }
0xc4: {  	v20 =	vld [tilespmem:s16+$0x6410]  }
.Ltmp5:
0xc5: {  	v17 =	vld [tilespmem:s16+$0x6420];
	(pc) =	sbr.rel @p0 .LBB2_9-.Ltmp5, $4  }
0xc6: {  	v18 =	vld [tilespmem:s16+$0x6430]  }
0xc7: {  	v14 =	vld [tilespmem:s16+$0x6440]  }
0xc8: {  	v15 =	vld [tilespmem:s16+$0x6450]  }
0xc9: {  	s17 =	sadd.s32 $0x400, s17;
	v16 =	vld [tilespmem:s16+$0x6460]  }
0xca: {  	v10 =	vadd.f32 v19, v10  }
0xcb: {  	v11 =	vadd.f32 v20, v11  }
0xcc: {  	v19 =	vld [tilespmem:s16+$0x6470];
	v13 =	vadd.f32 v17, v13;
	v3 =	vadd.f32 v3, v10  }
0xcd: {  	v10 =	vadd.f32 v18, v12;
	v12 =	vld [tilespmem:s16+$0x64E0];
	v5 =	vadd.f32 v5, v11  }
0xce: {  	v11 =	vld [tilespmem:s16+$0x64F0];
	v2 =	vadd.f32 v2, v13;
	v8 =	vadd.f32 v14, v8;
	v3 =	vmul.f32 $1.999999960e-02, v3  }
0xcf: {  	v9 =	vadd.f32 v15, v9;
	v4 =	vadd.f32 v4, v10;
	v5 =	vmul.f32 $1.999999960e-02, v5  }
0xd0: {  	v7 =	vadd.f32 v16, v7;
	v0 =	vadd.f32 v0, v8;
	v2 =	vmul.f32 $1.999999960e-02, v2;
	[tilespmem:$0x1AA80] =	vst v3  }
0xd1: {  	v1 =	vadd.f32 v1, v9;
	v3 =	vadd.f32 v19, v6;
	[tilespmem:$0x1AA90] =	vst v5;
	v4 =	vmul.f32 $1.999999960e-02, v4  }
0xd2: {  	[tilespmem:$0x1AAA0] =	vst v2;
	v0 =	vmul.f32 $1.999999960e-02, v0;
	v5 =	vadd.f32 v12, v7  }
0xd3: {  	v1 =	vmul.f32 $1.999999960e-02, v1;
	v2 =	vadd.f32 v11, v3;
	[tilespmem:$0x1AAB0] =	vst v4  }
0xd4: {  	[tilespmem:$0x1AAC0] =	vst v0;
	v0 =	vmul.f32 $1.999999960e-02, v5  }
0xd5: {  	[tilespmem:$0x1AAD0] =	vst v1;
	v1 =	vmul.f32 $1.999999960e-02, v2  }
0xd6: {  	s20 =	sshll.u32 s15, $0x8;
	[tilespmem:$0x1AAE0] =	vst v0  }
0xd7: {  	p0 =	seq.s32 s15, $0x7;
	s16 =	sadd.s32 s20, s7;
	[tilespmem:$0x1AAF0] =	vst v1  }
0xd8: {  	[hbm4b:s16+s4] =	stream.linear.scatter [tilespmem:s29], [sflag:$0x9], $0x200, $0x38;
	[tilespmem:$0x1AB00] =	vst v63  }
0xd9: {  	s16 =	smul.u32 @!p0 $0xC80, s15  }
0xda: {  	_ =	swait.ge [sflag:s9], $0x200  }
0xdb: {  	s18 =	simm.s32 @!p0 $0x68;
	[sflag:s9] =	ssyncset.done $0x0;
	s16 =	sshra.s32 @!p0 s16, $0x2  }
0xdc: {  	s19 =	simm.s32 @!p0 $0x1900;
	[sflag:s9] =	ssyncadd.s32 $0xFFFFFE00;
	s17 =	sadd.s32 @!p0 $0x320, s16  }
0xdd: {  	[tilespmem:s19], [sflag:$0x1] =	stream.indirect.gather @!p0 [hbm4b:s2+s18], $0x80, s17, s18, $0xb8;
	[tilespmem:$0x1AB00] =	vst v63  }
0xde: {  	s17 =	sadd.s32 @!p0 $0x388, s16;
	s18 =	simm.s32 @!p0 $0x60;
	s19 =	simm.s32 @!p0 $0x4D00  }
0xdf: {  	[tilespmem:s19], [sflag:$0x5] =	stream.indirect.gather @!p0 [hbm4b:s2+s18], $0x80, s17, s18, $0xb8;
	[tilespmem:$0x1AB00] =	vst v63  }
0xe0: {  	_ =	swait.ge [sflag:s30], $0x3400  }
0xe1: {  	[sflag:s30] =	ssyncset.done $0x0  }
0xe2: {  	[sflag:s30] =	ssyncadd.s32 $0xFFFFCC00  }
0xe3: {  	_ =	swait.ge [sflag:s31], $0x3000  }
0xe4: {  	[sflag:s31] =	ssyncset.done $0x0  }
0xe5: {  	s17 =	simm.s32 $0x0;
	[sflag:s31] =	ssyncadd.s32 $0xFFFFD000  }
0xe6: {  	v3 =	vld [tilespmem:s17+$0x7D80]  }
0xe7: {  	v5 =	vld [tilespmem:s17+$0x7D90]  }
0xe8: {  	v2 =	vld [tilespmem:s17+$0x7DA0]  }
0xe9: {  	v4 =	vld [tilespmem:s17+$0x7DB0]  }
0xea: {  	v0 =	vld [tilespmem:s17+$0x7DC0]  }
0xeb: {  	v1 =	vld [tilespmem:s17+$0x7DD0]  }
0xec: {  	v19 =	vld [tilespmem:s17+$0x7D00]  }
0xed: {  	v20 =	vld [tilespmem:s17+$0x7D10]  }
0xee: {  	v17 =	vld [tilespmem:s17+$0x7D20]  }
0xef: {  	v18 =	vld [tilespmem:s17+$0x7D30]  }
0xf0: {  	v13 =	vimm.f32 $0.0e+00;
	v10 =	vimm.f32 $0.0e+00;
	v14 =	vld [tilespmem:s17+$0x7D40]  }
0xf1: {  	v8 =	vimm.f32 $0.0e+00;
	v9 =	vimm.f32 $0.0e+00;
	v6 =	vimm.f32 $0.0e+00;
	v15 =	vld [tilespmem:s17+$0x7D50]  }
0xf2: {  	v12 =	vimm.f32 $0.0e+00;
	v7 =	vimm.f32 $0.0e+00;
	v11 =	vimm.f32 $0.0e+00;
	s18 =	simm.s32 $0x400;
	v16 =	vld [tilespmem:s17+$0x7D60]  }
.LBB2_11:
0xf3: {  	p1 =	sne.s32 s18, $0x6000;
	v10 =	vadd.f32 v19, v10;
	v11 =	vadd.f32 v20, v11;
	v19 =	vld [tilespmem:s17+$0x7D70]  }
0xf4: {  	v13 =	vadd.f32 v17, v13;
	v12 =	vadd.f32 v18, v12;
	v17 =	vld [tilespmem:s17+$0x7DE0]  }
0xf5: {  	v10 =	vadd.f32 v3, v10;
	v11 =	vadd.f32 v5, v11;
	v18 =	vld [tilespmem:s17+$0x7DF0];
	s17 =	sshra.s32 s18, $0x2  }
0xf6: {  	v13 =	vadd.f32 v2, v13;
	v3 =	vld [tilespmem:s17+$0x7D80];
	v12 =	vadd.f32 v4, v12  }
0xf7: {  	v8 =	vadd.f32 v14, v8;
	v9 =	vadd.f32 v15, v9;
	v5 =	vld [tilespmem:s17+$0x7D90]  }
0xf8: {  	v7 =	vadd.f32 v16, v7;
	v2 =	vld [tilespmem:s17+$0x7DA0];
	v6 =	vadd.f32 v19, v6  }
0xf9: {  	v8 =	vadd.f32 v0, v8;
	v9 =	vadd.f32 v1, v9;
	v4 =	vld [tilespmem:s17+$0x7DB0]  }
0xfa: {  	v7 =	vadd.f32 v17, v7;
	v0 =	vld [tilespmem:s17+$0x7DC0];
	v6 =	vadd.f32 v18, v6  }
0xfb: {  	v1 =	vld [tilespmem:s17+$0x7DD0]  }
0xfc: {  	v19 =	vld [tilespmem:s17+$0x7D00]  }
0xfd: {  	v20 =	vld [tilespmem:s17+$0x7D10]  }
.Ltmp6:
0xfe: {  	v17 =	vld [tilespmem:s17+$0x7D20];
	(pc) =	sbr.rel @p1 .LBB2_11-.Ltmp6, $4  }
0xff: {  	v18 =	vld [tilespmem:s17+$0x7D30]  }
0x100: {  	v14 =	vld [tilespmem:s17+$0x7D40]  }
0x101: {  	v15 =	vld [tilespmem:s17+$0x7D50]  }
0x102: {  	s18 =	sadd.s32 $0x400, s18;
	v16 =	vld [tilespmem:s17+$0x7D60]  }
0x103: {  	v10 =	vadd.f32 v19, v10  }
0x104: {  	v11 =	vadd.f32 v20, v11  }
0x105: {  	v19 =	vld [tilespmem:s17+$0x7D70];
	v13 =	vadd.f32 v17, v13;
	v3 =	vadd.f32 v3, v10  }
0x106: {  	v10 =	vadd.f32 v18, v12;
	v12 =	vld [tilespmem:s17+$0x7DE0];
	v5 =	vadd.f32 v5, v11  }
0x107: {  	v11 =	vld [tilespmem:s17+$0x7DF0];
	v2 =	vadd.f32 v2, v13;
	v8 =	vadd.f32 v14, v8;
	v3 =	vmul.f32 $1.999999960e-02, v3  }
0x108: {  	v9 =	vadd.f32 v15, v9;
	v4 =	vadd.f32 v4, v10;
	v5 =	vmul.f32 $1.999999960e-02, v5  }
0x109: {  	v7 =	vadd.f32 v16, v7;
	v0 =	vadd.f32 v0, v8;
	v2 =	vmul.f32 $1.999999960e-02, v2;
	[tilespmem:$0x1A900] =	vst v3  }
0x10a: {  	v1 =	vadd.f32 v1, v9;
	v3 =	vadd.f32 v19, v6;
	[tilespmem:$0x1A910] =	vst v5;
	v4 =	vmul.f32 $1.999999960e-02, v4  }
0x10b: {  	[tilespmem:$0x1A920] =	vst v2;
	v0 =	vmul.f32 $1.999999960e-02, v0;
	v5 =	vadd.f32 v12, v7  }
0x10c: {  	v1 =	vmul.f32 $1.999999960e-02, v1;
	v2 =	vadd.f32 v11, v3;
	[tilespmem:$0x1A930] =	vst v4  }
0x10d: {  	[tilespmem:$0x1A940] =	vst v0;
	v0 =	vmul.f32 $1.999999960e-02, v5  }
0x10e: {  	[tilespmem:$0x1A950] =	vst v1;
	v1 =	vmul.f32 $1.999999960e-02, v2  }
0x10f: {  	[tilespmem:$0x1A960] =	vst v0  }
0x110: {  	s17 =	simm.s32 $0x0;
	[tilespmem:$0x1A970] =	vst v1  }
0x111: {  	v3 =	vld [tilespmem:s17+$0x9680]  }
0x112: {  	v5 =	vld [tilespmem:s17+$0x9690]  }
0x113: {  	v2 =	vld [tilespmem:s17+$0x96A0]  }
0x114: {  	v4 =	vld [tilespmem:s17+$0x96B0]  }
0x115: {  	v0 =	vld [tilespmem:s17+$0x96C0]  }
0x116: {  	v1 =	vld [tilespmem:s17+$0x96D0]  }
0x117: {  	v19 =	vld [tilespmem:s17+$0x9600]  }
0x118: {  	v20 =	vld [tilespmem:s17+$0x9610]  }
0x119: {  	v17 =	vld [tilespmem:s17+$0x9620]  }
0x11a: {  	v18 =	vld [tilespmem:s17+$0x9630]  }
0x11b: {  	v13 =	vimm.f32 $0.0e+00;
	v10 =	vimm.f32 $0.0e+00;
	v14 =	vld [tilespmem:s17+$0x9640]  }
0x11c: {  	v8 =	vimm.f32 $0.0e+00;
	v9 =	vimm.f32 $0.0e+00;
	v6 =	vimm.f32 $0.0e+00;
	v15 =	vld [tilespmem:s17+$0x9650]  }
0x11d: {  	s18 =	simm.s32 $0x400;
	v12 =	vimm.f32 $0.0e+00;
	v7 =	vimm.f32 $0.0e+00;
	v11 =	vimm.f32 $0.0e+00;
	v16 =	vld [tilespmem:s17+$0x9660]  }
.LBB2_13:
0x11e: {  	p1 =	sne.s32 s18, $0x6000;
	v10 =	vadd.f32 v19, v10;
	v11 =	vadd.f32 v20, v11;
	v19 =	vld [tilespmem:s17+$0x9670]  }
0x11f: {  	v13 =	vadd.f32 v17, v13;
	v12 =	vadd.f32 v18, v12;
	v17 =	vld [tilespmem:s17+$0x96E0]  }
0x120: {  	v10 =	vadd.f32 v3, v10;
	v11 =	vadd.f32 v5, v11;
	v18 =	vld [tilespmem:s17+$0x96F0];
	s17 =	sshra.s32 s18, $0x2  }
0x121: {  	v13 =	vadd.f32 v2, v13;
	v3 =	vld [tilespmem:s17+$0x9680];
	v12 =	vadd.f32 v4, v12  }
0x122: {  	v8 =	vadd.f32 v14, v8;
	v9 =	vadd.f32 v15, v9;
	v5 =	vld [tilespmem:s17+$0x9690]  }
0x123: {  	v7 =	vadd.f32 v16, v7;
	v2 =	vld [tilespmem:s17+$0x96A0];
	v6 =	vadd.f32 v19, v6  }
0x124: {  	v8 =	vadd.f32 v0, v8;
	v9 =	vadd.f32 v1, v9;
	v4 =	vld [tilespmem:s17+$0x96B0]  }
0x125: {  	v7 =	vadd.f32 v17, v7;
	v0 =	vld [tilespmem:s17+$0x96C0];
	v6 =	vadd.f32 v18, v6  }
0x126: {  	v1 =	vld [tilespmem:s17+$0x96D0]  }
0x127: {  	v19 =	vld [tilespmem:s17+$0x9600]  }
0x128: {  	v20 =	vld [tilespmem:s17+$0x9610]  }
.Ltmp7:
0x129: {  	v17 =	vld [tilespmem:s17+$0x9620];
	(pc) =	sbr.rel @p1 .LBB2_13-.Ltmp7, $4  }
0x12a: {  	v18 =	vld [tilespmem:s17+$0x9630]  }
0x12b: {  	v14 =	vld [tilespmem:s17+$0x9640]  }
0x12c: {  	v15 =	vld [tilespmem:s17+$0x9650]  }
0x12d: {  	s18 =	sadd.s32 $0x400, s18;
	v16 =	vld [tilespmem:s17+$0x9660]  }
0x12e: {  	v10 =	vadd.f32 v19, v10  }
0x12f: {  	v11 =	vadd.f32 v20, v11  }
0x130: {  	v19 =	vld [tilespmem:s17+$0x9670];
	v13 =	vadd.f32 v17, v13;
	v3 =	vadd.f32 v3, v10  }
0x131: {  	v10 =	vadd.f32 v18, v12;
	v12 =	vld [tilespmem:s17+$0x96E0];
	v5 =	vadd.f32 v5, v11  }
0x132: {  	v11 =	vld [tilespmem:s17+$0x96F0];
	v2 =	vadd.f32 v2, v13;
	v8 =	vadd.f32 v14, v8;
	v3 =	vmul.f32 $1.999999960e-02, v3  }
0x133: {  	v9 =	vadd.f32 v15, v9;
	v4 =	vadd.f32 v4, v10;
	v5 =	vmul.f32 $1.999999960e-02, v5  }
0x134: {  	v7 =	vadd.f32 v16, v7;
	v0 =	vadd.f32 v0, v8;
	v2 =	vmul.f32 $1.999999960e-02, v2;
	[tilespmem:$0x1A980] =	vst v3  }
0x135: {  	v1 =	vadd.f32 v1, v9;
	v3 =	vadd.f32 v19, v6;
	[tilespmem:$0x1A990] =	vst v5;
	v4 =	vmul.f32 $1.999999960e-02, v4  }
0x136: {  	[tilespmem:$0x1A9A0] =	vst v2;
	v0 =	vmul.f32 $1.999999960e-02, v0;
	v5 =	vadd.f32 v12, v7  }
0x137: {  	v1 =	vmul.f32 $1.999999960e-02, v1;
	v2 =	vadd.f32 v11, v3;
	[tilespmem:$0x1A9B0] =	vst v4  }
0x138: {  	[tilespmem:$0x1A9C0] =	vst v0;
	v0 =	vmul.f32 $1.999999960e-02, v5  }
0x139: {  	[tilespmem:$0x1A9D0] =	vst v1;
	v1 =	vmul.f32 $1.999999960e-02, v2  }
0x13a: {  	[tilespmem:$0x1A9E0] =	vst v0  }
0x13b: {  	s17 =	simm.s32 $0x0;
	[tilespmem:$0x1A9F0] =	vst v1  }
0x13c: {  	v3 =	vld [tilespmem:s17+$0xAF80]  }
0x13d: {  	v5 =	vld [tilespmem:s17+$0xAF90]  }
0x13e: {  	v2 =	vld [tilespmem:s17+$0xAFA0]  }
0x13f: {  	v4 =	vld [tilespmem:s17+$0xAFB0]  }
0x140: {  	v0 =	vld [tilespmem:s17+$0xAFC0]  }
0x141: {  	v1 =	vld [tilespmem:s17+$0xAFD0]  }
0x142: {  	v19 =	vld [tilespmem:s17+$0xAF00]  }
0x143: {  	v20 =	vld [tilespmem:s17+$0xAF10]  }
0x144: {  	v17 =	vld [tilespmem:s17+$0xAF20]  }
0x145: {  	v18 =	vld [tilespmem:s17+$0xAF30]  }
0x146: {  	v13 =	vimm.f32 $0.0e+00;
	v10 =	vimm.f32 $0.0e+00;
	v14 =	vld [tilespmem:s17+$0xAF40]  }
0x147: {  	v8 =	vimm.f32 $0.0e+00;
	v9 =	vimm.f32 $0.0e+00;
	v6 =	vimm.f32 $0.0e+00;
	v15 =	vld [tilespmem:s17+$0xAF50]  }
0x148: {  	s18 =	simm.s32 $0x400;
	v12 =	vimm.f32 $0.0e+00;
	v7 =	vimm.f32 $0.0e+00;
	v11 =	vimm.f32 $0.0e+00;
	v16 =	vld [tilespmem:s17+$0xAF60]  }
.LBB2_15:
0x149: {  	p1 =	sne.s32 s18, $0x6000;
	v10 =	vadd.f32 v19, v10;
	v11 =	vadd.f32 v20, v11;
	v19 =	vld [tilespmem:s17+$0xAF70]  }
0x14a: {  	v13 =	vadd.f32 v17, v13;
	v12 =	vadd.f32 v18, v12;
	v17 =	vld [tilespmem:s17+$0xAFE0]  }
0x14b: {  	v10 =	vadd.f32 v3, v10;
	v11 =	vadd.f32 v5, v11;
	v18 =	vld [tilespmem:s17+$0xAFF0];
	s17 =	sshra.s32 s18, $0x2  }
0x14c: {  	v13 =	vadd.f32 v2, v13;
	v3 =	vld [tilespmem:s17+$0xAF80];
	v12 =	vadd.f32 v4, v12  }
0x14d: {  	v8 =	vadd.f32 v14, v8;
	v9 =	vadd.f32 v15, v9;
	v5 =	vld [tilespmem:s17+$0xAF90]  }
0x14e: {  	v7 =	vadd.f32 v16, v7;
	v2 =	vld [tilespmem:s17+$0xAFA0];
	v6 =	vadd.f32 v19, v6  }
0x14f: {  	v8 =	vadd.f32 v0, v8;
	v9 =	vadd.f32 v1, v9;
	v4 =	vld [tilespmem:s17+$0xAFB0]  }
0x150: {  	v7 =	vadd.f32 v17, v7;
	v0 =	vld [tilespmem:s17+$0xAFC0];
	v6 =	vadd.f32 v18, v6  }
0x151: {  	v1 =	vld [tilespmem:s17+$0xAFD0]  }
0x152: {  	v19 =	vld [tilespmem:s17+$0xAF00]  }
0x153: {  	v20 =	vld [tilespmem:s17+$0xAF10]  }
.Ltmp8:
0x154: {  	v17 =	vld [tilespmem:s17+$0xAF20];
	(pc) =	sbr.rel @p1 .LBB2_15-.Ltmp8, $4  }
0x155: {  	v18 =	vld [tilespmem:s17+$0xAF30]  }
0x156: {  	v14 =	vld [tilespmem:s17+$0xAF40]  }
0x157: {  	v15 =	vld [tilespmem:s17+$0xAF50]  }
0x158: {  	s18 =	sadd.s32 $0x400, s18;
	v16 =	vld [tilespmem:s17+$0xAF60]  }
0x159: {  	v10 =	vadd.f32 v19, v10  }
0x15a: {  	v11 =	vadd.f32 v20, v11  }
0x15b: {  	v19 =	vld [tilespmem:s17+$0xAF70];
	v13 =	vadd.f32 v17, v13;
	v3 =	vadd.f32 v3, v10  }
0x15c: {  	v10 =	vadd.f32 v18, v12;
	v12 =	vld [tilespmem:s17+$0xAFE0];
	v5 =	vadd.f32 v5, v11  }
0x15d: {  	v11 =	vld [tilespmem:s17+$0xAFF0];
	v2 =	vadd.f32 v2, v13;
	v8 =	vadd.f32 v14, v8;
	v3 =	vmul.f32 $1.999999960e-02, v3  }
0x15e: {  	v9 =	vadd.f32 v15, v9;
	v4 =	vadd.f32 v4, v10;
	v5 =	vmul.f32 $1.999999960e-02, v5  }
0x15f: {  	v7 =	vadd.f32 v16, v7;
	v0 =	vadd.f32 v0, v8;
	v2 =	vmul.f32 $1.999999960e-02, v2;
	[tilespmem:$0x1AA00] =	vst v3  }
0x160: {  	v1 =	vadd.f32 v1, v9;
	v3 =	vadd.f32 v19, v6;
	[tilespmem:$0x1AA10] =	vst v5;
	v4 =	vmul.f32 $1.999999960e-02, v4  }
0x161: {  	[tilespmem:$0x1AA20] =	vst v2;
	v0 =	vmul.f32 $1.999999960e-02, v0;
	v5 =	vadd.f32 v12, v7  }
0x162: {  	v1 =	vmul.f32 $1.999999960e-02, v1;
	v2 =	vadd.f32 v11, v3;
	[tilespmem:$0x1AA30] =	vst v4  }
0x163: {  	[tilespmem:$0x1AA40] =	vst v0;
	v0 =	vmul.f32 $1.999999960e-02, v5  }
0x164: {  	[tilespmem:$0x1AA50] =	vst v1;
	v1 =	vmul.f32 $1.999999960e-02, v2  }
0x165: {  	[tilespmem:$0x1AA60] =	vst v0  }
0x166: {  	s17 =	simm.s32 $0x0;
	[tilespmem:$0x1AA70] =	vst v1  }
0x167: {  	v3 =	vld [tilespmem:s17+$0xC880]  }
0x168: {  	v5 =	vld [tilespmem:s17+$0xC890]  }
0x169: {  	v2 =	vld [tilespmem:s17+$0xC8A0]  }
0x16a: {  	v4 =	vld [tilespmem:s17+$0xC8B0]  }
0x16b: {  	v0 =	vld [tilespmem:s17+$0xC8C0]  }
0x16c: {  	v1 =	vld [tilespmem:s17+$0xC8D0]  }
0x16d: {  	v19 =	vld [tilespmem:s17+$0xC800]  }
0x16e: {  	v20 =	vld [tilespmem:s17+$0xC810]  }
0x16f: {  	v17 =	vld [tilespmem:s17+$0xC820]  }
0x170: {  	v18 =	vld [tilespmem:s17+$0xC830]  }
0x171: {  	v13 =	vimm.f32 $0.0e+00;
	v10 =	vimm.f32 $0.0e+00;
	v14 =	vld [tilespmem:s17+$0xC840]  }
0x172: {  	v8 =	vimm.f32 $0.0e+00;
	v9 =	vimm.f32 $0.0e+00;
	v6 =	vimm.f32 $0.0e+00;
	v15 =	vld [tilespmem:s17+$0xC850]  }
0x173: {  	s18 =	simm.s32 $0x400;
	v12 =	vimm.f32 $0.0e+00;
	v7 =	vimm.f32 $0.0e+00;
	v11 =	vimm.f32 $0.0e+00;
	v16 =	vld [tilespmem:s17+$0xC860]  }
.LBB2_17:
0x174: {  	p1 =	sne.s32 s18, $0x6000;
	v10 =	vadd.f32 v19, v10;
	v11 =	vadd.f32 v20, v11;
	v19 =	vld [tilespmem:s17+$0xC870]  }
0x175: {  	v13 =	vadd.f32 v17, v13;
	v12 =	vadd.f32 v18, v12;
	v17 =	vld [tilespmem:s17+$0xC8E0]  }
0x176: {  	v10 =	vadd.f32 v3, v10;
	v11 =	vadd.f32 v5, v11;
	v18 =	vld [tilespmem:s17+$0xC8F0];
	s17 =	sshra.s32 s18, $0x2  }
0x177: {  	v13 =	vadd.f32 v2, v13;
	v3 =	vld [tilespmem:s17+$0xC880];
	v12 =	vadd.f32 v4, v12  }
0x178: {  	v8 =	vadd.f32 v14, v8;
	v9 =	vadd.f32 v15, v9;
	v5 =	vld [tilespmem:s17+$0xC890]  }
0x179: {  	v7 =	vadd.f32 v16, v7;
	v2 =	vld [tilespmem:s17+$0xC8A0];
	v6 =	vadd.f32 v19, v6  }
0x17a: {  	v8 =	vadd.f32 v0, v8;
	v9 =	vadd.f32 v1, v9;
	v4 =	vld [tilespmem:s17+$0xC8B0]  }
0x17b: {  	v7 =	vadd.f32 v17, v7;
	v0 =	vld [tilespmem:s17+$0xC8C0];
	v6 =	vadd.f32 v18, v6  }
0x17c: {  	v1 =	vld [tilespmem:s17+$0xC8D0]  }
0x17d: {  	v19 =	vld [tilespmem:s17+$0xC800]  }
0x17e: {  	v20 =	vld [tilespmem:s17+$0xC810]  }
.Ltmp9:
0x17f: {  	v17 =	vld [tilespmem:s17+$0xC820];
	(pc) =	sbr.rel @p1 .LBB2_17-.Ltmp9, $4  }
0x180: {  	v18 =	vld [tilespmem:s17+$0xC830]  }
0x181: {  	v14 =	vld [tilespmem:s17+$0xC840]  }
0x182: {  	v15 =	vld [tilespmem:s17+$0xC850]  }
0x183: {  	s18 =	sadd.s32 $0x400, s18;
	v16 =	vld [tilespmem:s17+$0xC860]  }
0x184: {  	v10 =	vadd.f32 v19, v10  }
0x185: {  	v11 =	vadd.f32 v20, v11  }
0x186: {  	v19 =	vld [tilespmem:s17+$0xC870];
	v13 =	vadd.f32 v17, v13;
	v3 =	vadd.f32 v3, v10  }
0x187: {  	v10 =	vadd.f32 v18, v12;
	v12 =	vld [tilespmem:s17+$0xC8E0];
	v5 =	vadd.f32 v5, v11  }
0x188: {  	v11 =	vld [tilespmem:s17+$0xC8F0];
	v2 =	vadd.f32 v2, v13;
	v8 =	vadd.f32 v14, v8;
	v3 =	vmul.f32 $1.999999960e-02, v3  }
0x189: {  	v9 =	vadd.f32 v15, v9;
	v4 =	vadd.f32 v4, v10;
	v5 =	vmul.f32 $1.999999960e-02, v5  }
0x18a: {  	v7 =	vadd.f32 v16, v7;
	v0 =	vadd.f32 v0, v8;
	v2 =	vmul.f32 $1.999999960e-02, v2;
	[tilespmem:$0x1AA80] =	vst v3  }
0x18b: {  	v1 =	vadd.f32 v1, v9;
	v3 =	vadd.f32 v19, v6;
	[tilespmem:$0x1AA90] =	vst v5;
	v4 =	vmul.f32 $1.999999960e-02, v4  }
0x18c: {  	s20 =	sshll.u32 s15, $0x4;
	[tilespmem:$0x1AAA0] =	vst v2;
	v0 =	vmul.f32 $1.999999960e-02, v0;
	v5 =	vadd.f32 v12, v7  }
0x18d: {  	s17 =	sadd.s32 s20, s5;
	v1 =	vmul.f32 $1.999999960e-02, v1;
	v2 =	vadd.f32 v11, v3;
	[tilespmem:$0x1AAB0] =	vst v4  }
0x18e: {  	s17 =	sshll.u32 s17, $0x4;
	[tilespmem:$0x1AAC0] =	vst v0;
	v0 =	vmul.f32 $1.999999960e-02, v5  }
0x18f: {  	s18 =	sadd.s32 $0x40, s17;
	[tilespmem:$0x1AAD0] =	vst v1;
	v1 =	vmul.f32 $1.999999960e-02, v2  }
0x190: {  	s18 =	sand.u32 $0x1FFFFF40, s18;
	[tilespmem:$0x1AAE0] =	vst v0  }
0x191: {  	s18 =	sadd.s32 s3, s18;
	[tilespmem:$0x1AAF0] =	vst v1  }
0x192: {  	[hbm4b:s18+s4] =	stream.linear.scatter [tilespmem:s29], [sflag:$0x9], $0x200, $0x38;
	[tilespmem:$0x1AB00] =	vst v63  }
0x193: {  	_ =	swait.ge [sflag:s9], $0x200  }
0x194: {  	s19 =	simm.s32 @!p0 $0x68;
	[sflag:s9] =	ssyncset.done $0x0  }
0x195: {  	s20 =	simm.s32 @!p0 $0x7D00;
	s18 =	sadd.s32 @!p0 $0x3E8, s16;
	[sflag:s9] =	ssyncadd.s32 $0xFFFFFE00  }
0x196: {  	[tilespmem:s20], [sflag:$0x2] =	stream.indirect.gather @!p0 [hbm4b:s2+s19], $0x80, s18, s19, $0xb8;
	[tilespmem:$0x1AB00] =	vst v63  }
0x197: {  	s18 =	sadd.s32 @!p0 $0x450, s16;
	s19 =	simm.s32 @!p0 $0x60;
	s20 =	simm.s32 @!p0 $0xB100  }
0x198: {  	[tilespmem:s20], [sflag:$0x6] =	stream.indirect.gather @!p0 [hbm4b:s2+s19], $0x80, s18, s19, $0xb8;
	[tilespmem:$0x1AB00] =	vst v63  }
0x199: {  	_ =	swait.ge [sflag:s1], $0x3400  }
0x19a: {  	[sflag:s1] =	ssyncset.done $0x0  }
0x19b: {  	[sflag:s1] =	ssyncadd.s32 $0xFFFFCC00  }
0x19c: {  	_ =	swait.ge [sflag:s0], $0x3000  }
0x19d: {  	[sflag:s0] =	ssyncset.done $0x0  }
0x19e: {  	s18 =	simm.s32 $0x0;
	[sflag:s0] =	ssyncadd.s32 $0xFFFFD000  }
0x19f: {  	v3 =	vld [tilespmem:s18+$0xE180]  }
0x1a0: {  	v5 =	vld [tilespmem:s18+$0xE190]  }
0x1a1: {  	v2 =	vld [tilespmem:s18+$0xE1A0]  }
0x1a2: {  	v4 =	vld [tilespmem:s18+$0xE1B0]  }
0x1a3: {  	v0 =	vld [tilespmem:s18+$0xE1C0]  }
0x1a4: {  	v1 =	vld [tilespmem:s18+$0xE1D0]  }
0x1a5: {  	v19 =	vld [tilespmem:s18+$0xE100]  }
0x1a6: {  	v20 =	vld [tilespmem:s18+$0xE110]  }
0x1a7: {  	v17 =	vld [tilespmem:s18+$0xE120]  }
0x1a8: {  	v18 =	vld [tilespmem:s18+$0xE130]  }
0x1a9: {  	v13 =	vimm.f32 $0.0e+00;
	v10 =	vimm.f32 $0.0e+00;
	v14 =	vld [tilespmem:s18+$0xE140]  }
0x1aa: {  	v8 =	vimm.f32 $0.0e+00;
	v9 =	vimm.f32 $0.0e+00;
	v6 =	vimm.f32 $0.0e+00;
	v15 =	vld [tilespmem:s18+$0xE150]  }
0x1ab: {  	v12 =	vimm.f32 $0.0e+00;
	v7 =	vimm.f32 $0.0e+00;
	v11 =	vimm.f32 $0.0e+00;
	s19 =	simm.s32 $0x400;
	v16 =	vld [tilespmem:s18+$0xE160]  }
.LBB2_19:
0x1ac: {  	p1 =	sne.s32 s19, $0x6000;
	v10 =	vadd.f32 v19, v10;
	v11 =	vadd.f32 v20, v11;
	v19 =	vld [tilespmem:s18+$0xE170]  }
0x1ad: {  	v13 =	vadd.f32 v17, v13;
	v12 =	vadd.f32 v18, v12;
	v17 =	vld [tilespmem:s18+$0xE1E0]  }
0x1ae: {  	v10 =	vadd.f32 v3, v10;
	v11 =	vadd.f32 v5, v11;
	v18 =	vld [tilespmem:s18+$0xE1F0];
	s18 =	sshra.s32 s19, $0x2  }
0x1af: {  	v13 =	vadd.f32 v2, v13;
	v3 =	vld [tilespmem:s18+$0xE180];
	v12 =	vadd.f32 v4, v12  }
0x1b0: {  	v8 =	vadd.f32 v14, v8;
	v9 =	vadd.f32 v15, v9;
	v5 =	vld [tilespmem:s18+$0xE190]  }
0x1b1: {  	v7 =	vadd.f32 v16, v7;
	v2 =	vld [tilespmem:s18+$0xE1A0];
	v6 =	vadd.f32 v19, v6  }
0x1b2: {  	v8 =	vadd.f32 v0, v8;
	v9 =	vadd.f32 v1, v9;
	v4 =	vld [tilespmem:s18+$0xE1B0]  }
0x1b3: {  	v7 =	vadd.f32 v17, v7;
	v0 =	vld [tilespmem:s18+$0xE1C0];
	v6 =	vadd.f32 v18, v6  }
0x1b4: {  	v1 =	vld [tilespmem:s18+$0xE1D0]  }
0x1b5: {  	v19 =	vld [tilespmem:s18+$0xE100]  }
0x1b6: {  	v20 =	vld [tilespmem:s18+$0xE110]  }
.Ltmp10:
0x1b7: {  	v17 =	vld [tilespmem:s18+$0xE120];
	(pc) =	sbr.rel @p1 .LBB2_19-.Ltmp10, $4  }
0x1b8: {  	v18 =	vld [tilespmem:s18+$0xE130]  }
0x1b9: {  	v14 =	vld [tilespmem:s18+$0xE140]  }
0x1ba: {  	v15 =	vld [tilespmem:s18+$0xE150]  }
0x1bb: {  	s19 =	sadd.s32 $0x400, s19;
	v16 =	vld [tilespmem:s18+$0xE160]  }
0x1bc: {  	v10 =	vadd.f32 v19, v10  }
0x1bd: {  	v11 =	vadd.f32 v20, v11  }
0x1be: {  	v19 =	vld [tilespmem:s18+$0xE170];
	v13 =	vadd.f32 v17, v13;
	v3 =	vadd.f32 v3, v10  }
0x1bf: {  	v10 =	vadd.f32 v18, v12;
	v12 =	vld [tilespmem:s18+$0xE1E0];
	v5 =	vadd.f32 v5, v11  }
0x1c0: {  	v11 =	vld [tilespmem:s18+$0xE1F0];
	v2 =	vadd.f32 v2, v13;
	v8 =	vadd.f32 v14, v8;
	v3 =	vmul.f32 $1.999999960e-02, v3  }
0x1c1: {  	v9 =	vadd.f32 v15, v9;
	v4 =	vadd.f32 v4, v10;
	v5 =	vmul.f32 $1.999999960e-02, v5  }
0x1c2: {  	v7 =	vadd.f32 v16, v7;
	v0 =	vadd.f32 v0, v8;
	v2 =	vmul.f32 $1.999999960e-02, v2;
	[tilespmem:$0x1A900] =	vst v3  }
0x1c3: {  	v1 =	vadd.f32 v1, v9;
	v3 =	vadd.f32 v19, v6;
	[tilespmem:$0x1A910] =	vst v5;
	v4 =	vmul.f32 $1.999999960e-02, v4  }
0x1c4: {  	[tilespmem:$0x1A920] =	vst v2;
	v0 =	vmul.f32 $1.999999960e-02, v0;
	v5 =	vadd.f32 v12, v7  }
0x1c5: {  	v1 =	vmul.f32 $1.999999960e-02, v1;
	v2 =	vadd.f32 v11, v3;
	[tilespmem:$0x1A930] =	vst v4  }
0x1c6: {  	[tilespmem:$0x1A940] =	vst v0;
	v0 =	vmul.f32 $1.999999960e-02, v5  }
0x1c7: {  	[tilespmem:$0x1A950] =	vst v1;
	v1 =	vmul.f32 $1.999999960e-02, v2  }
0x1c8: {  	[tilespmem:$0x1A960] =	vst v0  }
0x1c9: {  	s18 =	simm.s32 $0x0;
	[tilespmem:$0x1A970] =	vst v1  }
0x1ca: {  	v3 =	vld [tilespmem:s18+$0xFA80]  }
0x1cb: {  	v5 =	vld [tilespmem:s18+$0xFA90]  }
0x1cc: {  	v2 =	vld [tilespmem:s18+$0xFAA0]  }
0x1cd: {  	v4 =	vld [tilespmem:s18+$0xFAB0]  }
0x1ce: {  	v0 =	vld [tilespmem:s18+$0xFAC0]  }
0x1cf: {  	v1 =	vld [tilespmem:s18+$0xFAD0]  }
0x1d0: {  	v19 =	vld [tilespmem:s18+$0xFA00]  }
0x1d1: {  	v20 =	vld [tilespmem:s18+$0xFA10]  }
0x1d2: {  	v17 =	vld [tilespmem:s18+$0xFA20]  }
0x1d3: {  	v18 =	vld [tilespmem:s18+$0xFA30]  }
0x1d4: {  	v13 =	vimm.f32 $0.0e+00;
	v10 =	vimm.f32 $0.0e+00;
	v14 =	vld [tilespmem:s18+$0xFA40]  }
0x1d5: {  	v8 =	vimm.f32 $0.0e+00;
	v9 =	vimm.f32 $0.0e+00;
	v6 =	vimm.f32 $0.0e+00;
	v15 =	vld [tilespmem:s18+$0xFA50]  }
0x1d6: {  	s19 =	simm.s32 $0x400;
	v12 =	vimm.f32 $0.0e+00;
	v7 =	vimm.f32 $0.0e+00;
	v11 =	vimm.f32 $0.0e+00;
	v16 =	vld [tilespmem:s18+$0xFA60]  }
.LBB2_21:
0x1d7: {  	p1 =	sne.s32 s19, $0x6000;
	v10 =	vadd.f32 v19, v10;
	v11 =	vadd.f32 v20, v11;
	v19 =	vld [tilespmem:s18+$0xFA70]  }
0x1d8: {  	v13 =	vadd.f32 v17, v13;
	v12 =	vadd.f32 v18, v12;
	v17 =	vld [tilespmem:s18+$0xFAE0]  }
0x1d9: {  	v10 =	vadd.f32 v3, v10;
	v11 =	vadd.f32 v5, v11;
	v18 =	vld [tilespmem:s18+$0xFAF0];
	s18 =	sshra.s32 s19, $0x2  }
0x1da: {  	v13 =	vadd.f32 v2, v13;
	v3 =	vld [tilespmem:s18+$0xFA80];
	v12 =	vadd.f32 v4, v12  }
0x1db: {  	v8 =	vadd.f32 v14, v8;
	v9 =	vadd.f32 v15, v9;
	v5 =	vld [tilespmem:s18+$0xFA90]  }
0x1dc: {  	v7 =	vadd.f32 v16, v7;
	v2 =	vld [tilespmem:s18+$0xFAA0];
	v6 =	vadd.f32 v19, v6  }
0x1dd: {  	v8 =	vadd.f32 v0, v8;
	v9 =	vadd.f32 v1, v9;
	v4 =	vld [tilespmem:s18+$0xFAB0]  }
0x1de: {  	v7 =	vadd.f32 v17, v7;
	v0 =	vld [tilespmem:s18+$0xFAC0];
	v6 =	vadd.f32 v18, v6  }
0x1df: {  	v1 =	vld [tilespmem:s18+$0xFAD0]  }
0x1e0: {  	v19 =	vld [tilespmem:s18+$0xFA00]  }
0x1e1: {  	v20 =	vld [tilespmem:s18+$0xFA10]  }
.Ltmp11:
0x1e2: {  	v17 =	vld [tilespmem:s18+$0xFA20];
	(pc) =	sbr.rel @p1 .LBB2_21-.Ltmp11, $4  }
0x1e3: {  	v18 =	vld [tilespmem:s18+$0xFA30]  }
0x1e4: {  	v14 =	vld [tilespmem:s18+$0xFA40]  }
0x1e5: {  	v15 =	vld [tilespmem:s18+$0xFA50]  }
0x1e6: {  	s19 =	sadd.s32 $0x400, s19;
	v16 =	vld [tilespmem:s18+$0xFA60]  }
0x1e7: {  	v10 =	vadd.f32 v19, v10  }
0x1e8: {  	v11 =	vadd.f32 v20, v11  }
0x1e9: {  	v19 =	vld [tilespmem:s18+$0xFA70];
	v13 =	vadd.f32 v17, v13;
	v3 =	vadd.f32 v3, v10  }
0x1ea: {  	v10 =	vadd.f32 v18, v12;
	v12 =	vld [tilespmem:s18+$0xFAE0];
	v5 =	vadd.f32 v5, v11  }
0x1eb: {  	v11 =	vld [tilespmem:s18+$0xFAF0];
	v2 =	vadd.f32 v2, v13;
	v8 =	vadd.f32 v14, v8;
	v3 =	vmul.f32 $1.999999960e-02, v3  }
0x1ec: {  	v9 =	vadd.f32 v15, v9;
	v4 =	vadd.f32 v4, v10;
	v5 =	vmul.f32 $1.999999960e-02, v5  }
0x1ed: {  	v7 =	vadd.f32 v16, v7;
	v0 =	vadd.f32 v0, v8;
	v2 =	vmul.f32 $1.999999960e-02, v2;
	[tilespmem:$0x1A980] =	vst v3  }
0x1ee: {  	v1 =	vadd.f32 v1, v9;
	v3 =	vadd.f32 v19, v6;
	[tilespmem:$0x1A990] =	vst v5;
	v4 =	vmul.f32 $1.999999960e-02, v4  }
0x1ef: {  	[tilespmem:$0x1A9A0] =	vst v2;
	v0 =	vmul.f32 $1.999999960e-02, v0;
	v5 =	vadd.f32 v12, v7  }
0x1f0: {  	v1 =	vmul.f32 $1.999999960e-02, v1;
	v2 =	vadd.f32 v11, v3;
	[tilespmem:$0x1A9B0] =	vst v4  }
0x1f1: {  	[tilespmem:$0x1A9C0] =	vst v0;
	v0 =	vmul.f32 $1.999999960e-02, v5  }
0x1f2: {  	[tilespmem:$0x1A9D0] =	vst v1;
	v1 =	vmul.f32 $1.999999960e-02, v2  }
0x1f3: {  	[tilespmem:$0x1A9E0] =	vst v0  }
0x1f4: {  	s18 =	simm.s32 $0x0;
	[tilespmem:$0x1A9F0] =	vst v1  }
0x1f5: {  	v3 =	vld [tilespmem:s18+$0x11380]  }
0x1f6: {  	v5 =	vld [tilespmem:s18+$0x11390]  }
0x1f7: {  	v2 =	vld [tilespmem:s18+$0x113A0]  }
0x1f8: {  	v4 =	vld [tilespmem:s18+$0x113B0]  }
0x1f9: {  	v0 =	vld [tilespmem:s18+$0x113C0]  }
0x1fa: {  	v1 =	vld [tilespmem:s18+$0x113D0]  }
0x1fb: {  	v19 =	vld [tilespmem:s18+$0x11300]  }
0x1fc: {  	v20 =	vld [tilespmem:s18+$0x11310]  }
0x1fd: {  	v17 =	vld [tilespmem:s18+$0x11320]  }
0x1fe: {  	v18 =	vld [tilespmem:s18+$0x11330]  }
0x1ff: {  	v13 =	vimm.f32 $0.0e+00;
	v10 =	vimm.f32 $0.0e+00;
	v14 =	vld [tilespmem:s18+$0x11340]  }
0x200: {  	v8 =	vimm.f32 $0.0e+00;
	v9 =	vimm.f32 $0.0e+00;
	v6 =	vimm.f32 $0.0e+00;
	v15 =	vld [tilespmem:s18+$0x11350]  }
0x201: {  	s19 =	simm.s32 $0x400;
	v12 =	vimm.f32 $0.0e+00;
	v7 =	vimm.f32 $0.0e+00;
	v11 =	vimm.f32 $0.0e+00;
	v16 =	vld [tilespmem:s18+$0x11360]  }
.LBB2_23:
0x202: {  	p1 =	sne.s32 s19, $0x6000;
	v10 =	vadd.f32 v19, v10;
	v11 =	vadd.f32 v20, v11;
	v19 =	vld [tilespmem:s18+$0x11370]  }
0x203: {  	v13 =	vadd.f32 v17, v13;
	v12 =	vadd.f32 v18, v12;
	v17 =	vld [tilespmem:s18+$0x113E0]  }
0x204: {  	v10 =	vadd.f32 v3, v10;
	v11 =	vadd.f32 v5, v11;
	v18 =	vld [tilespmem:s18+$0x113F0];
	s18 =	sshra.s32 s19, $0x2  }
0x205: {  	v13 =	vadd.f32 v2, v13;
	v3 =	vld [tilespmem:s18+$0x11380];
	v12 =	vadd.f32 v4, v12  }
0x206: {  	v8 =	vadd.f32 v14, v8;
	v9 =	vadd.f32 v15, v9;
	v5 =	vld [tilespmem:s18+$0x11390]  }
0x207: {  	v7 =	vadd.f32 v16, v7;
	v2 =	vld [tilespmem:s18+$0x113A0];
	v6 =	vadd.f32 v19, v6  }
0x208: {  	v8 =	vadd.f32 v0, v8;
	v9 =	vadd.f32 v1, v9;
	v4 =	vld [tilespmem:s18+$0x113B0]  }
0x209: {  	v7 =	vadd.f32 v17, v7;
	v0 =	vld [tilespmem:s18+$0x113C0];
	v6 =	vadd.f32 v18, v6  }
0x20a: {  	v1 =	vld [tilespmem:s18+$0x113D0]  }
0x20b: {  	v19 =	vld [tilespmem:s18+$0x11300]  }
0x20c: {  	v20 =	vld [tilespmem:s18+$0x11310]  }
.Ltmp12:
0x20d: {  	v17 =	vld [tilespmem:s18+$0x11320];
	(pc) =	sbr.rel @p1 .LBB2_23-.Ltmp12, $4  }
0x20e: {  	v18 =	vld [tilespmem:s18+$0x11330]  }
0x20f: {  	v14 =	vld [tilespmem:s18+$0x11340]  }
0x210: {  	v15 =	vld [tilespmem:s18+$0x11350]  }
0x211: {  	s19 =	sadd.s32 $0x400, s19;
	v16 =	vld [tilespmem:s18+$0x11360]  }
0x212: {  	v10 =	vadd.f32 v19, v10  }
0x213: {  	v11 =	vadd.f32 v20, v11  }
0x214: {  	v19 =	vld [tilespmem:s18+$0x11370];
	v13 =	vadd.f32 v17, v13;
	v3 =	vadd.f32 v3, v10  }
0x215: {  	v10 =	vadd.f32 v18, v12;
	v12 =	vld [tilespmem:s18+$0x113E0];
	v5 =	vadd.f32 v5, v11  }
0x216: {  	v11 =	vld [tilespmem:s18+$0x113F0];
	v2 =	vadd.f32 v2, v13;
	v8 =	vadd.f32 v14, v8;
	v3 =	vmul.f32 $1.999999960e-02, v3  }
0x217: {  	v9 =	vadd.f32 v15, v9;
	v4 =	vadd.f32 v4, v10;
	v5 =	vmul.f32 $1.999999960e-02, v5  }
0x218: {  	v7 =	vadd.f32 v16, v7;
	v0 =	vadd.f32 v0, v8;
	v2 =	vmul.f32 $1.999999960e-02, v2;
	[tilespmem:$0x1AA00] =	vst v3  }
0x219: {  	v1 =	vadd.f32 v1, v9;
	v3 =	vadd.f32 v19, v6;
	[tilespmem:$0x1AA10] =	vst v5;
	v4 =	vmul.f32 $1.999999960e-02, v4  }
0x21a: {  	[tilespmem:$0x1AA20] =	vst v2;
	v0 =	vmul.f32 $1.999999960e-02, v0;
	v5 =	vadd.f32 v12, v7  }
0x21b: {  	v1 =	vmul.f32 $1.999999960e-02, v1;
	v2 =	vadd.f32 v11, v3;
	[tilespmem:$0x1AA30] =	vst v4  }
0x21c: {  	[tilespmem:$0x1AA40] =	vst v0;
	v0 =	vmul.f32 $1.999999960e-02, v5  }
0x21d: {  	[tilespmem:$0x1AA50] =	vst v1;
	v1 =	vmul.f32 $1.999999960e-02, v2  }
0x21e: {  	[tilespmem:$0x1AA60] =	vst v0  }
0x21f: {  	s18 =	simm.s32 $0x0;
	[tilespmem:$0x1AA70] =	vst v1  }
0x220: {  	v3 =	vld [tilespmem:s18+$0x12C80]  }
0x221: {  	v5 =	vld [tilespmem:s18+$0x12C90]  }
0x222: {  	v2 =	vld [tilespmem:s18+$0x12CA0]  }
0x223: {  	v4 =	vld [tilespmem:s18+$0x12CB0]  }
0x224: {  	v0 =	vld [tilespmem:s18+$0x12CC0]  }
0x225: {  	v1 =	vld [tilespmem:s18+$0x12CD0]  }
0x226: {  	v19 =	vld [tilespmem:s18+$0x12C00]  }
0x227: {  	v20 =	vld [tilespmem:s18+$0x12C10]  }
0x228: {  	v17 =	vld [tilespmem:s18+$0x12C20]  }
0x229: {  	v18 =	vld [tilespmem:s18+$0x12C30]  }
0x22a: {  	v13 =	vimm.f32 $0.0e+00;
	v10 =	vimm.f32 $0.0e+00;
	v14 =	vld [tilespmem:s18+$0x12C40]  }
0x22b: {  	v8 =	vimm.f32 $0.0e+00;
	v9 =	vimm.f32 $0.0e+00;
	v6 =	vimm.f32 $0.0e+00;
	v15 =	vld [tilespmem:s18+$0x12C50]  }
0x22c: {  	s19 =	simm.s32 $0x400;
	v12 =	vimm.f32 $0.0e+00;
	v7 =	vimm.f32 $0.0e+00;
	v11 =	vimm.f32 $0.0e+00;
	v16 =	vld [tilespmem:s18+$0x12C60]  }
.LBB2_25:
0x22d: {  	p1 =	sne.s32 s19, $0x6000;
	v10 =	vadd.f32 v19, v10;
	v11 =	vadd.f32 v20, v11;
	v19 =	vld [tilespmem:s18+$0x12C70]  }
0x22e: {  	v13 =	vadd.f32 v17, v13;
	v12 =	vadd.f32 v18, v12;
	v17 =	vld [tilespmem:s18+$0x12CE0]  }
0x22f: {  	v10 =	vadd.f32 v3, v10;
	v11 =	vadd.f32 v5, v11;
	v18 =	vld [tilespmem:s18+$0x12CF0];
	s18 =	sshra.s32 s19, $0x2  }
0x230: {  	v13 =	vadd.f32 v2, v13;
	v3 =	vld [tilespmem:s18+$0x12C80];
	v12 =	vadd.f32 v4, v12  }
0x231: {  	v8 =	vadd.f32 v14, v8;
	v9 =	vadd.f32 v15, v9;
	v5 =	vld [tilespmem:s18+$0x12C90]  }
0x232: {  	v7 =	vadd.f32 v16, v7;
	v2 =	vld [tilespmem:s18+$0x12CA0];
	v6 =	vadd.f32 v19, v6  }
0x233: {  	v8 =	vadd.f32 v0, v8;
	v9 =	vadd.f32 v1, v9;
	v4 =	vld [tilespmem:s18+$0x12CB0]  }
0x234: {  	v7 =	vadd.f32 v17, v7;
	v0 =	vld [tilespmem:s18+$0x12CC0];
	v6 =	vadd.f32 v18, v6  }
0x235: {  	v1 =	vld [tilespmem:s18+$0x12CD0]  }
0x236: {  	v19 =	vld [tilespmem:s18+$0x12C00]  }
0x237: {  	v20 =	vld [tilespmem:s18+$0x12C10]  }
.Ltmp13:
0x238: {  	v17 =	vld [tilespmem:s18+$0x12C20];
	(pc) =	sbr.rel @p1 .LBB2_25-.Ltmp13, $4  }
0x239: {  	v18 =	vld [tilespmem:s18+$0x12C30]  }
0x23a: {  	v14 =	vld [tilespmem:s18+$0x12C40]  }
0x23b: {  	v15 =	vld [tilespmem:s18+$0x12C50]  }
0x23c: {  	s19 =	sadd.s32 $0x400, s19;
	v16 =	vld [tilespmem:s18+$0x12C60]  }
0x23d: {  	v10 =	vadd.f32 v19, v10  }
0x23e: {  	v11 =	vadd.f32 v20, v11  }
0x23f: {  	v19 =	vld [tilespmem:s18+$0x12C70];
	v13 =	vadd.f32 v17, v13;
	v3 =	vadd.f32 v3, v10  }
0x240: {  	v10 =	vadd.f32 v18, v12;
	v12 =	vld [tilespmem:s18+$0x12CE0];
	v5 =	vadd.f32 v5, v11  }
0x241: {  	v11 =	vld [tilespmem:s18+$0x12CF0];
	v2 =	vadd.f32 v2, v13;
	v8 =	vadd.f32 v14, v8;
	v3 =	vmul.f32 $1.999999960e-02, v3  }
0x242: {  	v9 =	vadd.f32 v15, v9;
	v4 =	vadd.f32 v4, v10;
	v5 =	vmul.f32 $1.999999960e-02, v5  }
0x243: {  	v7 =	vadd.f32 v16, v7;
	v0 =	vadd.f32 v0, v8;
	v2 =	vmul.f32 $1.999999960e-02, v2;
	[tilespmem:$0x1AA80] =	vst v3  }
0x244: {  	v1 =	vadd.f32 v1, v9;
	v3 =	vadd.f32 v19, v6;
	[tilespmem:$0x1AA90] =	vst v5;
	v4 =	vmul.f32 $1.999999960e-02, v4  }
0x245: {  	[tilespmem:$0x1AAA0] =	vst v2;
	v0 =	vmul.f32 $1.999999960e-02, v0;
	v5 =	vadd.f32 v12, v7  }
0x246: {  	v1 =	vmul.f32 $1.999999960e-02, v1;
	v2 =	vadd.f32 v11, v3;
	[tilespmem:$0x1AAB0] =	vst v4  }
0x247: {  	[tilespmem:$0x1AAC0] =	vst v0;
	v0 =	vmul.f32 $1.999999960e-02, v5  }
0x248: {  	s20 =	sadd.s32 $0x80, s17;
	[tilespmem:$0x1AAD0] =	vst v1;
	v1 =	vmul.f32 $1.999999960e-02, v2  }
0x249: {  	s18 =	sand.u32 $0x1FFFFF80, s20;
	[tilespmem:$0x1AAE0] =	vst v0  }
0x24a: {  	s18 =	sadd.s32 s3, s18;
	[tilespmem:$0x1AAF0] =	vst v1  }
0x24b: {  	[hbm4b:s18+s4] =	stream.linear.scatter [tilespmem:s29], [sflag:$0x9], $0x200, $0x38;
	[tilespmem:$0x1AB00] =	vst v63  }
0x24c: {  	_ =	swait.ge [sflag:s9], $0x200  }
0x24d: {  	s19 =	simm.s32 @!p0 $0x68;
	[sflag:s9] =	ssyncset.done $0x0  }
0x24e: {  	s20 =	simm.s32 @!p0 $0xE100;
	s18 =	sadd.s32 @!p0 $0x4B0, s16;
	[sflag:s9] =	ssyncadd.s32 $0xFFFFFE00  }
0x24f: {  	[tilespmem:s20], [sflag:$0x3] =	stream.indirect.gather @!p0 [hbm4b:s2+s19], $0x80, s18, s19, $0xb8;
	[tilespmem:$0x1AB00] =	vst v63  }
0x250: {  	s16 =	sadd.s32 @!p0 $0x518, s16;
	s18 =	simm.s32 @!p0 $0x60;
	s19 =	simm.s32 @!p0 $0x11500  }
0x251: {  	[tilespmem:s19], [sflag:$0x7] =	stream.indirect.gather @!p0 [hbm4b:s2+s18], $0x80, s16, s18, $0xb8;
	[tilespmem:$0x1AB00] =	vst v63  }
0x252: {  	_ =	swait.ge [sflag:s11], $0x3400  }
0x253: {  	[sflag:s11] =	ssyncset.done $0x0  }
0x254: {  	[sflag:s11] =	ssyncadd.s32 $0xFFFFCC00  }
0x255: {  	_ =	swait.ge [sflag:s13], $0x3000  }
0x256: {  	[sflag:s13] =	ssyncset.done $0x0  }
0x257: {  	s16 =	simm.s32 $0x0;
	[sflag:s13] =	ssyncadd.s32 $0xFFFFD000  }
0x258: {  	v3 =	vld [tilespmem:s16+$0x14580]  }
0x259: {  	v5 =	vld [tilespmem:s16+$0x14590]  }
0x25a: {  	v2 =	vld [tilespmem:s16+$0x145A0]  }
0x25b: {  	v4 =	vld [tilespmem:s16+$0x145B0]  }
0x25c: {  	v0 =	vld [tilespmem:s16+$0x145C0]  }
0x25d: {  	v1 =	vld [tilespmem:s16+$0x145D0]  }
0x25e: {  	v19 =	vld [tilespmem:s16+$0x14500]  }
0x25f: {  	v20 =	vld [tilespmem:s16+$0x14510]  }
0x260: {  	v17 =	vld [tilespmem:s16+$0x14520]  }
0x261: {  	v18 =	vld [tilespmem:s16+$0x14530]  }
0x262: {  	v13 =	vimm.f32 $0.0e+00;
	v10 =	vimm.f32 $0.0e+00;
	v14 =	vld [tilespmem:s16+$0x14540]  }
0x263: {  	v8 =	vimm.f32 $0.0e+00;
	v9 =	vimm.f32 $0.0e+00;
	v6 =	vimm.f32 $0.0e+00;
	v15 =	vld [tilespmem:s16+$0x14550]  }
0x264: {  	v12 =	vimm.f32 $0.0e+00;
	v7 =	vimm.f32 $0.0e+00;
	v11 =	vimm.f32 $0.0e+00;
	s18 =	simm.s32 $0x400;
	v16 =	vld [tilespmem:s16+$0x14560]  }
.LBB2_27:
0x265: {  	p1 =	sne.s32 s18, $0x6000;
	v10 =	vadd.f32 v19, v10;
	v11 =	vadd.f32 v20, v11;
	v19 =	vld [tilespmem:s16+$0x14570]  }
0x266: {  	v13 =	vadd.f32 v17, v13;
	v12 =	vadd.f32 v18, v12;
	v17 =	vld [tilespmem:s16+$0x145E0]  }
0x267: {  	v10 =	vadd.f32 v3, v10;
	v11 =	vadd.f32 v5, v11;
	v18 =	vld [tilespmem:s16+$0x145F0];
	s16 =	sshra.s32 s18, $0x2  }
0x268: {  	v13 =	vadd.f32 v2, v13;
	v3 =	vld [tilespmem:s16+$0x14580];
	v12 =	vadd.f32 v4, v12  }
0x269: {  	v8 =	vadd.f32 v14, v8;
	v9 =	vadd.f32 v15, v9;
	v5 =	vld [tilespmem:s16+$0x14590]  }
0x26a: {  	v7 =	vadd.f32 v16, v7;
	v2 =	vld [tilespmem:s16+$0x145A0];
	v6 =	vadd.f32 v19, v6  }
0x26b: {  	v8 =	vadd.f32 v0, v8;
	v9 =	vadd.f32 v1, v9;
	v4 =	vld [tilespmem:s16+$0x145B0]  }
0x26c: {  	v7 =	vadd.f32 v17, v7;
	v0 =	vld [tilespmem:s16+$0x145C0];
	v6 =	vadd.f32 v18, v6  }
0x26d: {  	v1 =	vld [tilespmem:s16+$0x145D0]  }
0x26e: {  	v19 =	vld [tilespmem:s16+$0x14500]  }
0x26f: {  	v20 =	vld [tilespmem:s16+$0x14510]  }
.Ltmp14:
0x270: {  	v17 =	vld [tilespmem:s16+$0x14520];
	(pc) =	sbr.rel @p1 .LBB2_27-.Ltmp14, $4  }
0x271: {  	v18 =	vld [tilespmem:s16+$0x14530]  }
0x272: {  	v14 =	vld [tilespmem:s16+$0x14540]  }
0x273: {  	v15 =	vld [tilespmem:s16+$0x14550]  }
0x274: {  	s18 =	sadd.s32 $0x400, s18;
	v16 =	vld [tilespmem:s16+$0x14560]  }
0x275: {  	v10 =	vadd.f32 v19, v10  }
0x276: {  	v11 =	vadd.f32 v20, v11  }
0x277: {  	v19 =	vld [tilespmem:s16+$0x14570];
	v13 =	vadd.f32 v17, v13;
	v3 =	vadd.f32 v3, v10  }
0x278: {  	v10 =	vadd.f32 v18, v12;
	v12 =	vld [tilespmem:s16+$0x145E0];
	v5 =	vadd.f32 v5, v11  }
0x279: {  	v11 =	vld [tilespmem:s16+$0x145F0];
	v2 =	vadd.f32 v2, v13;
	v8 =	vadd.f32 v14, v8;
	v3 =	vmul.f32 $1.999999960e-02, v3  }
0x27a: {  	v9 =	vadd.f32 v15, v9;
	v4 =	vadd.f32 v4, v10;
	v5 =	vmul.f32 $1.999999960e-02, v5  }
0x27b: {  	v7 =	vadd.f32 v16, v7;
	v0 =	vadd.f32 v0, v8;
	v2 =	vmul.f32 $1.999999960e-02, v2;
	[tilespmem:$0x1A900] =	vst v3  }
0x27c: {  	v1 =	vadd.f32 v1, v9;
	v3 =	vadd.f32 v19, v6;
	[tilespmem:$0x1A910] =	vst v5;
	v4 =	vmul.f32 $1.999999960e-02, v4  }
0x27d: {  	[tilespmem:$0x1A920] =	vst v2;
	v0 =	vmul.f32 $1.999999960e-02, v0;
	v5 =	vadd.f32 v12, v7  }
0x27e: {  	v1 =	vmul.f32 $1.999999960e-02, v1;
	v2 =	vadd.f32 v11, v3;
	[tilespmem:$0x1A930] =	vst v4  }
0x27f: {  	[tilespmem:$0x1A940] =	vst v0;
	v0 =	vmul.f32 $1.999999960e-02, v5  }
0x280: {  	[tilespmem:$0x1A950] =	vst v1;
	v1 =	vmul.f32 $1.999999960e-02, v2  }
0x281: {  	[tilespmem:$0x1A960] =	vst v0  }
0x282: {  	s16 =	simm.s32 $0x0;
	[tilespmem:$0x1A970] =	vst v1  }
0x283: {  	v3 =	vld [tilespmem:s16+$0x15E80]  }
0x284: {  	v5 =	vld [tilespmem:s16+$0x15E90]  }
0x285: {  	v2 =	vld [tilespmem:s16+$0x15EA0]  }
0x286: {  	v4 =	vld [tilespmem:s16+$0x15EB0]  }
0x287: {  	v0 =	vld [tilespmem:s16+$0x15EC0]  }
0x288: {  	v1 =	vld [tilespmem:s16+$0x15ED0]  }
0x289: {  	v19 =	vld [tilespmem:s16+$0x15E00]  }
0x28a: {  	v20 =	vld [tilespmem:s16+$0x15E10]  }
0x28b: {  	v17 =	vld [tilespmem:s16+$0x15E20]  }
0x28c: {  	v18 =	vld [tilespmem:s16+$0x15E30]  }
0x28d: {  	v13 =	vimm.f32 $0.0e+00;
	v10 =	vimm.f32 $0.0e+00;
	v14 =	vld [tilespmem:s16+$0x15E40]  }
0x28e: {  	v8 =	vimm.f32 $0.0e+00;
	v9 =	vimm.f32 $0.0e+00;
	v6 =	vimm.f32 $0.0e+00;
	v15 =	vld [tilespmem:s16+$0x15E50]  }
0x28f: {  	s18 =	simm.s32 $0x400;
	v12 =	vimm.f32 $0.0e+00;
	v7 =	vimm.f32 $0.0e+00;
	v11 =	vimm.f32 $0.0e+00;
	v16 =	vld [tilespmem:s16+$0x15E60]  }
.LBB2_29:
0x290: {  	p1 =	sne.s32 s18, $0x6000;
	v10 =	vadd.f32 v19, v10;
	v11 =	vadd.f32 v20, v11;
	v19 =	vld [tilespmem:s16+$0x15E70]  }
0x291: {  	v13 =	vadd.f32 v17, v13;
	v12 =	vadd.f32 v18, v12;
	v17 =	vld [tilespmem:s16+$0x15EE0]  }
0x292: {  	v10 =	vadd.f32 v3, v10;
	v11 =	vadd.f32 v5, v11;
	v18 =	vld [tilespmem:s16+$0x15EF0];
	s16 =	sshra.s32 s18, $0x2  }
0x293: {  	v13 =	vadd.f32 v2, v13;
	v3 =	vld [tilespmem:s16+$0x15E80];
	v12 =	vadd.f32 v4, v12  }
0x294: {  	v8 =	vadd.f32 v14, v8;
	v9 =	vadd.f32 v15, v9;
	v5 =	vld [tilespmem:s16+$0x15E90]  }
0x295: {  	v7 =	vadd.f32 v16, v7;
	v2 =	vld [tilespmem:s16+$0x15EA0];
	v6 =	vadd.f32 v19, v6  }
0x296: {  	v8 =	vadd.f32 v0, v8;
	v9 =	vadd.f32 v1, v9;
	v4 =	vld [tilespmem:s16+$0x15EB0]  }
0x297: {  	v7 =	vadd.f32 v17, v7;
	v0 =	vld [tilespmem:s16+$0x15EC0];
	v6 =	vadd.f32 v18, v6  }
0x298: {  	v1 =	vld [tilespmem:s16+$0x15ED0]  }
0x299: {  	v19 =	vld [tilespmem:s16+$0x15E00]  }
0x29a: {  	v20 =	vld [tilespmem:s16+$0x15E10]  }
.Ltmp15:
0x29b: {  	v17 =	vld [tilespmem:s16+$0x15E20];
	(pc) =	sbr.rel @p1 .LBB2_29-.Ltmp15, $4  }
0x29c: {  	v18 =	vld [tilespmem:s16+$0x15E30]  }
0x29d: {  	v14 =	vld [tilespmem:s16+$0x15E40]  }
0x29e: {  	v15 =	vld [tilespmem:s16+$0x15E50]  }
0x29f: {  	s18 =	sadd.s32 $0x400, s18;
	v16 =	vld [tilespmem:s16+$0x15E60]  }
0x2a0: {  	v10 =	vadd.f32 v19, v10  }
0x2a1: {  	v11 =	vadd.f32 v20, v11  }
0x2a2: {  	v19 =	vld [tilespmem:s16+$0x15E70];
	v13 =	vadd.f32 v17, v13;
	v3 =	vadd.f32 v3, v10  }
0x2a3: {  	v10 =	vadd.f32 v18, v12;
	v12 =	vld [tilespmem:s16+$0x15EE0];
	v5 =	vadd.f32 v5, v11  }
0x2a4: {  	v11 =	vld [tilespmem:s16+$0x15EF0];
	v2 =	vadd.f32 v2, v13;
	v8 =	vadd.f32 v14, v8;
	v3 =	vmul.f32 $1.999999960e-02, v3  }
0x2a5: {  	v9 =	vadd.f32 v15, v9;
	v4 =	vadd.f32 v4, v10;
	v5 =	vmul.f32 $1.999999960e-02, v5  }
0x2a6: {  	v7 =	vadd.f32 v16, v7;
	v0 =	vadd.f32 v0, v8;
	v2 =	vmul.f32 $1.999999960e-02, v2;
	[tilespmem:$0x1A980] =	vst v3  }
0x2a7: {  	v1 =	vadd.f32 v1, v9;
	v3 =	vadd.f32 v19, v6;
	[tilespmem:$0x1A990] =	vst v5;
	v4 =	vmul.f32 $1.999999960e-02, v4  }
0x2a8: {  	[tilespmem:$0x1A9A0] =	vst v2;
	v0 =	vmul.f32 $1.999999960e-02, v0;
	v5 =	vadd.f32 v12, v7  }
0x2a9: {  	v1 =	vmul.f32 $1.999999960e-02, v1;
	v2 =	vadd.f32 v11, v3;
	[tilespmem:$0x1A9B0] =	vst v4  }
0x2aa: {  	[tilespmem:$0x1A9C0] =	vst v0;
	v0 =	vmul.f32 $1.999999960e-02, v5  }
0x2ab: {  	[tilespmem:$0x1A9D0] =	vst v1;
	v1 =	vmul.f32 $1.999999960e-02, v2  }
0x2ac: {  	[tilespmem:$0x1A9E0] =	vst v0  }
0x2ad: {  	s16 =	simm.s32 $0x0;
	[tilespmem:$0x1A9F0] =	vst v1  }
0x2ae: {  	v3 =	vld [tilespmem:s16+$0x17780]  }
0x2af: {  	v5 =	vld [tilespmem:s16+$0x17790]  }
0x2b0: {  	v2 =	vld [tilespmem:s16+$0x177A0]  }
0x2b1: {  	v4 =	vld [tilespmem:s16+$0x177B0]  }
0x2b2: {  	v0 =	vld [tilespmem:s16+$0x177C0]  }
0x2b3: {  	v1 =	vld [tilespmem:s16+$0x177D0]  }
0x2b4: {  	v19 =	vld [tilespmem:s16+$0x17700]  }
0x2b5: {  	v20 =	vld [tilespmem:s16+$0x17710]  }
0x2b6: {  	v17 =	vld [tilespmem:s16+$0x17720]  }
0x2b7: {  	v18 =	vld [tilespmem:s16+$0x17730]  }
0x2b8: {  	v13 =	vimm.f32 $0.0e+00;
	v10 =	vimm.f32 $0.0e+00;
	v14 =	vld [tilespmem:s16+$0x17740]  }
0x2b9: {  	v8 =	vimm.f32 $0.0e+00;
	v9 =	vimm.f32 $0.0e+00;
	v6 =	vimm.f32 $0.0e+00;
	v15 =	vld [tilespmem:s16+$0x17750]  }
0x2ba: {  	s18 =	simm.s32 $0x400;
	v12 =	vimm.f32 $0.0e+00;
	v7 =	vimm.f32 $0.0e+00;
	v11 =	vimm.f32 $0.0e+00;
	v16 =	vld [tilespmem:s16+$0x17760]  }
.LBB2_31:
0x2bb: {  	p1 =	sne.s32 s18, $0x6000;
	v10 =	vadd.f32 v19, v10;
	v11 =	vadd.f32 v20, v11;
	v19 =	vld [tilespmem:s16+$0x17770]  }
0x2bc: {  	v13 =	vadd.f32 v17, v13;
	v12 =	vadd.f32 v18, v12;
	v17 =	vld [tilespmem:s16+$0x177E0]  }
0x2bd: {  	v10 =	vadd.f32 v3, v10;
	v11 =	vadd.f32 v5, v11;
	v18 =	vld [tilespmem:s16+$0x177F0];
	s16 =	sshra.s32 s18, $0x2  }
0x2be: {  	v13 =	vadd.f32 v2, v13;
	v3 =	vld [tilespmem:s16+$0x17780];
	v12 =	vadd.f32 v4, v12  }
0x2bf: {  	v8 =	vadd.f32 v14, v8;
	v9 =	vadd.f32 v15, v9;
	v5 =	vld [tilespmem:s16+$0x17790]  }
0x2c0: {  	v7 =	vadd.f32 v16, v7;
	v2 =	vld [tilespmem:s16+$0x177A0];
	v6 =	vadd.f32 v19, v6  }
0x2c1: {  	v8 =	vadd.f32 v0, v8;
	v9 =	vadd.f32 v1, v9;
	v4 =	vld [tilespmem:s16+$0x177B0]  }
0x2c2: {  	v7 =	vadd.f32 v17, v7;
	v0 =	vld [tilespmem:s16+$0x177C0];
	v6 =	vadd.f32 v18, v6  }
0x2c3: {  	v1 =	vld [tilespmem:s16+$0x177D0]  }
0x2c4: {  	v19 =	vld [tilespmem:s16+$0x17700]  }
0x2c5: {  	v20 =	vld [tilespmem:s16+$0x17710]  }
.Ltmp16:
0x2c6: {  	v17 =	vld [tilespmem:s16+$0x17720];
	(pc) =	sbr.rel @p1 .LBB2_31-.Ltmp16, $4  }
0x2c7: {  	v18 =	vld [tilespmem:s16+$0x17730]  }
0x2c8: {  	v14 =	vld [tilespmem:s16+$0x17740]  }
0x2c9: {  	v15 =	vld [tilespmem:s16+$0x17750]  }
0x2ca: {  	s18 =	sadd.s32 $0x400, s18;
	v16 =	vld [tilespmem:s16+$0x17760]  }
0x2cb: {  	v10 =	vadd.f32 v19, v10  }
0x2cc: {  	v11 =	vadd.f32 v20, v11  }
0x2cd: {  	v19 =	vld [tilespmem:s16+$0x17770];
	v13 =	vadd.f32 v17, v13;
	v3 =	vadd.f32 v3, v10  }
0x2ce: {  	v10 =	vadd.f32 v18, v12;
	v12 =	vld [tilespmem:s16+$0x177E0];
	v5 =	vadd.f32 v5, v11  }
0x2cf: {  	v11 =	vld [tilespmem:s16+$0x177F0];
	v2 =	vadd.f32 v2, v13;
	v8 =	vadd.f32 v14, v8;
	v3 =	vmul.f32 $1.999999960e-02, v3  }
0x2d0: {  	v9 =	vadd.f32 v15, v9;
	v4 =	vadd.f32 v4, v10;
	v5 =	vmul.f32 $1.999999960e-02, v5  }
0x2d1: {  	v7 =	vadd.f32 v16, v7;
	v0 =	vadd.f32 v0, v8;
	v2 =	vmul.f32 $1.999999960e-02, v2;
	[tilespmem:$0x1AA00] =	vst v3  }
0x2d2: {  	v1 =	vadd.f32 v1, v9;
	v3 =	vadd.f32 v19, v6;
	[tilespmem:$0x1AA10] =	vst v5;
	v4 =	vmul.f32 $1.999999960e-02, v4  }
0x2d3: {  	[tilespmem:$0x1AA20] =	vst v2;
	v0 =	vmul.f32 $1.999999960e-02, v0;
	v5 =	vadd.f32 v12, v7  }
0x2d4: {  	v1 =	vmul.f32 $1.999999960e-02, v1;
	v2 =	vadd.f32 v11, v3;
	[tilespmem:$0x1AA30] =	vst v4  }
0x2d5: {  	[tilespmem:$0x1AA40] =	vst v0;
	v0 =	vmul.f32 $1.999999960e-02, v5  }
0x2d6: {  	[tilespmem:$0x1AA50] =	vst v1;
	v1 =	vmul.f32 $1.999999960e-02, v2  }
0x2d7: {  	[tilespmem:$0x1AA60] =	vst v0  }
0x2d8: {  	s16 =	simm.s32 $0x0;
	[tilespmem:$0x1AA70] =	vst v1  }
0x2d9: {  	v3 =	vld [tilespmem:s16+$0x19080]  }
0x2da: {  	v5 =	vld [tilespmem:s16+$0x19090]  }
0x2db: {  	v2 =	vld [tilespmem:s16+$0x190A0]  }
0x2dc: {  	v4 =	vld [tilespmem:s16+$0x190B0]  }
0x2dd: {  	v0 =	vld [tilespmem:s16+$0x190C0]  }
0x2de: {  	v1 =	vld [tilespmem:s16+$0x190D0]  }
0x2df: {  	v19 =	vld [tilespmem:s16+$0x19000]  }
0x2e0: {  	v20 =	vld [tilespmem:s16+$0x19010]  }
0x2e1: {  	v17 =	vld [tilespmem:s16+$0x19020]  }
0x2e2: {  	v18 =	vld [tilespmem:s16+$0x19030]  }
0x2e3: {  	v13 =	vimm.f32 $0.0e+00;
	v10 =	vimm.f32 $0.0e+00;
	v14 =	vld [tilespmem:s16+$0x19040]  }
0x2e4: {  	v8 =	vimm.f32 $0.0e+00;
	v9 =	vimm.f32 $0.0e+00;
	v6 =	vimm.f32 $0.0e+00;
	v15 =	vld [tilespmem:s16+$0x19050]  }
0x2e5: {  	s18 =	simm.s32 $0x400;
	v12 =	vimm.f32 $0.0e+00;
	v7 =	vimm.f32 $0.0e+00;
	v11 =	vimm.f32 $0.0e+00;
	v16 =	vld [tilespmem:s16+$0x19060]  }
.LBB2_33:
0x2e6: {  	p1 =	sne.s32 s18, $0x6000;
	v10 =	vadd.f32 v19, v10;
	v11 =	vadd.f32 v20, v11;
	v19 =	vld [tilespmem:s16+$0x19070]  }
0x2e7: {  	v13 =	vadd.f32 v17, v13;
	v12 =	vadd.f32 v18, v12;
	v17 =	vld [tilespmem:s16+$0x190E0]  }
0x2e8: {  	v10 =	vadd.f32 v3, v10;
	v11 =	vadd.f32 v5, v11;
	v18 =	vld [tilespmem:s16+$0x190F0];
	s16 =	sshra.s32 s18, $0x2  }
0x2e9: {  	v13 =	vadd.f32 v2, v13;
	v3 =	vld [tilespmem:s16+$0x19080];
	v12 =	vadd.f32 v4, v12  }
0x2ea: {  	v8 =	vadd.f32 v14, v8;
	v9 =	vadd.f32 v15, v9;
	v5 =	vld [tilespmem:s16+$0x19090]  }
0x2eb: {  	v7 =	vadd.f32 v16, v7;
	v2 =	vld [tilespmem:s16+$0x190A0];
	v6 =	vadd.f32 v19, v6  }
0x2ec: {  	v8 =	vadd.f32 v0, v8;
	v9 =	vadd.f32 v1, v9;
	v4 =	vld [tilespmem:s16+$0x190B0]  }
0x2ed: {  	v7 =	vadd.f32 v17, v7;
	v0 =	vld [tilespmem:s16+$0x190C0];
	v6 =	vadd.f32 v18, v6  }
0x2ee: {  	v1 =	vld [tilespmem:s16+$0x190D0]  }
0x2ef: {  	v19 =	vld [tilespmem:s16+$0x19000]  }
0x2f0: {  	v20 =	vld [tilespmem:s16+$0x19010]  }
.Ltmp17:
0x2f1: {  	v17 =	vld [tilespmem:s16+$0x19020];
	(pc) =	sbr.rel @p1 .LBB2_33-.Ltmp17, $4  }
0x2f2: {  	v18 =	vld [tilespmem:s16+$0x19030]  }
0x2f3: {  	v14 =	vld [tilespmem:s16+$0x19040]  }
0x2f4: {  	v15 =	vld [tilespmem:s16+$0x19050]  }
0x2f5: {  	s18 =	sadd.s32 $0x400, s18;
	v16 =	vld [tilespmem:s16+$0x19060]  }
0x2f6: {  	v10 =	vadd.f32 v19, v10  }
0x2f7: {  	v11 =	vadd.f32 v20, v11  }
0x2f8: {  	v55 =	vld [tilespmem:s16+$0x19070];
	v13 =	vadd.f32 v17, v13;
	v3 =	vadd.f32 v3, v10  }
0x2f9: {  	v57 =	vld [tilespmem:s16+$0x190E0];
	v56 =	vadd.f32 v18, v12;
	v5 =	vadd.f32 v5, v11  }
0x2fa: {  	v58 =	vld [tilespmem:s16+$0x190F0];
	v2 =	vadd.f32 v2, v13;
	v8 =	vadd.f32 v14, v8;
	v3 =	vmul.f32 $1.999999960e-02, v3  }
0x2fb: {  	v4 =	vadd.f32 v4, v56;
	v9 =	vadd.f32 v15, v9;
	v5 =	vmul.f32 $1.999999960e-02, v5  }
0x2fc: {  	v7 =	vadd.f32 v16, v7;
	v0 =	vadd.f32 v0, v8;
	v2 =	vmul.f32 $1.999999960e-02, v2;
	[tilespmem:$0x1AA80] =	vst v3  }
0x2fd: {  	v59 =	vadd.f32 v55, v6;
	v1 =	vadd.f32 v1, v9;
	v4 =	vmul.f32 $1.999999960e-02, v4;
	[tilespmem:$0x1AA90] =	vst v5  }
0x2fe: {  	v60 =	vadd.f32 v57, v7;
	[tilespmem:$0x1AAA0] =	vst v2;
	v0 =	vmul.f32 $1.999999960e-02, v0  }
0x2ff: {  	v61 =	vadd.f32 v58, v59;
	[tilespmem:$0x1AAB0] =	vst v4;
	v1 =	vmul.f32 $1.999999960e-02, v1  }
0x300: {  	[tilespmem:$0x1AAC0] =	vst v0;
	v62 =	vmul.f32 $1.999999960e-02, v60  }
0x301: {  	s20 =	sadd.s32 $0xC0, s17;
	[tilespmem:$0x1AAD0] =	vst v1;
	v63 =	vmul.f32 $1.999999960e-02, v61  }
0x302: {  	s16 =	sand.u32 $0x1FFFFFC0, s20;
	[tilespmem:$0x1AAE0] =	vst v62  }
.Ltmp18:
0x303: {  	s16 =	sadd.s32 s3, s16;
	[tilespmem:$0x1AAF0] =	vst v63;
	(pc) =	sbr.rel @p0 .LBB2_36-.Ltmp18, $4  }
0x304: {  	[hbm4b:s16+s4] =	stream.linear.scatter [tilespmem:s29], [sflag:$0x9], $0x200, $0x38;
	[tilespmem:$0x1AB00] =	vst v63  }
0x305: {  	_ =	swait.ge [sflag:s9], $0x200  }
0x306: {  	[sflag:s9] =	ssyncset.done $0x0  }
0x307: {  	[sflag:s9] =	ssyncadd.s32 $0xFFFFFE00  }
0x308: {  	s16 =	smul.u32 $0xC80, s15;
	_ =	sdelay $0x1  }
.Ltmp19:
0x309: {  	s16 =	sshra.s32 s16, $0x2;
	(pc) =	sbr.rel .LBB2_2-.Ltmp19, $4  }
0x30a: {  	s17 =	sadd.s32 $0x578, s16  }
0x30b: {  	[tilespmem:s23], [sflag:$0x4] =	stream.indirect.gather [hbm4b:s2+s10], $0x80, s17, s10, $0xb8;
	[tilespmem:$0x1AB00] =	vst v63  }
0x30c: {  	s15 =	sadd.s32 $0x1, s15;
	s16 =	sadd.s32 $0x5E0, s16  }
0x30d: {  	[tilespmem:s25], [sflag:$0x8] =	stream.indirect.gather [hbm4b:s2+s12], $0x80, s16, s12, $0xb8;
	[tilespmem:$0x1AB00] =	vst v63  }
.LBB2_37:
0x30e: {  	_ =	sfence.sel $0x180000  }
0x30f: {  	[bflag:$0x0] =	sbarrier.arrive $0xFFFF  }
0x310: {  	_ =	strace $0x90000047  }
0x311: {  	s0 =	stileid.u32;
	[bflag:$0x2] =	sbarrier.arrive $0xFFFF  }
0x312: {  	p0 =	sne.s32 s0, $0x0;
	s0 =	rddreg [dreg:$0x3]  }
0x313: {  	s0 =	sadd.s32 @!p0 $0x100000, s0  }
0x314: {  	[sflag:s0] =	ssyncadd.tile.s32 @!p0 $0x1;
	_ =	shalt  }
.Lfunc_end2:
_tile_overlayer_lowered:
.L_overlay_start_2:
0x315: {  	(tag) =	ssettag $0x2  }
0x316: {  	s0 =	rddreg [dreg:$0x0];
	s2 =	stileid.u32  }
0x317: {  	s1 =	rddreg [dreg:$0x1];
	p0 =	sne.s32 s2, $0x0  }
0x318: {  	s3 =	rddreg [dreg:$0x2];
	[bflag:$0x3] =	sbarrier.arrive $0xFFFF;
	s2 =	simm.s32 @!p0 $0x1C09  }
0x319: {  	[timem:s3], [sflag:s2] =	dma.local @!p0 [hbm:s0], s1  }
0x31a: {  	s0 =	simm.s32 @!p0 $0x9  }
0x31b: {  	_ =	swait.ge @!p0 [sflag:s0], s1  }
0x31c: {  	s1 =	ssub.s32 @!p0 $0x0, s1;
	[sflag:s0] =	ssyncset.done @!p0 $0x0  }
0x31d: {  	[sflag:s0] =	ssyncadd.s32 @!p0 s1  }
0x31e: {  	[bflag:$0x3] =	sbarrier.arrive $0xFFFF  }
0x31f: {  	_ =	shalt  }

</sc_bundles>
